<compile_context>
chip_gen: v7x
topology: tpu7x:2x2x1
jax: 0.10.2.dev20260603
libtpu: 0.0.44.dev20260713+nightly
codegen_flags: <defaults>
</compile_context>

<pallas_src>
import functools

import jax
import jax.numpy as jnp
from jax import lax
from jax.experimental import pallas as pl
from jax.experimental.pallas import tpu as pltpu
from jax.experimental.pallas import tpu_sc as plsc

N_NODES = 10000
N_EDGES = 320000
D_FEAT = 128
NUM_GRAPHS = 64

NS = 16
SL = 656
N_SH = NS * SL
EC = 160
E_TILE = EC * 128
E_REAL = N_EDGES // NS
BC = 6
DUMMY_N = 10240
DUMMY_G = NUM_GRAPHS
G_SH = 128
MAGIC = 0x5F3759DF


def _matvec_body(x_ref, w_ref, o_ref):
    o_ref[...] = jnp.dot(x_ref[...], w_ref[...],
                         preferred_element_type=jnp.float32)


def _edge_round(u_sh, acc_sh, src_v, dst_v, ulocal, accp, iota_v):
    pltpu.sync_copy(u_sh, ulocal)

    def _zero(j, carry):
        for g in range(4):
            accp[pl.ds(j * 64 + g * 16, 16)] = jnp.zeros((16,), jnp.float32)
        return carry

    lax.fori_loop(0, N_SH // 64, _zero, 0)

    def _gs(j, carry):
        for g in range(4):
            o = j * 64 + g * 16
            v = plsc.load_gather(ulocal, [src_v[pl.ds(o, 16)]])
            plsc.addupdate_scatter(accp, [dst_v[pl.ds(o, 16)]], v)
        return carry

    lax.fori_loop(0, E_TILE // 64, _gs, 0)
    pltpu.sync_copy(accp, acc_sh.at[iota_v], add=True)


def _sc_body(srcf_hbm, dstf_hbm, batch_hbm, y_hbm, pooled_hbm, cnt_hbm,
             src_v, dst_v, vals_v, batch_v, pvals_v, ulocal, accp, iota_v,
             ybuf, dinvbuf, abuf, ubuf,
             zbuf, sbuf, cbuf, obuf, ocnt,
             deg_sh, u_sh, acc1_sh, acc2_sh, sums_sh, counts_sh, sem):
    s = lax.axis_index("s")
    c = lax.axis_index("c")
    base = s * SL

    d_src = pltpu.async_copy(srcf_hbm.at[pl.ds(s * E_REAL, E_REAL)],
                             src_v.at[pl.ds(0, E_REAL)], sem)
    d_dst = pltpu.async_copy(dstf_hbm.at[pl.ds(s * E_REAL, E_REAL)],
                             dst_v.at[pl.ds(0, E_REAL)], sem)
    d_bat = pltpu.async_copy(batch_hbm.at[s], batch_v, sem)
    d_y = pltpu.async_copy(y_hbm.at[pl.ds(base, SL)], ybuf, sem)

    for i in range(128 // 16):
        zbuf[pl.ds(i * 16, 16)] = jnp.zeros((16,), jnp.float32)
    for i in range(SL // 16):
        abuf[pl.ds(i * 16, 16)] = jnp.full((16,), 1.0, jnp.float32)
    pltpu.sync_copy(abuf, deg_sh.at[pl.ds(base, SL)])

    d_src.wait()
    d_dst.wait()
    d_bat.wait()
    d_y.wait()
    for i in range((E_TILE - E_REAL) // 16):
        src_v[pl.ds(E_REAL + i * 16, 16)] = jnp.full((16,), DUMMY_N,
                                                     jnp.int32)
        dst_v[pl.ds(E_REAL + i * 16, 16)] = jnp.full((16,), DUMMY_N,
                                                     jnp.int32)

    @pl.when(s == 0)
    def _init_graph_accs():
        pltpu.sync_copy(zbuf, sums_sh)
        pltpu.sync_copy(zbuf, counts_sh)

    plsc.subcore_barrier()

    def _fill_iota(j, carry):
        iota_v[pl.ds(j * 16, 16)] = (
            lax.iota(jnp.int32, 16) + jnp.int32(16) * j)
        accp[pl.ds(j * 16, 16)] = jnp.zeros((16,), jnp.float32)
        return carry

    lax.fori_loop(0, N_SH // 16, _fill_iota, 0)
    ones16 = jnp.full((16,), 1.0, jnp.float32)

    def _hist(j, carry):
        for g in range(4):
            idx = dst_v[pl.ds(j * 64 + g * 16, 16)]
            plsc.addupdate_scatter(accp, [idx], ones16)
        return carry

    lax.fori_loop(0, E_TILE // 64, _hist, 0)
    pltpu.sync_copy(accp, deg_sh.at[iota_v], add=True)

    def _fill_ones(j, carry):
        for g in range(8):
            vals_v[pl.ds(j * 128 + g * 16, 16)] = jnp.full((16,), 1.0,
                                                           jnp.float32)
        return carry

    lax.fori_loop(0, BC, _fill_ones, 0)
    pltpu.sync_copy(vals_v.at[pl.ds(0, BC * 128)],
                    counts_sh.at[batch_v], add=True)
    plsc.subcore_barrier()

    pltpu.sync_copy(deg_sh.at[pl.ds(base, SL)], abuf)
    for i in range(SL // 16):
        d = abuf[pl.ds(i * 16, 16)]
        ii = plsc.bitcast(d, jnp.int32)
        ii = jnp.int32(MAGIC) - lax.shift_right_logical(ii, 1)
        r = plsc.bitcast(ii, jnp.float32)
        for _ in range(3):
            r = r * (1.5 - 0.5 * d * r * r)
        dinvbuf[pl.ds(i * 16, 16)] = r
        ubuf[pl.ds(i * 16, 16)] = r * ybuf[pl.ds(i * 16, 16)]
    pltpu.sync_copy(ubuf, u_sh.at[pl.ds(base, SL)])
    pltpu.sync_copy(ubuf, acc1_sh.at[pl.ds(base, SL)])
    plsc.subcore_barrier()

    _edge_round(u_sh, acc1_sh, src_v, dst_v, ulocal, accp, iota_v)
    plsc.subcore_barrier()

    pltpu.sync_copy(acc1_sh.at[pl.ds(base, SL)], abuf)
    for i in range(SL // 16):
        r = dinvbuf[pl.ds(i * 16, 16)]
        ubuf[pl.ds(i * 16, 16)] = r * r * abuf[pl.ds(i * 16, 16)]
    pltpu.sync_copy(ubuf, u_sh.at[pl.ds(base, SL)])
    pltpu.sync_copy(ubuf, acc2_sh.at[pl.ds(base, SL)])
    plsc.subcore_barrier()

    _edge_round(u_sh, acc2_sh, src_v, dst_v, ulocal, accp, iota_v)
    plsc.subcore_barrier()

    pltpu.sync_copy(acc2_sh.at[pl.ds(base, SL)], abuf)
    for i in range(SL // 16):
        pvals_v[pl.ds(i * 16, 16)] = (
            dinvbuf[pl.ds(i * 16, 16)] * abuf[pl.ds(i * 16, 16)])

    pltpu.sync_copy(pvals_v, sums_sh.at[batch_v], add=True)
    plsc.subcore_barrier()

    @pl.when((s == 0) & (c == 0))
    def _finalize():
        pltpu.sync_copy(sums_sh, sbuf)
        pltpu.sync_copy(counts_sh, cbuf)
        for i in range(NUM_GRAPHS // 16):
            sv = sbuf[pl.ds(i * 16, 16)]
            cv = cbuf[pl.ds(i * 16, 16)]
            obuf[pl.ds(i * 16, 16)] = sv / jnp.maximum(cv, 1.0)
            ocnt[pl.ds(i * 16, 16)] = cv
        pltpu.sync_copy(obuf, pooled_hbm)
        pltpu.sync_copy(ocnt, cnt_hbm)


_sc_call = functools.partial(
    pl.kernel,
    out_type=(jax.ShapeDtypeStruct((NUM_GRAPHS,), jnp.float32),
              jax.ShapeDtypeStruct((NUM_GRAPHS,), jnp.float32)),
    mesh=plsc.VectorSubcoreMesh(core_axis_name="c", subcore_axis_name="s",
                                num_cores=1),
    compiler_params=pltpu.CompilerParams(needs_layout_passes=False),
    scratch_types=[
        pltpu.VMEM((E_TILE,), jnp.int32),
        pltpu.VMEM((E_TILE,), jnp.int32),
        pltpu.VMEM((BC * 128,), jnp.float32),
        pltpu.VMEM((BC * 128,), jnp.int32),
        pltpu.VMEM((BC * 128,), jnp.float32),
        pltpu.VMEM((N_SH,), jnp.float32),
        pltpu.VMEM((N_SH,), jnp.float32),
        pltpu.VMEM((N_SH,), jnp.int32),
        pltpu.VMEM((SL,), jnp.float32),
        pltpu.VMEM((SL,), jnp.float32),
        pltpu.VMEM((SL,), jnp.float32),
        pltpu.VMEM((SL,), jnp.float32),
        pltpu.VMEM((128,), jnp.float32),
        pltpu.VMEM((G_SH,), jnp.float32),
        pltpu.VMEM((G_SH,), jnp.float32),
        pltpu.VMEM((NUM_GRAPHS,), jnp.float32),
        pltpu.VMEM((NUM_GRAPHS,), jnp.float32),
        pltpu.VMEM_SHARED((N_SH,), jnp.float32),
        pltpu.VMEM_SHARED((N_SH,), jnp.float32),
        pltpu.VMEM_SHARED((N_SH,), jnp.float32),
        pltpu.VMEM_SHARED((N_SH,), jnp.float32),
        pltpu.VMEM_SHARED((G_SH,), jnp.float32),
        pltpu.VMEM_SHARED((G_SH,), jnp.float32),
        pltpu.SemaphoreType.DMA,
    ],
)(_sc_body)


def kernel(x, edge_index, batch, W, b):
    y2d = pl.pallas_call(
        _matvec_body,
        out_shape=jax.ShapeDtypeStruct((N_NODES, 1), jnp.float32),
    )(x, W)
    y_pad = jnp.pad(y2d[:, 0], (0, N_SH - N_NODES))
    batch_p = jnp.pad(batch, (0, N_SH - N_NODES),
                      constant_values=DUMMY_G).reshape(NS, SL)
    batch_p = jnp.pad(batch_p, ((0, 0), (0, BC * 128 - SL)),
                      constant_values=DUMMY_G).reshape(NS, BC * 128)
    pooled, counts = _sc_call(edge_index[0], edge_index[1], batch_p, y_pad)
    out = pooled + b * (counts > 0.0)
    return out.reshape(NUM_GRAPHS, 1)

# --- scband reference (transcript-rebuilt; emitter-appended) ---
"""Pipeline reference for scband-sgconv-regression-80418967650355 (READ-ONLY COPY).

The authoritative reference and input builder live on the scoring server;
editing this copy changes nothing except your own understanding.
"""

import jax, jax.numpy as jnp
import numpy as np

N_NODES = 10000
N_EDGES = 320000
D_FEAT = 128
NUM_GRAPHS = 64
K = 2  # config.n_layers, used as SGConv propagation depth


def setup_inputs(seed: int = 0) -> dict:
    key = jax.random.key(seed)
    k1, k2, k3, k4 = jax.random.split(key, 4)
    x = jax.random.normal(k1, (N_NODES, D_FEAT), dtype=jnp.float32)
    edge_index = jax.random.randint(k2, (2, N_EDGES), 0, N_NODES, dtype=jnp.int32)
    batch = jnp.sort(jax.random.randint(k3, (N_NODES,), 0, NUM_GRAPHS, dtype=jnp.int32))
    # SGConv learned params: Linear(num_features -> out_channels=1) with bias
    W = jax.random.normal(k4, (D_FEAT, 1), dtype=jnp.float32) * (1.0 / np.sqrt(D_FEAT))
    b = jnp.zeros((1,), dtype=jnp.float32)
    return {"x": x, "edge_index": edge_index, "batch": batch, "W": W, "b": b}


def _sgconv(x, edge_index, W, b):
    # SGConv: out = (D^-1/2 (A+I) D^-1/2)^K x  @ W + b
    src = edge_index[0]
    dst = edge_index[1]
    loop = jnp.arange(N_NODES, dtype=src.dtype)
    src = jnp.concatenate([src, loop])
    dst = jnp.concatenate([dst, loop])
    ones = jnp.ones(src.shape[0], dtype=x.dtype)
    deg = jax.ops.segment_sum(ones, dst, num_segments=N_NODES)
    dinv = jnp.where(deg > 0, jax.lax.rsqrt(deg), 0.0)
    norm = dinv[src] * dinv[dst]
    h = x
    for _ in range(K):
        msg = norm[:, None] * h[src]          # gather
        h = jax.ops.segment_sum(msg, dst, num_segments=N_NODES)  # scatter-add
    return h @ W + b


def reference(x, edge_index, batch, W, b):
    h = _sgconv(x, edge_index, W, b)          # [N_NODES, 1]
    # scatter_mean over graph ids (data.batch)
    sums = jax.ops.segment_sum(h, batch, num_segments=NUM_GRAPHS)
    counts = jax.ops.segment_sum(jnp.ones((N_NODES, 1), h.dtype), batch, num_segments=NUM_GRAPHS)
    return sums / jnp.maximum(counts, 1.0)   # [NUM_GRAPHS, 1]

if __name__ == "__main__":
    import jax
    _d = setup_inputs()
    print(jax.jit(kernel)(*tuple(_d.values())))

</pallas_src>

<mosaic_0001>
#map = affine_map<(d0, d1) -> (0)>
#map1 = affine_map<(d0, d1) -> (0, 0)>
module attributes {stable_mosaic.version = 14 : i64} {
  func.func @_sc_body(%arg0: i32, %arg1: i32, %arg2: memref<320000xi32, #tpu.memory_space<hbm>>, %arg3: memref<320000xi32, #tpu.memory_space<hbm>>, %arg4: memref<16x768xi32, #tpu.memory_space<hbm>>, %arg5: memref<10496xf32, #tpu.memory_space<hbm>>, %arg6: memref<64xf32, #tpu.memory_space<hbm>>, %arg7: memref<64xf32, #tpu.memory_space<hbm>>, %arg8: memref<20480xi32, #tpu.memory_space<vmem>>, %arg9: memref<20480xi32, #tpu.memory_space<vmem>>, %arg10: memref<768xf32, #tpu.memory_space<vmem>>, %arg11: memref<768xi32, #tpu.memory_space<vmem>>, %arg12: memref<768xf32, #tpu.memory_space<vmem>>, %arg13: memref<10496xf32, #tpu.memory_space<vmem>>, %arg14: memref<10496xf32, #tpu.memory_space<vmem>>, %arg15: memref<10496xi32, #tpu.memory_space<vmem>>, %arg16: memref<656xf32, #tpu.memory_space<vmem>>, %arg17: memref<656xf32, #tpu.memory_space<vmem>>, %arg18: memref<656xf32, #tpu.memory_space<vmem>>, %arg19: memref<656xf32, #tpu.memory_space<vmem>>, %arg20: memref<128xf32, #tpu.memory_space<vmem>>, %arg21: memref<128xf32, #tpu.memory_space<vmem>>, %arg22: memref<128xf32, #tpu.memory_space<vmem>>, %arg23: memref<64xf32, #tpu.memory_space<vmem>>, %arg24: memref<64xf32, #tpu.memory_space<vmem>>, %arg25: memref<10496xf32, #tpu.memory_space<vmem_shared>>, %arg26: memref<10496xf32, #tpu.memory_space<vmem_shared>>, %arg27: memref<10496xf32, #tpu.memory_space<vmem_shared>>, %arg28: memref<10496xf32, #tpu.memory_space<vmem_shared>>, %arg29: memref<128xf32, #tpu.memory_space<vmem_shared>>, %arg30: memref<128xf32, #tpu.memory_space<vmem_shared>>, %arg31: memref<!tpu.dma_semaphore, #tpu.memory_space<semaphore_mem>>) attributes {dimension_semantics = [#tpu.dimension_semantics<core_parallel>, #tpu.dimension_semantics<subcore_parallel>], iteration_bounds = array<i64: 1, 16>, scalar_prefetch = 0 : i64, scratch_operands = 24 : i64, tpu.core_type = #tpu.core_type<sc_vector_subcore>, window_params = [{transform_indices = #map}, {transform_indices = #map}, {transform_indices = #map1}, {transform_indices = #map}, {transform_indices = #map}, {transform_indices = #map}]} {
    %mul3A = arith.constant 656 : i32
    %mul3A_0 = arith.muli %arg1, %mul3A : i32
    %mul3A_1 = arith.constant 20000 : i32
    %mul3A_2 = arith.muli %arg1, %mul3A_1 : i32
    %dma_start3A = arith.constant 0 : i32
    %dma_start3A_3 = tpu.memref_slice %arg8[%dma_start3A] : memref<20480xi32, #tpu.memory_space<vmem>> -> memref<20000xi32, #tpu.memory_space<vmem>>
    %dma_start3A_4 = tpu.memref_slice %arg2[%mul3A_2] : memref<320000xi32, #tpu.memory_space<hbm>> -> memref<20000xi32, #tpu.memory_space<hbm>>
    %dma_start3A_5 = arith.constant 0 : i32
    %dma_start3A_6 = tpu.memref_slice %arg8[%dma_start3A_5] : memref<20480xi32, #tpu.memory_space<vmem>> -> memref<20000xi32, #tpu.memory_space<vmem>>
    %dma_start3A_7 = tpu.memref_slice %arg2[%mul3A_2] : memref<320000xi32, #tpu.memory_space<hbm>> -> memref<20000xi32, #tpu.memory_space<hbm>>
    tpu.enqueue_dma source(%dma_start3A_7 : memref<20000xi32, #tpu.memory_space<hbm>>) target(%dma_start3A_6 : memref<20000xi32, #tpu.memory_space<vmem>>) target_semaphore(%arg31 : memref<!tpu.dma_semaphore, #tpu.memory_space<semaphore_mem>>)
    %mul3A_8 = arith.constant 20000 : i32
    %mul3A_9 = arith.muli %arg1, %mul3A_8 : i32
    %dma_start3A_10 = arith.constant 0 : i32
    %dma_start3A_11 = tpu.memref_slice %arg9[%dma_start3A_10] : memref<20480xi32, #tpu.memory_space<vmem>> -> memref<20000xi32, #tpu.memory_space<vmem>>
    %dma_start3A_12 = tpu.memref_slice %arg3[%mul3A_9] : memref<320000xi32, #tpu.memory_space<hbm>> -> memref<20000xi32, #tpu.memory_space<hbm>>
    %dma_start3A_13 = arith.constant 0 : i32
    %dma_start3A_14 = tpu.memref_slice %arg9[%dma_start3A_13] : memref<20480xi32, #tpu.memory_space<vmem>> -> memref<20000xi32, #tpu.memory_space<vmem>>
    %dma_start3A_15 = tpu.memref_slice %arg3[%mul3A_9] : memref<320000xi32, #tpu.memory_space<hbm>> -> memref<20000xi32, #tpu.memory_space<hbm>>
    tpu.enqueue_dma source(%dma_start3A_15 : memref<20000xi32, #tpu.memory_space<hbm>>) target(%dma_start3A_14 : memref<20000xi32, #tpu.memory_space<vmem>>) target_semaphore(%arg31 : memref<!tpu.dma_semaphore, #tpu.memory_space<semaphore_mem>>)
    %dma_start3A_16 = arith.constant 0 : i32
    %dma_start3A_17 = tpu.memref_slice %arg4[%arg1, %dma_start3A_16] : memref<16x768xi32, #tpu.memory_space<hbm>> -> memref<1x768xi32, #tpu.memory_space<hbm>>
    %dma_start3A_18 = tpu.memref_squeeze %dma_start3A_17 : memref<1x768xi32, #tpu.memory_space<hbm>> -> memref<768xi32, #tpu.memory_space<hbm>>
    %dma_start3A_19 = arith.constant 0 : i32
    %dma_start3A_20 = tpu.memref_slice %arg4[%arg1, %dma_start3A_19] : memref<16x768xi32, #tpu.memory_space<hbm>> -> memref<1x768xi32, #tpu.memory_space<hbm>>
    %dma_start3A_21 = tpu.memref_squeeze %dma_start3A_20 : memref<1x768xi32, #tpu.memory_space<hbm>> -> memref<768xi32, #tpu.memory_space<hbm>>
    tpu.enqueue_dma source(%dma_start3A_21 : memref<768xi32, #tpu.memory_space<hbm>>) target(%arg11 : memref<768xi32, #tpu.memory_space<vmem>>) target_semaphore(%arg31 : memref<!tpu.dma_semaphore, #tpu.memory_space<semaphore_mem>>)
    %dma_start3A_22 = tpu.memref_slice %arg5[%mul3A_0] : memref<10496xf32, #tpu.memory_space<hbm>> -> memref<656xf32, #tpu.memory_space<hbm>>
    %dma_start3A_23 = tpu.memref_slice %arg5[%mul3A_0] : memref<10496xf32, #tpu.memory_space<hbm>> -> memref<656xf32, #tpu.memory_space<hbm>>
    tpu.enqueue_dma source(%dma_start3A_23 : memref<656xf32, #tpu.memory_space<hbm>>) target(%arg16 : memref<656xf32, #tpu.memory_space<vmem>>) target_semaphore(%arg31 : memref<!tpu.dma_semaphore, #tpu.memory_space<semaphore_mem>>)
    %broadcast_in_dim3A = arith.constant 0.000000e+00 : f32
    %broadcast_in_dim3A_24 = vector.broadcast %broadcast_in_dim3A : f32 to vector<16xf32>
    %swap3A = arith.constant 0 : index
    %swap3A_25 = tpu.vector_load %arg20[%swap3A] {strides = array<i32>} : memref<128xf32, #tpu.memory_space<vmem>>, vector<16xf32>,
    tpu.vector_store %arg20[%swap3A], %broadcast_in_dim3A_24 {strides = array<i32>} : memref<128xf32, #tpu.memory_space<vmem>>, vector<16xf32>,
    %broadcast_in_dim3A_26 = arith.constant 0.000000e+00 : f32
    %broadcast_in_dim3A_27 = vector.broadcast %broadcast_in_dim3A_26 : f32 to vector<16xf32>
    %swap3A_28 = arith.constant 16 : index
    %swap3A_29 = tpu.vector_load %arg20[%swap3A_28] {strides = array<i32>} : memref<128xf32, #tpu.memory_space<vmem>>, vector<16xf32>,
    tpu.vector_store %arg20[%swap3A_28], %broadcast_in_dim3A_27 {strides = array<i32>} : memref<128xf32, #tpu.memory_space<vmem>>, vector<16xf32>,
    %broadcast_in_dim3A_30 = arith.constant 0.000000e+00 : f32
    %broadcast_in_dim3A_31 = vector.broadcast %broadcast_in_dim3A_30 : f32 to vector<16xf32>
    %swap3A_32 = arith.constant 32 : index
    %swap3A_33 = tpu.vector_load %arg20[%swap3A_32] {strides = array<i32>} : memref<128xf32, #tpu.memory_space<vmem>>, vector<16xf32>,
    tpu.vector_store %arg20[%swap3A_32], %broadcast_in_dim3A_31 {strides = array<i32>} : memref<128xf32, #tpu.memory_space<vmem>>, vector<16xf32>,
    %broadcast_in_dim3A_34 = arith.constant 0.000000e+00 : f32
    %broadcast_in_dim3A_35 = vector.broadcast %broadcast_in_dim3A_34 : f32 to vector<16xf32>
    %swap3A_36 = arith.constant 48 : index
    %swap3A_37 = tpu.vector_load %arg20[%swap3A_36] {strides = array<i32>} : memref<128xf32, #tpu.memory_space<vmem>>, vector<16xf32>,
    tpu.vector_store %arg20[%swap3A_36], %broadcast_in_dim3A_35 {strides = array<i32>} : memref<128xf32, #tpu.memory_space<vmem>>, vector<16xf32>,
    %broadcast_in_dim3A_38 = arith.constant 0.000000e+00 : f32
    %broadcast_in_dim3A_39 = vector.broadcast %broadcast_in_dim3A_38 : f32 to vector<16xf32>
    %swap3A_40 = arith.constant 64 : index
    %swap3A_41 = tpu.vector_load %arg20[%swap3A_40] {strides = array<i32>} : memref<128xf32, #tpu.memory_space<vmem>>, vector<16xf32>,
    tpu.vector_store %arg20[%swap3A_40], %broadcast_in_dim3A_39 {strides = array<i32>} : memref<128xf32, #tpu.memory_space<vmem>>, vector<16xf32>,
    %broadcast_in_dim3A_42 = arith.constant 0.000000e+00 : f32
    %broadcast_in_dim3A_43 = vector.broadcast %broadcast_in_dim3A_42 : f32 to vector<16xf32>
    %swap3A_44 = arith.constant 80 : index
    %swap3A_45 = tpu.vector_load %arg20[%swap3A_44] {strides = array<i32>} : memref<128xf32, #tpu.memory_space<vmem>>, vector<16xf32>,
    tpu.vector_store %arg20[%swap3A_44], %broadcast_in_dim3A_43 {strides = array<i32>} : memref<128xf32, #tpu.memory_space<vmem>>, vector<16xf32>,
    %broadcast_in_dim3A_46 = arith.constant 0.000000e+00 : f32
    %broadcast_in_dim3A_47 = vector.broadcast %broadcast_in_dim3A_46 : f32 to vector<16xf32>
    %swap3A_48 = arith.constant 96 : index
    %swap3A_49 = tpu.vector_load %arg20[%swap3A_48] {strides = array<i32>} : memref<128xf32, #tpu.memory_space<vmem>>, vector<16xf32>,
    tpu.vector_store %arg20[%swap3A_48], %broadcast_in_dim3A_47 {strides = array<i32>} : memref<128xf32, #tpu.memory_space<vmem>>, vector<16xf32>,
    %broadcast_in_dim3A_50 = arith.constant 0.000000e+00 : f32
    %broadcast_in_dim3A_51 = vector.broadcast %broadcast_in_dim3A_50 : f32 to vector<16xf32>
    %swap3A_52 = arith.constant 112 : index
    %swap3A_53 = tpu.vector_load %arg20[%swap3A_52] {strides = array<i32>} : memref<128xf32, #tpu.memory_space<vmem>>, vector<16xf32>,
    tpu.vector_store %arg20[%swap3A_52], %broadcast_in_dim3A_51 {strides = array<i32>} : memref<128xf32, #tpu.memory_space<vmem>>, vector<16xf32>,
    %broadcast_in_dim3A_54 = arith.constant 1.000000e+00 : f32
    %broadcast_in_dim3A_55 = vector.broadcast %broadcast_in_dim3A_54 : f32 to vector<16xf32>
    %swap3A_56 = arith.constant 0 : index
    %swap3A_57 = tpu.vector_load %arg18[%swap3A_56] {strides = array<i32>} : memref<656xf32, #tpu.memory_space<vmem>>, vector<16xf32>,
    tpu.vector_store %arg18[%swap3A_56], %broadcast_in_dim3A_55 {strides = array<i32>} : memref<656xf32, #tpu.memory_space<vmem>>, vector<16xf32>,
    %broadcast_in_dim3A_58 = arith.constant 1.000000e+00 : f32
    %broadcast_in_dim3A_59 = vector.broadcast %broadcast_in_dim3A_58 : f32 to vector<16xf32>
    %swap3A_60 = arith.constant 16 : index
    %swap3A_61 = tpu.vector_load %arg18[%swap3A_60] {strides = array<i32>} : memref<656xf32, #tpu.memory_space<vmem>>, vector<16xf32>,
    tpu.vector_store %arg18[%swap3A_60], %broadcast_in_dim3A_59 {strides = array<i32>} : memref<656xf32, #tpu.memory_space<vmem>>, vector<16xf32>,
    %broadcast_in_dim3A_62 = arith.constant 1.000000e+00 : f32
    %broadcast_in_dim3A_63 = vector.broadcast %broadcast_in_dim3A_62 : f32 to vector<16xf32>
    %swap3A_64 = arith.constant 32 : index
    %swap3A_65 = tpu.vector_load %arg18[%swap3A_64] {strides = array<i32>} : memref<656xf32, #tpu.memory_space<vmem>>, vector<16xf32>,
    tpu.vector_store %arg18[%swap3A_64], %broadcast_in_dim3A_63 {strides = array<i32>} : memref<656xf32, #tpu.memory_space<vmem>>, vector<16xf32>,
    %broadcast_in_dim3A_66 = arith.constant 1.000000e+00 : f32
    %broadcast_in_dim3A_67 = vector.broadcast %broadcast_in_dim3A_66 : f32 to vector<16xf32>
    %swap3A_68 = arith.constant 48 : index
    %swap3A_69 = tpu.vector_load %arg18[%swap3A_68] {strides = array<i32>} : memref<656xf32, #tpu.memory_space<vmem>>, vector<16xf32>,
    tpu.vector_store %arg18[%swap3A_68], %broadcast_in_dim3A_67 {strides = array<i32>} : memref<656xf32, #tpu.memory_space<vmem>>, vector<16xf32>,
    %broadcast_in_dim3A_70 = arith.constant 1.000000e+00 : f32
    %broadcast_in_dim3A_71 = vector.broadcast %broadcast_in_dim3A_70 : f32 to vector<16xf32>
    %swap3A_72 = arith.constant 64 : index
    %swap3A_73 = tpu.vector_load %arg18[%swap3A_72] {strides = array<i32>} : memref<656xf32, #tpu.memory_space<vmem>>, vector<16xf32>,
    tpu.vector_store %arg18[%swap3A_72], %broadcast_in_dim3A_71 {strides = array<i32>} : memref<656xf32, #tpu.memory_space<vmem>>, vector<16xf32>,
    %broadcast_in_dim3A_74 = arith.constant 1.000000e+00 : f32
    %broadcast_in_dim3A_75 = vector.broadcast %broadcast_in_dim3A_74 : f32 to vector<16xf32>
    %swap3A_76 = arith.constant 80 : index
    %swap3A_77 = tpu.vector_load %arg18[%swap3A_76] {strides = array<i32>} : memref<656xf32, #tpu.memory_space<vmem>>, vector<16xf32>,
    tpu.vector_store %arg18[%swap3A_76], %broadcast_in_dim3A_75 {strides = array<i32>} : memref<656xf32, #tpu.memory_space<vmem>>, vector<16xf32>,
    %broadcast_in_dim3A_78 = arith.constant 1.000000e+00 : f32
    %broadcast_in_dim3A_79 = vector.broadcast %broadcast_in_dim3A_78 : f32 to vector<16xf32>
    %swap3A_80 = arith.constant 96 : index
    %swap3A_81 = tpu.vector_load %arg18[%swap3A_80] {strides = array<i32>} : memref<656xf32, #tpu.memory_space<vmem>>, vector<16xf32>,
    tpu.vector_store %arg18[%swap3A_80], %broadcast_in_dim3A_79 {strides = array<i32>} : memref<656xf32, #tpu.memory_space<vmem>>, vector<16xf32>,
    %broadcast_in_dim3A_82 = arith.constant 1.000000e+00 : f32
    %broadcast_in_dim3A_83 = vector.broadcast %broadcast_in_dim3A_82 : f32 to vector<16xf32>
    %swap3A_84 = arith.constant 112 : index
    %swap3A_85 = tpu.vector_load %arg18[%swap3A_84] {strides = array<i32>} : memref<656xf32, #tpu.memory_space<vmem>>, vector<16xf32>,
    tpu.vector_store %arg18[%swap3A_84], %broadcast_in_dim3A_83 {strides = array<i32>} : memref<656xf32, #tpu.memory_space<vmem>>, vector<16xf32>,
    %broadcast_in_dim3A_86 = arith.constant 1.000000e+00 : f32
    %broadcast_in_dim3A_87 = vector.broadcast %broadcast_in_dim3A_86 : f32 to vector<16xf32>
    %swap3A_88 = arith.constant 128 : index
    %swap3A_89 = tpu.vector_load %arg18[%swap3A_88] {strides = array<i32>} : memref<656xf32, #tpu.memory_space<vmem>>, vector<16xf32>,
    tpu.vector_store %arg18[%swap3A_88], %broadcast_in_dim3A_87 {strides = array<i32>} : memref<656xf32, #tpu.memory_space<vmem>>, vector<16xf32>,
    %broadcast_in_dim3A_90 = arith.constant 1.000000e+00 : f32
    %broadcast_in_dim3A_91 = vector.broadcast %broadcast_in_dim3A_90 : f32 to vector<16xf32>
    %swap3A_92 = arith.constant 144 : index
    %swap3A_93 = tpu.vector_load %arg18[%swap3A_92] {strides = array<i32>} : memref<656xf32, #tpu.memory_space<vmem>>, vector<16xf32>,
    tpu.vector_store %arg18[%swap3A_92], %broadcast_in_dim3A_91 {strides = array<i32>} : memref<656xf32, #tpu.memory_space<vmem>>, vector<16xf32>,
    %broadcast_in_dim3A_94 = arith.constant 1.000000e+00 : f32
    %broadcast_in_dim3A_95 = vector.broadcast %broadcast_in_dim3A_94 : f32 to vector<16xf32>
    %swap3A_96 = arith.constant 160 : index
    %swap3A_97 = tpu.vector_load %arg18[%swap3A_96] {strides = array<i32>} : memref<656xf32, #tpu.memory_space<vmem>>, vector<16xf32>,
    tpu.vector_store %arg18[%swap3A_96], %broadcast_in_dim3A_95 {strides = array<i32>} : memref<656xf32, #tpu.memory_space<vmem>>, vector<16xf32>,
    %broadcast_in_dim3A_98 = arith.constant 1.000000e+00 : f32
    %broadcast_in_dim3A_99 = vector.broadcast %broadcast_in_dim3A_98 : f32 to vector<16xf32>
    %swap3A_100 = arith.constant 176 : index
    %swap3A_101 = tpu.vector_load %arg18[%swap3A_100] {strides = array<i32>} : memref<656xf32, #tpu.memory_space<vmem>>, vector<16xf32>,
    tpu.vector_store %arg18[%swap3A_100], %broadcast_in_dim3A_99 {strides = array<i32>} : memref<656xf32, #tpu.memory_space<vmem>>, vector<16xf32>,
    %broadcast_in_dim3A_102 = arith.constant 1.000000e+00 : f32
    %broadcast_in_dim3A_103 = vector.broadcast %broadcast_in_dim3A_102 : f32 to vector<16xf32>
    %swap3A_104 = arith.constant 192 : index
    %swap3A_105 = tpu.vector_load %arg18[%swap3A_104] {strides = array<i32>} : memref<656xf32, #tpu.memory_space<vmem>>, vector<16xf32>,
    tpu.vector_store %arg18[%swap3A_104], %broadcast_in_dim3A_103 {strides = array<i32>} : memref<656xf32, #tpu.memory_space<vmem>>, vector<16xf32>,
    %broadcast_in_dim3A_106 = arith.constant 1.000000e+00 : f32
    %broadcast_in_dim3A_107 = vector.broadcast %broadcast_in_dim3A_106 : f32 to vector<16xf32>
    %swap3A_108 = arith.constant 208 : index
    %swap3A_109 = tpu.vector_load %arg18[%swap3A_108] {strides = array<i32>} : memref<656xf32, #tpu.memory_space<vmem>>, vector<16xf32>,
    tpu.vector_store %arg18[%swap3A_108], %broadcast_in_dim3A_107 {strides = array<i32>} : memref<656xf32, #tpu.memory_space<vmem>>, vector<16xf32>,
    %broadcast_in_dim3A_110 = arith.constant 1.000000e+00 : f32
    %broadcast_in_dim3A_111 = vector.broadcast %broadcast_in_dim3A_110 : f32 to vector<16xf32>
    %swap3A_112 = arith.constant 224 : index
    %swap3A_113 = tpu.vector_load %arg18[%swap3A_112] {strides = array<i32>} : memref<656xf32, #tpu.memory_space<vmem>>, vector<16xf32>,
    tpu.vector_store %arg18[%swap3A_112], %broadcast_in_dim3A_111 {strides = array<i32>} : memref<656xf32, #tpu.memory_space<vmem>>, vector<16xf32>,
    %broadcast_in_dim3A_114 = arith.constant 1.000000e+00 : f32
    %broadcast_in_dim3A_115 = vector.broadcast %broadcast_in_dim3A_114 : f32 to vector<16xf32>
    %swap3A_116 = arith.constant 240 : index
    %swap3A_117 = tpu.vector_load %arg18[%swap3A_116] {strides = array<i32>} : memref<656xf32, #tpu.memory_space<vmem>>, vector<16xf32>,
    tpu.vector_store %arg18[%swap3A_116], %broadcast_in_dim3A_115 {strides = array<i32>} : memref<656xf32, #tpu.memory_space<vmem>>, vector<16xf32>,
    %broadcast_in_dim3A_118 = arith.constant 1.000000e+00 : f32
    %broadcast_in_dim3A_119 = vector.broadcast %broadcast_in_dim3A_118 : f32 to vector<16xf32>
    %swap3A_120 = arith.constant 256 : index
    %swap3A_121 = tpu.vector_load %arg18[%swap3A_120] {strides = array<i32>} : memref<656xf32, #tpu.memory_space<vmem>>, vector<16xf32>,
    tpu.vector_store %arg18[%swap3A_120], %broadcast_in_dim3A_119 {strides = array<i32>} : memref<656xf32, #tpu.memory_space<vmem>>, vector<16xf32>,
    %broadcast_in_dim3A_122 = arith.constant 1.000000e+00 : f32
    %broadcast_in_dim3A_123 = vector.broadcast %broadcast_in_dim3A_122 : f32 to vector<16xf32>
    %swap3A_124 = arith.constant 272 : index
    %swap3A_125 = tpu.vector_load %arg18[%swap3A_124] {strides = array<i32>} : memref<656xf32, #tpu.memory_space<vmem>>, vector<16xf32>,
    tpu.vector_store %arg18[%swap3A_124], %broadcast_in_dim3A_123 {strides = array<i32>} : memref<656xf32, #tpu.memory_space<vmem>>, vector<16xf32>,
    %broadcast_in_dim3A_126 = arith.constant 1.000000e+00 : f32
    %broadcast_in_dim3A_127 = vector.broadcast %broadcast_in_dim3A_126 : f32 to vector<16xf32>
    %swap3A_128 = arith.constant 288 : index
    %swap3A_129 = tpu.vector_load %arg18[%swap3A_128] {strides = array<i32>} : memref<656xf32, #tpu.memory_space<vmem>>, vector<16xf32>,
    tpu.vector_store %arg18[%swap3A_128], %broadcast_in_dim3A_127 {strides = array<i32>} : memref<656xf32, #tpu.memory_space<vmem>>, vector<16xf32>,
    %broadcast_in_dim3A_130 = arith.constant 1.000000e+00 : f32
    %broadcast_in_dim3A_131 = vector.broadcast %broadcast_in_dim3A_130 : f32 to vector<16xf32>
    %swap3A_132 = arith.constant 304 : index
    %swap3A_133 = tpu.vector_load %arg18[%swap3A_132] {strides = array<i32>} : memref<656xf32, #tpu.memory_space<vmem>>, vector<16xf32>,
    tpu.vector_store %arg18[%swap3A_132], %broadcast_in_dim3A_131 {strides = array<i32>} : memref<656xf32, #tpu.memory_space<vmem>>, vector<16xf32>,
    %broadcast_in_dim3A_134 = arith.constant 1.000000e+00 : f32
    %broadcast_in_dim3A_135 = vector.broadcast %broadcast_in_dim3A_134 : f32 to vector<16xf32>
    %swap3A_136 = arith.constant 320 : index
    %swap3A_137 = tpu.vector_load %arg18[%swap3A_136] {strides = array<i32>} : memref<656xf32, #tpu.memory_space<vmem>>, vector<16xf32>,
    tpu.vector_store %arg18[%swap3A_136], %broadcast_in_dim3A_135 {strides = array<i32>} : memref<656xf32, #tpu.memory_space<vmem>>, vector<16xf32>,
    %broadcast_in_dim3A_138 = arith.constant 1.000000e+00 : f32
    %broadcast_in_dim3A_139 = vector.broadcast %broadcast_in_dim3A_138 : f32 to vector<16xf32>
    %swap3A_140 = arith.constant 336 : index
    %swap3A_141 = tpu.vector_load %arg18[%swap3A_140] {strides = array<i32>} : memref<656xf32, #tpu.memory_space<vmem>>, vector<16xf32>,
    tpu.vector_store %arg18[%swap3A_140], %broadcast_in_dim3A_139 {strides = array<i32>} : memref<656xf32, #tpu.memory_space<vmem>>, vector<16xf32>,
    %broadcast_in_dim3A_142 = arith.constant 1.000000e+00 : f32
    %broadcast_in_dim3A_143 = vector.broadcast %broadcast_in_dim3A_142 : f32 to vector<16xf32>
    %swap3A_144 = arith.constant 352 : index
    %swap3A_145 = tpu.vector_load %arg18[%swap3A_144] {strides = array<i32>} : memref<656xf32, #tpu.memory_space<vmem>>, vector<16xf32>,
    tpu.vector_store %arg18[%swap3A_144], %broadcast_in_dim3A_143 {strides = array<i32>} : memref<656xf32, #tpu.memory_space<vmem>>, vector<16xf32>,
    %broadcast_in_dim3A_146 = arith.constant 1.000000e+00 : f32
    %broadcast_in_dim3A_147 = vector.broadcast %broadcast_in_dim3A_146 : f32 to vector<16xf32>
    %swap3A_148 = arith.constant 368 : index
    %swap3A_149 = tpu.vector_load %arg18[%swap3A_148] {strides = array<i32>} : memref<656xf32, #tpu.memory_space<vmem>>, vector<16xf32>,
    tpu.vector_store %arg18[%swap3A_148], %broadcast_in_dim3A_147 {strides = array<i32>} : memref<656xf32, #tpu.memory_space<vmem>>, vector<16xf32>,
    %broadcast_in_dim3A_150 = arith.constant 1.000000e+00 : f32
    %broadcast_in_dim3A_151 = vector.broadcast %broadcast_in_dim3A_150 : f32 to vector<16xf32>
    %swap3A_152 = arith.constant 384 : index
    %swap3A_153 = tpu.vector_load %arg18[%swap3A_152] {strides = array<i32>} : memref<656xf32, #tpu.memory_space<vmem>>, vector<16xf32>,
    tpu.vector_store %arg18[%swap3A_152], %broadcast_in_dim3A_151 {strides = array<i32>} : memref<656xf32, #tpu.memory_space<vmem>>, vector<16xf32>,
    %broadcast_in_dim3A_154 = arith.constant 1.000000e+00 : f32
    %broadcast_in_dim3A_155 = vector.broadcast %broadcast_in_dim3A_154 : f32 to vector<16xf32>
    %swap3A_156 = arith.constant 400 : index
    %swap3A_157 = tpu.vector_load %arg18[%swap3A_156] {strides = array<i32>} : memref<656xf32, #tpu.memory_space<vmem>>, vector<16xf32>,
    tpu.vector_store %arg18[%swap3A_156], %broadcast_in_dim3A_155 {strides = array<i32>} : memref<656xf32, #tpu.memory_space<vmem>>, vector<16xf32>,
    %broadcast_in_dim3A_158 = arith.constant 1.000000e+00 : f32
    %broadcast_in_dim3A_159 = vector.broadcast %broadcast_in_dim3A_158 : f32 to vector<16xf32>
    %swap3A_160 = arith.constant 416 : index
    %swap3A_161 = tpu.vector_load %arg18[%swap3A_160] {strides = array<i32>} : memref<656xf32, #tpu.memory_space<vmem>>, vector<16xf32>,
    tpu.vector_store %arg18[%swap3A_160], %broadcast_in_dim3A_159 {strides = array<i32>} : memref<656xf32, #tpu.memory_space<vmem>>, vector<16xf32>,
    %broadcast_in_dim3A_162 = arith.constant 1.000000e+00 : f32
    %broadcast_in_dim3A_163 = vector.broadcast %broadcast_in_dim3A_162 : f32 to vector<16xf32>
    %swap3A_164 = arith.constant 432 : index
    %swap3A_165 = tpu.vector_load %arg18[%swap3A_164] {strides = array<i32>} : memref<656xf32, #tpu.memory_space<vmem>>, vector<16xf32>,
    tpu.vector_store %arg18[%swap3A_164], %broadcast_in_dim3A_163 {strides = array<i32>} : memref<656xf32, #tpu.memory_space<vmem>>, vector<16xf32>,
    %broadcast_in_dim3A_166 = arith.constant 1.000000e+00 : f32
    %broadcast_in_dim3A_167 = vector.broadcast %broadcast_in_dim3A_166 : f32 to vector<16xf32>
    %swap3A_168 = arith.constant 448 : index
    %swap3A_169 = tpu.vector_load %arg18[%swap3A_168] {strides = array<i32>} : memref<656xf32, #tpu.memory_space<vmem>>, vector<16xf32>,
    tpu.vector_store %arg18[%swap3A_168], %broadcast_in_dim3A_167 {strides = array<i32>} : memref<656xf32, #tpu.memory_space<vmem>>, vector<16xf32>,
    %broadcast_in_dim3A_170 = arith.constant 1.000000e+00 : f32
    %broadcast_in_dim3A_171 = vector.broadcast %broadcast_in_dim3A_170 : f32 to vector<16xf32>
    %swap3A_172 = arith.constant 464 : index
    %swap3A_173 = tpu.vector_load %arg18[%swap3A_172] {strides = array<i32>} : memref<656xf32, #tpu.memory_space<vmem>>, vector<16xf32>,
    tpu.vector_store %arg18[%swap3A_172], %broadcast_in_dim3A_171 {strides = array<i32>} : memref<656xf32, #tpu.memory_space<vmem>>, vector<16xf32>,
    %broadcast_in_dim3A_174 = arith.constant 1.000000e+00 : f32
    %broadcast_in_dim3A_175 = vector.broadcast %broadcast_in_dim3A_174 : f32 to vector<16xf32>
    %swap3A_176 = arith.constant 480 : index
    %swap3A_177 = tpu.vector_load %arg18[%swap3A_176] {strides = array<i32>} : memref<656xf32, #tpu.memory_space<vmem>>, vector<16xf32>,
    tpu.vector_store %arg18[%swap3A_176], %broadcast_in_dim3A_175 {strides = array<i32>} : memref<656xf32, #tpu.memory_space<vmem>>, vector<16xf32>,
    %broadcast_in_dim3A_178 = arith.constant 1.000000e+00 : f32
    %broadcast_in_dim3A_179 = vector.broadcast %broadcast_in_dim3A_178 : f32 to vector<16xf32>
    %swap3A_180 = arith.constant 496 : index
    %swap3A_181 = tpu.vector_load %arg18[%swap3A_180] {strides = array<i32>} : memref<656xf32, #tpu.memory_space<vmem>>, vector<16xf32>,
    tpu.vector_store %arg18[%swap3A_180], %broadcast_in_dim3A_179 {strides = array<i32>} : memref<656xf32, #tpu.memory_space<vmem>>, vector<16xf32>,
    %broadcast_in_dim3A_182 = arith.constant 1.000000e+00 : f32
    %broadcast_in_dim3A_183 = vector.broadcast %broadcast_in_dim3A_182 : f32 to vector<16xf32>
    %swap3A_184 = arith.constant 512 : index
    %swap3A_185 = tpu.vector_load %arg18[%swap3A_184] {strides = array<i32>} : memref<656xf32, #tpu.memory_space<vmem>>, vector<16xf32>,
    tpu.vector_store %arg18[%swap3A_184], %broadcast_in_dim3A_183 {strides = array<i32>} : memref<656xf32, #tpu.memory_space<vmem>>, vector<16xf32>,
    %broadcast_in_dim3A_186 = arith.constant 1.000000e+00 : f32
    %broadcast_in_dim3A_187 = vector.broadcast %broadcast_in_dim3A_186 : f32 to vector<16xf32>
    %swap3A_188 = arith.constant 528 : index
    %swap3A_189 = tpu.vector_load %arg18[%swap3A_188] {strides = array<i32>} : memref<656xf32, #tpu.memory_space<vmem>>, vector<16xf32>,
    tpu.vector_store %arg18[%swap3A_188], %broadcast_in_dim3A_187 {strides = array<i32>} : memref<656xf32, #tpu.memory_space<vmem>>, vector<16xf32>,
    %broadcast_in_dim3A_190 = arith.constant 1.000000e+00 : f32
    %broadcast_in_dim3A_191 = vector.broadcast %broadcast_in_dim3A_190 : f32 to vector<16xf32>
    %swap3A_192 = arith.constant 544 : index
    %swap3A_193 = tpu.vector_load %arg18[%swap3A_192] {strides = array<i32>} : memref<656xf32, #tpu.memory_space<vmem>>, vector<16xf32>,
    tpu.vector_store %arg18[%swap3A_192], %broadcast_in_dim3A_191 {strides = array<i32>} : memref<656xf32, #tpu.memory_space<vmem>>, vector<16xf32>,
    %broadcast_in_dim3A_194 = arith.constant 1.000000e+00 : f32
    %broadcast_in_dim3A_195 = vector.broadcast %broadcast_in_dim3A_194 : f32 to vector<16xf32>
    %swap3A_196 = arith.constant 560 : index
    %swap3A_197 = tpu.vector_load %arg18[%swap3A_196] {strides = array<i32>} : memref<656xf32, #tpu.memory_space<vmem>>, vector<16xf32>,
    tpu.vector_store %arg18[%swap3A_196], %broadcast_in_dim3A_195 {strides = array<i32>} : memref<656xf32, #tpu.memory_space<vmem>>, vector<16xf32>,
    %broadcast_in_dim3A_198 = arith.constant 1.000000e+00 : f32
    %broadcast_in_dim3A_199 = vector.broadcast %broadcast_in_dim3A_198 : f32 to vector<16xf32>
    %swap3A_200 = arith.constant 576 : index
    %swap3A_201 = tpu.vector_load %arg18[%swap3A_200] {strides = array<i32>} : memref<656xf32, #tpu.memory_space<vmem>>, vector<16xf32>,
    tpu.vector_store %arg18[%swap3A_200], %broadcast_in_dim3A_199 {strides = array<i32>} : memref<656xf32, #tpu.memory_space<vmem>>, vector<16xf32>,
    %broadcast_in_dim3A_202 = arith.constant 1.000000e+00 : f32
    %broadcast_in_dim3A_203 = vector.broadcast %broadcast_in_dim3A_202 : f32 to vector<16xf32>
    %swap3A_204 = arith.constant 592 : index
    %swap3A_205 = tpu.vector_load %arg18[%swap3A_204] {strides = array<i32>} : memref<656xf32, #tpu.memory_space<vmem>>, vector<16xf32>,
    tpu.vector_store %arg18[%swap3A_204], %broadcast_in_dim3A_203 {strides = array<i32>} : memref<656xf32, #tpu.memory_space<vmem>>, vector<16xf32>,
    %broadcast_in_dim3A_206 = arith.constant 1.000000e+00 : f32
    %broadcast_in_dim3A_207 = vector.broadcast %broadcast_in_dim3A_206 : f32 to vector<16xf32>
    %swap3A_208 = arith.constant 608 : index
    %swap3A_209 = tpu.vector_load %arg18[%swap3A_208] {strides = array<i32>} : memref<656xf32, #tpu.memory_space<vmem>>, vector<16xf32>,
    tpu.vector_store %arg18[%swap3A_208], %broadcast_in_dim3A_207 {strides = array<i32>} : memref<656xf32, #tpu.memory_space<vmem>>, vector<16xf32>,
    %broadcast_in_dim3A_210 = arith.constant 1.000000e+00 : f32
    %broadcast_in_dim3A_211 = vector.broadcast %broadcast_in_dim3A_210 : f32 to vector<16xf32>
    %swap3A_212 = arith.constant 624 : index
    %swap3A_213 = tpu.vector_load %arg18[%swap3A_212] {strides = array<i32>} : memref<656xf32, #tpu.memory_space<vmem>>, vector<16xf32>,
    tpu.vector_store %arg18[%swap3A_212], %broadcast_in_dim3A_211 {strides = array<i32>} : memref<656xf32, #tpu.memory_space<vmem>>, vector<16xf32>,
    %broadcast_in_dim3A_214 = arith.constant 1.000000e+00 : f32
    %broadcast_in_dim3A_215 = vector.broadcast %broadcast_in_dim3A_214 : f32 to vector<16xf32>
    %swap3A_216 = arith.constant 640 : index
    %swap3A_217 = tpu.vector_load %arg18[%swap3A_216] {strides = array<i32>} : memref<656xf32, #tpu.memory_space<vmem>>, vector<16xf32>,
    tpu.vector_store %arg18[%swap3A_216], %broadcast_in_dim3A_215 {strides = array<i32>} : memref<656xf32, #tpu.memory_space<vmem>>, vector<16xf32>,
    "tpu.region"() ({
      %run_scoped3A = tpu.sem_alloc : memref<!tpu.dma_semaphore, #tpu.memory_space<semaphore_mem>>
      %dma_start3A_2950 = tpu.memref_slice %arg25[%mul3A_0] : memref<10496xf32, #tpu.memory_space<vmem_shared>> -> memref<656xf32, #tpu.memory_space<vmem_shared>>
      %dma_start3A_2951 = tpu.memref_slice %arg25[%mul3A_0] : memref<10496xf32, #tpu.memory_space<vmem_shared>> -> memref<656xf32, #tpu.memory_space<vmem_shared>>
      tpu.enqueue_dma source(%arg18 : memref<656xf32, #tpu.memory_space<vmem>>) target(%dma_start3A_2951 : memref<656xf32, #tpu.memory_space<vmem_shared>>) target_semaphore(%run_scoped3A : memref<!tpu.dma_semaphore, #tpu.memory_space<semaphore_mem>>)
      %dma_wait3A_2952 = tpu.memref_slice %arg25[%mul3A_0] : memref<10496xf32, #tpu.memory_space<vmem_shared>> -> memref<656xf32, #tpu.memory_space<vmem_shared>>
      %dma_wait3A_2953 = tpu.memref_slice %arg25[%mul3A_0] : memref<10496xf32, #tpu.memory_space<vmem_shared>> -> memref<656xf32, #tpu.memory_space<vmem_shared>>
      tpu.wait_dma2 semaphore(%run_scoped3A : memref<!tpu.dma_semaphore, #tpu.memory_space<semaphore_mem>>) src(%arg18 : memref<656xf32, #tpu.memory_space<vmem>>) dst(%dma_wait3A_2953 : memref<656xf32, #tpu.memory_space<vmem_shared>>)
      tpu.yield
    }) : () -> ()
    %dma_wait3A = arith.constant 0 : i32
    %dma_wait3A_218 = tpu.memref_slice %arg8[%dma_wait3A] : memref<20480xi32, #tpu.memory_space<vmem>> -> memref<20000xi32, #tpu.memory_space<vmem>>
    %dma_wait3A_219 = tpu.memref_slice %arg2[%mul3A_2] : memref<320000xi32, #tpu.memory_space<hbm>> -> memref<20000xi32, #tpu.memory_space<hbm>>
    %dma_wait3A_220 = arith.constant 0 : i32
    %dma_wait3A_221 = tpu.memref_slice %arg8[%dma_wait3A_220] : memref<20480xi32, #tpu.memory_space<vmem>> -> memref<20000xi32, #tpu.memory_space<vmem>>
    %dma_wait3A_222 = tpu.memref_slice %arg2[%mul3A_2] : memref<320000xi32, #tpu.memory_space<hbm>> -> memref<20000xi32, #tpu.memory_space<hbm>>
    tpu.wait_dma2 semaphore(%arg31 : memref<!tpu.dma_semaphore, #tpu.memory_space<semaphore_mem>>) src(%dma_wait3A_222 : memref<20000xi32, #tpu.memory_space<hbm>>) dst(%dma_wait3A_221 : memref<20000xi32, #tpu.memory_space<vmem>>)
    %dma_wait3A_223 = arith.constant 0 : i32
    %dma_wait3A_224 = tpu.memref_slice %arg9[%dma_wait3A_223] : memref<20480xi32, #tpu.memory_space<vmem>> -> memref<20000xi32, #tpu.memory_space<vmem>>
    %dma_wait3A_225 = tpu.memref_slice %arg3[%mul3A_9] : memref<320000xi32, #tpu.memory_space<hbm>> -> memref<20000xi32, #tpu.memory_space<hbm>>
    %dma_wait3A_226 = arith.constant 0 : i32
    %dma_wait3A_227 = tpu.memref_slice %arg9[%dma_wait3A_226] : memref<20480xi32, #tpu.memory_space<vmem>> -> memref<20000xi32, #tpu.memory_space<vmem>>
    %dma_wait3A_228 = tpu.memref_slice %arg3[%mul3A_9] : memref<320000xi32, #tpu.memory_space<hbm>> -> memref<20000xi32, #tpu.memory_space<hbm>>
    tpu.wait_dma2 semaphore(%arg31 : memref<!tpu.dma_semaphore, #tpu.memory_space<semaphore_mem>>) src(%dma_wait3A_228 : memref<20000xi32, #tpu.memory_space<hbm>>) dst(%dma_wait3A_227 : memref<20000xi32, #tpu.memory_space<vmem>>)
    %dma_wait3A_229 = arith.constant 0 : i32
    %dma_wait3A_230 = tpu.memref_slice %arg4[%arg1, %dma_wait3A_229] : memref<16x768xi32, #tpu.memory_space<hbm>> -> memref<1x768xi32, #tpu.memory_space<hbm>>
    %dma_wait3A_231 = tpu.memref_squeeze %dma_wait3A_230 : memref<1x768xi32, #tpu.memory_space<hbm>> -> memref<768xi32, #tpu.memory_space<hbm>>
    %dma_wait3A_232 = arith.constant 0 : i32
    %dma_wait3A_233 = tpu.memref_slice %arg4[%arg1, %dma_wait3A_232] : memref<16x768xi32, #tpu.memory_space<hbm>> -> memref<1x768xi32, #tpu.memory_space<hbm>>
    %dma_wait3A_234 = tpu.memref_squeeze %dma_wait3A_233 : memref<1x768xi32, #tpu.memory_space<hbm>> -> memref<768xi32, #tpu.memory_space<hbm>>
    tpu.wait_dma2 semaphore(%arg31 : memref<!tpu.dma_semaphore, #tpu.memory_space<semaphore_mem>>) src(%dma_wait3A_234 : memref<768xi32, #tpu.memory_space<hbm>>) dst(%arg11 : memref<768xi32, #tpu.memory_space<vmem>>)
    %dma_wait3A_235 = tpu.memref_slice %arg5[%mul3A_0] : memref<10496xf32, #tpu.memory_space<hbm>> -> memref<656xf32, #tpu.memory_space<hbm>>
    %dma_wait3A_236 = tpu.memref_slice %arg5[%mul3A_0] : memref<10496xf32, #tpu.memory_space<hbm>> -> memref<656xf32, #tpu.memory_space<hbm>>
    tpu.wait_dma2 semaphore(%arg31 : memref<!tpu.dma_semaphore, #tpu.memory_space<semaphore_mem>>) src(%dma_wait3A_236 : memref<656xf32, #tpu.memory_space<hbm>>) dst(%arg16 : memref<656xf32, #tpu.memory_space<vmem>>)
    %broadcast_in_dim3A_237 = arith.constant 10240 : i32
    %broadcast_in_dim3A_238 = vector.broadcast %broadcast_in_dim3A_237 : i32 to vector<16xi32>
    %swap3A_239 = arith.constant 20000 : index
    %swap3A_240 = tpu.vector_load %arg8[%swap3A_239] {strides = array<i32>} : memref<20480xi32, #tpu.memory_space<vmem>>, vector<16xi32>,
    tpu.vector_store %arg8[%swap3A_239], %broadcast_in_dim3A_238 {strides = array<i32>} : memref<20480xi32, #tpu.memory_space<vmem>>, vector<16xi32>,
    %broadcast_in_dim3A_241 = arith.constant 10240 : i32
    %broadcast_in_dim3A_242 = vector.broadcast %broadcast_in_dim3A_241 : i32 to vector<16xi32>
    %swap3A_243 = arith.constant 20000 : index
    %swap3A_244 = tpu.vector_load %arg9[%swap3A_243] {strides = array<i32>} : memref<20480xi32, #tpu.memory_space<vmem>>, vector<16xi32>,
    tpu.vector_store %arg9[%swap3A_243], %broadcast_in_dim3A_242 {strides = array<i32>} : memref<20480xi32, #tpu.memory_space<vmem>>, vector<16xi32>,
    %broadcast_in_dim3A_245 = arith.constant 10240 : i32
    %broadcast_in_dim3A_246 = vector.broadcast %broadcast_in_dim3A_245 : i32 to vector<16xi32>
    %swap3A_247 = arith.constant 20016 : index
    %swap3A_248 = tpu.vector_load %arg8[%swap3A_247] {strides = array<i32>} : memref<20480xi32, #tpu.memory_space<vmem>>, vector<16xi32>,
    tpu.vector_store %arg8[%swap3A_247], %broadcast_in_dim3A_246 {strides = array<i32>} : memref<20480xi32, #tpu.memory_space<vmem>>, vector<16xi32>,
    %broadcast_in_dim3A_249 = arith.constant 10240 : i32
    %broadcast_in_dim3A_250 = vector.broadcast %broadcast_in_dim3A_249 : i32 to vector<16xi32>
    %swap3A_251 = arith.constant 20016 : index
    %swap3A_252 = tpu.vector_load %arg9[%swap3A_251] {strides = array<i32>} : memref<20480xi32, #tpu.memory_space<vmem>>, vector<16xi32>,
    tpu.vector_store %arg9[%swap3A_251], %broadcast_in_dim3A_250 {strides = array<i32>} : memref<20480xi32, #tpu.memory_space<vmem>>, vector<16xi32>,
    %broadcast_in_dim3A_253 = arith.constant 10240 : i32
    %broadcast_in_dim3A_254 = vector.broadcast %broadcast_in_dim3A_253 : i32 to vector<16xi32>
    %swap3A_255 = arith.constant 20032 : index
    %swap3A_256 = tpu.vector_load %arg8[%swap3A_255] {strides = array<i32>} : memref<20480xi32, #tpu.memory_space<vmem>>, vector<16xi32>,
    tpu.vector_store %arg8[%swap3A_255], %broadcast_in_dim3A_254 {strides = array<i32>} : memref<20480xi32, #tpu.memory_space<vmem>>, vector<16xi32>,
    %broadcast_in_dim3A_257 = arith.constant 10240 : i32
    %broadcast_in_dim3A_258 = vector.broadcast %broadcast_in_dim3A_257 : i32 to vector<16xi32>
    %swap3A_259 = arith.constant 20032 : index
    %swap3A_260 = tpu.vector_load %arg9[%swap3A_259] {strides = array<i32>} : memref<20480xi32, #tpu.memory_space<vmem>>, vector<16xi32>,
    tpu.vector_store %arg9[%swap3A_259], %broadcast_in_dim3A_258 {strides = array<i32>} : memref<20480xi32, #tpu.memory_space<vmem>>, vector<16xi32>,
    %broadcast_in_dim3A_261 = arith.constant 10240 : i32
    %broadcast_in_dim3A_262 = vector.broadcast %broadcast_in_dim3A_261 : i32 to vector<16xi32>
    %swap3A_263 = arith.constant 20048 : index
    %swap3A_264 = tpu.vector_load %arg8[%swap3A_263] {strides = array<i32>} : memref<20480xi32, #tpu.memory_space<vmem>>, vector<16xi32>,
    tpu.vector_store %arg8[%swap3A_263], %broadcast_in_dim3A_262 {strides = array<i32>} : memref<20480xi32, #tpu.memory_space<vmem>>, vector<16xi32>,
    %broadcast_in_dim3A_265 = arith.constant 10240 : i32
    %broadcast_in_dim3A_266 = vector.broadcast %broadcast_in_dim3A_265 : i32 to vector<16xi32>
    %swap3A_267 = arith.constant 20048 : index
    %swap3A_268 = tpu.vector_load %arg9[%swap3A_267] {strides = array<i32>} : memref<20480xi32, #tpu.memory_space<vmem>>, vector<16xi32>,
    tpu.vector_store %arg9[%swap3A_267], %broadcast_in_dim3A_266 {strides = array<i32>} : memref<20480xi32, #tpu.memory_space<vmem>>, vector<16xi32>,
    %broadcast_in_dim3A_269 = arith.constant 10240 : i32
    %broadcast_in_dim3A_270 = vector.broadcast %broadcast_in_dim3A_269 : i32 to vector<16xi32>
    %swap3A_271 = arith.constant 20064 : index
    %swap3A_272 = tpu.vector_load %arg8[%swap3A_271] {strides = array<i32>} : memref<20480xi32, #tpu.memory_space<vmem>>, vector<16xi32>,
    tpu.vector_store %arg8[%swap3A_271], %broadcast_in_dim3A_270 {strides = array<i32>} : memref<20480xi32, #tpu.memory_space<vmem>>, vector<16xi32>,
    %broadcast_in_dim3A_273 = arith.constant 10240 : i32
    %broadcast_in_dim3A_274 = vector.broadcast %broadcast_in_dim3A_273 : i32 to vector<16xi32>
    %swap3A_275 = arith.constant 20064 : index
    %swap3A_276 = tpu.vector_load %arg9[%swap3A_275] {strides = array<i32>} : memref<20480xi32, #tpu.memory_space<vmem>>, vector<16xi32>,
    tpu.vector_store %arg9[%swap3A_275], %broadcast_in_dim3A_274 {strides = array<i32>} : memref<20480xi32, #tpu.memory_space<vmem>>, vector<16xi32>,
    %broadcast_in_dim3A_277 = arith.constant 10240 : i32
    %broadcast_in_dim3A_278 = vector.broadcast %broadcast_in_dim3A_277 : i32 to vector<16xi32>
    %swap3A_279 = arith.constant 20080 : index
    %swap3A_280 = tpu.vector_load %arg8[%swap3A_279] {strides = array<i32>} : memref<20480xi32, #tpu.memory_space<vmem>>, vector<16xi32>,
    tpu.vector_store %arg8[%swap3A_279], %broadcast_in_dim3A_278 {strides = array<i32>} : memref<20480xi32, #tpu.memory_space<vmem>>, vector<16xi32>,
    %broadcast_in_dim3A_281 = arith.constant 10240 : i32
    %broadcast_in_dim3A_282 = vector.broadcast %broadcast_in_dim3A_281 : i32 to vector<16xi32>
    %swap3A_283 = arith.constant 20080 : index
    %swap3A_284 = tpu.vector_load %arg9[%swap3A_283] {strides = array<i32>} : memref<20480xi32, #tpu.memory_space<vmem>>, vector<16xi32>,
    tpu.vector_store %arg9[%swap3A_283], %broadcast_in_dim3A_282 {strides = array<i32>} : memref<20480xi32, #tpu.memory_space<vmem>>, vector<16xi32>,
    %broadcast_in_dim3A_285 = arith.constant 10240 : i32
    %broadcast_in_dim3A_286 = vector.broadcast %broadcast_in_dim3A_285 : i32 to vector<16xi32>
    %swap3A_287 = arith.constant 20096 : index
    %swap3A_288 = tpu.vector_load %arg8[%swap3A_287] {strides = array<i32>} : memref<20480xi32, #tpu.memory_space<vmem>>, vector<16xi32>,
    tpu.vector_store %arg8[%swap3A_287], %broadcast_in_dim3A_286 {strides = array<i32>} : memref<20480xi32, #tpu.memory_space<vmem>>, vector<16xi32>,
    %broadcast_in_dim3A_289 = arith.constant 10240 : i32
    %broadcast_in_dim3A_290 = vector.broadcast %broadcast_in_dim3A_289 : i32 to vector<16xi32>
    %swap3A_291 = arith.constant 20096 : index
    %swap3A_292 = tpu.vector_load %arg9[%swap3A_291] {strides = array<i32>} : memref<20480xi32, #tpu.memory_space<vmem>>, vector<16xi32>,
    tpu.vector_store %arg9[%swap3A_291], %broadcast_in_dim3A_290 {strides = array<i32>} : memref<20480xi32, #tpu.memory_space<vmem>>, vector<16xi32>,
    %broadcast_in_dim3A_293 = arith.constant 10240 : i32
    %broadcast_in_dim3A_294 = vector.broadcast %broadcast_in_dim3A_293 : i32 to vector<16xi32>
    %swap3A_295 = arith.constant 20112 : index
    %swap3A_296 = tpu.vector_load %arg8[%swap3A_295] {strides = array<i32>} : memref<20480xi32, #tpu.memory_space<vmem>>, vector<16xi32>,
    tpu.vector_store %arg8[%swap3A_295], %broadcast_in_dim3A_294 {strides = array<i32>} : memref<20480xi32, #tpu.memory_space<vmem>>, vector<16xi32>,
    %broadcast_in_dim3A_297 = arith.constant 10240 : i32
    %broadcast_in_dim3A_298 = vector.broadcast %broadcast_in_dim3A_297 : i32 to vector<16xi32>
    %swap3A_299 = arith.constant 20112 : index
    %swap3A_300 = tpu.vector_load %arg9[%swap3A_299] {strides = array<i32>} : memref<20480xi32, #tpu.memory_space<vmem>>, vector<16xi32>,
    tpu.vector_store %arg9[%swap3A_299], %broadcast_in_dim3A_298 {strides = array<i32>} : memref<20480xi32, #tpu.memory_space<vmem>>, vector<16xi32>,
    %broadcast_in_dim3A_301 = arith.constant 10240 : i32
    %broadcast_in_dim3A_302 = vector.broadcast %broadcast_in_dim3A_301 : i32 to vector<16xi32>
    %swap3A_303 = arith.constant 20128 : index
    %swap3A_304 = tpu.vector_load %arg8[%swap3A_303] {strides = array<i32>} : memref<20480xi32, #tpu.memory_space<vmem>>, vector<16xi32>,
    tpu.vector_store %arg8[%swap3A_303], %broadcast_in_dim3A_302 {strides = array<i32>} : memref<20480xi32, #tpu.memory_space<vmem>>, vector<16xi32>,
    %broadcast_in_dim3A_305 = arith.constant 10240 : i32
    %broadcast_in_dim3A_306 = vector.broadcast %broadcast_in_dim3A_305 : i32 to vector<16xi32>
    %swap3A_307 = arith.constant 20128 : index
    %swap3A_308 = tpu.vector_load %arg9[%swap3A_307] {strides = array<i32>} : memref<20480xi32, #tpu.memory_space<vmem>>, vector<16xi32>,
    tpu.vector_store %arg9[%swap3A_307], %broadcast_in_dim3A_306 {strides = array<i32>} : memref<20480xi32, #tpu.memory_space<vmem>>, vector<16xi32>,
    %broadcast_in_dim3A_309 = arith.constant 10240 : i32
    %broadcast_in_dim3A_310 = vector.broadcast %broadcast_in_dim3A_309 : i32 to vector<16xi32>
    %swap3A_311 = arith.constant 20144 : index
    %swap3A_312 = tpu.vector_load %arg8[%swap3A_311] {strides = array<i32>} : memref<20480xi32, #tpu.memory_space<vmem>>, vector<16xi32>,
    tpu.vector_store %arg8[%swap3A_311], %broadcast_in_dim3A_310 {strides = array<i32>} : memref<20480xi32, #tpu.memory_space<vmem>>, vector<16xi32>,
    %broadcast_in_dim3A_313 = arith.constant 10240 : i32
    %broadcast_in_dim3A_314 = vector.broadcast %broadcast_in_dim3A_313 : i32 to vector<16xi32>
    %swap3A_315 = arith.constant 20144 : index
    %swap3A_316 = tpu.vector_load %arg9[%swap3A_315] {strides = array<i32>} : memref<20480xi32, #tpu.memory_space<vmem>>, vector<16xi32>,
    tpu.vector_store %arg9[%swap3A_315], %broadcast_in_dim3A_314 {strides = array<i32>} : memref<20480xi32, #tpu.memory_space<vmem>>, vector<16xi32>,
    %broadcast_in_dim3A_317 = arith.constant 10240 : i32
    %broadcast_in_dim3A_318 = vector.broadcast %broadcast_in_dim3A_317 : i32 to vector<16xi32>
    %swap3A_319 = arith.constant 20160 : index
    %swap3A_320 = tpu.vector_load %arg8[%swap3A_319] {strides = array<i32>} : memref<20480xi32, #tpu.memory_space<vmem>>, vector<16xi32>,
    tpu.vector_store %arg8[%swap3A_319], %broadcast_in_dim3A_318 {strides = array<i32>} : memref<20480xi32, #tpu.memory_space<vmem>>, vector<16xi32>,
    %broadcast_in_dim3A_321 = arith.constant 10240 : i32
    %broadcast_in_dim3A_322 = vector.broadcast %broadcast_in_dim3A_321 : i32 to vector<16xi32>
    %swap3A_323 = arith.constant 20160 : index
    %swap3A_324 = tpu.vector_load %arg9[%swap3A_323] {strides = array<i32>} : memref<20480xi32, #tpu.memory_space<vmem>>, vector<16xi32>,
    tpu.vector_store %arg9[%swap3A_323], %broadcast_in_dim3A_322 {strides = array<i32>} : memref<20480xi32, #tpu.memory_space<vmem>>, vector<16xi32>,
    %broadcast_in_dim3A_325 = arith.constant 10240 : i32
    %broadcast_in_dim3A_326 = vector.broadcast %broadcast_in_dim3A_325 : i32 to vector<16xi32>
    %swap3A_327 = arith.constant 20176 : index
    %swap3A_328 = tpu.vector_load %arg8[%swap3A_327] {strides = array<i32>} : memref<20480xi32, #tpu.memory_space<vmem>>, vector<16xi32>,
    tpu.vector_store %arg8[%swap3A_327], %broadcast_in_dim3A_326 {strides = array<i32>} : memref<20480xi32, #tpu.memory_space<vmem>>, vector<16xi32>,
    %broadcast_in_dim3A_329 = arith.constant 10240 : i32
    %broadcast_in_dim3A_330 = vector.broadcast %broadcast_in_dim3A_329 : i32 to vector<16xi32>
    %swap3A_331 = arith.constant 20176 : index
    %swap3A_332 = tpu.vector_load %arg9[%swap3A_331] {strides = array<i32>} : memref<20480xi32, #tpu.memory_space<vmem>>, vector<16xi32>,
    tpu.vector_store %arg9[%swap3A_331], %broadcast_in_dim3A_330 {strides = array<i32>} : memref<20480xi32, #tpu.memory_space<vmem>>, vector<16xi32>,
    %broadcast_in_dim3A_333 = arith.constant 10240 : i32
    %broadcast_in_dim3A_334 = vector.broadcast %broadcast_in_dim3A_333 : i32 to vector<16xi32>
    %swap3A_335 = arith.constant 20192 : index
    %swap3A_336 = tpu.vector_load %arg8[%swap3A_335] {strides = array<i32>} : memref<20480xi32, #tpu.memory_space<vmem>>, vector<16xi32>,
    tpu.vector_store %arg8[%swap3A_335], %broadcast_in_dim3A_334 {strides = array<i32>} : memref<20480xi32, #tpu.memory_space<vmem>>, vector<16xi32>,
    %broadcast_in_dim3A_337 = arith.constant 10240 : i32
    %broadcast_in_dim3A_338 = vector.broadcast %broadcast_in_dim3A_337 : i32 to vector<16xi32>
    %swap3A_339 = arith.constant 20192 : index
    %swap3A_340 = tpu.vector_load %arg9[%swap3A_339] {strides = array<i32>} : memref<20480xi32, #tpu.memory_space<vmem>>, vector<16xi32>,
    tpu.vector_store %arg9[%swap3A_339], %broadcast_in_dim3A_338 {strides = array<i32>} : memref<20480xi32, #tpu.memory_space<vmem>>, vector<16xi32>,
    %broadcast_in_dim3A_341 = arith.constant 10240 : i32
    %broadcast_in_dim3A_342 = vector.broadcast %broadcast_in_dim3A_341 : i32 to vector<16xi32>
    %swap3A_343 = arith.constant 20208 : index
    %swap3A_344 = tpu.vector_load %arg8[%swap3A_343] {strides = array<i32>} : memref<20480xi32, #tpu.memory_space<vmem>>, vector<16xi32>,
    tpu.vector_store %arg8[%swap3A_343], %broadcast_in_dim3A_342 {strides = array<i32>} : memref<20480xi32, #tpu.memory_space<vmem>>, vector<16xi32>,
    %broadcast_in_dim3A_345 = arith.constant 10240 : i32
    %broadcast_in_dim3A_346 = vector.broadcast %broadcast_in_dim3A_345 : i32 to vector<16xi32>
    %swap3A_347 = arith.constant 20208 : index
    %swap3A_348 = tpu.vector_load %arg9[%swap3A_347] {strides = array<i32>} : memref<20480xi32, #tpu.memory_space<vmem>>, vector<16xi32>,
    tpu.vector_store %arg9[%swap3A_347], %broadcast_in_dim3A_346 {strides = array<i32>} : memref<20480xi32, #tpu.memory_space<vmem>>, vector<16xi32>,
    %broadcast_in_dim3A_349 = arith.constant 10240 : i32
    %broadcast_in_dim3A_350 = vector.broadcast %broadcast_in_dim3A_349 : i32 to vector<16xi32>
    %swap3A_351 = arith.constant 20224 : index
    %swap3A_352 = tpu.vector_load %arg8[%swap3A_351] {strides = array<i32>} : memref<20480xi32, #tpu.memory_space<vmem>>, vector<16xi32>,
    tpu.vector_store %arg8[%swap3A_351], %broadcast_in_dim3A_350 {strides = array<i32>} : memref<20480xi32, #tpu.memory_space<vmem>>, vector<16xi32>,
    %broadcast_in_dim3A_353 = arith.constant 10240 : i32
    %broadcast_in_dim3A_354 = vector.broadcast %broadcast_in_dim3A_353 : i32 to vector<16xi32>
    %swap3A_355 = arith.constant 20224 : index
    %swap3A_356 = tpu.vector_load %arg9[%swap3A_355] {strides = array<i32>} : memref<20480xi32, #tpu.memory_space<vmem>>, vector<16xi32>,
    tpu.vector_store %arg9[%swap3A_355], %broadcast_in_dim3A_354 {strides = array<i32>} : memref<20480xi32, #tpu.memory_space<vmem>>, vector<16xi32>,
    %broadcast_in_dim3A_357 = arith.constant 10240 : i32
    %broadcast_in_dim3A_358 = vector.broadcast %broadcast_in_dim3A_357 : i32 to vector<16xi32>
    %swap3A_359 = arith.constant 20240 : index
    %swap3A_360 = tpu.vector_load %arg8[%swap3A_359] {strides = array<i32>} : memref<20480xi32, #tpu.memory_space<vmem>>, vector<16xi32>,
    tpu.vector_store %arg8[%swap3A_359], %broadcast_in_dim3A_358 {strides = array<i32>} : memref<20480xi32, #tpu.memory_space<vmem>>, vector<16xi32>,
    %broadcast_in_dim3A_361 = arith.constant 10240 : i32
    %broadcast_in_dim3A_362 = vector.broadcast %broadcast_in_dim3A_361 : i32 to vector<16xi32>
    %swap3A_363 = arith.constant 20240 : index
    %swap3A_364 = tpu.vector_load %arg9[%swap3A_363] {strides = array<i32>} : memref<20480xi32, #tpu.memory_space<vmem>>, vector<16xi32>,
    tpu.vector_store %arg9[%swap3A_363], %broadcast_in_dim3A_362 {strides = array<i32>} : memref<20480xi32, #tpu.memory_space<vmem>>, vector<16xi32>,
    %broadcast_in_dim3A_365 = arith.constant 10240 : i32
    %broadcast_in_dim3A_366 = vector.broadcast %broadcast_in_dim3A_365 : i32 to vector<16xi32>
    %swap3A_367 = arith.constant 20256 : index
    %swap3A_368 = tpu.vector_load %arg8[%swap3A_367] {strides = array<i32>} : memref<20480xi32, #tpu.memory_space<vmem>>, vector<16xi32>,
    tpu.vector_store %arg8[%swap3A_367], %broadcast_in_dim3A_366 {strides = array<i32>} : memref<20480xi32, #tpu.memory_space<vmem>>, vector<16xi32>,
    %broadcast_in_dim3A_369 = arith.constant 10240 : i32
    %broadcast_in_dim3A_370 = vector.broadcast %broadcast_in_dim3A_369 : i32 to vector<16xi32>
    %swap3A_371 = arith.constant 20256 : index
    %swap3A_372 = tpu.vector_load %arg9[%swap3A_371] {strides = array<i32>} : memref<20480xi32, #tpu.memory_space<vmem>>, vector<16xi32>,
    tpu.vector_store %arg9[%swap3A_371], %broadcast_in_dim3A_370 {strides = array<i32>} : memref<20480xi32, #tpu.memory_space<vmem>>, vector<16xi32>,
    %broadcast_in_dim3A_373 = arith.constant 10240 : i32
    %broadcast_in_dim3A_374 = vector.broadcast %broadcast_in_dim3A_373 : i32 to vector<16xi32>
    %swap3A_375 = arith.constant 20272 : index
    %swap3A_376 = tpu.vector_load %arg8[%swap3A_375] {strides = array<i32>} : memref<20480xi32, #tpu.memory_space<vmem>>, vector<16xi32>,
    tpu.vector_store %arg8[%swap3A_375], %broadcast_in_dim3A_374 {strides = array<i32>} : memref<20480xi32, #tpu.memory_space<vmem>>, vector<16xi32>,
    %broadcast_in_dim3A_377 = arith.constant 10240 : i32
    %broadcast_in_dim3A_378 = vector.broadcast %broadcast_in_dim3A_377 : i32 to vector<16xi32>
    %swap3A_379 = arith.constant 20272 : index
    %swap3A_380 = tpu.vector_load %arg9[%swap3A_379] {strides = array<i32>} : memref<20480xi32, #tpu.memory_space<vmem>>, vector<16xi32>,
    tpu.vector_store %arg9[%swap3A_379], %broadcast_in_dim3A_378 {strides = array<i32>} : memref<20480xi32, #tpu.memory_space<vmem>>, vector<16xi32>,
    %broadcast_in_dim3A_381 = arith.constant 10240 : i32
    %broadcast_in_dim3A_382 = vector.broadcast %broadcast_in_dim3A_381 : i32 to vector<16xi32>
    %swap3A_383 = arith.constant 20288 : index
    %swap3A_384 = tpu.vector_load %arg8[%swap3A_383] {strides = array<i32>} : memref<20480xi32, #tpu.memory_space<vmem>>, vector<16xi32>,
    tpu.vector_store %arg8[%swap3A_383], %broadcast_in_dim3A_382 {strides = array<i32>} : memref<20480xi32, #tpu.memory_space<vmem>>, vector<16xi32>,
    %broadcast_in_dim3A_385 = arith.constant 10240 : i32
    %broadcast_in_dim3A_386 = vector.broadcast %broadcast_in_dim3A_385 : i32 to vector<16xi32>
    %swap3A_387 = arith.constant 20288 : index
    %swap3A_388 = tpu.vector_load %arg9[%swap3A_387] {strides = array<i32>} : memref<20480xi32, #tpu.memory_space<vmem>>, vector<16xi32>,
    tpu.vector_store %arg9[%swap3A_387], %broadcast_in_dim3A_386 {strides = array<i32>} : memref<20480xi32, #tpu.memory_space<vmem>>, vector<16xi32>,
    %broadcast_in_dim3A_389 = arith.constant 10240 : i32
    %broadcast_in_dim3A_390 = vector.broadcast %broadcast_in_dim3A_389 : i32 to vector<16xi32>
    %swap3A_391 = arith.constant 20304 : index
    %swap3A_392 = tpu.vector_load %arg8[%swap3A_391] {strides = array<i32>} : memref<20480xi32, #tpu.memory_space<vmem>>, vector<16xi32>,
    tpu.vector_store %arg8[%swap3A_391], %broadcast_in_dim3A_390 {strides = array<i32>} : memref<20480xi32, #tpu.memory_space<vmem>>, vector<16xi32>,
    %broadcast_in_dim3A_393 = arith.constant 10240 : i32
    %broadcast_in_dim3A_394 = vector.broadcast %broadcast_in_dim3A_393 : i32 to vector<16xi32>
    %swap3A_395 = arith.constant 20304 : index
    %swap3A_396 = tpu.vector_load %arg9[%swap3A_395] {strides = array<i32>} : memref<20480xi32, #tpu.memory_space<vmem>>, vector<16xi32>,
    tpu.vector_store %arg9[%swap3A_395], %broadcast_in_dim3A_394 {strides = array<i32>} : memref<20480xi32, #tpu.memory_space<vmem>>, vector<16xi32>,
    %broadcast_in_dim3A_397 = arith.constant 10240 : i32
    %broadcast_in_dim3A_398 = vector.broadcast %broadcast_in_dim3A_397 : i32 to vector<16xi32>
    %swap3A_399 = arith.constant 20320 : index
    %swap3A_400 = tpu.vector_load %arg8[%swap3A_399] {strides = array<i32>} : memref<20480xi32, #tpu.memory_space<vmem>>, vector<16xi32>,
    tpu.vector_store %arg8[%swap3A_399], %broadcast_in_dim3A_398 {strides = array<i32>} : memref<20480xi32, #tpu.memory_space<vmem>>, vector<16xi32>,
    %broadcast_in_dim3A_401 = arith.constant 10240 : i32
    %broadcast_in_dim3A_402 = vector.broadcast %broadcast_in_dim3A_401 : i32 to vector<16xi32>
    %swap3A_403 = arith.constant 20320 : index
    %swap3A_404 = tpu.vector_load %arg9[%swap3A_403] {strides = array<i32>} : memref<20480xi32, #tpu.memory_space<vmem>>, vector<16xi32>,
    tpu.vector_store %arg9[%swap3A_403], %broadcast_in_dim3A_402 {strides = array<i32>} : memref<20480xi32, #tpu.memory_space<vmem>>, vector<16xi32>,
    %broadcast_in_dim3A_405 = arith.constant 10240 : i32
    %broadcast_in_dim3A_406 = vector.broadcast %broadcast_in_dim3A_405 : i32 to vector<16xi32>
    %swap3A_407 = arith.constant 20336 : index
    %swap3A_408 = tpu.vector_load %arg8[%swap3A_407] {strides = array<i32>} : memref<20480xi32, #tpu.memory_space<vmem>>, vector<16xi32>,
    tpu.vector_store %arg8[%swap3A_407], %broadcast_in_dim3A_406 {strides = array<i32>} : memref<20480xi32, #tpu.memory_space<vmem>>, vector<16xi32>,
    %broadcast_in_dim3A_409 = arith.constant 10240 : i32
    %broadcast_in_dim3A_410 = vector.broadcast %broadcast_in_dim3A_409 : i32 to vector<16xi32>
    %swap3A_411 = arith.constant 20336 : index
    %swap3A_412 = tpu.vector_load %arg9[%swap3A_411] {strides = array<i32>} : memref<20480xi32, #tpu.memory_space<vmem>>, vector<16xi32>,
    tpu.vector_store %arg9[%swap3A_411], %broadcast_in_dim3A_410 {strides = array<i32>} : memref<20480xi32, #tpu.memory_space<vmem>>, vector<16xi32>,
    %broadcast_in_dim3A_413 = arith.constant 10240 : i32
    %broadcast_in_dim3A_414 = vector.broadcast %broadcast_in_dim3A_413 : i32 to vector<16xi32>
    %swap3A_415 = arith.constant 20352 : index
    %swap3A_416 = tpu.vector_load %arg8[%swap3A_415] {strides = array<i32>} : memref<20480xi32, #tpu.memory_space<vmem>>, vector<16xi32>,
    tpu.vector_store %arg8[%swap3A_415], %broadcast_in_dim3A_414 {strides = array<i32>} : memref<20480xi32, #tpu.memory_space<vmem>>, vector<16xi32>,
    %broadcast_in_dim3A_417 = arith.constant 10240 : i32
    %broadcast_in_dim3A_418 = vector.broadcast %broadcast_in_dim3A_417 : i32 to vector<16xi32>
    %swap3A_419 = arith.constant 20352 : index
    %swap3A_420 = tpu.vector_load %arg9[%swap3A_419] {strides = array<i32>} : memref<20480xi32, #tpu.memory_space<vmem>>, vector<16xi32>,
    tpu.vector_store %arg9[%swap3A_419], %broadcast_in_dim3A_418 {strides = array<i32>} : memref<20480xi32, #tpu.memory_space<vmem>>, vector<16xi32>,
    %broadcast_in_dim3A_421 = arith.constant 10240 : i32
    %broadcast_in_dim3A_422 = vector.broadcast %broadcast_in_dim3A_421 : i32 to vector<16xi32>
    %swap3A_423 = arith.constant 20368 : index
    %swap3A_424 = tpu.vector_load %arg8[%swap3A_423] {strides = array<i32>} : memref<20480xi32, #tpu.memory_space<vmem>>, vector<16xi32>,
    tpu.vector_store %arg8[%swap3A_423], %broadcast_in_dim3A_422 {strides = array<i32>} : memref<20480xi32, #tpu.memory_space<vmem>>, vector<16xi32>,
    %broadcast_in_dim3A_425 = arith.constant 10240 : i32
    %broadcast_in_dim3A_426 = vector.broadcast %broadcast_in_dim3A_425 : i32 to vector<16xi32>
    %swap3A_427 = arith.constant 20368 : index
    %swap3A_428 = tpu.vector_load %arg9[%swap3A_427] {strides = array<i32>} : memref<20480xi32, #tpu.memory_space<vmem>>, vector<16xi32>,
    tpu.vector_store %arg9[%swap3A_427], %broadcast_in_dim3A_426 {strides = array<i32>} : memref<20480xi32, #tpu.memory_space<vmem>>, vector<16xi32>,
    %broadcast_in_dim3A_429 = arith.constant 10240 : i32
    %broadcast_in_dim3A_430 = vector.broadcast %broadcast_in_dim3A_429 : i32 to vector<16xi32>
    %swap3A_431 = arith.constant 20384 : index
    %swap3A_432 = tpu.vector_load %arg8[%swap3A_431] {strides = array<i32>} : memref<20480xi32, #tpu.memory_space<vmem>>, vector<16xi32>,
    tpu.vector_store %arg8[%swap3A_431], %broadcast_in_dim3A_430 {strides = array<i32>} : memref<20480xi32, #tpu.memory_space<vmem>>, vector<16xi32>,
    %broadcast_in_dim3A_433 = arith.constant 10240 : i32
    %broadcast_in_dim3A_434 = vector.broadcast %broadcast_in_dim3A_433 : i32 to vector<16xi32>
    %swap3A_435 = arith.constant 20384 : index
    %swap3A_436 = tpu.vector_load %arg9[%swap3A_435] {strides = array<i32>} : memref<20480xi32, #tpu.memory_space<vmem>>, vector<16xi32>,
    tpu.vector_store %arg9[%swap3A_435], %broadcast_in_dim3A_434 {strides = array<i32>} : memref<20480xi32, #tpu.memory_space<vmem>>, vector<16xi32>,
    %broadcast_in_dim3A_437 = arith.constant 10240 : i32
    %broadcast_in_dim3A_438 = vector.broadcast %broadcast_in_dim3A_437 : i32 to vector<16xi32>
    %swap3A_439 = arith.constant 20400 : index
    %swap3A_440 = tpu.vector_load %arg8[%swap3A_439] {strides = array<i32>} : memref<20480xi32, #tpu.memory_space<vmem>>, vector<16xi32>,
    tpu.vector_store %arg8[%swap3A_439], %broadcast_in_dim3A_438 {strides = array<i32>} : memref<20480xi32, #tpu.memory_space<vmem>>, vector<16xi32>,
    %broadcast_in_dim3A_441 = arith.constant 10240 : i32
    %broadcast_in_dim3A_442 = vector.broadcast %broadcast_in_dim3A_441 : i32 to vector<16xi32>
    %swap3A_443 = arith.constant 20400 : index
    %swap3A_444 = tpu.vector_load %arg9[%swap3A_443] {strides = array<i32>} : memref<20480xi32, #tpu.memory_space<vmem>>, vector<16xi32>,
    tpu.vector_store %arg9[%swap3A_443], %broadcast_in_dim3A_442 {strides = array<i32>} : memref<20480xi32, #tpu.memory_space<vmem>>, vector<16xi32>,
    %broadcast_in_dim3A_445 = arith.constant 10240 : i32
    %broadcast_in_dim3A_446 = vector.broadcast %broadcast_in_dim3A_445 : i32 to vector<16xi32>
    %swap3A_447 = arith.constant 20416 : index
    %swap3A_448 = tpu.vector_load %arg8[%swap3A_447] {strides = array<i32>} : memref<20480xi32, #tpu.memory_space<vmem>>, vector<16xi32>,
    tpu.vector_store %arg8[%swap3A_447], %broadcast_in_dim3A_446 {strides = array<i32>} : memref<20480xi32, #tpu.memory_space<vmem>>, vector<16xi32>,
    %broadcast_in_dim3A_449 = arith.constant 10240 : i32
    %broadcast_in_dim3A_450 = vector.broadcast %broadcast_in_dim3A_449 : i32 to vector<16xi32>
    %swap3A_451 = arith.constant 20416 : index
    %swap3A_452 = tpu.vector_load %arg9[%swap3A_451] {strides = array<i32>} : memref<20480xi32, #tpu.memory_space<vmem>>, vector<16xi32>,
    tpu.vector_store %arg9[%swap3A_451], %broadcast_in_dim3A_450 {strides = array<i32>} : memref<20480xi32, #tpu.memory_space<vmem>>, vector<16xi32>,
    %broadcast_in_dim3A_453 = arith.constant 10240 : i32
    %broadcast_in_dim3A_454 = vector.broadcast %broadcast_in_dim3A_453 : i32 to vector<16xi32>
    %swap3A_455 = arith.constant 20432 : index
    %swap3A_456 = tpu.vector_load %arg8[%swap3A_455] {strides = array<i32>} : memref<20480xi32, #tpu.memory_space<vmem>>, vector<16xi32>,
    tpu.vector_store %arg8[%swap3A_455], %broadcast_in_dim3A_454 {strides = array<i32>} : memref<20480xi32, #tpu.memory_space<vmem>>, vector<16xi32>,
    %broadcast_in_dim3A_457 = arith.constant 10240 : i32
    %broadcast_in_dim3A_458 = vector.broadcast %broadcast_in_dim3A_457 : i32 to vector<16xi32>
    %swap3A_459 = arith.constant 20432 : index
    %swap3A_460 = tpu.vector_load %arg9[%swap3A_459] {strides = array<i32>} : memref<20480xi32, #tpu.memory_space<vmem>>, vector<16xi32>,
    tpu.vector_store %arg9[%swap3A_459], %broadcast_in_dim3A_458 {strides = array<i32>} : memref<20480xi32, #tpu.memory_space<vmem>>, vector<16xi32>,
    %broadcast_in_dim3A_461 = arith.constant 10240 : i32
    %broadcast_in_dim3A_462 = vector.broadcast %broadcast_in_dim3A_461 : i32 to vector<16xi32>
    %swap3A_463 = arith.constant 20448 : index
    %swap3A_464 = tpu.vector_load %arg8[%swap3A_463] {strides = array<i32>} : memref<20480xi32, #tpu.memory_space<vmem>>, vector<16xi32>,
    tpu.vector_store %arg8[%swap3A_463], %broadcast_in_dim3A_462 {strides = array<i32>} : memref<20480xi32, #tpu.memory_space<vmem>>, vector<16xi32>,
    %broadcast_in_dim3A_465 = arith.constant 10240 : i32
    %broadcast_in_dim3A_466 = vector.broadcast %broadcast_in_dim3A_465 : i32 to vector<16xi32>
    %swap3A_467 = arith.constant 20448 : index
    %swap3A_468 = tpu.vector_load %arg9[%swap3A_467] {strides = array<i32>} : memref<20480xi32, #tpu.memory_space<vmem>>, vector<16xi32>,
    tpu.vector_store %arg9[%swap3A_467], %broadcast_in_dim3A_466 {strides = array<i32>} : memref<20480xi32, #tpu.memory_space<vmem>>, vector<16xi32>,
    %broadcast_in_dim3A_469 = arith.constant 10240 : i32
    %broadcast_in_dim3A_470 = vector.broadcast %broadcast_in_dim3A_469 : i32 to vector<16xi32>
    %swap3A_471 = arith.constant 20464 : index
    %swap3A_472 = tpu.vector_load %arg8[%swap3A_471] {strides = array<i32>} : memref<20480xi32, #tpu.memory_space<vmem>>, vector<16xi32>,
    tpu.vector_store %arg8[%swap3A_471], %broadcast_in_dim3A_470 {strides = array<i32>} : memref<20480xi32, #tpu.memory_space<vmem>>, vector<16xi32>,
    %broadcast_in_dim3A_473 = arith.constant 10240 : i32
    %broadcast_in_dim3A_474 = vector.broadcast %broadcast_in_dim3A_473 : i32 to vector<16xi32>
    %swap3A_475 = arith.constant 20464 : index
    %swap3A_476 = tpu.vector_load %arg9[%swap3A_475] {strides = array<i32>} : memref<20480xi32, #tpu.memory_space<vmem>>, vector<16xi32>,
    tpu.vector_store %arg9[%swap3A_475], %broadcast_in_dim3A_474 {strides = array<i32>} : memref<20480xi32, #tpu.memory_space<vmem>>, vector<16xi32>,
    %eq3A = arith.constant 0 : i32
    %eq3A_477 = arith.cmpi eq, %arg1, %eq3A : i32
    %convert_element_type3A = arith.extui %eq3A_477 : i1 to i32
    %cond3A = arith.constant 0 : i32
    %cond3A_478 = arith.cmpi ne, %convert_element_type3A, %cond3A : i32
    scf.if %cond3A_478 {
      "tpu.region"() ({
        %run_scoped3A = tpu.sem_alloc : memref<!tpu.dma_semaphore, #tpu.memory_space<semaphore_mem>>
        tpu.enqueue_dma source(%arg20 : memref<128xf32, #tpu.memory_space<vmem>>) target(%arg29 : memref<128xf32, #tpu.memory_space<vmem_shared>>) target_semaphore(%run_scoped3A : memref<!tpu.dma_semaphore, #tpu.memory_space<semaphore_mem>>)
        tpu.wait_dma2 semaphore(%run_scoped3A : memref<!tpu.dma_semaphore, #tpu.memory_space<semaphore_mem>>) src(%arg20 : memref<128xf32, #tpu.memory_space<vmem>>) dst(%arg29 : memref<128xf32, #tpu.memory_space<vmem_shared>>)
        tpu.yield
      }) : () -> ()
      "tpu.region"() ({
        %run_scoped3A = tpu.sem_alloc : memref<!tpu.dma_semaphore, #tpu.memory_space<semaphore_mem>>
        tpu.enqueue_dma source(%arg20 : memref<128xf32, #tpu.memory_space<vmem>>) target(%arg30 : memref<128xf32, #tpu.memory_space<vmem_shared>>) target_semaphore(%run_scoped3A : memref<!tpu.dma_semaphore, #tpu.memory_space<semaphore_mem>>)
        tpu.wait_dma2 semaphore(%run_scoped3A : memref<!tpu.dma_semaphore, #tpu.memory_space<semaphore_mem>>) src(%arg20 : memref<128xf32, #tpu.memory_space<vmem>>) dst(%arg30 : memref<128xf32, #tpu.memory_space<vmem_shared>>)
        tpu.yield
      }) : () -> ()
    } else {
    }
    %barrier3A = arith.constant 0 : index
    tpu.barrier barrier_id(%barrier3A)
    %scan3A = arith.constant 0 : i32
    %scan3A_479 = arith.constant 0 : i32
    %scan3A_480 = arith.constant 656 : i32
    %scan3A_481 = arith.addi %scan3A_479, %scan3A_480 : i32
    %scan3A_482 = arith.constant 1 : i32
    scf.for %scan3A_2950 = %scan3A_479 to %scan3A_481 step %scan3A_482  : i32 {
      %iota3A = tpu.iota {dimensions = array<i32: 0>} : vector<16xi32>
      %mul3A_2951 = arith.constant 16 : i32
      %mul3A_2952 = arith.muli %mul3A_2951, %scan3A_2950 : i32
      %add3A = vector.broadcast %mul3A_2952 : i32 to vector<16xi32>
      %add3A_2953 = arith.addi %iota3A, %add3A : vector<16xi32>
      %mul3A_2954 = arith.constant 16 : i32
      %mul3A_2955 = arith.muli %scan3A_2950, %mul3A_2954 : i32
      %swap3A_2956 = arith.index_cast %mul3A_2955 : i32 to index
      %swap3A_2957 = tpu.vector_load %arg15[%swap3A_2956] {strides = array<i32>} : memref<10496xi32, #tpu.memory_space<vmem>>, vector<16xi32>,
      tpu.vector_store %arg15[%swap3A_2956], %add3A_2953 {strides = array<i32>} : memref<10496xi32, #tpu.memory_space<vmem>>, vector<16xi32>,
      %broadcast_in_dim3A_2958 = arith.constant 0.000000e+00 : f32
      %broadcast_in_dim3A_2959 = vector.broadcast %broadcast_in_dim3A_2958 : f32 to vector<16xf32>
      %mul3A_2960 = arith.constant 16 : i32
      %mul3A_2961 = arith.muli %scan3A_2950, %mul3A_2960 : i32
      %swap3A_2962 = arith.index_cast %mul3A_2961 : i32 to index
      %swap3A_2963 = tpu.vector_load %arg14[%swap3A_2962] {strides = array<i32>} : memref<10496xf32, #tpu.memory_space<vmem>>, vector<16xf32>,
      tpu.vector_store %arg14[%swap3A_2962], %broadcast_in_dim3A_2959 {strides = array<i32>} : memref<10496xf32, #tpu.memory_space<vmem>>, vector<16xf32>,
    }
    %scan3A_483 = arith.constant 656 : i32
    %broadcast_in_dim3A_484 = arith.constant 1.000000e+00 : f32
    %broadcast_in_dim3A_485 = vector.broadcast %broadcast_in_dim3A_484 : f32 to vector<16xf32>
    %scan3A_486 = arith.constant 0 : i32
    %scan3A_487 = arith.constant 0 : i32
    %scan3A_488 = arith.constant 320 : i32
    %scan3A_489 = arith.addi %scan3A_487, %scan3A_488 : i32
    %scan3A_490 = arith.constant 1 : i32
    scf.for %scan3A_2950 = %scan3A_487 to %scan3A_489 step %scan3A_490  : i32 {
      %mul3A_2951 = arith.constant 64 : i32
      %mul3A_2952 = arith.muli %scan3A_2950, %mul3A_2951 : i32
      %add3A = arith.constant 0 : i32
      %add3A_2953 = arith.addi %mul3A_2952, %add3A : i32
      %get3A_2954 = arith.index_cast %add3A_2953 : i32 to index
      %get3A_2955 = tpu.vector_load %arg9[%get3A_2954] {strides = array<i32>} : memref<20480xi32, #tpu.memory_space<vmem>>, vector<16xi32>,
      tpu.vector_store_idx %arg14[%get3A_2955], %broadcast_in_dim3A_485 {add = true} : memref<10496xf32, #tpu.memory_space<vmem>>[vector<16xi32>], vector<16xf32>,
      %mul3A_2956 = arith.constant 64 : i32
      %mul3A_2957 = arith.muli %scan3A_2950, %mul3A_2956 : i32
      %add3A_2958 = arith.constant 16 : i32
      %add3A_2959 = arith.addi %mul3A_2957, %add3A_2958 : i32
      %get3A_2960 = arith.index_cast %add3A_2959 : i32 to index
      %get3A_2961 = tpu.vector_load %arg9[%get3A_2960] {strides = array<i32>} : memref<20480xi32, #tpu.memory_space<vmem>>, vector<16xi32>,
      tpu.vector_store_idx %arg14[%get3A_2961], %broadcast_in_dim3A_485 {add = true} : memref<10496xf32, #tpu.memory_space<vmem>>[vector<16xi32>], vector<16xf32>,
      %mul3A_2962 = arith.constant 64 : i32
      %mul3A_2963 = arith.muli %scan3A_2950, %mul3A_2962 : i32
      %add3A_2964 = arith.constant 32 : i32
      %add3A_2965 = arith.addi %mul3A_2963, %add3A_2964 : i32
      %get3A_2966 = arith.index_cast %add3A_2965 : i32 to index
      %get3A_2967 = tpu.vector_load %arg9[%get3A_2966] {strides = array<i32>} : memref<20480xi32, #tpu.memory_space<vmem>>, vector<16xi32>,
      tpu.vector_store_idx %arg14[%get3A_2967], %broadcast_in_dim3A_485 {add = true} : memref<10496xf32, #tpu.memory_space<vmem>>[vector<16xi32>], vector<16xf32>,
      %mul3A_2968 = arith.constant 64 : i32
      %mul3A_2969 = arith.muli %scan3A_2950, %mul3A_2968 : i32
      %add3A_2970 = arith.constant 48 : i32
      %add3A_2971 = arith.addi %mul3A_2969, %add3A_2970 : i32
      %get3A_2972 = arith.index_cast %add3A_2971 : i32 to index
      %get3A_2973 = tpu.vector_load %arg9[%get3A_2972] {strides = array<i32>} : memref<20480xi32, #tpu.memory_space<vmem>>, vector<16xi32>,
      tpu.vector_store_idx %arg14[%get3A_2973], %broadcast_in_dim3A_485 {add = true} : memref<10496xf32, #tpu.memory_space<vmem>>[vector<16xi32>], vector<16xf32>,
    }
    %scan3A_491 = arith.constant 320 : i32
    "tpu.region"() ({
      %run_scoped3A = tpu.sem_alloc : memref<!tpu.dma_semaphore, #tpu.memory_space<semaphore_mem>>
      %dma_start3A_2950 = arith.constant 0 : i32
      %dma_start3A_2951 = tpu.memref_slice %arg25[%dma_start3A_2950] : memref<10496xf32, #tpu.memory_space<vmem_shared>> -> memref<10496xf32, #tpu.memory_space<vmem_shared>>
      tpu.enqueue_indirect_dma source(%arg14 : memref<10496xf32, #tpu.memory_space<vmem>>) target(%dma_start3A_2951 : memref<10496xf32, #tpu.memory_space<vmem_shared>>) offsets(%arg15 : memref<10496xi32, #tpu.memory_space<vmem>>) semaphore(%run_scoped3A : memref<!tpu.dma_semaphore, #tpu.memory_space<semaphore_mem>>) {add = true}
      %dma_wait3A_2952 = arith.constant 0 : i32
      %dma_wait3A_2953 = tpu.memref_slice %arg25[%dma_wait3A_2952] : memref<10496xf32, #tpu.memory_space<vmem_shared>> -> memref<10496xf32, #tpu.memory_space<vmem_shared>>
      tpu.wait_indirect_dma semaphore(%run_scoped3A : memref<!tpu.dma_semaphore, #tpu.memory_space<semaphore_mem>>) src(%arg14 : memref<10496xf32, #tpu.memory_space<vmem>>) dst(%dma_wait3A_2953 : memref<10496xf32, #tpu.memory_space<vmem_shared>>)
      tpu.yield
    }) : () -> ()
    %scan3A_492 = arith.constant 0 : i32
    %scan3A_493 = arith.constant 0 : i32
    %scan3A_494 = arith.constant 6 : i32
    %scan3A_495 = arith.addi %scan3A_493, %scan3A_494 : i32
    %scan3A_496 = arith.constant 1 : i32
    scf.for %scan3A_2950 = %scan3A_493 to %scan3A_495 step %scan3A_496  : i32 {
      %broadcast_in_dim3A_2951 = arith.constant 1.000000e+00 : f32
      %broadcast_in_dim3A_2952 = vector.broadcast %broadcast_in_dim3A_2951 : f32 to vector<16xf32>
      %mul3A_2953 = arith.constant 128 : i32
      %mul3A_2954 = arith.muli %scan3A_2950, %mul3A_2953 : i32
      %add3A = arith.constant 0 : i32
      %add3A_2955 = arith.addi %mul3A_2954, %add3A : i32
      %swap3A_2956 = arith.index_cast %add3A_2955 : i32 to index
      %swap3A_2957 = tpu.vector_load %arg10[%swap3A_2956] {strides = array<i32>} : memref<768xf32, #tpu.memory_space<vmem>>, vector<16xf32>,
      tpu.vector_store %arg10[%swap3A_2956], %broadcast_in_dim3A_2952 {strides = array<i32>} : memref<768xf32, #tpu.memory_space<vmem>>, vector<16xf32>,
      %broadcast_in_dim3A_2958 = arith.constant 1.000000e+00 : f32
      %broadcast_in_dim3A_2959 = vector.broadcast %broadcast_in_dim3A_2958 : f32 to vector<16xf32>
      %mul3A_2960 = arith.constant 128 : i32
      %mul3A_2961 = arith.muli %scan3A_2950, %mul3A_2960 : i32
      %add3A_2962 = arith.constant 16 : i32
      %add3A_2963 = arith.addi %mul3A_2961, %add3A_2962 : i32
      %swap3A_2964 = arith.index_cast %add3A_2963 : i32 to index
      %swap3A_2965 = tpu.vector_load %arg10[%swap3A_2964] {strides = array<i32>} : memref<768xf32, #tpu.memory_space<vmem>>, vector<16xf32>,
      tpu.vector_store %arg10[%swap3A_2964], %broadcast_in_dim3A_2959 {strides = array<i32>} : memref<768xf32, #tpu.memory_space<vmem>>, vector<16xf32>,
      %broadcast_in_dim3A_2966 = arith.constant 1.000000e+00 : f32
      %broadcast_in_dim3A_2967 = vector.broadcast %broadcast_in_dim3A_2966 : f32 to vector<16xf32>
      %mul3A_2968 = arith.constant 128 : i32
      %mul3A_2969 = arith.muli %scan3A_2950, %mul3A_2968 : i32
      %add3A_2970 = arith.constant 32 : i32
      %add3A_2971 = arith.addi %mul3A_2969, %add3A_2970 : i32
      %swap3A_2972 = arith.index_cast %add3A_2971 : i32 to index
      %swap3A_2973 = tpu.vector_load %arg10[%swap3A_2972] {strides = array<i32>} : memref<768xf32, #tpu.memory_space<vmem>>, vector<16xf32>,
      tpu.vector_store %arg10[%swap3A_2972], %broadcast_in_dim3A_2967 {strides = array<i32>} : memref<768xf32, #tpu.memory_space<vmem>>, vector<16xf32>,
      %broadcast_in_dim3A_2974 = arith.constant 1.000000e+00 : f32
      %broadcast_in_dim3A_2975 = vector.broadcast %broadcast_in_dim3A_2974 : f32 to vector<16xf32>
      %mul3A_2976 = arith.constant 128 : i32
      %mul3A_2977 = arith.muli %scan3A_2950, %mul3A_2976 : i32
      %add3A_2978 = arith.constant 48 : i32
      %add3A_2979 = arith.addi %mul3A_2977, %add3A_2978 : i32
      %swap3A_2980 = arith.index_cast %add3A_2979 : i32 to index
      %swap3A_2981 = tpu.vector_load %arg10[%swap3A_2980] {strides = array<i32>} : memref<768xf32, #tpu.memory_space<vmem>>, vector<16xf32>,
      tpu.vector_store %arg10[%swap3A_2980], %broadcast_in_dim3A_2975 {strides = array<i32>} : memref<768xf32, #tpu.memory_space<vmem>>, vector<16xf32>,
      %broadcast_in_dim3A_2982 = arith.constant 1.000000e+00 : f32
      %broadcast_in_dim3A_2983 = vector.broadcast %broadcast_in_dim3A_2982 : f32 to vector<16xf32>
      %mul3A_2984 = arith.constant 128 : i32
      %mul3A_2985 = arith.muli %scan3A_2950, %mul3A_2984 : i32
      %add3A_2986 = arith.constant 64 : i32
      %add3A_2987 = arith.addi %mul3A_2985, %add3A_2986 : i32
      %swap3A_2988 = arith.index_cast %add3A_2987 : i32 to index
      %swap3A_2989 = tpu.vector_load %arg10[%swap3A_2988] {strides = array<i32>} : memref<768xf32, #tpu.memory_space<vmem>>, vector<16xf32>,
      tpu.vector_store %arg10[%swap3A_2988], %broadcast_in_dim3A_2983 {strides = array<i32>} : memref<768xf32, #tpu.memory_space<vmem>>, vector<16xf32>,
      %broadcast_in_dim3A_2990 = arith.constant 1.000000e+00 : f32
      %broadcast_in_dim3A_2991 = vector.broadcast %broadcast_in_dim3A_2990 : f32 to vector<16xf32>
      %mul3A_2992 = arith.constant 128 : i32
      %mul3A_2993 = arith.muli %scan3A_2950, %mul3A_2992 : i32
      %add3A_2994 = arith.constant 80 : i32
      %add3A_2995 = arith.addi %mul3A_2993, %add3A_2994 : i32
      %swap3A_2996 = arith.index_cast %add3A_2995 : i32 to index
      %swap3A_2997 = tpu.vector_load %arg10[%swap3A_2996] {strides = array<i32>} : memref<768xf32, #tpu.memory_space<vmem>>, vector<16xf32>,
      tpu.vector_store %arg10[%swap3A_2996], %broadcast_in_dim3A_2991 {strides = array<i32>} : memref<768xf32, #tpu.memory_space<vmem>>, vector<16xf32>,
      %broadcast_in_dim3A_2998 = arith.constant 1.000000e+00 : f32
      %broadcast_in_dim3A_2999 = vector.broadcast %broadcast_in_dim3A_2998 : f32 to vector<16xf32>
      %mul3A_3000 = arith.constant 128 : i32
      %mul3A_3001 = arith.muli %scan3A_2950, %mul3A_3000 : i32
      %add3A_3002 = arith.constant 96 : i32
      %add3A_3003 = arith.addi %mul3A_3001, %add3A_3002 : i32
      %swap3A_3004 = arith.index_cast %add3A_3003 : i32 to index
      %swap3A_3005 = tpu.vector_load %arg10[%swap3A_3004] {strides = array<i32>} : memref<768xf32, #tpu.memory_space<vmem>>, vector<16xf32>,
      tpu.vector_store %arg10[%swap3A_3004], %broadcast_in_dim3A_2999 {strides = array<i32>} : memref<768xf32, #tpu.memory_space<vmem>>, vector<16xf32>,
      %broadcast_in_dim3A_3006 = arith.constant 1.000000e+00 : f32
      %broadcast_in_dim3A_3007 = vector.broadcast %broadcast_in_dim3A_3006 : f32 to vector<16xf32>
      %mul3A_3008 = arith.constant 128 : i32
      %mul3A_3009 = arith.muli %scan3A_2950, %mul3A_3008 : i32
      %add3A_3010 = arith.constant 112 : i32
      %add3A_3011 = arith.addi %mul3A_3009, %add3A_3010 : i32
      %swap3A_3012 = arith.index_cast %add3A_3011 : i32 to index
      %swap3A_3013 = tpu.vector_load %arg10[%swap3A_3012] {strides = array<i32>} : memref<768xf32, #tpu.memory_space<vmem>>, vector<16xf32>,
      tpu.vector_store %arg10[%swap3A_3012], %broadcast_in_dim3A_3007 {strides = array<i32>} : memref<768xf32, #tpu.memory_space<vmem>>, vector<16xf32>,
    }
    %scan3A_497 = arith.constant 6 : i32
    "tpu.region"() ({
      %run_scoped3A = tpu.sem_alloc : memref<!tpu.dma_semaphore, #tpu.memory_space<semaphore_mem>>
      %dma_start3A_2950 = arith.constant 0 : i32
      %dma_start3A_2951 = tpu.memref_slice %arg10[%dma_start3A_2950] : memref<768xf32, #tpu.memory_space<vmem>> -> memref<768xf32, #tpu.memory_space<vmem>>
      %dma_start3A_2952 = arith.constant 0 : i32
      %dma_start3A_2953 = tpu.memref_slice %arg30[%dma_start3A_2952] : memref<128xf32, #tpu.memory_space<vmem_shared>> -> memref<128xf32, #tpu.memory_space<vmem_shared>>
      tpu.enqueue_indirect_dma source(%dma_start3A_2951 : memref<768xf32, #tpu.memory_space<vmem>>) target(%dma_start3A_2953 : memref<128xf32, #tpu.memory_space<vmem_shared>>) offsets(%arg11 : memref<768xi32, #tpu.memory_space<vmem>>) semaphore(%run_scoped3A : memref<!tpu.dma_semaphore, #tpu.memory_space<semaphore_mem>>) {add = true}
      %dma_wait3A_2954 = arith.constant 0 : i32
      %dma_wait3A_2955 = tpu.memref_slice %arg10[%dma_wait3A_2954] : memref<768xf32, #tpu.memory_space<vmem>> -> memref<768xf32, #tpu.memory_space<vmem>>
      %dma_wait3A_2956 = arith.constant 0 : i32
      %dma_wait3A_2957 = tpu.memref_slice %arg30[%dma_wait3A_2956] : memref<128xf32, #tpu.memory_space<vmem_shared>> -> memref<128xf32, #tpu.memory_space<vmem_shared>>
      tpu.wait_indirect_dma semaphore(%run_scoped3A : memref<!tpu.dma_semaphore, #tpu.memory_space<semaphore_mem>>) src(%dma_wait3A_2955 : memref<768xf32, #tpu.memory_space<vmem>>) dst(%dma_wait3A_2957 : memref<128xf32, #tpu.memory_space<vmem_shared>>)
      tpu.yield
    }) : () -> ()
    %barrier3A_498 = arith.constant 0 : index
    tpu.barrier barrier_id(%barrier3A_498)
    "tpu.region"() ({
      %run_scoped3A = tpu.sem_alloc : memref<!tpu.dma_semaphore, #tpu.memory_space<semaphore_mem>>
      %dma_start3A_2950 = tpu.memref_slice %arg25[%mul3A_0] : memref<10496xf32, #tpu.memory_space<vmem_shared>> -> memref<656xf32, #tpu.memory_space<vmem_shared>>
      %dma_start3A_2951 = tpu.memref_slice %arg25[%mul3A_0] : memref<10496xf32, #tpu.memory_space<vmem_shared>> -> memref<656xf32, #tpu.memory_space<vmem_shared>>
      tpu.enqueue_dma source(%dma_start3A_2951 : memref<656xf32, #tpu.memory_space<vmem_shared>>) target(%arg18 : memref<656xf32, #tpu.memory_space<vmem>>) target_semaphore(%run_scoped3A : memref<!tpu.dma_semaphore, #tpu.memory_space<semaphore_mem>>)
      %dma_wait3A_2952 = tpu.memref_slice %arg25[%mul3A_0] : memref<10496xf32, #tpu.memory_space<vmem_shared>> -> memref<656xf32, #tpu.memory_space<vmem_shared>>
      %dma_wait3A_2953 = tpu.memref_slice %arg25[%mul3A_0] : memref<10496xf32, #tpu.memory_space<vmem_shared>> -> memref<656xf32, #tpu.memory_space<vmem_shared>>
      tpu.wait_dma2 semaphore(%run_scoped3A : memref<!tpu.dma_semaphore, #tpu.memory_space<semaphore_mem>>) src(%dma_wait3A_2953 : memref<656xf32, #tpu.memory_space<vmem_shared>>) dst(%arg18 : memref<656xf32, #tpu.memory_space<vmem>>)
      tpu.yield
    }) : () -> ()
    %get3A = arith.constant 0 : index
    %get3A_499 = tpu.vector_load %arg18[%get3A] {strides = array<i32>} : memref<656xf32, #tpu.memory_space<vmem>>, vector<16xf32>,
    %bitcast3A = vector.bitcast %get3A_499 : vector<16xf32> to vector<16xi32>
    %shift_right_logical3A = arith.constant 1 : i32
    %shift_right_logical3A_500 = vector.broadcast %shift_right_logical3A : i32 to vector<16xi32>
    %shift_right_logical3A_501 = arith.shrui %bitcast3A, %shift_right_logical3A_500 : vector<16xi32>
    %sub3A = arith.constant 1597463007 : i32
    %sub3A_502 = vector.broadcast %sub3A : i32 to vector<16xi32>
    %sub3A_503 = arith.subi %sub3A_502, %shift_right_logical3A_501 : vector<16xi32>
    %bitcast3A_504 = vector.bitcast %sub3A_503 : vector<16xi32> to vector<16xf32>
    %mul3A_505 = arith.constant 5.000000e-01 : f32
    %mul3A_506 = vector.broadcast %mul3A_505 : f32 to vector<16xf32>
    %mul3A_507 = arith.mulf %mul3A_506, %get3A_499 : vector<16xf32>
    %mul3A_508 = arith.mulf %mul3A_507, %bitcast3A_504 : vector<16xf32>
    %mul3A_509 = arith.mulf %mul3A_508, %bitcast3A_504 : vector<16xf32>
    %sub3A_510 = arith.constant 1.500000e+00 : f32
    %sub3A_511 = vector.broadcast %sub3A_510 : f32 to vector<16xf32>
    %sub3A_512 = arith.subf %sub3A_511, %mul3A_509 : vector<16xf32>
    %mul3A_513 = arith.mulf %bitcast3A_504, %sub3A_512 : vector<16xf32>
    %mul3A_514 = arith.constant 5.000000e-01 : f32
    %mul3A_515 = vector.broadcast %mul3A_514 : f32 to vector<16xf32>
    %mul3A_516 = arith.mulf %mul3A_515, %get3A_499 : vector<16xf32>
    %mul3A_517 = arith.mulf %mul3A_516, %mul3A_513 : vector<16xf32>
    %mul3A_518 = arith.mulf %mul3A_517, %mul3A_513 : vector<16xf32>
    %sub3A_519 = arith.constant 1.500000e+00 : f32
    %sub3A_520 = vector.broadcast %sub3A_519 : f32 to vector<16xf32>
    %sub3A_521 = arith.subf %sub3A_520, %mul3A_518 : vector<16xf32>
    %mul3A_522 = arith.mulf %mul3A_513, %sub3A_521 : vector<16xf32>
    %mul3A_523 = arith.constant 5.000000e-01 : f32
    %mul3A_524 = vector.broadcast %mul3A_523 : f32 to vector<16xf32>
    %mul3A_525 = arith.mulf %mul3A_524, %get3A_499 : vector<16xf32>
    %mul3A_526 = arith.mulf %mul3A_525, %mul3A_522 : vector<16xf32>
    %mul3A_527 = arith.mulf %mul3A_526, %mul3A_522 : vector<16xf32>
    %sub3A_528 = arith.constant 1.500000e+00 : f32
    %sub3A_529 = vector.broadcast %sub3A_528 : f32 to vector<16xf32>
    %sub3A_530 = arith.subf %sub3A_529, %mul3A_527 : vector<16xf32>
    %mul3A_531 = arith.mulf %mul3A_522, %sub3A_530 : vector<16xf32>
    %swap3A_532 = arith.constant 0 : index
    %swap3A_533 = tpu.vector_load %arg17[%swap3A_532] {strides = array<i32>} : memref<656xf32, #tpu.memory_space<vmem>>, vector<16xf32>,
    tpu.vector_store %arg17[%swap3A_532], %mul3A_531 {strides = array<i32>} : memref<656xf32, #tpu.memory_space<vmem>>, vector<16xf32>,
    %get3A_534 = arith.constant 0 : index
    %get3A_535 = tpu.vector_load %arg16[%get3A_534] {strides = array<i32>} : memref<656xf32, #tpu.memory_space<vmem>>, vector<16xf32>,
    %mul3A_536 = arith.mulf %mul3A_531, %get3A_535 : vector<16xf32>
    %swap3A_537 = arith.constant 0 : index
    %swap3A_538 = tpu.vector_load %arg19[%swap3A_537] {strides = array<i32>} : memref<656xf32, #tpu.memory_space<vmem>>, vector<16xf32>,
    tpu.vector_store %arg19[%swap3A_537], %mul3A_536 {strides = array<i32>} : memref<656xf32, #tpu.memory_space<vmem>>, vector<16xf32>,
    %get3A_539 = arith.constant 16 : index
    %get3A_540 = tpu.vector_load %arg18[%get3A_539] {strides = array<i32>} : memref<656xf32, #tpu.memory_space<vmem>>, vector<16xf32>,
    %bitcast3A_541 = vector.bitcast %get3A_540 : vector<16xf32> to vector<16xi32>
    %shift_right_logical3A_542 = arith.constant 1 : i32
    %shift_right_logical3A_543 = vector.broadcast %shift_right_logical3A_542 : i32 to vector<16xi32>
    %shift_right_logical3A_544 = arith.shrui %bitcast3A_541, %shift_right_logical3A_543 : vector<16xi32>
    %sub3A_545 = arith.constant 1597463007 : i32
    %sub3A_546 = vector.broadcast %sub3A_545 : i32 to vector<16xi32>
    %sub3A_547 = arith.subi %sub3A_546, %shift_right_logical3A_544 : vector<16xi32>
    %bitcast3A_548 = vector.bitcast %sub3A_547 : vector<16xi32> to vector<16xf32>
    %mul3A_549 = arith.constant 5.000000e-01 : f32
    %mul3A_550 = vector.broadcast %mul3A_549 : f32 to vector<16xf32>
    %mul3A_551 = arith.mulf %mul3A_550, %get3A_540 : vector<16xf32>
    %mul3A_552 = arith.mulf %mul3A_551, %bitcast3A_548 : vector<16xf32>
    %mul3A_553 = arith.mulf %mul3A_552, %bitcast3A_548 : vector<16xf32>
    %sub3A_554 = arith.constant 1.500000e+00 : f32
    %sub3A_555 = vector.broadcast %sub3A_554 : f32 to vector<16xf32>
    %sub3A_556 = arith.subf %sub3A_555, %mul3A_553 : vector<16xf32>
    %mul3A_557 = arith.mulf %bitcast3A_548, %sub3A_556 : vector<16xf32>
    %mul3A_558 = arith.constant 5.000000e-01 : f32
    %mul3A_559 = vector.broadcast %mul3A_558 : f32 to vector<16xf32>
    %mul3A_560 = arith.mulf %mul3A_559, %get3A_540 : vector<16xf32>
    %mul3A_561 = arith.mulf %mul3A_560, %mul3A_557 : vector<16xf32>
    %mul3A_562 = arith.mulf %mul3A_561, %mul3A_557 : vector<16xf32>
    %sub3A_563 = arith.constant 1.500000e+00 : f32
    %sub3A_564 = vector.broadcast %sub3A_563 : f32 to vector<16xf32>
    %sub3A_565 = arith.subf %sub3A_564, %mul3A_562 : vector<16xf32>
    %mul3A_566 = arith.mulf %mul3A_557, %sub3A_565 : vector<16xf32>
    %mul3A_567 = arith.constant 5.000000e-01 : f32
    %mul3A_568 = vector.broadcast %mul3A_567 : f32 to vector<16xf32>
    %mul3A_569 = arith.mulf %mul3A_568, %get3A_540 : vector<16xf32>
    %mul3A_570 = arith.mulf %mul3A_569, %mul3A_566 : vector<16xf32>
    %mul3A_571 = arith.mulf %mul3A_570, %mul3A_566 : vector<16xf32>
    %sub3A_572 = arith.constant 1.500000e+00 : f32
    %sub3A_573 = vector.broadcast %sub3A_572 : f32 to vector<16xf32>
    %sub3A_574 = arith.subf %sub3A_573, %mul3A_571 : vector<16xf32>
    %mul3A_575 = arith.mulf %mul3A_566, %sub3A_574 : vector<16xf32>
    %swap3A_576 = arith.constant 16 : index
    %swap3A_577 = tpu.vector_load %arg17[%swap3A_576] {strides = array<i32>} : memref<656xf32, #tpu.memory_space<vmem>>, vector<16xf32>,
    tpu.vector_store %arg17[%swap3A_576], %mul3A_575 {strides = array<i32>} : memref<656xf32, #tpu.memory_space<vmem>>, vector<16xf32>,
    %get3A_578 = arith.constant 16 : index
    %get3A_579 = tpu.vector_load %arg16[%get3A_578] {strides = array<i32>} : memref<656xf32, #tpu.memory_space<vmem>>, vector<16xf32>,
    %mul3A_580 = arith.mulf %mul3A_575, %get3A_579 : vector<16xf32>
    %swap3A_581 = arith.constant 16 : index
    %swap3A_582 = tpu.vector_load %arg19[%swap3A_581] {strides = array<i32>} : memref<656xf32, #tpu.memory_space<vmem>>, vector<16xf32>,
    tpu.vector_store %arg19[%swap3A_581], %mul3A_580 {strides = array<i32>} : memref<656xf32, #tpu.memory_space<vmem>>, vector<16xf32>,
    %get3A_583 = arith.constant 32 : index
    %get3A_584 = tpu.vector_load %arg18[%get3A_583] {strides = array<i32>} : memref<656xf32, #tpu.memory_space<vmem>>, vector<16xf32>,
    %bitcast3A_585 = vector.bitcast %get3A_584 : vector<16xf32> to vector<16xi32>
    %shift_right_logical3A_586 = arith.constant 1 : i32
    %shift_right_logical3A_587 = vector.broadcast %shift_right_logical3A_586 : i32 to vector<16xi32>
    %shift_right_logical3A_588 = arith.shrui %bitcast3A_585, %shift_right_logical3A_587 : vector<16xi32>
    %sub3A_589 = arith.constant 1597463007 : i32
    %sub3A_590 = vector.broadcast %sub3A_589 : i32 to vector<16xi32>
    %sub3A_591 = arith.subi %sub3A_590, %shift_right_logical3A_588 : vector<16xi32>
    %bitcast3A_592 = vector.bitcast %sub3A_591 : vector<16xi32> to vector<16xf32>
    %mul3A_593 = arith.constant 5.000000e-01 : f32
    %mul3A_594 = vector.broadcast %mul3A_593 : f32 to vector<16xf32>
    %mul3A_595 = arith.mulf %mul3A_594, %get3A_584 : vector<16xf32>
    %mul3A_596 = arith.mulf %mul3A_595, %bitcast3A_592 : vector<16xf32>
    %mul3A_597 = arith.mulf %mul3A_596, %bitcast3A_592 : vector<16xf32>
    %sub3A_598 = arith.constant 1.500000e+00 : f32
    %sub3A_599 = vector.broadcast %sub3A_598 : f32 to vector<16xf32>
    %sub3A_600 = arith.subf %sub3A_599, %mul3A_597 : vector<16xf32>
    %mul3A_601 = arith.mulf %bitcast3A_592, %sub3A_600 : vector<16xf32>
    %mul3A_602 = arith.constant 5.000000e-01 : f32
    %mul3A_603 = vector.broadcast %mul3A_602 : f32 to vector<16xf32>
    %mul3A_604 = arith.mulf %mul3A_603, %get3A_584 : vector<16xf32>
    %mul3A_605 = arith.mulf %mul3A_604, %mul3A_601 : vector<16xf32>
    %mul3A_606 = arith.mulf %mul3A_605, %mul3A_601 : vector<16xf32>
    %sub3A_607 = arith.constant 1.500000e+00 : f32
    %sub3A_608 = vector.broadcast %sub3A_607 : f32 to vector<16xf32>
    %sub3A_609 = arith.subf %sub3A_608, %mul3A_606 : vector<16xf32>
    %mul3A_610 = arith.mulf %mul3A_601, %sub3A_609 : vector<16xf32>
    %mul3A_611 = arith.constant 5.000000e-01 : f32
    %mul3A_612 = vector.broadcast %mul3A_611 : f32 to vector<16xf32>
    %mul3A_613 = arith.mulf %mul3A_612, %get3A_584 : vector<16xf32>
    %mul3A_614 = arith.mulf %mul3A_613, %mul3A_610 : vector<16xf32>
    %mul3A_615 = arith.mulf %mul3A_614, %mul3A_610 : vector<16xf32>
    %sub3A_616 = arith.constant 1.500000e+00 : f32
    %sub3A_617 = vector.broadcast %sub3A_616 : f32 to vector<16xf32>
    %sub3A_618 = arith.subf %sub3A_617, %mul3A_615 : vector<16xf32>
    %mul3A_619 = arith.mulf %mul3A_610, %sub3A_618 : vector<16xf32>
    %swap3A_620 = arith.constant 32 : index
    %swap3A_621 = tpu.vector_load %arg17[%swap3A_620] {strides = array<i32>} : memref<656xf32, #tpu.memory_space<vmem>>, vector<16xf32>,
    tpu.vector_store %arg17[%swap3A_620], %mul3A_619 {strides = array<i32>} : memref<656xf32, #tpu.memory_space<vmem>>, vector<16xf32>,
    %get3A_622 = arith.constant 32 : index
    %get3A_623 = tpu.vector_load %arg16[%get3A_622] {strides = array<i32>} : memref<656xf32, #tpu.memory_space<vmem>>, vector<16xf32>,
    %mul3A_624 = arith.mulf %mul3A_619, %get3A_623 : vector<16xf32>
    %swap3A_625 = arith.constant 32 : index
    %swap3A_626 = tpu.vector_load %arg19[%swap3A_625] {strides = array<i32>} : memref<656xf32, #tpu.memory_space<vmem>>, vector<16xf32>,
    tpu.vector_store %arg19[%swap3A_625], %mul3A_624 {strides = array<i32>} : memref<656xf32, #tpu.memory_space<vmem>>, vector<16xf32>,
    %get3A_627 = arith.constant 48 : index
    %get3A_628 = tpu.vector_load %arg18[%get3A_627] {strides = array<i32>} : memref<656xf32, #tpu.memory_space<vmem>>, vector<16xf32>,
    %bitcast3A_629 = vector.bitcast %get3A_628 : vector<16xf32> to vector<16xi32>
    %shift_right_logical3A_630 = arith.constant 1 : i32
    %shift_right_logical3A_631 = vector.broadcast %shift_right_logical3A_630 : i32 to vector<16xi32>
    %shift_right_logical3A_632 = arith.shrui %bitcast3A_629, %shift_right_logical3A_631 : vector<16xi32>
    %sub3A_633 = arith.constant 1597463007 : i32
    %sub3A_634 = vector.broadcast %sub3A_633 : i32 to vector<16xi32>
    %sub3A_635 = arith.subi %sub3A_634, %shift_right_logical3A_632 : vector<16xi32>
    %bitcast3A_636 = vector.bitcast %sub3A_635 : vector<16xi32> to vector<16xf32>
    %mul3A_637 = arith.constant 5.000000e-01 : f32
    %mul3A_638 = vector.broadcast %mul3A_637 : f32 to vector<16xf32>
    %mul3A_639 = arith.mulf %mul3A_638, %get3A_628 : vector<16xf32>
    %mul3A_640 = arith.mulf %mul3A_639, %bitcast3A_636 : vector<16xf32>
    %mul3A_641 = arith.mulf %mul3A_640, %bitcast3A_636 : vector<16xf32>
    %sub3A_642 = arith.constant 1.500000e+00 : f32
    %sub3A_643 = vector.broadcast %sub3A_642 : f32 to vector<16xf32>
    %sub3A_644 = arith.subf %sub3A_643, %mul3A_641 : vector<16xf32>
    %mul3A_645 = arith.mulf %bitcast3A_636, %sub3A_644 : vector<16xf32>
    %mul3A_646 = arith.constant 5.000000e-01 : f32
    %mul3A_647 = vector.broadcast %mul3A_646 : f32 to vector<16xf32>
    %mul3A_648 = arith.mulf %mul3A_647, %get3A_628 : vector<16xf32>
    %mul3A_649 = arith.mulf %mul3A_648, %mul3A_645 : vector<16xf32>
    %mul3A_650 = arith.mulf %mul3A_649, %mul3A_645 : vector<16xf32>
    %sub3A_651 = arith.constant 1.500000e+00 : f32
    %sub3A_652 = vector.broadcast %sub3A_651 : f32 to vector<16xf32>
    %sub3A_653 = arith.subf %sub3A_652, %mul3A_650 : vector<16xf32>
    %mul3A_654 = arith.mulf %mul3A_645, %sub3A_653 : vector<16xf32>
    %mul3A_655 = arith.constant 5.000000e-01 : f32
    %mul3A_656 = vector.broadcast %mul3A_655 : f32 to vector<16xf32>
    %mul3A_657 = arith.mulf %mul3A_656, %get3A_628 : vector<16xf32>
    %mul3A_658 = arith.mulf %mul3A_657, %mul3A_654 : vector<16xf32>
    %mul3A_659 = arith.mulf %mul3A_658, %mul3A_654 : vector<16xf32>
    %sub3A_660 = arith.constant 1.500000e+00 : f32
    %sub3A_661 = vector.broadcast %sub3A_660 : f32 to vector<16xf32>
    %sub3A_662 = arith.subf %sub3A_661, %mul3A_659 : vector<16xf32>
    %mul3A_663 = arith.mulf %mul3A_654, %sub3A_662 : vector<16xf32>
    %swap3A_664 = arith.constant 48 : index
    %swap3A_665 = tpu.vector_load %arg17[%swap3A_664] {strides = array<i32>} : memref<656xf32, #tpu.memory_space<vmem>>, vector<16xf32>,
    tpu.vector_store %arg17[%swap3A_664], %mul3A_663 {strides = array<i32>} : memref<656xf32, #tpu.memory_space<vmem>>, vector<16xf32>,
    %get3A_666 = arith.constant 48 : index
    %get3A_667 = tpu.vector_load %arg16[%get3A_666] {strides = array<i32>} : memref<656xf32, #tpu.memory_space<vmem>>, vector<16xf32>,
    %mul3A_668 = arith.mulf %mul3A_663, %get3A_667 : vector<16xf32>
    %swap3A_669 = arith.constant 48 : index
    %swap3A_670 = tpu.vector_load %arg19[%swap3A_669] {strides = array<i32>} : memref<656xf32, #tpu.memory_space<vmem>>, vector<16xf32>,
    tpu.vector_store %arg19[%swap3A_669], %mul3A_668 {strides = array<i32>} : memref<656xf32, #tpu.memory_space<vmem>>, vector<16xf32>,
    %get3A_671 = arith.constant 64 : index
    %get3A_672 = tpu.vector_load %arg18[%get3A_671] {strides = array<i32>} : memref<656xf32, #tpu.memory_space<vmem>>, vector<16xf32>,
    %bitcast3A_673 = vector.bitcast %get3A_672 : vector<16xf32> to vector<16xi32>
    %shift_right_logical3A_674 = arith.constant 1 : i32
    %shift_right_logical3A_675 = vector.broadcast %shift_right_logical3A_674 : i32 to vector<16xi32>
    %shift_right_logical3A_676 = arith.shrui %bitcast3A_673, %shift_right_logical3A_675 : vector<16xi32>
    %sub3A_677 = arith.constant 1597463007 : i32
    %sub3A_678 = vector.broadcast %sub3A_677 : i32 to vector<16xi32>
    %sub3A_679 = arith.subi %sub3A_678, %shift_right_logical3A_676 : vector<16xi32>
    %bitcast3A_680 = vector.bitcast %sub3A_679 : vector<16xi32> to vector<16xf32>
    %mul3A_681 = arith.constant 5.000000e-01 : f32
    %mul3A_682 = vector.broadcast %mul3A_681 : f32 to vector<16xf32>
    %mul3A_683 = arith.mulf %mul3A_682, %get3A_672 : vector<16xf32>
    %mul3A_684 = arith.mulf %mul3A_683, %bitcast3A_680 : vector<16xf32>
    %mul3A_685 = arith.mulf %mul3A_684, %bitcast3A_680 : vector<16xf32>
    %sub3A_686 = arith.constant 1.500000e+00 : f32
    %sub3A_687 = vector.broadcast %sub3A_686 : f32 to vector<16xf32>
    %sub3A_688 = arith.subf %sub3A_687, %mul3A_685 : vector<16xf32>
    %mul3A_689 = arith.mulf %bitcast3A_680, %sub3A_688 : vector<16xf32>
    %mul3A_690 = arith.constant 5.000000e-01 : f32
    %mul3A_691 = vector.broadcast %mul3A_690 : f32 to vector<16xf32>
    %mul3A_692 = arith.mulf %mul3A_691, %get3A_672 : vector<16xf32>
    %mul3A_693 = arith.mulf %mul3A_692, %mul3A_689 : vector<16xf32>
    %mul3A_694 = arith.mulf %mul3A_693, %mul3A_689 : vector<16xf32>
    %sub3A_695 = arith.constant 1.500000e+00 : f32
    %sub3A_696 = vector.broadcast %sub3A_695 : f32 to vector<16xf32>
    %sub3A_697 = arith.subf %sub3A_696, %mul3A_694 : vector<16xf32>
    %mul3A_698 = arith.mulf %mul3A_689, %sub3A_697 : vector<16xf32>
    %mul3A_699 = arith.constant 5.000000e-01 : f32
    %mul3A_700 = vector.broadcast %mul3A_699 : f32 to vector<16xf32>
    %mul3A_701 = arith.mulf %mul3A_700, %get3A_672 : vector<16xf32>
    %mul3A_702 = arith.mulf %mul3A_701, %mul3A_698 : vector<16xf32>
    %mul3A_703 = arith.mulf %mul3A_702, %mul3A_698 : vector<16xf32>
    %sub3A_704 = arith.constant 1.500000e+00 : f32
    %sub3A_705 = vector.broadcast %sub3A_704 : f32 to vector<16xf32>
    %sub3A_706 = arith.subf %sub3A_705, %mul3A_703 : vector<16xf32>
    %mul3A_707 = arith.mulf %mul3A_698, %sub3A_706 : vector<16xf32>
    %swap3A_708 = arith.constant 64 : index
    %swap3A_709 = tpu.vector_load %arg17[%swap3A_708] {strides = array<i32>} : memref<656xf32, #tpu.memory_space<vmem>>, vector<16xf32>,
    tpu.vector_store %arg17[%swap3A_708], %mul3A_707 {strides = array<i32>} : memref<656xf32, #tpu.memory_space<vmem>>, vector<16xf32>,
    %get3A_710 = arith.constant 64 : index
    %get3A_711 = tpu.vector_load %arg16[%get3A_710] {strides = array<i32>} : memref<656xf32, #tpu.memory_space<vmem>>, vector<16xf32>,
    %mul3A_712 = arith.mulf %mul3A_707, %get3A_711 : vector<16xf32>
    %swap3A_713 = arith.constant 64 : index
    %swap3A_714 = tpu.vector_load %arg19[%swap3A_713] {strides = array<i32>} : memref<656xf32, #tpu.memory_space<vmem>>, vector<16xf32>,
    tpu.vector_store %arg19[%swap3A_713], %mul3A_712 {strides = array<i32>} : memref<656xf32, #tpu.memory_space<vmem>>, vector<16xf32>,
    %get3A_715 = arith.constant 80 : index
    %get3A_716 = tpu.vector_load %arg18[%get3A_715] {strides = array<i32>} : memref<656xf32, #tpu.memory_space<vmem>>, vector<16xf32>,
    %bitcast3A_717 = vector.bitcast %get3A_716 : vector<16xf32> to vector<16xi32>
    %shift_right_logical3A_718 = arith.constant 1 : i32
    %shift_right_logical3A_719 = vector.broadcast %shift_right_logical3A_718 : i32 to vector<16xi32>
    %shift_right_logical3A_720 = arith.shrui %bitcast3A_717, %shift_right_logical3A_719 : vector<16xi32>
    %sub3A_721 = arith.constant 1597463007 : i32
    %sub3A_722 = vector.broadcast %sub3A_721 : i32 to vector<16xi32>
    %sub3A_723 = arith.subi %sub3A_722, %shift_right_logical3A_720 : vector<16xi32>
    %bitcast3A_724 = vector.bitcast %sub3A_723 : vector<16xi32> to vector<16xf32>
    %mul3A_725 = arith.constant 5.000000e-01 : f32
    %mul3A_726 = vector.broadcast %mul3A_725 : f32 to vector<16xf32>
    %mul3A_727 = arith.mulf %mul3A_726, %get3A_716 : vector<16xf32>
    %mul3A_728 = arith.mulf %mul3A_727, %bitcast3A_724 : vector<16xf32>
    %mul3A_729 = arith.mulf %mul3A_728, %bitcast3A_724 : vector<16xf32>
    %sub3A_730 = arith.constant 1.500000e+00 : f32
    %sub3A_731 = vector.broadcast %sub3A_730 : f32 to vector<16xf32>
    %sub3A_732 = arith.subf %sub3A_731, %mul3A_729 : vector<16xf32>
    %mul3A_733 = arith.mulf %bitcast3A_724, %sub3A_732 : vector<16xf32>
    %mul3A_734 = arith.constant 5.000000e-01 : f32
    %mul3A_735 = vector.broadcast %mul3A_734 : f32 to vector<16xf32>
    %mul3A_736 = arith.mulf %mul3A_735, %get3A_716 : vector<16xf32>
    %mul3A_737 = arith.mulf %mul3A_736, %mul3A_733 : vector<16xf32>
    %mul3A_738 = arith.mulf %mul3A_737, %mul3A_733 : vector<16xf32>
    %sub3A_739 = arith.constant 1.500000e+00 : f32
    %sub3A_740 = vector.broadcast %sub3A_739 : f32 to vector<16xf32>
    %sub3A_741 = arith.subf %sub3A_740, %mul3A_738 : vector<16xf32>
    %mul3A_742 = arith.mulf %mul3A_733, %sub3A_741 : vector<16xf32>
    %mul3A_743 = arith.constant 5.000000e-01 : f32
    %mul3A_744 = vector.broadcast %mul3A_743 : f32 to vector<16xf32>
    %mul3A_745 = arith.mulf %mul3A_744, %get3A_716 : vector<16xf32>
    %mul3A_746 = arith.mulf %mul3A_745, %mul3A_742 : vector<16xf32>
    %mul3A_747 = arith.mulf %mul3A_746, %mul3A_742 : vector<16xf32>
    %sub3A_748 = arith.constant 1.500000e+00 : f32
    %sub3A_749 = vector.broadcast %sub3A_748 : f32 to vector<16xf32>
    %sub3A_750 = arith.subf %sub3A_749, %mul3A_747 : vector<16xf32>
    %mul3A_751 = arith.mulf %mul3A_742, %sub3A_750 : vector<16xf32>
    %swap3A_752 = arith.constant 80 : index
    %swap3A_753 = tpu.vector_load %arg17[%swap3A_752] {strides = array<i32>} : memref<656xf32, #tpu.memory_space<vmem>>, vector<16xf32>,
    tpu.vector_store %arg17[%swap3A_752], %mul3A_751 {strides = array<i32>} : memref<656xf32, #tpu.memory_space<vmem>>, vector<16xf32>,
    %get3A_754 = arith.constant 80 : index
    %get3A_755 = tpu.vector_load %arg16[%get3A_754] {strides = array<i32>} : memref<656xf32, #tpu.memory_space<vmem>>, vector<16xf32>,
    %mul3A_756 = arith.mulf %mul3A_751, %get3A_755 : vector<16xf32>
    %swap3A_757 = arith.constant 80 : index
    %swap3A_758 = tpu.vector_load %arg19[%swap3A_757] {strides = array<i32>} : memref<656xf32, #tpu.memory_space<vmem>>, vector<16xf32>,
    tpu.vector_store %arg19[%swap3A_757], %mul3A_756 {strides = array<i32>} : memref<656xf32, #tpu.memory_space<vmem>>, vector<16xf32>,
    %get3A_759 = arith.constant 96 : index
    %get3A_760 = tpu.vector_load %arg18[%get3A_759] {strides = array<i32>} : memref<656xf32, #tpu.memory_space<vmem>>, vector<16xf32>,
    %bitcast3A_761 = vector.bitcast %get3A_760 : vector<16xf32> to vector<16xi32>
    %shift_right_logical3A_762 = arith.constant 1 : i32
    %shift_right_logical3A_763 = vector.broadcast %shift_right_logical3A_762 : i32 to vector<16xi32>
    %shift_right_logical3A_764 = arith.shrui %bitcast3A_761, %shift_right_logical3A_763 : vector<16xi32>
    %sub3A_765 = arith.constant 1597463007 : i32
    %sub3A_766 = vector.broadcast %sub3A_765 : i32 to vector<16xi32>
    %sub3A_767 = arith.subi %sub3A_766, %shift_right_logical3A_764 : vector<16xi32>
    %bitcast3A_768 = vector.bitcast %sub3A_767 : vector<16xi32> to vector<16xf32>
    %mul3A_769 = arith.constant 5.000000e-01 : f32
    %mul3A_770 = vector.broadcast %mul3A_769 : f32 to vector<16xf32>
    %mul3A_771 = arith.mulf %mul3A_770, %get3A_760 : vector<16xf32>
    %mul3A_772 = arith.mulf %mul3A_771, %bitcast3A_768 : vector<16xf32>
    %mul3A_773 = arith.mulf %mul3A_772, %bitcast3A_768 : vector<16xf32>
    %sub3A_774 = arith.constant 1.500000e+00 : f32
    %sub3A_775 = vector.broadcast %sub3A_774 : f32 to vector<16xf32>
    %sub3A_776 = arith.subf %sub3A_775, %mul3A_773 : vector<16xf32>
    %mul3A_777 = arith.mulf %bitcast3A_768, %sub3A_776 : vector<16xf32>
    %mul3A_778 = arith.constant 5.000000e-01 : f32
    %mul3A_779 = vector.broadcast %mul3A_778 : f32 to vector<16xf32>
    %mul3A_780 = arith.mulf %mul3A_779, %get3A_760 : vector<16xf32>
    %mul3A_781 = arith.mulf %mul3A_780, %mul3A_777 : vector<16xf32>
    %mul3A_782 = arith.mulf %mul3A_781, %mul3A_777 : vector<16xf32>
    %sub3A_783 = arith.constant 1.500000e+00 : f32
    %sub3A_784 = vector.broadcast %sub3A_783 : f32 to vector<16xf32>
    %sub3A_785 = arith.subf %sub3A_784, %mul3A_782 : vector<16xf32>
    %mul3A_786 = arith.mulf %mul3A_777, %sub3A_785 : vector<16xf32>
    %mul3A_787 = arith.constant 5.000000e-01 : f32
    %mul3A_788 = vector.broadcast %mul3A_787 : f32 to vector<16xf32>
    %mul3A_789 = arith.mulf %mul3A_788, %get3A_760 : vector<16xf32>
    %mul3A_790 = arith.mulf %mul3A_789, %mul3A_786 : vector<16xf32>
    %mul3A_791 = arith.mulf %mul3A_790, %mul3A_786 : vector<16xf32>
    %sub3A_792 = arith.constant 1.500000e+00 : f32
    %sub3A_793 = vector.broadcast %sub3A_792 : f32 to vector<16xf32>
    %sub3A_794 = arith.subf %sub3A_793, %mul3A_791 : vector<16xf32>
    %mul3A_795 = arith.mulf %mul3A_786, %sub3A_794 : vector<16xf32>
    %swap3A_796 = arith.constant 96 : index
    %swap3A_797 = tpu.vector_load %arg17[%swap3A_796] {strides = array<i32>} : memref<656xf32, #tpu.memory_space<vmem>>, vector<16xf32>,
    tpu.vector_store %arg17[%swap3A_796], %mul3A_795 {strides = array<i32>} : memref<656xf32, #tpu.memory_space<vmem>>, vector<16xf32>,
    %get3A_798 = arith.constant 96 : index
    %get3A_799 = tpu.vector_load %arg16[%get3A_798] {strides = array<i32>} : memref<656xf32, #tpu.memory_space<vmem>>, vector<16xf32>,
    %mul3A_800 = arith.mulf %mul3A_795, %get3A_799 : vector<16xf32>
    %swap3A_801 = arith.constant 96 : index
    %swap3A_802 = tpu.vector_load %arg19[%swap3A_801] {strides = array<i32>} : memref<656xf32, #tpu.memory_space<vmem>>, vector<16xf32>,
    tpu.vector_store %arg19[%swap3A_801], %mul3A_800 {strides = array<i32>} : memref<656xf32, #tpu.memory_space<vmem>>, vector<16xf32>,
    %get3A_803 = arith.constant 112 : index
    %get3A_804 = tpu.vector_load %arg18[%get3A_803] {strides = array<i32>} : memref<656xf32, #tpu.memory_space<vmem>>, vector<16xf32>,
    %bitcast3A_805 = vector.bitcast %get3A_804 : vector<16xf32> to vector<16xi32>
    %shift_right_logical3A_806 = arith.constant 1 : i32
    %shift_right_logical3A_807 = vector.broadcast %shift_right_logical3A_806 : i32 to vector<16xi32>
    %shift_right_logical3A_808 = arith.shrui %bitcast3A_805, %shift_right_logical3A_807 : vector<16xi32>
    %sub3A_809 = arith.constant 1597463007 : i32
    %sub3A_810 = vector.broadcast %sub3A_809 : i32 to vector<16xi32>
    %sub3A_811 = arith.subi %sub3A_810, %shift_right_logical3A_808 : vector<16xi32>
    %bitcast3A_812 = vector.bitcast %sub3A_811 : vector<16xi32> to vector<16xf32>
    %mul3A_813 = arith.constant 5.000000e-01 : f32
    %mul3A_814 = vector.broadcast %mul3A_813 : f32 to vector<16xf32>
    %mul3A_815 = arith.mulf %mul3A_814, %get3A_804 : vector<16xf32>
    %mul3A_816 = arith.mulf %mul3A_815, %bitcast3A_812 : vector<16xf32>
    %mul3A_817 = arith.mulf %mul3A_816, %bitcast3A_812 : vector<16xf32>
    %sub3A_818 = arith.constant 1.500000e+00 : f32
    %sub3A_819 = vector.broadcast %sub3A_818 : f32 to vector<16xf32>
    %sub3A_820 = arith.subf %sub3A_819, %mul3A_817 : vector<16xf32>
    %mul3A_821 = arith.mulf %bitcast3A_812, %sub3A_820 : vector<16xf32>
    %mul3A_822 = arith.constant 5.000000e-01 : f32
    %mul3A_823 = vector.broadcast %mul3A_822 : f32 to vector<16xf32>
    %mul3A_824 = arith.mulf %mul3A_823, %get3A_804 : vector<16xf32>
    %mul3A_825 = arith.mulf %mul3A_824, %mul3A_821 : vector<16xf32>
    %mul3A_826 = arith.mulf %mul3A_825, %mul3A_821 : vector<16xf32>
    %sub3A_827 = arith.constant 1.500000e+00 : f32
    %sub3A_828 = vector.broadcast %sub3A_827 : f32 to vector<16xf32>
    %sub3A_829 = arith.subf %sub3A_828, %mul3A_826 : vector<16xf32>
    %mul3A_830 = arith.mulf %mul3A_821, %sub3A_829 : vector<16xf32>
    %mul3A_831 = arith.constant 5.000000e-01 : f32
    %mul3A_832 = vector.broadcast %mul3A_831 : f32 to vector<16xf32>
    %mul3A_833 = arith.mulf %mul3A_832, %get3A_804 : vector<16xf32>
    %mul3A_834 = arith.mulf %mul3A_833, %mul3A_830 : vector<16xf32>
    %mul3A_835 = arith.mulf %mul3A_834, %mul3A_830 : vector<16xf32>
    %sub3A_836 = arith.constant 1.500000e+00 : f32
    %sub3A_837 = vector.broadcast %sub3A_836 : f32 to vector<16xf32>
    %sub3A_838 = arith.subf %sub3A_837, %mul3A_835 : vector<16xf32>
    %mul3A_839 = arith.mulf %mul3A_830, %sub3A_838 : vector<16xf32>
    %swap3A_840 = arith.constant 112 : index
    %swap3A_841 = tpu.vector_load %arg17[%swap3A_840] {strides = array<i32>} : memref<656xf32, #tpu.memory_space<vmem>>, vector<16xf32>,
    tpu.vector_store %arg17[%swap3A_840], %mul3A_839 {strides = array<i32>} : memref<656xf32, #tpu.memory_space<vmem>>, vector<16xf32>,
    %get3A_842 = arith.constant 112 : index
    %get3A_843 = tpu.vector_load %arg16[%get3A_842] {strides = array<i32>} : memref<656xf32, #tpu.memory_space<vmem>>, vector<16xf32>,
    %mul3A_844 = arith.mulf %mul3A_839, %get3A_843 : vector<16xf32>
    %swap3A_845 = arith.constant 112 : index
    %swap3A_846 = tpu.vector_load %arg19[%swap3A_845] {strides = array<i32>} : memref<656xf32, #tpu.memory_space<vmem>>, vector<16xf32>,
    tpu.vector_store %arg19[%swap3A_845], %mul3A_844 {strides = array<i32>} : memref<656xf32, #tpu.memory_space<vmem>>, vector<16xf32>,
    %get3A_847 = arith.constant 128 : index
    %get3A_848 = tpu.vector_load %arg18[%get3A_847] {strides = array<i32>} : memref<656xf32, #tpu.memory_space<vmem>>, vector<16xf32>,
    %bitcast3A_849 = vector.bitcast %get3A_848 : vector<16xf32> to vector<16xi32>
    %shift_right_logical3A_850 = arith.constant 1 : i32
    %shift_right_logical3A_851 = vector.broadcast %shift_right_logical3A_850 : i32 to vector<16xi32>
    %shift_right_logical3A_852 = arith.shrui %bitcast3A_849, %shift_right_logical3A_851 : vector<16xi32>
    %sub3A_853 = arith.constant 1597463007 : i32
    %sub3A_854 = vector.broadcast %sub3A_853 : i32 to vector<16xi32>
    %sub3A_855 = arith.subi %sub3A_854, %shift_right_logical3A_852 : vector<16xi32>
    %bitcast3A_856 = vector.bitcast %sub3A_855 : vector<16xi32> to vector<16xf32>
    %mul3A_857 = arith.constant 5.000000e-01 : f32
    %mul3A_858 = vector.broadcast %mul3A_857 : f32 to vector<16xf32>
    %mul3A_859 = arith.mulf %mul3A_858, %get3A_848 : vector<16xf32>
    %mul3A_860 = arith.mulf %mul3A_859, %bitcast3A_856 : vector<16xf32>
    %mul3A_861 = arith.mulf %mul3A_860, %bitcast3A_856 : vector<16xf32>
    %sub3A_862 = arith.constant 1.500000e+00 : f32
    %sub3A_863 = vector.broadcast %sub3A_862 : f32 to vector<16xf32>
    %sub3A_864 = arith.subf %sub3A_863, %mul3A_861 : vector<16xf32>
    %mul3A_865 = arith.mulf %bitcast3A_856, %sub3A_864 : vector<16xf32>
    %mul3A_866 = arith.constant 5.000000e-01 : f32
    %mul3A_867 = vector.broadcast %mul3A_866 : f32 to vector<16xf32>
    %mul3A_868 = arith.mulf %mul3A_867, %get3A_848 : vector<16xf32>
    %mul3A_869 = arith.mulf %mul3A_868, %mul3A_865 : vector<16xf32>
    %mul3A_870 = arith.mulf %mul3A_869, %mul3A_865 : vector<16xf32>
    %sub3A_871 = arith.constant 1.500000e+00 : f32
    %sub3A_872 = vector.broadcast %sub3A_871 : f32 to vector<16xf32>
    %sub3A_873 = arith.subf %sub3A_872, %mul3A_870 : vector<16xf32>
    %mul3A_874 = arith.mulf %mul3A_865, %sub3A_873 : vector<16xf32>
    %mul3A_875 = arith.constant 5.000000e-01 : f32
    %mul3A_876 = vector.broadcast %mul3A_875 : f32 to vector<16xf32>
    %mul3A_877 = arith.mulf %mul3A_876, %get3A_848 : vector<16xf32>
    %mul3A_878 = arith.mulf %mul3A_877, %mul3A_874 : vector<16xf32>
    %mul3A_879 = arith.mulf %mul3A_878, %mul3A_874 : vector<16xf32>
    %sub3A_880 = arith.constant 1.500000e+00 : f32
    %sub3A_881 = vector.broadcast %sub3A_880 : f32 to vector<16xf32>
    %sub3A_882 = arith.subf %sub3A_881, %mul3A_879 : vector<16xf32>
    %mul3A_883 = arith.mulf %mul3A_874, %sub3A_882 : vector<16xf32>
    %swap3A_884 = arith.constant 128 : index
    %swap3A_885 = tpu.vector_load %arg17[%swap3A_884] {strides = array<i32>} : memref<656xf32, #tpu.memory_space<vmem>>, vector<16xf32>,
    tpu.vector_store %arg17[%swap3A_884], %mul3A_883 {strides = array<i32>} : memref<656xf32, #tpu.memory_space<vmem>>, vector<16xf32>,
    %get3A_886 = arith.constant 128 : index
    %get3A_887 = tpu.vector_load %arg16[%get3A_886] {strides = array<i32>} : memref<656xf32, #tpu.memory_space<vmem>>, vector<16xf32>,
    %mul3A_888 = arith.mulf %mul3A_883, %get3A_887 : vector<16xf32>
    %swap3A_889 = arith.constant 128 : index
    %swap3A_890 = tpu.vector_load %arg19[%swap3A_889] {strides = array<i32>} : memref<656xf32, #tpu.memory_space<vmem>>, vector<16xf32>,
    tpu.vector_store %arg19[%swap3A_889], %mul3A_888 {strides = array<i32>} : memref<656xf32, #tpu.memory_space<vmem>>, vector<16xf32>,
    %get3A_891 = arith.constant 144 : index
    %get3A_892 = tpu.vector_load %arg18[%get3A_891] {strides = array<i32>} : memref<656xf32, #tpu.memory_space<vmem>>, vector<16xf32>,
    %bitcast3A_893 = vector.bitcast %get3A_892 : vector<16xf32> to vector<16xi32>
    %shift_right_logical3A_894 = arith.constant 1 : i32
    %shift_right_logical3A_895 = vector.broadcast %shift_right_logical3A_894 : i32 to vector<16xi32>
    %shift_right_logical3A_896 = arith.shrui %bitcast3A_893, %shift_right_logical3A_895 : vector<16xi32>
    %sub3A_897 = arith.constant 1597463007 : i32
    %sub3A_898 = vector.broadcast %sub3A_897 : i32 to vector<16xi32>
    %sub3A_899 = arith.subi %sub3A_898, %shift_right_logical3A_896 : vector<16xi32>
    %bitcast3A_900 = vector.bitcast %sub3A_899 : vector<16xi32> to vector<16xf32>
    %mul3A_901 = arith.constant 5.000000e-01 : f32
    %mul3A_902 = vector.broadcast %mul3A_901 : f32 to vector<16xf32>
    %mul3A_903 = arith.mulf %mul3A_902, %get3A_892 : vector<16xf32>
    %mul3A_904 = arith.mulf %mul3A_903, %bitcast3A_900 : vector<16xf32>
    %mul3A_905 = arith.mulf %mul3A_904, %bitcast3A_900 : vector<16xf32>
    %sub3A_906 = arith.constant 1.500000e+00 : f32
    %sub3A_907 = vector.broadcast %sub3A_906 : f32 to vector<16xf32>
    %sub3A_908 = arith.subf %sub3A_907, %mul3A_905 : vector<16xf32>
    %mul3A_909 = arith.mulf %bitcast3A_900, %sub3A_908 : vector<16xf32>
    %mul3A_910 = arith.constant 5.000000e-01 : f32
    %mul3A_911 = vector.broadcast %mul3A_910 : f32 to vector<16xf32>
    %mul3A_912 = arith.mulf %mul3A_911, %get3A_892 : vector<16xf32>
    %mul3A_913 = arith.mulf %mul3A_912, %mul3A_909 : vector<16xf32>
    %mul3A_914 = arith.mulf %mul3A_913, %mul3A_909 : vector<16xf32>
    %sub3A_915 = arith.constant 1.500000e+00 : f32
    %sub3A_916 = vector.broadcast %sub3A_915 : f32 to vector<16xf32>
    %sub3A_917 = arith.subf %sub3A_916, %mul3A_914 : vector<16xf32>
    %mul3A_918 = arith.mulf %mul3A_909, %sub3A_917 : vector<16xf32>
    %mul3A_919 = arith.constant 5.000000e-01 : f32
    %mul3A_920 = vector.broadcast %mul3A_919 : f32 to vector<16xf32>
    %mul3A_921 = arith.mulf %mul3A_920, %get3A_892 : vector<16xf32>
    %mul3A_922 = arith.mulf %mul3A_921, %mul3A_918 : vector<16xf32>
    %mul3A_923 = arith.mulf %mul3A_922, %mul3A_918 : vector<16xf32>
    %sub3A_924 = arith.constant 1.500000e+00 : f32
    %sub3A_925 = vector.broadcast %sub3A_924 : f32 to vector<16xf32>
    %sub3A_926 = arith.subf %sub3A_925, %mul3A_923 : vector<16xf32>
    %mul3A_927 = arith.mulf %mul3A_918, %sub3A_926 : vector<16xf32>
    %swap3A_928 = arith.constant 144 : index
    %swap3A_929 = tpu.vector_load %arg17[%swap3A_928] {strides = array<i32>} : memref<656xf32, #tpu.memory_space<vmem>>, vector<16xf32>,
    tpu.vector_store %arg17[%swap3A_928], %mul3A_927 {strides = array<i32>} : memref<656xf32, #tpu.memory_space<vmem>>, vector<16xf32>,
    %get3A_930 = arith.constant 144 : index
    %get3A_931 = tpu.vector_load %arg16[%get3A_930] {strides = array<i32>} : memref<656xf32, #tpu.memory_space<vmem>>, vector<16xf32>,
    %mul3A_932 = arith.mulf %mul3A_927, %get3A_931 : vector<16xf32>
    %swap3A_933 = arith.constant 144 : index
    %swap3A_934 = tpu.vector_load %arg19[%swap3A_933] {strides = array<i32>} : memref<656xf32, #tpu.memory_space<vmem>>, vector<16xf32>,
    tpu.vector_store %arg19[%swap3A_933], %mul3A_932 {strides = array<i32>} : memref<656xf32, #tpu.memory_space<vmem>>, vector<16xf32>,
    %get3A_935 = arith.constant 160 : index
    %get3A_936 = tpu.vector_load %arg18[%get3A_935] {strides = array<i32>} : memref<656xf32, #tpu.memory_space<vmem>>, vector<16xf32>,
    %bitcast3A_937 = vector.bitcast %get3A_936 : vector<16xf32> to vector<16xi32>
    %shift_right_logical3A_938 = arith.constant 1 : i32
    %shift_right_logical3A_939 = vector.broadcast %shift_right_logical3A_938 : i32 to vector<16xi32>
    %shift_right_logical3A_940 = arith.shrui %bitcast3A_937, %shift_right_logical3A_939 : vector<16xi32>
    %sub3A_941 = arith.constant 1597463007 : i32
    %sub3A_942 = vector.broadcast %sub3A_941 : i32 to vector<16xi32>
    %sub3A_943 = arith.subi %sub3A_942, %shift_right_logical3A_940 : vector<16xi32>
    %bitcast3A_944 = vector.bitcast %sub3A_943 : vector<16xi32> to vector<16xf32>
    %mul3A_945 = arith.constant 5.000000e-01 : f32
    %mul3A_946 = vector.broadcast %mul3A_945 : f32 to vector<16xf32>
    %mul3A_947 = arith.mulf %mul3A_946, %get3A_936 : vector<16xf32>
    %mul3A_948 = arith.mulf %mul3A_947, %bitcast3A_944 : vector<16xf32>
    %mul3A_949 = arith.mulf %mul3A_948, %bitcast3A_944 : vector<16xf32>
    %sub3A_950 = arith.constant 1.500000e+00 : f32
    %sub3A_951 = vector.broadcast %sub3A_950 : f32 to vector<16xf32>
    %sub3A_952 = arith.subf %sub3A_951, %mul3A_949 : vector<16xf32>
    %mul3A_953 = arith.mulf %bitcast3A_944, %sub3A_952 : vector<16xf32>
    %mul3A_954 = arith.constant 5.000000e-01 : f32
    %mul3A_955 = vector.broadcast %mul3A_954 : f32 to vector<16xf32>
    %mul3A_956 = arith.mulf %mul3A_955, %get3A_936 : vector<16xf32>
    %mul3A_957 = arith.mulf %mul3A_956, %mul3A_953 : vector<16xf32>
    %mul3A_958 = arith.mulf %mul3A_957, %mul3A_953 : vector<16xf32>
    %sub3A_959 = arith.constant 1.500000e+00 : f32
    %sub3A_960 = vector.broadcast %sub3A_959 : f32 to vector<16xf32>
    %sub3A_961 = arith.subf %sub3A_960, %mul3A_958 : vector<16xf32>
    %mul3A_962 = arith.mulf %mul3A_953, %sub3A_961 : vector<16xf32>
    %mul3A_963 = arith.constant 5.000000e-01 : f32
    %mul3A_964 = vector.broadcast %mul3A_963 : f32 to vector<16xf32>
    %mul3A_965 = arith.mulf %mul3A_964, %get3A_936 : vector<16xf32>
    %mul3A_966 = arith.mulf %mul3A_965, %mul3A_962 : vector<16xf32>
    %mul3A_967 = arith.mulf %mul3A_966, %mul3A_962 : vector<16xf32>
    %sub3A_968 = arith.constant 1.500000e+00 : f32
    %sub3A_969 = vector.broadcast %sub3A_968 : f32 to vector<16xf32>
    %sub3A_970 = arith.subf %sub3A_969, %mul3A_967 : vector<16xf32>
    %mul3A_971 = arith.mulf %mul3A_962, %sub3A_970 : vector<16xf32>
    %swap3A_972 = arith.constant 160 : index
    %swap3A_973 = tpu.vector_load %arg17[%swap3A_972] {strides = array<i32>} : memref<656xf32, #tpu.memory_space<vmem>>, vector<16xf32>,
    tpu.vector_store %arg17[%swap3A_972], %mul3A_971 {strides = array<i32>} : memref<656xf32, #tpu.memory_space<vmem>>, vector<16xf32>,
    %get3A_974 = arith.constant 160 : index
    %get3A_975 = tpu.vector_load %arg16[%get3A_974] {strides = array<i32>} : memref<656xf32, #tpu.memory_space<vmem>>, vector<16xf32>,
    %mul3A_976 = arith.mulf %mul3A_971, %get3A_975 : vector<16xf32>
    %swap3A_977 = arith.constant 160 : index
    %swap3A_978 = tpu.vector_load %arg19[%swap3A_977] {strides = array<i32>} : memref<656xf32, #tpu.memory_space<vmem>>, vector<16xf32>,
    tpu.vector_store %arg19[%swap3A_977], %mul3A_976 {strides = array<i32>} : memref<656xf32, #tpu.memory_space<vmem>>, vector<16xf32>,
    %get3A_979 = arith.constant 176 : index
    %get3A_980 = tpu.vector_load %arg18[%get3A_979] {strides = array<i32>} : memref<656xf32, #tpu.memory_space<vmem>>, vector<16xf32>,
    %bitcast3A_981 = vector.bitcast %get3A_980 : vector<16xf32> to vector<16xi32>
    %shift_right_logical3A_982 = arith.constant 1 : i32
    %shift_right_logical3A_983 = vector.broadcast %shift_right_logical3A_982 : i32 to vector<16xi32>
    %shift_right_logical3A_984 = arith.shrui %bitcast3A_981, %shift_right_logical3A_983 : vector<16xi32>
    %sub3A_985 = arith.constant 1597463007 : i32
    %sub3A_986 = vector.broadcast %sub3A_985 : i32 to vector<16xi32>
    %sub3A_987 = arith.subi %sub3A_986, %shift_right_logical3A_984 : vector<16xi32>
    %bitcast3A_988 = vector.bitcast %sub3A_987 : vector<16xi32> to vector<16xf32>
    %mul3A_989 = arith.constant 5.000000e-01 : f32
    %mul3A_990 = vector.broadcast %mul3A_989 : f32 to vector<16xf32>
    %mul3A_991 = arith.mulf %mul3A_990, %get3A_980 : vector<16xf32>
    %mul3A_992 = arith.mulf %mul3A_991, %bitcast3A_988 : vector<16xf32>
    %mul3A_993 = arith.mulf %mul3A_992, %bitcast3A_988 : vector<16xf32>
    %sub3A_994 = arith.constant 1.500000e+00 : f32
    %sub3A_995 = vector.broadcast %sub3A_994 : f32 to vector<16xf32>
    %sub3A_996 = arith.subf %sub3A_995, %mul3A_993 : vector<16xf32>
    %mul3A_997 = arith.mulf %bitcast3A_988, %sub3A_996 : vector<16xf32>
    %mul3A_998 = arith.constant 5.000000e-01 : f32
    %mul3A_999 = vector.broadcast %mul3A_998 : f32 to vector<16xf32>
    %mul3A_1000 = arith.mulf %mul3A_999, %get3A_980 : vector<16xf32>
    %mul3A_1001 = arith.mulf %mul3A_1000, %mul3A_997 : vector<16xf32>
    %mul3A_1002 = arith.mulf %mul3A_1001, %mul3A_997 : vector<16xf32>
    %sub3A_1003 = arith.constant 1.500000e+00 : f32
    %sub3A_1004 = vector.broadcast %sub3A_1003 : f32 to vector<16xf32>
    %sub3A_1005 = arith.subf %sub3A_1004, %mul3A_1002 : vector<16xf32>
    %mul3A_1006 = arith.mulf %mul3A_997, %sub3A_1005 : vector<16xf32>
    %mul3A_1007 = arith.constant 5.000000e-01 : f32
    %mul3A_1008 = vector.broadcast %mul3A_1007 : f32 to vector<16xf32>
    %mul3A_1009 = arith.mulf %mul3A_1008, %get3A_980 : vector<16xf32>
    %mul3A_1010 = arith.mulf %mul3A_1009, %mul3A_1006 : vector<16xf32>
    %mul3A_1011 = arith.mulf %mul3A_1010, %mul3A_1006 : vector<16xf32>
    %sub3A_1012 = arith.constant 1.500000e+00 : f32
    %sub3A_1013 = vector.broadcast %sub3A_1012 : f32 to vector<16xf32>
    %sub3A_1014 = arith.subf %sub3A_1013, %mul3A_1011 : vector<16xf32>
    %mul3A_1015 = arith.mulf %mul3A_1006, %sub3A_1014 : vector<16xf32>
    %swap3A_1016 = arith.constant 176 : index
    %swap3A_1017 = tpu.vector_load %arg17[%swap3A_1016] {strides = array<i32>} : memref<656xf32, #tpu.memory_space<vmem>>, vector<16xf32>,
    tpu.vector_store %arg17[%swap3A_1016], %mul3A_1015 {strides = array<i32>} : memref<656xf32, #tpu.memory_space<vmem>>, vector<16xf32>,
    %get3A_1018 = arith.constant 176 : index
    %get3A_1019 = tpu.vector_load %arg16[%get3A_1018] {strides = array<i32>} : memref<656xf32, #tpu.memory_space<vmem>>, vector<16xf32>,
    %mul3A_1020 = arith.mulf %mul3A_1015, %get3A_1019 : vector<16xf32>
    %swap3A_1021 = arith.constant 176 : index
    %swap3A_1022 = tpu.vector_load %arg19[%swap3A_1021] {strides = array<i32>} : memref<656xf32, #tpu.memory_space<vmem>>, vector<16xf32>,
    tpu.vector_store %arg19[%swap3A_1021], %mul3A_1020 {strides = array<i32>} : memref<656xf32, #tpu.memory_space<vmem>>, vector<16xf32>,
    %get3A_1023 = arith.constant 192 : index
    %get3A_1024 = tpu.vector_load %arg18[%get3A_1023] {strides = array<i32>} : memref<656xf32, #tpu.memory_space<vmem>>, vector<16xf32>,
    %bitcast3A_1025 = vector.bitcast %get3A_1024 : vector<16xf32> to vector<16xi32>
    %shift_right_logical3A_1026 = arith.constant 1 : i32
    %shift_right_logical3A_1027 = vector.broadcast %shift_right_logical3A_1026 : i32 to vector<16xi32>
    %shift_right_logical3A_1028 = arith.shrui %bitcast3A_1025, %shift_right_logical3A_1027 : vector<16xi32>
    %sub3A_1029 = arith.constant 1597463007 : i32
    %sub3A_1030 = vector.broadcast %sub3A_1029 : i32 to vector<16xi32>
    %sub3A_1031 = arith.subi %sub3A_1030, %shift_right_logical3A_1028 : vector<16xi32>
    %bitcast3A_1032 = vector.bitcast %sub3A_1031 : vector<16xi32> to vector<16xf32>
    %mul3A_1033 = arith.constant 5.000000e-01 : f32
    %mul3A_1034 = vector.broadcast %mul3A_1033 : f32 to vector<16xf32>
    %mul3A_1035 = arith.mulf %mul3A_1034, %get3A_1024 : vector<16xf32>
    %mul3A_1036 = arith.mulf %mul3A_1035, %bitcast3A_1032 : vector<16xf32>
    %mul3A_1037 = arith.mulf %mul3A_1036, %bitcast3A_1032 : vector<16xf32>
    %sub3A_1038 = arith.constant 1.500000e+00 : f32
    %sub3A_1039 = vector.broadcast %sub3A_1038 : f32 to vector<16xf32>
    %sub3A_1040 = arith.subf %sub3A_1039, %mul3A_1037 : vector<16xf32>
    %mul3A_1041 = arith.mulf %bitcast3A_1032, %sub3A_1040 : vector<16xf32>
    %mul3A_1042 = arith.constant 5.000000e-01 : f32
    %mul3A_1043 = vector.broadcast %mul3A_1042 : f32 to vector<16xf32>
    %mul3A_1044 = arith.mulf %mul3A_1043, %get3A_1024 : vector<16xf32>
    %mul3A_1045 = arith.mulf %mul3A_1044, %mul3A_1041 : vector<16xf32>
    %mul3A_1046 = arith.mulf %mul3A_1045, %mul3A_1041 : vector<16xf32>
    %sub3A_1047 = arith.constant 1.500000e+00 : f32
    %sub3A_1048 = vector.broadcast %sub3A_1047 : f32 to vector<16xf32>
    %sub3A_1049 = arith.subf %sub3A_1048, %mul3A_1046 : vector<16xf32>
    %mul3A_1050 = arith.mulf %mul3A_1041, %sub3A_1049 : vector<16xf32>
    %mul3A_1051 = arith.constant 5.000000e-01 : f32
    %mul3A_1052 = vector.broadcast %mul3A_1051 : f32 to vector<16xf32>
    %mul3A_1053 = arith.mulf %mul3A_1052, %get3A_1024 : vector<16xf32>
    %mul3A_1054 = arith.mulf %mul3A_1053, %mul3A_1050 : vector<16xf32>
    %mul3A_1055 = arith.mulf %mul3A_1054, %mul3A_1050 : vector<16xf32>
    %sub3A_1056 = arith.constant 1.500000e+00 : f32
    %sub3A_1057 = vector.broadcast %sub3A_1056 : f32 to vector<16xf32>
    %sub3A_1058 = arith.subf %sub3A_1057, %mul3A_1055 : vector<16xf32>
    %mul3A_1059 = arith.mulf %mul3A_1050, %sub3A_1058 : vector<16xf32>
    %swap3A_1060 = arith.constant 192 : index
    %swap3A_1061 = tpu.vector_load %arg17[%swap3A_1060] {strides = array<i32>} : memref<656xf32, #tpu.memory_space<vmem>>, vector<16xf32>,
    tpu.vector_store %arg17[%swap3A_1060], %mul3A_1059 {strides = array<i32>} : memref<656xf32, #tpu.memory_space<vmem>>, vector<16xf32>,
    %get3A_1062 = arith.constant 192 : index
    %get3A_1063 = tpu.vector_load %arg16[%get3A_1062] {strides = array<i32>} : memref<656xf32, #tpu.memory_space<vmem>>, vector<16xf32>,
    %mul3A_1064 = arith.mulf %mul3A_1059, %get3A_1063 : vector<16xf32>
    %swap3A_1065 = arith.constant 192 : index
    %swap3A_1066 = tpu.vector_load %arg19[%swap3A_1065] {strides = array<i32>} : memref<656xf32, #tpu.memory_space<vmem>>, vector<16xf32>,
    tpu.vector_store %arg19[%swap3A_1065], %mul3A_1064 {strides = array<i32>} : memref<656xf32, #tpu.memory_space<vmem>>, vector<16xf32>,
    %get3A_1067 = arith.constant 208 : index
    %get3A_1068 = tpu.vector_load %arg18[%get3A_1067] {strides = array<i32>} : memref<656xf32, #tpu.memory_space<vmem>>, vector<16xf32>,
    %bitcast3A_1069 = vector.bitcast %get3A_1068 : vector<16xf32> to vector<16xi32>
    %shift_right_logical3A_1070 = arith.constant 1 : i32
    %shift_right_logical3A_1071 = vector.broadcast %shift_right_logical3A_1070 : i32 to vector<16xi32>
    %shift_right_logical3A_1072 = arith.shrui %bitcast3A_1069, %shift_right_logical3A_1071 : vector<16xi32>
    %sub3A_1073 = arith.constant 1597463007 : i32
    %sub3A_1074 = vector.broadcast %sub3A_1073 : i32 to vector<16xi32>
    %sub3A_1075 = arith.subi %sub3A_1074, %shift_right_logical3A_1072 : vector<16xi32>
    %bitcast3A_1076 = vector.bitcast %sub3A_1075 : vector<16xi32> to vector<16xf32>
    %mul3A_1077 = arith.constant 5.000000e-01 : f32
    %mul3A_1078 = vector.broadcast %mul3A_1077 : f32 to vector<16xf32>
    %mul3A_1079 = arith.mulf %mul3A_1078, %get3A_1068 : vector<16xf32>
    %mul3A_1080 = arith.mulf %mul3A_1079, %bitcast3A_1076 : vector<16xf32>
    %mul3A_1081 = arith.mulf %mul3A_1080, %bitcast3A_1076 : vector<16xf32>
    %sub3A_1082 = arith.constant 1.500000e+00 : f32
    %sub3A_1083 = vector.broadcast %sub3A_1082 : f32 to vector<16xf32>
    %sub3A_1084 = arith.subf %sub3A_1083, %mul3A_1081 : vector<16xf32>
    %mul3A_1085 = arith.mulf %bitcast3A_1076, %sub3A_1084 : vector<16xf32>
    %mul3A_1086 = arith.constant 5.000000e-01 : f32
    %mul3A_1087 = vector.broadcast %mul3A_1086 : f32 to vector<16xf32>
    %mul3A_1088 = arith.mulf %mul3A_1087, %get3A_1068 : vector<16xf32>
    %mul3A_1089 = arith.mulf %mul3A_1088, %mul3A_1085 : vector<16xf32>
    %mul3A_1090 = arith.mulf %mul3A_1089, %mul3A_1085 : vector<16xf32>
    %sub3A_1091 = arith.constant 1.500000e+00 : f32
    %sub3A_1092 = vector.broadcast %sub3A_1091 : f32 to vector<16xf32>
    %sub3A_1093 = arith.subf %sub3A_1092, %mul3A_1090 : vector<16xf32>
    %mul3A_1094 = arith.mulf %mul3A_1085, %sub3A_1093 : vector<16xf32>
    %mul3A_1095 = arith.constant 5.000000e-01 : f32
    %mul3A_1096 = vector.broadcast %mul3A_1095 : f32 to vector<16xf32>
    %mul3A_1097 = arith.mulf %mul3A_1096, %get3A_1068 : vector<16xf32>
    %mul3A_1098 = arith.mulf %mul3A_1097, %mul3A_1094 : vector<16xf32>
    %mul3A_1099 = arith.mulf %mul3A_1098, %mul3A_1094 : vector<16xf32>
    %sub3A_1100 = arith.constant 1.500000e+00 : f32
    %sub3A_1101 = vector.broadcast %sub3A_1100 : f32 to vector<16xf32>
    %sub3A_1102 = arith.subf %sub3A_1101, %mul3A_1099 : vector<16xf32>
    %mul3A_1103 = arith.mulf %mul3A_1094, %sub3A_1102 : vector<16xf32>
    %swap3A_1104 = arith.constant 208 : index
    %swap3A_1105 = tpu.vector_load %arg17[%swap3A_1104] {strides = array<i32>} : memref<656xf32, #tpu.memory_space<vmem>>, vector<16xf32>,
    tpu.vector_store %arg17[%swap3A_1104], %mul3A_1103 {strides = array<i32>} : memref<656xf32, #tpu.memory_space<vmem>>, vector<16xf32>,
    %get3A_1106 = arith.constant 208 : index
    %get3A_1107 = tpu.vector_load %arg16[%get3A_1106] {strides = array<i32>} : memref<656xf32, #tpu.memory_space<vmem>>, vector<16xf32>,
    %mul3A_1108 = arith.mulf %mul3A_1103, %get3A_1107 : vector<16xf32>
    %swap3A_1109 = arith.constant 208 : index
    %swap3A_1110 = tpu.vector_load %arg19[%swap3A_1109] {strides = array<i32>} : memref<656xf32, #tpu.memory_space<vmem>>, vector<16xf32>,
    tpu.vector_store %arg19[%swap3A_1109], %mul3A_1108 {strides = array<i32>} : memref<656xf32, #tpu.memory_space<vmem>>, vector<16xf32>,
    %get3A_1111 = arith.constant 224 : index
    %get3A_1112 = tpu.vector_load %arg18[%get3A_1111] {strides = array<i32>} : memref<656xf32, #tpu.memory_space<vmem>>, vector<16xf32>,
    %bitcast3A_1113 = vector.bitcast %get3A_1112 : vector<16xf32> to vector<16xi32>
    %shift_right_logical3A_1114 = arith.constant 1 : i32
    %shift_right_logical3A_1115 = vector.broadcast %shift_right_logical3A_1114 : i32 to vector<16xi32>
    %shift_right_logical3A_1116 = arith.shrui %bitcast3A_1113, %shift_right_logical3A_1115 : vector<16xi32>
    %sub3A_1117 = arith.constant 1597463007 : i32
    %sub3A_1118 = vector.broadcast %sub3A_1117 : i32 to vector<16xi32>
    %sub3A_1119 = arith.subi %sub3A_1118, %shift_right_logical3A_1116 : vector<16xi32>
    %bitcast3A_1120 = vector.bitcast %sub3A_1119 : vector<16xi32> to vector<16xf32>
    %mul3A_1121 = arith.constant 5.000000e-01 : f32
    %mul3A_1122 = vector.broadcast %mul3A_1121 : f32 to vector<16xf32>
    %mul3A_1123 = arith.mulf %mul3A_1122, %get3A_1112 : vector<16xf32>
    %mul3A_1124 = arith.mulf %mul3A_1123, %bitcast3A_1120 : vector<16xf32>
    %mul3A_1125 = arith.mulf %mul3A_1124, %bitcast3A_1120 : vector<16xf32>
    %sub3A_1126 = arith.constant 1.500000e+00 : f32
    %sub3A_1127 = vector.broadcast %sub3A_1126 : f32 to vector<16xf32>
    %sub3A_1128 = arith.subf %sub3A_1127, %mul3A_1125 : vector<16xf32>
    %mul3A_1129 = arith.mulf %bitcast3A_1120, %sub3A_1128 : vector<16xf32>
    %mul3A_1130 = arith.constant 5.000000e-01 : f32
    %mul3A_1131 = vector.broadcast %mul3A_1130 : f32 to vector<16xf32>
    %mul3A_1132 = arith.mulf %mul3A_1131, %get3A_1112 : vector<16xf32>
    %mul3A_1133 = arith.mulf %mul3A_1132, %mul3A_1129 : vector<16xf32>
    %mul3A_1134 = arith.mulf %mul3A_1133, %mul3A_1129 : vector<16xf32>
    %sub3A_1135 = arith.constant 1.500000e+00 : f32
    %sub3A_1136 = vector.broadcast %sub3A_1135 : f32 to vector<16xf32>
    %sub3A_1137 = arith.subf %sub3A_1136, %mul3A_1134 : vector<16xf32>
    %mul3A_1138 = arith.mulf %mul3A_1129, %sub3A_1137 : vector<16xf32>
    %mul3A_1139 = arith.constant 5.000000e-01 : f32
    %mul3A_1140 = vector.broadcast %mul3A_1139 : f32 to vector<16xf32>
    %mul3A_1141 = arith.mulf %mul3A_1140, %get3A_1112 : vector<16xf32>
    %mul3A_1142 = arith.mulf %mul3A_1141, %mul3A_1138 : vector<16xf32>
    %mul3A_1143 = arith.mulf %mul3A_1142, %mul3A_1138 : vector<16xf32>
    %sub3A_1144 = arith.constant 1.500000e+00 : f32
    %sub3A_1145 = vector.broadcast %sub3A_1144 : f32 to vector<16xf32>
    %sub3A_1146 = arith.subf %sub3A_1145, %mul3A_1143 : vector<16xf32>
    %mul3A_1147 = arith.mulf %mul3A_1138, %sub3A_1146 : vector<16xf32>
    %swap3A_1148 = arith.constant 224 : index
    %swap3A_1149 = tpu.vector_load %arg17[%swap3A_1148] {strides = array<i32>} : memref<656xf32, #tpu.memory_space<vmem>>, vector<16xf32>,
    tpu.vector_store %arg17[%swap3A_1148], %mul3A_1147 {strides = array<i32>} : memref<656xf32, #tpu.memory_space<vmem>>, vector<16xf32>,
    %get3A_1150 = arith.constant 224 : index
    %get3A_1151 = tpu.vector_load %arg16[%get3A_1150] {strides = array<i32>} : memref<656xf32, #tpu.memory_space<vmem>>, vector<16xf32>,
    %mul3A_1152 = arith.mulf %mul3A_1147, %get3A_1151 : vector<16xf32>
    %swap3A_1153 = arith.constant 224 : index
    %swap3A_1154 = tpu.vector_load %arg19[%swap3A_1153] {strides = array<i32>} : memref<656xf32, #tpu.memory_space<vmem>>, vector<16xf32>,
    tpu.vector_store %arg19[%swap3A_1153], %mul3A_1152 {strides = array<i32>} : memref<656xf32, #tpu.memory_space<vmem>>, vector<16xf32>,
    %get3A_1155 = arith.constant 240 : index
    %get3A_1156 = tpu.vector_load %arg18[%get3A_1155] {strides = array<i32>} : memref<656xf32, #tpu.memory_space<vmem>>, vector<16xf32>,
    %bitcast3A_1157 = vector.bitcast %get3A_1156 : vector<16xf32> to vector<16xi32>
    %shift_right_logical3A_1158 = arith.constant 1 : i32
    %shift_right_logical3A_1159 = vector.broadcast %shift_right_logical3A_1158 : i32 to vector<16xi32>
    %shift_right_logical3A_1160 = arith.shrui %bitcast3A_1157, %shift_right_logical3A_1159 : vector<16xi32>
    %sub3A_1161 = arith.constant 1597463007 : i32
    %sub3A_1162 = vector.broadcast %sub3A_1161 : i32 to vector<16xi32>
    %sub3A_1163 = arith.subi %sub3A_1162, %shift_right_logical3A_1160 : vector<16xi32>
    %bitcast3A_1164 = vector.bitcast %sub3A_1163 : vector<16xi32> to vector<16xf32>
    %mul3A_1165 = arith.constant 5.000000e-01 : f32
    %mul3A_1166 = vector.broadcast %mul3A_1165 : f32 to vector<16xf32>
    %mul3A_1167 = arith.mulf %mul3A_1166, %get3A_1156 : vector<16xf32>
    %mul3A_1168 = arith.mulf %mul3A_1167, %bitcast3A_1164 : vector<16xf32>
    %mul3A_1169 = arith.mulf %mul3A_1168, %bitcast3A_1164 : vector<16xf32>
    %sub3A_1170 = arith.constant 1.500000e+00 : f32
    %sub3A_1171 = vector.broadcast %sub3A_1170 : f32 to vector<16xf32>
    %sub3A_1172 = arith.subf %sub3A_1171, %mul3A_1169 : vector<16xf32>
    %mul3A_1173 = arith.mulf %bitcast3A_1164, %sub3A_1172 : vector<16xf32>
    %mul3A_1174 = arith.constant 5.000000e-01 : f32
    %mul3A_1175 = vector.broadcast %mul3A_1174 : f32 to vector<16xf32>
    %mul3A_1176 = arith.mulf %mul3A_1175, %get3A_1156 : vector<16xf32>
    %mul3A_1177 = arith.mulf %mul3A_1176, %mul3A_1173 : vector<16xf32>
    %mul3A_1178 = arith.mulf %mul3A_1177, %mul3A_1173 : vector<16xf32>
    %sub3A_1179 = arith.constant 1.500000e+00 : f32
    %sub3A_1180 = vector.broadcast %sub3A_1179 : f32 to vector<16xf32>
    %sub3A_1181 = arith.subf %sub3A_1180, %mul3A_1178 : vector<16xf32>
    %mul3A_1182 = arith.mulf %mul3A_1173, %sub3A_1181 : vector<16xf32>
    %mul3A_1183 = arith.constant 5.000000e-01 : f32
    %mul3A_1184 = vector.broadcast %mul3A_1183 : f32 to vector<16xf32>
    %mul3A_1185 = arith.mulf %mul3A_1184, %get3A_1156 : vector<16xf32>
    %mul3A_1186 = arith.mulf %mul3A_1185, %mul3A_1182 : vector<16xf32>
    %mul3A_1187 = arith.mulf %mul3A_1186, %mul3A_1182 : vector<16xf32>
    %sub3A_1188 = arith.constant 1.500000e+00 : f32
    %sub3A_1189 = vector.broadcast %sub3A_1188 : f32 to vector<16xf32>
    %sub3A_1190 = arith.subf %sub3A_1189, %mul3A_1187 : vector<16xf32>
    %mul3A_1191 = arith.mulf %mul3A_1182, %sub3A_1190 : vector<16xf32>
    %swap3A_1192 = arith.constant 240 : index
    %swap3A_1193 = tpu.vector_load %arg17[%swap3A_1192] {strides = array<i32>} : memref<656xf32, #tpu.memory_space<vmem>>, vector<16xf32>,
    tpu.vector_store %arg17[%swap3A_1192], %mul3A_1191 {strides = array<i32>} : memref<656xf32, #tpu.memory_space<vmem>>, vector<16xf32>,
    %get3A_1194 = arith.constant 240 : index
    %get3A_1195 = tpu.vector_load %arg16[%get3A_1194] {strides = array<i32>} : memref<656xf32, #tpu.memory_space<vmem>>, vector<16xf32>,
    %mul3A_1196 = arith.mulf %mul3A_1191, %get3A_1195 : vector<16xf32>
    %swap3A_1197 = arith.constant 240 : index
    %swap3A_1198 = tpu.vector_load %arg19[%swap3A_1197] {strides = array<i32>} : memref<656xf32, #tpu.memory_space<vmem>>, vector<16xf32>,
    tpu.vector_store %arg19[%swap3A_1197], %mul3A_1196 {strides = array<i32>} : memref<656xf32, #tpu.memory_space<vmem>>, vector<16xf32>,
    %get3A_1199 = arith.constant 256 : index
    %get3A_1200 = tpu.vector_load %arg18[%get3A_1199] {strides = array<i32>} : memref<656xf32, #tpu.memory_space<vmem>>, vector<16xf32>,
    %bitcast3A_1201 = vector.bitcast %get3A_1200 : vector<16xf32> to vector<16xi32>
    %shift_right_logical3A_1202 = arith.constant 1 : i32
    %shift_right_logical3A_1203 = vector.broadcast %shift_right_logical3A_1202 : i32 to vector<16xi32>
    %shift_right_logical3A_1204 = arith.shrui %bitcast3A_1201, %shift_right_logical3A_1203 : vector<16xi32>
    %sub3A_1205 = arith.constant 1597463007 : i32
    %sub3A_1206 = vector.broadcast %sub3A_1205 : i32 to vector<16xi32>
    %sub3A_1207 = arith.subi %sub3A_1206, %shift_right_logical3A_1204 : vector<16xi32>
    %bitcast3A_1208 = vector.bitcast %sub3A_1207 : vector<16xi32> to vector<16xf32>
    %mul3A_1209 = arith.constant 5.000000e-01 : f32
    %mul3A_1210 = vector.broadcast %mul3A_1209 : f32 to vector<16xf32>
    %mul3A_1211 = arith.mulf %mul3A_1210, %get3A_1200 : vector<16xf32>
    %mul3A_1212 = arith.mulf %mul3A_1211, %bitcast3A_1208 : vector<16xf32>
    %mul3A_1213 = arith.mulf %mul3A_1212, %bitcast3A_1208 : vector<16xf32>
    %sub3A_1214 = arith.constant 1.500000e+00 : f32
    %sub3A_1215 = vector.broadcast %sub3A_1214 : f32 to vector<16xf32>
    %sub3A_1216 = arith.subf %sub3A_1215, %mul3A_1213 : vector<16xf32>
    %mul3A_1217 = arith.mulf %bitcast3A_1208, %sub3A_1216 : vector<16xf32>
    %mul3A_1218 = arith.constant 5.000000e-01 : f32
    %mul3A_1219 = vector.broadcast %mul3A_1218 : f32 to vector<16xf32>
    %mul3A_1220 = arith.mulf %mul3A_1219, %get3A_1200 : vector<16xf32>
    %mul3A_1221 = arith.mulf %mul3A_1220, %mul3A_1217 : vector<16xf32>
    %mul3A_1222 = arith.mulf %mul3A_1221, %mul3A_1217 : vector<16xf32>
    %sub3A_1223 = arith.constant 1.500000e+00 : f32
    %sub3A_1224 = vector.broadcast %sub3A_1223 : f32 to vector<16xf32>
    %sub3A_1225 = arith.subf %sub3A_1224, %mul3A_1222 : vector<16xf32>
    %mul3A_1226 = arith.mulf %mul3A_1217, %sub3A_1225 : vector<16xf32>
    %mul3A_1227 = arith.constant 5.000000e-01 : f32
    %mul3A_1228 = vector.broadcast %mul3A_1227 : f32 to vector<16xf32>
    %mul3A_1229 = arith.mulf %mul3A_1228, %get3A_1200 : vector<16xf32>
    %mul3A_1230 = arith.mulf %mul3A_1229, %mul3A_1226 : vector<16xf32>
    %mul3A_1231 = arith.mulf %mul3A_1230, %mul3A_1226 : vector<16xf32>
    %sub3A_1232 = arith.constant 1.500000e+00 : f32
    %sub3A_1233 = vector.broadcast %sub3A_1232 : f32 to vector<16xf32>
    %sub3A_1234 = arith.subf %sub3A_1233, %mul3A_1231 : vector<16xf32>
    %mul3A_1235 = arith.mulf %mul3A_1226, %sub3A_1234 : vector<16xf32>
    %swap3A_1236 = arith.constant 256 : index
    %swap3A_1237 = tpu.vector_load %arg17[%swap3A_1236] {strides = array<i32>} : memref<656xf32, #tpu.memory_space<vmem>>, vector<16xf32>,
    tpu.vector_store %arg17[%swap3A_1236], %mul3A_1235 {strides = array<i32>} : memref<656xf32, #tpu.memory_space<vmem>>, vector<16xf32>,
    %get3A_1238 = arith.constant 256 : index
    %get3A_1239 = tpu.vector_load %arg16[%get3A_1238] {strides = array<i32>} : memref<656xf32, #tpu.memory_space<vmem>>, vector<16xf32>,
    %mul3A_1240 = arith.mulf %mul3A_1235, %get3A_1239 : vector<16xf32>
    %swap3A_1241 = arith.constant 256 : index
    %swap3A_1242 = tpu.vector_load %arg19[%swap3A_1241] {strides = array<i32>} : memref<656xf32, #tpu.memory_space<vmem>>, vector<16xf32>,
    tpu.vector_store %arg19[%swap3A_1241], %mul3A_1240 {strides = array<i32>} : memref<656xf32, #tpu.memory_space<vmem>>, vector<16xf32>,
    %get3A_1243 = arith.constant 272 : index
    %get3A_1244 = tpu.vector_load %arg18[%get3A_1243] {strides = array<i32>} : memref<656xf32, #tpu.memory_space<vmem>>, vector<16xf32>,
    %bitcast3A_1245 = vector.bitcast %get3A_1244 : vector<16xf32> to vector<16xi32>
    %shift_right_logical3A_1246 = arith.constant 1 : i32
    %shift_right_logical3A_1247 = vector.broadcast %shift_right_logical3A_1246 : i32 to vector<16xi32>
    %shift_right_logical3A_1248 = arith.shrui %bitcast3A_1245, %shift_right_logical3A_1247 : vector<16xi32>
    %sub3A_1249 = arith.constant 1597463007 : i32
    %sub3A_1250 = vector.broadcast %sub3A_1249 : i32 to vector<16xi32>
    %sub3A_1251 = arith.subi %sub3A_1250, %shift_right_logical3A_1248 : vector<16xi32>
    %bitcast3A_1252 = vector.bitcast %sub3A_1251 : vector<16xi32> to vector<16xf32>
    %mul3A_1253 = arith.constant 5.000000e-01 : f32
    %mul3A_1254 = vector.broadcast %mul3A_1253 : f32 to vector<16xf32>
    %mul3A_1255 = arith.mulf %mul3A_1254, %get3A_1244 : vector<16xf32>
    %mul3A_1256 = arith.mulf %mul3A_1255, %bitcast3A_1252 : vector<16xf32>
    %mul3A_1257 = arith.mulf %mul3A_1256, %bitcast3A_1252 : vector<16xf32>
    %sub3A_1258 = arith.constant 1.500000e+00 : f32
    %sub3A_1259 = vector.broadcast %sub3A_1258 : f32 to vector<16xf32>
    %sub3A_1260 = arith.subf %sub3A_1259, %mul3A_1257 : vector<16xf32>
    %mul3A_1261 = arith.mulf %bitcast3A_1252, %sub3A_1260 : vector<16xf32>
    %mul3A_1262 = arith.constant 5.000000e-01 : f32
    %mul3A_1263 = vector.broadcast %mul3A_1262 : f32 to vector<16xf32>
    %mul3A_1264 = arith.mulf %mul3A_1263, %get3A_1244 : vector<16xf32>
    %mul3A_1265 = arith.mulf %mul3A_1264, %mul3A_1261 : vector<16xf32>
    %mul3A_1266 = arith.mulf %mul3A_1265, %mul3A_1261 : vector<16xf32>
    %sub3A_1267 = arith.constant 1.500000e+00 : f32
    %sub3A_1268 = vector.broadcast %sub3A_1267 : f32 to vector<16xf32>
    %sub3A_1269 = arith.subf %sub3A_1268, %mul3A_1266 : vector<16xf32>
    %mul3A_1270 = arith.mulf %mul3A_1261, %sub3A_1269 : vector<16xf32>
    %mul3A_1271 = arith.constant 5.000000e-01 : f32
    %mul3A_1272 = vector.broadcast %mul3A_1271 : f32 to vector<16xf32>
    %mul3A_1273 = arith.mulf %mul3A_1272, %get3A_1244 : vector<16xf32>
    %mul3A_1274 = arith.mulf %mul3A_1273, %mul3A_1270 : vector<16xf32>
    %mul3A_1275 = arith.mulf %mul3A_1274, %mul3A_1270 : vector<16xf32>
    %sub3A_1276 = arith.constant 1.500000e+00 : f32
    %sub3A_1277 = vector.broadcast %sub3A_1276 : f32 to vector<16xf32>
    %sub3A_1278 = arith.subf %sub3A_1277, %mul3A_1275 : vector<16xf32>
    %mul3A_1279 = arith.mulf %mul3A_1270, %sub3A_1278 : vector<16xf32>
    %swap3A_1280 = arith.constant 272 : index
    %swap3A_1281 = tpu.vector_load %arg17[%swap3A_1280] {strides = array<i32>} : memref<656xf32, #tpu.memory_space<vmem>>, vector<16xf32>,
    tpu.vector_store %arg17[%swap3A_1280], %mul3A_1279 {strides = array<i32>} : memref<656xf32, #tpu.memory_space<vmem>>, vector<16xf32>,
    %get3A_1282 = arith.constant 272 : index
    %get3A_1283 = tpu.vector_load %arg16[%get3A_1282] {strides = array<i32>} : memref<656xf32, #tpu.memory_space<vmem>>, vector<16xf32>,
    %mul3A_1284 = arith.mulf %mul3A_1279, %get3A_1283 : vector<16xf32>
    %swap3A_1285 = arith.constant 272 : index
    %swap3A_1286 = tpu.vector_load %arg19[%swap3A_1285] {strides = array<i32>} : memref<656xf32, #tpu.memory_space<vmem>>, vector<16xf32>,
    tpu.vector_store %arg19[%swap3A_1285], %mul3A_1284 {strides = array<i32>} : memref<656xf32, #tpu.memory_space<vmem>>, vector<16xf32>,
    %get3A_1287 = arith.constant 288 : index
    %get3A_1288 = tpu.vector_load %arg18[%get3A_1287] {strides = array<i32>} : memref<656xf32, #tpu.memory_space<vmem>>, vector<16xf32>,
    %bitcast3A_1289 = vector.bitcast %get3A_1288 : vector<16xf32> to vector<16xi32>
    %shift_right_logical3A_1290 = arith.constant 1 : i32
    %shift_right_logical3A_1291 = vector.broadcast %shift_right_logical3A_1290 : i32 to vector<16xi32>
    %shift_right_logical3A_1292 = arith.shrui %bitcast3A_1289, %shift_right_logical3A_1291 : vector<16xi32>
    %sub3A_1293 = arith.constant 1597463007 : i32
    %sub3A_1294 = vector.broadcast %sub3A_1293 : i32 to vector<16xi32>
    %sub3A_1295 = arith.subi %sub3A_1294, %shift_right_logical3A_1292 : vector<16xi32>
    %bitcast3A_1296 = vector.bitcast %sub3A_1295 : vector<16xi32> to vector<16xf32>
    %mul3A_1297 = arith.constant 5.000000e-01 : f32
    %mul3A_1298 = vector.broadcast %mul3A_1297 : f32 to vector<16xf32>
    %mul3A_1299 = arith.mulf %mul3A_1298, %get3A_1288 : vector<16xf32>
    %mul3A_1300 = arith.mulf %mul3A_1299, %bitcast3A_1296 : vector<16xf32>
    %mul3A_1301 = arith.mulf %mul3A_1300, %bitcast3A_1296 : vector<16xf32>
    %sub3A_1302 = arith.constant 1.500000e+00 : f32
    %sub3A_1303 = vector.broadcast %sub3A_1302 : f32 to vector<16xf32>
    %sub3A_1304 = arith.subf %sub3A_1303, %mul3A_1301 : vector<16xf32>
    %mul3A_1305 = arith.mulf %bitcast3A_1296, %sub3A_1304 : vector<16xf32>
    %mul3A_1306 = arith.constant 5.000000e-01 : f32
    %mul3A_1307 = vector.broadcast %mul3A_1306 : f32 to vector<16xf32>
    %mul3A_1308 = arith.mulf %mul3A_1307, %get3A_1288 : vector<16xf32>
    %mul3A_1309 = arith.mulf %mul3A_1308, %mul3A_1305 : vector<16xf32>
    %mul3A_1310 = arith.mulf %mul3A_1309, %mul3A_1305 : vector<16xf32>
    %sub3A_1311 = arith.constant 1.500000e+00 : f32
    %sub3A_1312 = vector.broadcast %sub3A_1311 : f32 to vector<16xf32>
    %sub3A_1313 = arith.subf %sub3A_1312, %mul3A_1310 : vector<16xf32>
    %mul3A_1314 = arith.mulf %mul3A_1305, %sub3A_1313 : vector<16xf32>
    %mul3A_1315 = arith.constant 5.000000e-01 : f32
    %mul3A_1316 = vector.broadcast %mul3A_1315 : f32 to vector<16xf32>
    %mul3A_1317 = arith.mulf %mul3A_1316, %get3A_1288 : vector<16xf32>
    %mul3A_1318 = arith.mulf %mul3A_1317, %mul3A_1314 : vector<16xf32>
    %mul3A_1319 = arith.mulf %mul3A_1318, %mul3A_1314 : vector<16xf32>
    %sub3A_1320 = arith.constant 1.500000e+00 : f32
    %sub3A_1321 = vector.broadcast %sub3A_1320 : f32 to vector<16xf32>
    %sub3A_1322 = arith.subf %sub3A_1321, %mul3A_1319 : vector<16xf32>
    %mul3A_1323 = arith.mulf %mul3A_1314, %sub3A_1322 : vector<16xf32>
    %swap3A_1324 = arith.constant 288 : index
    %swap3A_1325 = tpu.vector_load %arg17[%swap3A_1324] {strides = array<i32>} : memref<656xf32, #tpu.memory_space<vmem>>, vector<16xf32>,
    tpu.vector_store %arg17[%swap3A_1324], %mul3A_1323 {strides = array<i32>} : memref<656xf32, #tpu.memory_space<vmem>>, vector<16xf32>,
    %get3A_1326 = arith.constant 288 : index
    %get3A_1327 = tpu.vector_load %arg16[%get3A_1326] {strides = array<i32>} : memref<656xf32, #tpu.memory_space<vmem>>, vector<16xf32>,
    %mul3A_1328 = arith.mulf %mul3A_1323, %get3A_1327 : vector<16xf32>
    %swap3A_1329 = arith.constant 288 : index
    %swap3A_1330 = tpu.vector_load %arg19[%swap3A_1329] {strides = array<i32>} : memref<656xf32, #tpu.memory_space<vmem>>, vector<16xf32>,
    tpu.vector_store %arg19[%swap3A_1329], %mul3A_1328 {strides = array<i32>} : memref<656xf32, #tpu.memory_space<vmem>>, vector<16xf32>,
    %get3A_1331 = arith.constant 304 : index
    %get3A_1332 = tpu.vector_load %arg18[%get3A_1331] {strides = array<i32>} : memref<656xf32, #tpu.memory_space<vmem>>, vector<16xf32>,
    %bitcast3A_1333 = vector.bitcast %get3A_1332 : vector<16xf32> to vector<16xi32>
    %shift_right_logical3A_1334 = arith.constant 1 : i32
    %shift_right_logical3A_1335 = vector.broadcast %shift_right_logical3A_1334 : i32 to vector<16xi32>
    %shift_right_logical3A_1336 = arith.shrui %bitcast3A_1333, %shift_right_logical3A_1335 : vector<16xi32>
    %sub3A_1337 = arith.constant 1597463007 : i32
    %sub3A_1338 = vector.broadcast %sub3A_1337 : i32 to vector<16xi32>
    %sub3A_1339 = arith.subi %sub3A_1338, %shift_right_logical3A_1336 : vector<16xi32>
    %bitcast3A_1340 = vector.bitcast %sub3A_1339 : vector<16xi32> to vector<16xf32>
    %mul3A_1341 = arith.constant 5.000000e-01 : f32
    %mul3A_1342 = vector.broadcast %mul3A_1341 : f32 to vector<16xf32>
    %mul3A_1343 = arith.mulf %mul3A_1342, %get3A_1332 : vector<16xf32>
    %mul3A_1344 = arith.mulf %mul3A_1343, %bitcast3A_1340 : vector<16xf32>
    %mul3A_1345 = arith.mulf %mul3A_1344, %bitcast3A_1340 : vector<16xf32>
    %sub3A_1346 = arith.constant 1.500000e+00 : f32
    %sub3A_1347 = vector.broadcast %sub3A_1346 : f32 to vector<16xf32>
    %sub3A_1348 = arith.subf %sub3A_1347, %mul3A_1345 : vector<16xf32>
    %mul3A_1349 = arith.mulf %bitcast3A_1340, %sub3A_1348 : vector<16xf32>
    %mul3A_1350 = arith.constant 5.000000e-01 : f32
    %mul3A_1351 = vector.broadcast %mul3A_1350 : f32 to vector<16xf32>
    %mul3A_1352 = arith.mulf %mul3A_1351, %get3A_1332 : vector<16xf32>
    %mul3A_1353 = arith.mulf %mul3A_1352, %mul3A_1349 : vector<16xf32>
    %mul3A_1354 = arith.mulf %mul3A_1353, %mul3A_1349 : vector<16xf32>
    %sub3A_1355 = arith.constant 1.500000e+00 : f32
    %sub3A_1356 = vector.broadcast %sub3A_1355 : f32 to vector<16xf32>
    %sub3A_1357 = arith.subf %sub3A_1356, %mul3A_1354 : vector<16xf32>
    %mul3A_1358 = arith.mulf %mul3A_1349, %sub3A_1357 : vector<16xf32>
    %mul3A_1359 = arith.constant 5.000000e-01 : f32
    %mul3A_1360 = vector.broadcast %mul3A_1359 : f32 to vector<16xf32>
    %mul3A_1361 = arith.mulf %mul3A_1360, %get3A_1332 : vector<16xf32>
    %mul3A_1362 = arith.mulf %mul3A_1361, %mul3A_1358 : vector<16xf32>
    %mul3A_1363 = arith.mulf %mul3A_1362, %mul3A_1358 : vector<16xf32>
    %sub3A_1364 = arith.constant 1.500000e+00 : f32
    %sub3A_1365 = vector.broadcast %sub3A_1364 : f32 to vector<16xf32>
    %sub3A_1366 = arith.subf %sub3A_1365, %mul3A_1363 : vector<16xf32>
    %mul3A_1367 = arith.mulf %mul3A_1358, %sub3A_1366 : vector<16xf32>
    %swap3A_1368 = arith.constant 304 : index
    %swap3A_1369 = tpu.vector_load %arg17[%swap3A_1368] {strides = array<i32>} : memref<656xf32, #tpu.memory_space<vmem>>, vector<16xf32>,
    tpu.vector_store %arg17[%swap3A_1368], %mul3A_1367 {strides = array<i32>} : memref<656xf32, #tpu.memory_space<vmem>>, vector<16xf32>,
    %get3A_1370 = arith.constant 304 : index
    %get3A_1371 = tpu.vector_load %arg16[%get3A_1370] {strides = array<i32>} : memref<656xf32, #tpu.memory_space<vmem>>, vector<16xf32>,
    %mul3A_1372 = arith.mulf %mul3A_1367, %get3A_1371 : vector<16xf32>
    %swap3A_1373 = arith.constant 304 : index
    %swap3A_1374 = tpu.vector_load %arg19[%swap3A_1373] {strides = array<i32>} : memref<656xf32, #tpu.memory_space<vmem>>, vector<16xf32>,
    tpu.vector_store %arg19[%swap3A_1373], %mul3A_1372 {strides = array<i32>} : memref<656xf32, #tpu.memory_space<vmem>>, vector<16xf32>,
    %get3A_1375 = arith.constant 320 : index
    %get3A_1376 = tpu.vector_load %arg18[%get3A_1375] {strides = array<i32>} : memref<656xf32, #tpu.memory_space<vmem>>, vector<16xf32>,
    %bitcast3A_1377 = vector.bitcast %get3A_1376 : vector<16xf32> to vector<16xi32>
    %shift_right_logical3A_1378 = arith.constant 1 : i32
    %shift_right_logical3A_1379 = vector.broadcast %shift_right_logical3A_1378 : i32 to vector<16xi32>
    %shift_right_logical3A_1380 = arith.shrui %bitcast3A_1377, %shift_right_logical3A_1379 : vector<16xi32>
    %sub3A_1381 = arith.constant 1597463007 : i32
    %sub3A_1382 = vector.broadcast %sub3A_1381 : i32 to vector<16xi32>
    %sub3A_1383 = arith.subi %sub3A_1382, %shift_right_logical3A_1380 : vector<16xi32>
    %bitcast3A_1384 = vector.bitcast %sub3A_1383 : vector<16xi32> to vector<16xf32>
    %mul3A_1385 = arith.constant 5.000000e-01 : f32
    %mul3A_1386 = vector.broadcast %mul3A_1385 : f32 to vector<16xf32>
    %mul3A_1387 = arith.mulf %mul3A_1386, %get3A_1376 : vector<16xf32>
    %mul3A_1388 = arith.mulf %mul3A_1387, %bitcast3A_1384 : vector<16xf32>
    %mul3A_1389 = arith.mulf %mul3A_1388, %bitcast3A_1384 : vector<16xf32>
    %sub3A_1390 = arith.constant 1.500000e+00 : f32
    %sub3A_1391 = vector.broadcast %sub3A_1390 : f32 to vector<16xf32>
    %sub3A_1392 = arith.subf %sub3A_1391, %mul3A_1389 : vector<16xf32>
    %mul3A_1393 = arith.mulf %bitcast3A_1384, %sub3A_1392 : vector<16xf32>
    %mul3A_1394 = arith.constant 5.000000e-01 : f32
    %mul3A_1395 = vector.broadcast %mul3A_1394 : f32 to vector<16xf32>
    %mul3A_1396 = arith.mulf %mul3A_1395, %get3A_1376 : vector<16xf32>
    %mul3A_1397 = arith.mulf %mul3A_1396, %mul3A_1393 : vector<16xf32>
    %mul3A_1398 = arith.mulf %mul3A_1397, %mul3A_1393 : vector<16xf32>
    %sub3A_1399 = arith.constant 1.500000e+00 : f32
    %sub3A_1400 = vector.broadcast %sub3A_1399 : f32 to vector<16xf32>
    %sub3A_1401 = arith.subf %sub3A_1400, %mul3A_1398 : vector<16xf32>
    %mul3A_1402 = arith.mulf %mul3A_1393, %sub3A_1401 : vector<16xf32>
    %mul3A_1403 = arith.constant 5.000000e-01 : f32
    %mul3A_1404 = vector.broadcast %mul3A_1403 : f32 to vector<16xf32>
    %mul3A_1405 = arith.mulf %mul3A_1404, %get3A_1376 : vector<16xf32>
    %mul3A_1406 = arith.mulf %mul3A_1405, %mul3A_1402 : vector<16xf32>
    %mul3A_1407 = arith.mulf %mul3A_1406, %mul3A_1402 : vector<16xf32>
    %sub3A_1408 = arith.constant 1.500000e+00 : f32
    %sub3A_1409 = vector.broadcast %sub3A_1408 : f32 to vector<16xf32>
    %sub3A_1410 = arith.subf %sub3A_1409, %mul3A_1407 : vector<16xf32>
    %mul3A_1411 = arith.mulf %mul3A_1402, %sub3A_1410 : vector<16xf32>
    %swap3A_1412 = arith.constant 320 : index
    %swap3A_1413 = tpu.vector_load %arg17[%swap3A_1412] {strides = array<i32>} : memref<656xf32, #tpu.memory_space<vmem>>, vector<16xf32>,
    tpu.vector_store %arg17[%swap3A_1412], %mul3A_1411 {strides = array<i32>} : memref<656xf32, #tpu.memory_space<vmem>>, vector<16xf32>,
    %get3A_1414 = arith.constant 320 : index
    %get3A_1415 = tpu.vector_load %arg16[%get3A_1414] {strides = array<i32>} : memref<656xf32, #tpu.memory_space<vmem>>, vector<16xf32>,
    %mul3A_1416 = arith.mulf %mul3A_1411, %get3A_1415 : vector<16xf32>
    %swap3A_1417 = arith.constant 320 : index
    %swap3A_1418 = tpu.vector_load %arg19[%swap3A_1417] {strides = array<i32>} : memref<656xf32, #tpu.memory_space<vmem>>, vector<16xf32>,
    tpu.vector_store %arg19[%swap3A_1417], %mul3A_1416 {strides = array<i32>} : memref<656xf32, #tpu.memory_space<vmem>>, vector<16xf32>,
    %get3A_1419 = arith.constant 336 : index
    %get3A_1420 = tpu.vector_load %arg18[%get3A_1419] {strides = array<i32>} : memref<656xf32, #tpu.memory_space<vmem>>, vector<16xf32>,
    %bitcast3A_1421 = vector.bitcast %get3A_1420 : vector<16xf32> to vector<16xi32>
    %shift_right_logical3A_1422 = arith.constant 1 : i32
    %shift_right_logical3A_1423 = vector.broadcast %shift_right_logical3A_1422 : i32 to vector<16xi32>
    %shift_right_logical3A_1424 = arith.shrui %bitcast3A_1421, %shift_right_logical3A_1423 : vector<16xi32>
    %sub3A_1425 = arith.constant 1597463007 : i32
    %sub3A_1426 = vector.broadcast %sub3A_1425 : i32 to vector<16xi32>
    %sub3A_1427 = arith.subi %sub3A_1426, %shift_right_logical3A_1424 : vector<16xi32>
    %bitcast3A_1428 = vector.bitcast %sub3A_1427 : vector<16xi32> to vector<16xf32>
    %mul3A_1429 = arith.constant 5.000000e-01 : f32
    %mul3A_1430 = vector.broadcast %mul3A_1429 : f32 to vector<16xf32>
    %mul3A_1431 = arith.mulf %mul3A_1430, %get3A_1420 : vector<16xf32>
    %mul3A_1432 = arith.mulf %mul3A_1431, %bitcast3A_1428 : vector<16xf32>
    %mul3A_1433 = arith.mulf %mul3A_1432, %bitcast3A_1428 : vector<16xf32>
    %sub3A_1434 = arith.constant 1.500000e+00 : f32
    %sub3A_1435 = vector.broadcast %sub3A_1434 : f32 to vector<16xf32>
    %sub3A_1436 = arith.subf %sub3A_1435, %mul3A_1433 : vector<16xf32>
    %mul3A_1437 = arith.mulf %bitcast3A_1428, %sub3A_1436 : vector<16xf32>
    %mul3A_1438 = arith.constant 5.000000e-01 : f32
    %mul3A_1439 = vector.broadcast %mul3A_1438 : f32 to vector<16xf32>
    %mul3A_1440 = arith.mulf %mul3A_1439, %get3A_1420 : vector<16xf32>
    %mul3A_1441 = arith.mulf %mul3A_1440, %mul3A_1437 : vector<16xf32>
    %mul3A_1442 = arith.mulf %mul3A_1441, %mul3A_1437 : vector<16xf32>
    %sub3A_1443 = arith.constant 1.500000e+00 : f32
    %sub3A_1444 = vector.broadcast %sub3A_1443 : f32 to vector<16xf32>
    %sub3A_1445 = arith.subf %sub3A_1444, %mul3A_1442 : vector<16xf32>
    %mul3A_1446 = arith.mulf %mul3A_1437, %sub3A_1445 : vector<16xf32>
    %mul3A_1447 = arith.constant 5.000000e-01 : f32
    %mul3A_1448 = vector.broadcast %mul3A_1447 : f32 to vector<16xf32>
    %mul3A_1449 = arith.mulf %mul3A_1448, %get3A_1420 : vector<16xf32>
    %mul3A_1450 = arith.mulf %mul3A_1449, %mul3A_1446 : vector<16xf32>
    %mul3A_1451 = arith.mulf %mul3A_1450, %mul3A_1446 : vector<16xf32>
    %sub3A_1452 = arith.constant 1.500000e+00 : f32
    %sub3A_1453 = vector.broadcast %sub3A_1452 : f32 to vector<16xf32>
    %sub3A_1454 = arith.subf %sub3A_1453, %mul3A_1451 : vector<16xf32>
    %mul3A_1455 = arith.mulf %mul3A_1446, %sub3A_1454 : vector<16xf32>
    %swap3A_1456 = arith.constant 336 : index
    %swap3A_1457 = tpu.vector_load %arg17[%swap3A_1456] {strides = array<i32>} : memref<656xf32, #tpu.memory_space<vmem>>, vector<16xf32>,
    tpu.vector_store %arg17[%swap3A_1456], %mul3A_1455 {strides = array<i32>} : memref<656xf32, #tpu.memory_space<vmem>>, vector<16xf32>,
    %get3A_1458 = arith.constant 336 : index
    %get3A_1459 = tpu.vector_load %arg16[%get3A_1458] {strides = array<i32>} : memref<656xf32, #tpu.memory_space<vmem>>, vector<16xf32>,
    %mul3A_1460 = arith.mulf %mul3A_1455, %get3A_1459 : vector<16xf32>
    %swap3A_1461 = arith.constant 336 : index
    %swap3A_1462 = tpu.vector_load %arg19[%swap3A_1461] {strides = array<i32>} : memref<656xf32, #tpu.memory_space<vmem>>, vector<16xf32>,
    tpu.vector_store %arg19[%swap3A_1461], %mul3A_1460 {strides = array<i32>} : memref<656xf32, #tpu.memory_space<vmem>>, vector<16xf32>,
    %get3A_1463 = arith.constant 352 : index
    %get3A_1464 = tpu.vector_load %arg18[%get3A_1463] {strides = array<i32>} : memref<656xf32, #tpu.memory_space<vmem>>, vector<16xf32>,
    %bitcast3A_1465 = vector.bitcast %get3A_1464 : vector<16xf32> to vector<16xi32>
    %shift_right_logical3A_1466 = arith.constant 1 : i32
    %shift_right_logical3A_1467 = vector.broadcast %shift_right_logical3A_1466 : i32 to vector<16xi32>
    %shift_right_logical3A_1468 = arith.shrui %bitcast3A_1465, %shift_right_logical3A_1467 : vector<16xi32>
    %sub3A_1469 = arith.constant 1597463007 : i32
    %sub3A_1470 = vector.broadcast %sub3A_1469 : i32 to vector<16xi32>
    %sub3A_1471 = arith.subi %sub3A_1470, %shift_right_logical3A_1468 : vector<16xi32>
    %bitcast3A_1472 = vector.bitcast %sub3A_1471 : vector<16xi32> to vector<16xf32>
    %mul3A_1473 = arith.constant 5.000000e-01 : f32
    %mul3A_1474 = vector.broadcast %mul3A_1473 : f32 to vector<16xf32>
    %mul3A_1475 = arith.mulf %mul3A_1474, %get3A_1464 : vector<16xf32>
    %mul3A_1476 = arith.mulf %mul3A_1475, %bitcast3A_1472 : vector<16xf32>
    %mul3A_1477 = arith.mulf %mul3A_1476, %bitcast3A_1472 : vector<16xf32>
    %sub3A_1478 = arith.constant 1.500000e+00 : f32
    %sub3A_1479 = vector.broadcast %sub3A_1478 : f32 to vector<16xf32>
    %sub3A_1480 = arith.subf %sub3A_1479, %mul3A_1477 : vector<16xf32>
    %mul3A_1481 = arith.mulf %bitcast3A_1472, %sub3A_1480 : vector<16xf32>
    %mul3A_1482 = arith.constant 5.000000e-01 : f32
    %mul3A_1483 = vector.broadcast %mul3A_1482 : f32 to vector<16xf32>
    %mul3A_1484 = arith.mulf %mul3A_1483, %get3A_1464 : vector<16xf32>
    %mul3A_1485 = arith.mulf %mul3A_1484, %mul3A_1481 : vector<16xf32>
    %mul3A_1486 = arith.mulf %mul3A_1485, %mul3A_1481 : vector<16xf32>
    %sub3A_1487 = arith.constant 1.500000e+00 : f32
    %sub3A_1488 = vector.broadcast %sub3A_1487 : f32 to vector<16xf32>
    %sub3A_1489 = arith.subf %sub3A_1488, %mul3A_1486 : vector<16xf32>
    %mul3A_1490 = arith.mulf %mul3A_1481, %sub3A_1489 : vector<16xf32>
    %mul3A_1491 = arith.constant 5.000000e-01 : f32
    %mul3A_1492 = vector.broadcast %mul3A_1491 : f32 to vector<16xf32>
    %mul3A_1493 = arith.mulf %mul3A_1492, %get3A_1464 : vector<16xf32>
    %mul3A_1494 = arith.mulf %mul3A_1493, %mul3A_1490 : vector<16xf32>
    %mul3A_1495 = arith.mulf %mul3A_1494, %mul3A_1490 : vector<16xf32>
    %sub3A_1496 = arith.constant 1.500000e+00 : f32
    %sub3A_1497 = vector.broadcast %sub3A_1496 : f32 to vector<16xf32>
    %sub3A_1498 = arith.subf %sub3A_1497, %mul3A_1495 : vector<16xf32>
    %mul3A_1499 = arith.mulf %mul3A_1490, %sub3A_1498 : vector<16xf32>
    %swap3A_1500 = arith.constant 352 : index
    %swap3A_1501 = tpu.vector_load %arg17[%swap3A_1500] {strides = array<i32>} : memref<656xf32, #tpu.memory_space<vmem>>, vector<16xf32>,
    tpu.vector_store %arg17[%swap3A_1500], %mul3A_1499 {strides = array<i32>} : memref<656xf32, #tpu.memory_space<vmem>>, vector<16xf32>,
    %get3A_1502 = arith.constant 352 : index
    %get3A_1503 = tpu.vector_load %arg16[%get3A_1502] {strides = array<i32>} : memref<656xf32, #tpu.memory_space<vmem>>, vector<16xf32>,
    %mul3A_1504 = arith.mulf %mul3A_1499, %get3A_1503 : vector<16xf32>
    %swap3A_1505 = arith.constant 352 : index
    %swap3A_1506 = tpu.vector_load %arg19[%swap3A_1505] {strides = array<i32>} : memref<656xf32, #tpu.memory_space<vmem>>, vector<16xf32>,
    tpu.vector_store %arg19[%swap3A_1505], %mul3A_1504 {strides = array<i32>} : memref<656xf32, #tpu.memory_space<vmem>>, vector<16xf32>,
    %get3A_1507 = arith.constant 368 : index
    %get3A_1508 = tpu.vector_load %arg18[%get3A_1507] {strides = array<i32>} : memref<656xf32, #tpu.memory_space<vmem>>, vector<16xf32>,
    %bitcast3A_1509 = vector.bitcast %get3A_1508 : vector<16xf32> to vector<16xi32>
    %shift_right_logical3A_1510 = arith.constant 1 : i32
    %shift_right_logical3A_1511 = vector.broadcast %shift_right_logical3A_1510 : i32 to vector<16xi32>
    %shift_right_logical3A_1512 = arith.shrui %bitcast3A_1509, %shift_right_logical3A_1511 : vector<16xi32>
    %sub3A_1513 = arith.constant 1597463007 : i32
    %sub3A_1514 = vector.broadcast %sub3A_1513 : i32 to vector<16xi32>
    %sub3A_1515 = arith.subi %sub3A_1514, %shift_right_logical3A_1512 : vector<16xi32>
    %bitcast3A_1516 = vector.bitcast %sub3A_1515 : vector<16xi32> to vector<16xf32>
    %mul3A_1517 = arith.constant 5.000000e-01 : f32
    %mul3A_1518 = vector.broadcast %mul3A_1517 : f32 to vector<16xf32>
    %mul3A_1519 = arith.mulf %mul3A_1518, %get3A_1508 : vector<16xf32>
    %mul3A_1520 = arith.mulf %mul3A_1519, %bitcast3A_1516 : vector<16xf32>
    %mul3A_1521 = arith.mulf %mul3A_1520, %bitcast3A_1516 : vector<16xf32>
    %sub3A_1522 = arith.constant 1.500000e+00 : f32
    %sub3A_1523 = vector.broadcast %sub3A_1522 : f32 to vector<16xf32>
    %sub3A_1524 = arith.subf %sub3A_1523, %mul3A_1521 : vector<16xf32>
    %mul3A_1525 = arith.mulf %bitcast3A_1516, %sub3A_1524 : vector<16xf32>
    %mul3A_1526 = arith.constant 5.000000e-01 : f32
    %mul3A_1527 = vector.broadcast %mul3A_1526 : f32 to vector<16xf32>
    %mul3A_1528 = arith.mulf %mul3A_1527, %get3A_1508 : vector<16xf32>
    %mul3A_1529 = arith.mulf %mul3A_1528, %mul3A_1525 : vector<16xf32>
    %mul3A_1530 = arith.mulf %mul3A_1529, %mul3A_1525 : vector<16xf32>
    %sub3A_1531 = arith.constant 1.500000e+00 : f32
    %sub3A_1532 = vector.broadcast %sub3A_1531 : f32 to vector<16xf32>
    %sub3A_1533 = arith.subf %sub3A_1532, %mul3A_1530 : vector<16xf32>
    %mul3A_1534 = arith.mulf %mul3A_1525, %sub3A_1533 : vector<16xf32>
    %mul3A_1535 = arith.constant 5.000000e-01 : f32
    %mul3A_1536 = vector.broadcast %mul3A_1535 : f32 to vector<16xf32>
    %mul3A_1537 = arith.mulf %mul3A_1536, %get3A_1508 : vector<16xf32>
    %mul3A_1538 = arith.mulf %mul3A_1537, %mul3A_1534 : vector<16xf32>
    %mul3A_1539 = arith.mulf %mul3A_1538, %mul3A_1534 : vector<16xf32>
    %sub3A_1540 = arith.constant 1.500000e+00 : f32
    %sub3A_1541 = vector.broadcast %sub3A_1540 : f32 to vector<16xf32>
    %sub3A_1542 = arith.subf %sub3A_1541, %mul3A_1539 : vector<16xf32>
    %mul3A_1543 = arith.mulf %mul3A_1534, %sub3A_1542 : vector<16xf32>
    %swap3A_1544 = arith.constant 368 : index
    %swap3A_1545 = tpu.vector_load %arg17[%swap3A_1544] {strides = array<i32>} : memref<656xf32, #tpu.memory_space<vmem>>, vector<16xf32>,
    tpu.vector_store %arg17[%swap3A_1544], %mul3A_1543 {strides = array<i32>} : memref<656xf32, #tpu.memory_space<vmem>>, vector<16xf32>,
    %get3A_1546 = arith.constant 368 : index
    %get3A_1547 = tpu.vector_load %arg16[%get3A_1546] {strides = array<i32>} : memref<656xf32, #tpu.memory_space<vmem>>, vector<16xf32>,
    %mul3A_1548 = arith.mulf %mul3A_1543, %get3A_1547 : vector<16xf32>
    %swap3A_1549 = arith.constant 368 : index
    %swap3A_1550 = tpu.vector_load %arg19[%swap3A_1549] {strides = array<i32>} : memref<656xf32, #tpu.memory_space<vmem>>, vector<16xf32>,
    tpu.vector_store %arg19[%swap3A_1549], %mul3A_1548 {strides = array<i32>} : memref<656xf32, #tpu.memory_space<vmem>>, vector<16xf32>,
    %get3A_1551 = arith.constant 384 : index
    %get3A_1552 = tpu.vector_load %arg18[%get3A_1551] {strides = array<i32>} : memref<656xf32, #tpu.memory_space<vmem>>, vector<16xf32>,
    %bitcast3A_1553 = vector.bitcast %get3A_1552 : vector<16xf32> to vector<16xi32>
    %shift_right_logical3A_1554 = arith.constant 1 : i32
    %shift_right_logical3A_1555 = vector.broadcast %shift_right_logical3A_1554 : i32 to vector<16xi32>
    %shift_right_logical3A_1556 = arith.shrui %bitcast3A_1553, %shift_right_logical3A_1555 : vector<16xi32>
    %sub3A_1557 = arith.constant 1597463007 : i32
    %sub3A_1558 = vector.broadcast %sub3A_1557 : i32 to vector<16xi32>
    %sub3A_1559 = arith.subi %sub3A_1558, %shift_right_logical3A_1556 : vector<16xi32>
    %bitcast3A_1560 = vector.bitcast %sub3A_1559 : vector<16xi32> to vector<16xf32>
    %mul3A_1561 = arith.constant 5.000000e-01 : f32
    %mul3A_1562 = vector.broadcast %mul3A_1561 : f32 to vector<16xf32>
    %mul3A_1563 = arith.mulf %mul3A_1562, %get3A_1552 : vector<16xf32>
    %mul3A_1564 = arith.mulf %mul3A_1563, %bitcast3A_1560 : vector<16xf32>
    %mul3A_1565 = arith.mulf %mul3A_1564, %bitcast3A_1560 : vector<16xf32>
    %sub3A_1566 = arith.constant 1.500000e+00 : f32
    %sub3A_1567 = vector.broadcast %sub3A_1566 : f32 to vector<16xf32>
    %sub3A_1568 = arith.subf %sub3A_1567, %mul3A_1565 : vector<16xf32>
    %mul3A_1569 = arith.mulf %bitcast3A_1560, %sub3A_1568 : vector<16xf32>
    %mul3A_1570 = arith.constant 5.000000e-01 : f32
    %mul3A_1571 = vector.broadcast %mul3A_1570 : f32 to vector<16xf32>
    %mul3A_1572 = arith.mulf %mul3A_1571, %get3A_1552 : vector<16xf32>
    %mul3A_1573 = arith.mulf %mul3A_1572, %mul3A_1569 : vector<16xf32>
    %mul3A_1574 = arith.mulf %mul3A_1573, %mul3A_1569 : vector<16xf32>
    %sub3A_1575 = arith.constant 1.500000e+00 : f32
    %sub3A_1576 = vector.broadcast %sub3A_1575 : f32 to vector<16xf32>
    %sub3A_1577 = arith.subf %sub3A_1576, %mul3A_1574 : vector<16xf32>
    %mul3A_1578 = arith.mulf %mul3A_1569, %sub3A_1577 : vector<16xf32>
    %mul3A_1579 = arith.constant 5.000000e-01 : f32
    %mul3A_1580 = vector.broadcast %mul3A_1579 : f32 to vector<16xf32>
    %mul3A_1581 = arith.mulf %mul3A_1580, %get3A_1552 : vector<16xf32>
    %mul3A_1582 = arith.mulf %mul3A_1581, %mul3A_1578 : vector<16xf32>
    %mul3A_1583 = arith.mulf %mul3A_1582, %mul3A_1578 : vector<16xf32>
    %sub3A_1584 = arith.constant 1.500000e+00 : f32
    %sub3A_1585 = vector.broadcast %sub3A_1584 : f32 to vector<16xf32>
    %sub3A_1586 = arith.subf %sub3A_1585, %mul3A_1583 : vector<16xf32>
    %mul3A_1587 = arith.mulf %mul3A_1578, %sub3A_1586 : vector<16xf32>
    %swap3A_1588 = arith.constant 384 : index
    %swap3A_1589 = tpu.vector_load %arg17[%swap3A_1588] {strides = array<i32>} : memref<656xf32, #tpu.memory_space<vmem>>, vector<16xf32>,
    tpu.vector_store %arg17[%swap3A_1588], %mul3A_1587 {strides = array<i32>} : memref<656xf32, #tpu.memory_space<vmem>>, vector<16xf32>,
    %get3A_1590 = arith.constant 384 : index
    %get3A_1591 = tpu.vector_load %arg16[%get3A_1590] {strides = array<i32>} : memref<656xf32, #tpu.memory_space<vmem>>, vector<16xf32>,
    %mul3A_1592 = arith.mulf %mul3A_1587, %get3A_1591 : vector<16xf32>
    %swap3A_1593 = arith.constant 384 : index
    %swap3A_1594 = tpu.vector_load %arg19[%swap3A_1593] {strides = array<i32>} : memref<656xf32, #tpu.memory_space<vmem>>, vector<16xf32>,
    tpu.vector_store %arg19[%swap3A_1593], %mul3A_1592 {strides = array<i32>} : memref<656xf32, #tpu.memory_space<vmem>>, vector<16xf32>,
    %get3A_1595 = arith.constant 400 : index
    %get3A_1596 = tpu.vector_load %arg18[%get3A_1595] {strides = array<i32>} : memref<656xf32, #tpu.memory_space<vmem>>, vector<16xf32>,
    %bitcast3A_1597 = vector.bitcast %get3A_1596 : vector<16xf32> to vector<16xi32>
    %shift_right_logical3A_1598 = arith.constant 1 : i32
    %shift_right_logical3A_1599 = vector.broadcast %shift_right_logical3A_1598 : i32 to vector<16xi32>
    %shift_right_logical3A_1600 = arith.shrui %bitcast3A_1597, %shift_right_logical3A_1599 : vector<16xi32>
    %sub3A_1601 = arith.constant 1597463007 : i32
    %sub3A_1602 = vector.broadcast %sub3A_1601 : i32 to vector<16xi32>
    %sub3A_1603 = arith.subi %sub3A_1602, %shift_right_logical3A_1600 : vector<16xi32>
    %bitcast3A_1604 = vector.bitcast %sub3A_1603 : vector<16xi32> to vector<16xf32>
    %mul3A_1605 = arith.constant 5.000000e-01 : f32
    %mul3A_1606 = vector.broadcast %mul3A_1605 : f32 to vector<16xf32>
    %mul3A_1607 = arith.mulf %mul3A_1606, %get3A_1596 : vector<16xf32>
    %mul3A_1608 = arith.mulf %mul3A_1607, %bitcast3A_1604 : vector<16xf32>
    %mul3A_1609 = arith.mulf %mul3A_1608, %bitcast3A_1604 : vector<16xf32>
    %sub3A_1610 = arith.constant 1.500000e+00 : f32
    %sub3A_1611 = vector.broadcast %sub3A_1610 : f32 to vector<16xf32>
    %sub3A_1612 = arith.subf %sub3A_1611, %mul3A_1609 : vector<16xf32>
    %mul3A_1613 = arith.mulf %bitcast3A_1604, %sub3A_1612 : vector<16xf32>
    %mul3A_1614 = arith.constant 5.000000e-01 : f32
    %mul3A_1615 = vector.broadcast %mul3A_1614 : f32 to vector<16xf32>
    %mul3A_1616 = arith.mulf %mul3A_1615, %get3A_1596 : vector<16xf32>
    %mul3A_1617 = arith.mulf %mul3A_1616, %mul3A_1613 : vector<16xf32>
    %mul3A_1618 = arith.mulf %mul3A_1617, %mul3A_1613 : vector<16xf32>
    %sub3A_1619 = arith.constant 1.500000e+00 : f32
    %sub3A_1620 = vector.broadcast %sub3A_1619 : f32 to vector<16xf32>
    %sub3A_1621 = arith.subf %sub3A_1620, %mul3A_1618 : vector<16xf32>
    %mul3A_1622 = arith.mulf %mul3A_1613, %sub3A_1621 : vector<16xf32>
    %mul3A_1623 = arith.constant 5.000000e-01 : f32
    %mul3A_1624 = vector.broadcast %mul3A_1623 : f32 to vector<16xf32>
    %mul3A_1625 = arith.mulf %mul3A_1624, %get3A_1596 : vector<16xf32>
    %mul3A_1626 = arith.mulf %mul3A_1625, %mul3A_1622 : vector<16xf32>
    %mul3A_1627 = arith.mulf %mul3A_1626, %mul3A_1622 : vector<16xf32>
    %sub3A_1628 = arith.constant 1.500000e+00 : f32
    %sub3A_1629 = vector.broadcast %sub3A_1628 : f32 to vector<16xf32>
    %sub3A_1630 = arith.subf %sub3A_1629, %mul3A_1627 : vector<16xf32>
    %mul3A_1631 = arith.mulf %mul3A_1622, %sub3A_1630 : vector<16xf32>
    %swap3A_1632 = arith.constant 400 : index
    %swap3A_1633 = tpu.vector_load %arg17[%swap3A_1632] {strides = array<i32>} : memref<656xf32, #tpu.memory_space<vmem>>, vector<16xf32>,
    tpu.vector_store %arg17[%swap3A_1632], %mul3A_1631 {strides = array<i32>} : memref<656xf32, #tpu.memory_space<vmem>>, vector<16xf32>,
    %get3A_1634 = arith.constant 400 : index
    %get3A_1635 = tpu.vector_load %arg16[%get3A_1634] {strides = array<i32>} : memref<656xf32, #tpu.memory_space<vmem>>, vector<16xf32>,
    %mul3A_1636 = arith.mulf %mul3A_1631, %get3A_1635 : vector<16xf32>
    %swap3A_1637 = arith.constant 400 : index
    %swap3A_1638 = tpu.vector_load %arg19[%swap3A_1637] {strides = array<i32>} : memref<656xf32, #tpu.memory_space<vmem>>, vector<16xf32>,
    tpu.vector_store %arg19[%swap3A_1637], %mul3A_1636 {strides = array<i32>} : memref<656xf32, #tpu.memory_space<vmem>>, vector<16xf32>,
    %get3A_1639 = arith.constant 416 : index
    %get3A_1640 = tpu.vector_load %arg18[%get3A_1639] {strides = array<i32>} : memref<656xf32, #tpu.memory_space<vmem>>, vector<16xf32>,
    %bitcast3A_1641 = vector.bitcast %get3A_1640 : vector<16xf32> to vector<16xi32>
    %shift_right_logical3A_1642 = arith.constant 1 : i32
    %shift_right_logical3A_1643 = vector.broadcast %shift_right_logical3A_1642 : i32 to vector<16xi32>
    %shift_right_logical3A_1644 = arith.shrui %bitcast3A_1641, %shift_right_logical3A_1643 : vector<16xi32>
    %sub3A_1645 = arith.constant 1597463007 : i32
    %sub3A_1646 = vector.broadcast %sub3A_1645 : i32 to vector<16xi32>
    %sub3A_1647 = arith.subi %sub3A_1646, %shift_right_logical3A_1644 : vector<16xi32>
    %bitcast3A_1648 = vector.bitcast %sub3A_1647 : vector<16xi32> to vector<16xf32>
    %mul3A_1649 = arith.constant 5.000000e-01 : f32
    %mul3A_1650 = vector.broadcast %mul3A_1649 : f32 to vector<16xf32>
    %mul3A_1651 = arith.mulf %mul3A_1650, %get3A_1640 : vector<16xf32>
    %mul3A_1652 = arith.mulf %mul3A_1651, %bitcast3A_1648 : vector<16xf32>
    %mul3A_1653 = arith.mulf %mul3A_1652, %bitcast3A_1648 : vector<16xf32>
    %sub3A_1654 = arith.constant 1.500000e+00 : f32
    %sub3A_1655 = vector.broadcast %sub3A_1654 : f32 to vector<16xf32>
    %sub3A_1656 = arith.subf %sub3A_1655, %mul3A_1653 : vector<16xf32>
    %mul3A_1657 = arith.mulf %bitcast3A_1648, %sub3A_1656 : vector<16xf32>
    %mul3A_1658 = arith.constant 5.000000e-01 : f32
    %mul3A_1659 = vector.broadcast %mul3A_1658 : f32 to vector<16xf32>
    %mul3A_1660 = arith.mulf %mul3A_1659, %get3A_1640 : vector<16xf32>
    %mul3A_1661 = arith.mulf %mul3A_1660, %mul3A_1657 : vector<16xf32>
    %mul3A_1662 = arith.mulf %mul3A_1661, %mul3A_1657 : vector<16xf32>
    %sub3A_1663 = arith.constant 1.500000e+00 : f32
    %sub3A_1664 = vector.broadcast %sub3A_1663 : f32 to vector<16xf32>
    %sub3A_1665 = arith.subf %sub3A_1664, %mul3A_1662 : vector<16xf32>
    %mul3A_1666 = arith.mulf %mul3A_1657, %sub3A_1665 : vector<16xf32>
    %mul3A_1667 = arith.constant 5.000000e-01 : f32
    %mul3A_1668 = vector.broadcast %mul3A_1667 : f32 to vector<16xf32>
    %mul3A_1669 = arith.mulf %mul3A_1668, %get3A_1640 : vector<16xf32>
    %mul3A_1670 = arith.mulf %mul3A_1669, %mul3A_1666 : vector<16xf32>
    %mul3A_1671 = arith.mulf %mul3A_1670, %mul3A_1666 : vector<16xf32>
    %sub3A_1672 = arith.constant 1.500000e+00 : f32
    %sub3A_1673 = vector.broadcast %sub3A_1672 : f32 to vector<16xf32>
    %sub3A_1674 = arith.subf %sub3A_1673, %mul3A_1671 : vector<16xf32>
    %mul3A_1675 = arith.mulf %mul3A_1666, %sub3A_1674 : vector<16xf32>
    %swap3A_1676 = arith.constant 416 : index
    %swap3A_1677 = tpu.vector_load %arg17[%swap3A_1676] {strides = array<i32>} : memref<656xf32, #tpu.memory_space<vmem>>, vector<16xf32>,
    tpu.vector_store %arg17[%swap3A_1676], %mul3A_1675 {strides = array<i32>} : memref<656xf32, #tpu.memory_space<vmem>>, vector<16xf32>,
    %get3A_1678 = arith.constant 416 : index
    %get3A_1679 = tpu.vector_load %arg16[%get3A_1678] {strides = array<i32>} : memref<656xf32, #tpu.memory_space<vmem>>, vector<16xf32>,
    %mul3A_1680 = arith.mulf %mul3A_1675, %get3A_1679 : vector<16xf32>
    %swap3A_1681 = arith.constant 416 : index
    %swap3A_1682 = tpu.vector_load %arg19[%swap3A_1681] {strides = array<i32>} : memref<656xf32, #tpu.memory_space<vmem>>, vector<16xf32>,
    tpu.vector_store %arg19[%swap3A_1681], %mul3A_1680 {strides = array<i32>} : memref<656xf32, #tpu.memory_space<vmem>>, vector<16xf32>,
    %get3A_1683 = arith.constant 432 : index
    %get3A_1684 = tpu.vector_load %arg18[%get3A_1683] {strides = array<i32>} : memref<656xf32, #tpu.memory_space<vmem>>, vector<16xf32>,
    %bitcast3A_1685 = vector.bitcast %get3A_1684 : vector<16xf32> to vector<16xi32>
    %shift_right_logical3A_1686 = arith.constant 1 : i32
    %shift_right_logical3A_1687 = vector.broadcast %shift_right_logical3A_1686 : i32 to vector<16xi32>
    %shift_right_logical3A_1688 = arith.shrui %bitcast3A_1685, %shift_right_logical3A_1687 : vector<16xi32>
    %sub3A_1689 = arith.constant 1597463007 : i32
    %sub3A_1690 = vector.broadcast %sub3A_1689 : i32 to vector<16xi32>
    %sub3A_1691 = arith.subi %sub3A_1690, %shift_right_logical3A_1688 : vector<16xi32>
    %bitcast3A_1692 = vector.bitcast %sub3A_1691 : vector<16xi32> to vector<16xf32>
    %mul3A_1693 = arith.constant 5.000000e-01 : f32
    %mul3A_1694 = vector.broadcast %mul3A_1693 : f32 to vector<16xf32>
    %mul3A_1695 = arith.mulf %mul3A_1694, %get3A_1684 : vector<16xf32>
    %mul3A_1696 = arith.mulf %mul3A_1695, %bitcast3A_1692 : vector<16xf32>
    %mul3A_1697 = arith.mulf %mul3A_1696, %bitcast3A_1692 : vector<16xf32>
    %sub3A_1698 = arith.constant 1.500000e+00 : f32
    %sub3A_1699 = vector.broadcast %sub3A_1698 : f32 to vector<16xf32>
    %sub3A_1700 = arith.subf %sub3A_1699, %mul3A_1697 : vector<16xf32>
    %mul3A_1701 = arith.mulf %bitcast3A_1692, %sub3A_1700 : vector<16xf32>
    %mul3A_1702 = arith.constant 5.000000e-01 : f32
    %mul3A_1703 = vector.broadcast %mul3A_1702 : f32 to vector<16xf32>
    %mul3A_1704 = arith.mulf %mul3A_1703, %get3A_1684 : vector<16xf32>
    %mul3A_1705 = arith.mulf %mul3A_1704, %mul3A_1701 : vector<16xf32>
    %mul3A_1706 = arith.mulf %mul3A_1705, %mul3A_1701 : vector<16xf32>
    %sub3A_1707 = arith.constant 1.500000e+00 : f32
    %sub3A_1708 = vector.broadcast %sub3A_1707 : f32 to vector<16xf32>
    %sub3A_1709 = arith.subf %sub3A_1708, %mul3A_1706 : vector<16xf32>
    %mul3A_1710 = arith.mulf %mul3A_1701, %sub3A_1709 : vector<16xf32>
    %mul3A_1711 = arith.constant 5.000000e-01 : f32
    %mul3A_1712 = vector.broadcast %mul3A_1711 : f32 to vector<16xf32>
    %mul3A_1713 = arith.mulf %mul3A_1712, %get3A_1684 : vector<16xf32>
    %mul3A_1714 = arith.mulf %mul3A_1713, %mul3A_1710 : vector<16xf32>
    %mul3A_1715 = arith.mulf %mul3A_1714, %mul3A_1710 : vector<16xf32>
    %sub3A_1716 = arith.constant 1.500000e+00 : f32
    %sub3A_1717 = vector.broadcast %sub3A_1716 : f32 to vector<16xf32>
    %sub3A_1718 = arith.subf %sub3A_1717, %mul3A_1715 : vector<16xf32>
    %mul3A_1719 = arith.mulf %mul3A_1710, %sub3A_1718 : vector<16xf32>
    %swap3A_1720 = arith.constant 432 : index
    %swap3A_1721 = tpu.vector_load %arg17[%swap3A_1720] {strides = array<i32>} : memref<656xf32, #tpu.memory_space<vmem>>, vector<16xf32>,
    tpu.vector_store %arg17[%swap3A_1720], %mul3A_1719 {strides = array<i32>} : memref<656xf32, #tpu.memory_space<vmem>>, vector<16xf32>,
    %get3A_1722 = arith.constant 432 : index
    %get3A_1723 = tpu.vector_load %arg16[%get3A_1722] {strides = array<i32>} : memref<656xf32, #tpu.memory_space<vmem>>, vector<16xf32>,
    %mul3A_1724 = arith.mulf %mul3A_1719, %get3A_1723 : vector<16xf32>
    %swap3A_1725 = arith.constant 432 : index
    %swap3A_1726 = tpu.vector_load %arg19[%swap3A_1725] {strides = array<i32>} : memref<656xf32, #tpu.memory_space<vmem>>, vector<16xf32>,
    tpu.vector_store %arg19[%swap3A_1725], %mul3A_1724 {strides = array<i32>} : memref<656xf32, #tpu.memory_space<vmem>>, vector<16xf32>,
    %get3A_1727 = arith.constant 448 : index
    %get3A_1728 = tpu.vector_load %arg18[%get3A_1727] {strides = array<i32>} : memref<656xf32, #tpu.memory_space<vmem>>, vector<16xf32>,
    %bitcast3A_1729 = vector.bitcast %get3A_1728 : vector<16xf32> to vector<16xi32>
    %shift_right_logical3A_1730 = arith.constant 1 : i32
    %shift_right_logical3A_1731 = vector.broadcast %shift_right_logical3A_1730 : i32 to vector<16xi32>
    %shift_right_logical3A_1732 = arith.shrui %bitcast3A_1729, %shift_right_logical3A_1731 : vector<16xi32>
    %sub3A_1733 = arith.constant 1597463007 : i32
    %sub3A_1734 = vector.broadcast %sub3A_1733 : i32 to vector<16xi32>
    %sub3A_1735 = arith.subi %sub3A_1734, %shift_right_logical3A_1732 : vector<16xi32>
    %bitcast3A_1736 = vector.bitcast %sub3A_1735 : vector<16xi32> to vector<16xf32>
    %mul3A_1737 = arith.constant 5.000000e-01 : f32
    %mul3A_1738 = vector.broadcast %mul3A_1737 : f32 to vector<16xf32>
    %mul3A_1739 = arith.mulf %mul3A_1738, %get3A_1728 : vector<16xf32>
    %mul3A_1740 = arith.mulf %mul3A_1739, %bitcast3A_1736 : vector<16xf32>
    %mul3A_1741 = arith.mulf %mul3A_1740, %bitcast3A_1736 : vector<16xf32>
    %sub3A_1742 = arith.constant 1.500000e+00 : f32
    %sub3A_1743 = vector.broadcast %sub3A_1742 : f32 to vector<16xf32>
    %sub3A_1744 = arith.subf %sub3A_1743, %mul3A_1741 : vector<16xf32>
    %mul3A_1745 = arith.mulf %bitcast3A_1736, %sub3A_1744 : vector<16xf32>
    %mul3A_1746 = arith.constant 5.000000e-01 : f32
    %mul3A_1747 = vector.broadcast %mul3A_1746 : f32 to vector<16xf32>
    %mul3A_1748 = arith.mulf %mul3A_1747, %get3A_1728 : vector<16xf32>
    %mul3A_1749 = arith.mulf %mul3A_1748, %mul3A_1745 : vector<16xf32>
    %mul3A_1750 = arith.mulf %mul3A_1749, %mul3A_1745 : vector<16xf32>
    %sub3A_1751 = arith.constant 1.500000e+00 : f32
    %sub3A_1752 = vector.broadcast %sub3A_1751 : f32 to vector<16xf32>
    %sub3A_1753 = arith.subf %sub3A_1752, %mul3A_1750 : vector<16xf32>
    %mul3A_1754 = arith.mulf %mul3A_1745, %sub3A_1753 : vector<16xf32>
    %mul3A_1755 = arith.constant 5.000000e-01 : f32
    %mul3A_1756 = vector.broadcast %mul3A_1755 : f32 to vector<16xf32>
    %mul3A_1757 = arith.mulf %mul3A_1756, %get3A_1728 : vector<16xf32>
    %mul3A_1758 = arith.mulf %mul3A_1757, %mul3A_1754 : vector<16xf32>
    %mul3A_1759 = arith.mulf %mul3A_1758, %mul3A_1754 : vector<16xf32>
    %sub3A_1760 = arith.constant 1.500000e+00 : f32
    %sub3A_1761 = vector.broadcast %sub3A_1760 : f32 to vector<16xf32>
    %sub3A_1762 = arith.subf %sub3A_1761, %mul3A_1759 : vector<16xf32>
    %mul3A_1763 = arith.mulf %mul3A_1754, %sub3A_1762 : vector<16xf32>
    %swap3A_1764 = arith.constant 448 : index
    %swap3A_1765 = tpu.vector_load %arg17[%swap3A_1764] {strides = array<i32>} : memref<656xf32, #tpu.memory_space<vmem>>, vector<16xf32>,
    tpu.vector_store %arg17[%swap3A_1764], %mul3A_1763 {strides = array<i32>} : memref<656xf32, #tpu.memory_space<vmem>>, vector<16xf32>,
    %get3A_1766 = arith.constant 448 : index
    %get3A_1767 = tpu.vector_load %arg16[%get3A_1766] {strides = array<i32>} : memref<656xf32, #tpu.memory_space<vmem>>, vector<16xf32>,
    %mul3A_1768 = arith.mulf %mul3A_1763, %get3A_1767 : vector<16xf32>
    %swap3A_1769 = arith.constant 448 : index
    %swap3A_1770 = tpu.vector_load %arg19[%swap3A_1769] {strides = array<i32>} : memref<656xf32, #tpu.memory_space<vmem>>, vector<16xf32>,
    tpu.vector_store %arg19[%swap3A_1769], %mul3A_1768 {strides = array<i32>} : memref<656xf32, #tpu.memory_space<vmem>>, vector<16xf32>,
    %get3A_1771 = arith.constant 464 : index
    %get3A_1772 = tpu.vector_load %arg18[%get3A_1771] {strides = array<i32>} : memref<656xf32, #tpu.memory_space<vmem>>, vector<16xf32>,
    %bitcast3A_1773 = vector.bitcast %get3A_1772 : vector<16xf32> to vector<16xi32>
    %shift_right_logical3A_1774 = arith.constant 1 : i32
    %shift_right_logical3A_1775 = vector.broadcast %shift_right_logical3A_1774 : i32 to vector<16xi32>
    %shift_right_logical3A_1776 = arith.shrui %bitcast3A_1773, %shift_right_logical3A_1775 : vector<16xi32>
    %sub3A_1777 = arith.constant 1597463007 : i32
    %sub3A_1778 = vector.broadcast %sub3A_1777 : i32 to vector<16xi32>
    %sub3A_1779 = arith.subi %sub3A_1778, %shift_right_logical3A_1776 : vector<16xi32>
    %bitcast3A_1780 = vector.bitcast %sub3A_1779 : vector<16xi32> to vector<16xf32>
    %mul3A_1781 = arith.constant 5.000000e-01 : f32
    %mul3A_1782 = vector.broadcast %mul3A_1781 : f32 to vector<16xf32>
    %mul3A_1783 = arith.mulf %mul3A_1782, %get3A_1772 : vector<16xf32>
    %mul3A_1784 = arith.mulf %mul3A_1783, %bitcast3A_1780 : vector<16xf32>
    %mul3A_1785 = arith.mulf %mul3A_1784, %bitcast3A_1780 : vector<16xf32>
    %sub3A_1786 = arith.constant 1.500000e+00 : f32
    %sub3A_1787 = vector.broadcast %sub3A_1786 : f32 to vector<16xf32>
    %sub3A_1788 = arith.subf %sub3A_1787, %mul3A_1785 : vector<16xf32>
    %mul3A_1789 = arith.mulf %bitcast3A_1780, %sub3A_1788 : vector<16xf32>
    %mul3A_1790 = arith.constant 5.000000e-01 : f32
    %mul3A_1791 = vector.broadcast %mul3A_1790 : f32 to vector<16xf32>
    %mul3A_1792 = arith.mulf %mul3A_1791, %get3A_1772 : vector<16xf32>
    %mul3A_1793 = arith.mulf %mul3A_1792, %mul3A_1789 : vector<16xf32>
    %mul3A_1794 = arith.mulf %mul3A_1793, %mul3A_1789 : vector<16xf32>
    %sub3A_1795 = arith.constant 1.500000e+00 : f32
    %sub3A_1796 = vector.broadcast %sub3A_1795 : f32 to vector<16xf32>
    %sub3A_1797 = arith.subf %sub3A_1796, %mul3A_1794 : vector<16xf32>
    %mul3A_1798 = arith.mulf %mul3A_1789, %sub3A_1797 : vector<16xf32>
    %mul3A_1799 = arith.constant 5.000000e-01 : f32
    %mul3A_1800 = vector.broadcast %mul3A_1799 : f32 to vector<16xf32>
    %mul3A_1801 = arith.mulf %mul3A_1800, %get3A_1772 : vector<16xf32>
    %mul3A_1802 = arith.mulf %mul3A_1801, %mul3A_1798 : vector<16xf32>
    %mul3A_1803 = arith.mulf %mul3A_1802, %mul3A_1798 : vector<16xf32>
    %sub3A_1804 = arith.constant 1.500000e+00 : f32
    %sub3A_1805 = vector.broadcast %sub3A_1804 : f32 to vector<16xf32>
    %sub3A_1806 = arith.subf %sub3A_1805, %mul3A_1803 : vector<16xf32>
    %mul3A_1807 = arith.mulf %mul3A_1798, %sub3A_1806 : vector<16xf32>
    %swap3A_1808 = arith.constant 464 : index
    %swap3A_1809 = tpu.vector_load %arg17[%swap3A_1808] {strides = array<i32>} : memref<656xf32, #tpu.memory_space<vmem>>, vector<16xf32>,
    tpu.vector_store %arg17[%swap3A_1808], %mul3A_1807 {strides = array<i32>} : memref<656xf32, #tpu.memory_space<vmem>>, vector<16xf32>,
    %get3A_1810 = arith.constant 464 : index
    %get3A_1811 = tpu.vector_load %arg16[%get3A_1810] {strides = array<i32>} : memref<656xf32, #tpu.memory_space<vmem>>, vector<16xf32>,
    %mul3A_1812 = arith.mulf %mul3A_1807, %get3A_1811 : vector<16xf32>
    %swap3A_1813 = arith.constant 464 : index
    %swap3A_1814 = tpu.vector_load %arg19[%swap3A_1813] {strides = array<i32>} : memref<656xf32, #tpu.memory_space<vmem>>, vector<16xf32>,
    tpu.vector_store %arg19[%swap3A_1813], %mul3A_1812 {strides = array<i32>} : memref<656xf32, #tpu.memory_space<vmem>>, vector<16xf32>,
    %get3A_1815 = arith.constant 480 : index
    %get3A_1816 = tpu.vector_load %arg18[%get3A_1815] {strides = array<i32>} : memref<656xf32, #tpu.memory_space<vmem>>, vector<16xf32>,
    %bitcast3A_1817 = vector.bitcast %get3A_1816 : vector<16xf32> to vector<16xi32>
    %shift_right_logical3A_1818 = arith.constant 1 : i32
    %shift_right_logical3A_1819 = vector.broadcast %shift_right_logical3A_1818 : i32 to vector<16xi32>
    %shift_right_logical3A_1820 = arith.shrui %bitcast3A_1817, %shift_right_logical3A_1819 : vector<16xi32>
    %sub3A_1821 = arith.constant 1597463007 : i32
    %sub3A_1822 = vector.broadcast %sub3A_1821 : i32 to vector<16xi32>
    %sub3A_1823 = arith.subi %sub3A_1822, %shift_right_logical3A_1820 : vector<16xi32>
    %bitcast3A_1824 = vector.bitcast %sub3A_1823 : vector<16xi32> to vector<16xf32>
    %mul3A_1825 = arith.constant 5.000000e-01 : f32
    %mul3A_1826 = vector.broadcast %mul3A_1825 : f32 to vector<16xf32>
    %mul3A_1827 = arith.mulf %mul3A_1826, %get3A_1816 : vector<16xf32>
    %mul3A_1828 = arith.mulf %mul3A_1827, %bitcast3A_1824 : vector<16xf32>
    %mul3A_1829 = arith.mulf %mul3A_1828, %bitcast3A_1824 : vector<16xf32>
    %sub3A_1830 = arith.constant 1.500000e+00 : f32
    %sub3A_1831 = vector.broadcast %sub3A_1830 : f32 to vector<16xf32>
    %sub3A_1832 = arith.subf %sub3A_1831, %mul3A_1829 : vector<16xf32>
    %mul3A_1833 = arith.mulf %bitcast3A_1824, %sub3A_1832 : vector<16xf32>
    %mul3A_1834 = arith.constant 5.000000e-01 : f32
    %mul3A_1835 = vector.broadcast %mul3A_1834 : f32 to vector<16xf32>
    %mul3A_1836 = arith.mulf %mul3A_1835, %get3A_1816 : vector<16xf32>
    %mul3A_1837 = arith.mulf %mul3A_1836, %mul3A_1833 : vector<16xf32>
    %mul3A_1838 = arith.mulf %mul3A_1837, %mul3A_1833 : vector<16xf32>
    %sub3A_1839 = arith.constant 1.500000e+00 : f32
    %sub3A_1840 = vector.broadcast %sub3A_1839 : f32 to vector<16xf32>
    %sub3A_1841 = arith.subf %sub3A_1840, %mul3A_1838 : vector<16xf32>
    %mul3A_1842 = arith.mulf %mul3A_1833, %sub3A_1841 : vector<16xf32>
    %mul3A_1843 = arith.constant 5.000000e-01 : f32
    %mul3A_1844 = vector.broadcast %mul3A_1843 : f32 to vector<16xf32>
    %mul3A_1845 = arith.mulf %mul3A_1844, %get3A_1816 : vector<16xf32>
    %mul3A_1846 = arith.mulf %mul3A_1845, %mul3A_1842 : vector<16xf32>
    %mul3A_1847 = arith.mulf %mul3A_1846, %mul3A_1842 : vector<16xf32>
    %sub3A_1848 = arith.constant 1.500000e+00 : f32
    %sub3A_1849 = vector.broadcast %sub3A_1848 : f32 to vector<16xf32>
    %sub3A_1850 = arith.subf %sub3A_1849, %mul3A_1847 : vector<16xf32>
    %mul3A_1851 = arith.mulf %mul3A_1842, %sub3A_1850 : vector<16xf32>
    %swap3A_1852 = arith.constant 480 : index
    %swap3A_1853 = tpu.vector_load %arg17[%swap3A_1852] {strides = array<i32>} : memref<656xf32, #tpu.memory_space<vmem>>, vector<16xf32>,
    tpu.vector_store %arg17[%swap3A_1852], %mul3A_1851 {strides = array<i32>} : memref<656xf32, #tpu.memory_space<vmem>>, vector<16xf32>,
    %get3A_1854 = arith.constant 480 : index
    %get3A_1855 = tpu.vector_load %arg16[%get3A_1854] {strides = array<i32>} : memref<656xf32, #tpu.memory_space<vmem>>, vector<16xf32>,
    %mul3A_1856 = arith.mulf %mul3A_1851, %get3A_1855 : vector<16xf32>
    %swap3A_1857 = arith.constant 480 : index
    %swap3A_1858 = tpu.vector_load %arg19[%swap3A_1857] {strides = array<i32>} : memref<656xf32, #tpu.memory_space<vmem>>, vector<16xf32>,
    tpu.vector_store %arg19[%swap3A_1857], %mul3A_1856 {strides = array<i32>} : memref<656xf32, #tpu.memory_space<vmem>>, vector<16xf32>,
    %get3A_1859 = arith.constant 496 : index
    %get3A_1860 = tpu.vector_load %arg18[%get3A_1859] {strides = array<i32>} : memref<656xf32, #tpu.memory_space<vmem>>, vector<16xf32>,
    %bitcast3A_1861 = vector.bitcast %get3A_1860 : vector<16xf32> to vector<16xi32>
    %shift_right_logical3A_1862 = arith.constant 1 : i32
    %shift_right_logical3A_1863 = vector.broadcast %shift_right_logical3A_1862 : i32 to vector<16xi32>
    %shift_right_logical3A_1864 = arith.shrui %bitcast3A_1861, %shift_right_logical3A_1863 : vector<16xi32>
    %sub3A_1865 = arith.constant 1597463007 : i32
    %sub3A_1866 = vector.broadcast %sub3A_1865 : i32 to vector<16xi32>
    %sub3A_1867 = arith.subi %sub3A_1866, %shift_right_logical3A_1864 : vector<16xi32>
    %bitcast3A_1868 = vector.bitcast %sub3A_1867 : vector<16xi32> to vector<16xf32>
    %mul3A_1869 = arith.constant 5.000000e-01 : f32
    %mul3A_1870 = vector.broadcast %mul3A_1869 : f32 to vector<16xf32>
    %mul3A_1871 = arith.mulf %mul3A_1870, %get3A_1860 : vector<16xf32>
    %mul3A_1872 = arith.mulf %mul3A_1871, %bitcast3A_1868 : vector<16xf32>
    %mul3A_1873 = arith.mulf %mul3A_1872, %bitcast3A_1868 : vector<16xf32>
    %sub3A_1874 = arith.constant 1.500000e+00 : f32
    %sub3A_1875 = vector.broadcast %sub3A_1874 : f32 to vector<16xf32>
    %sub3A_1876 = arith.subf %sub3A_1875, %mul3A_1873 : vector<16xf32>
    %mul3A_1877 = arith.mulf %bitcast3A_1868, %sub3A_1876 : vector<16xf32>
    %mul3A_1878 = arith.constant 5.000000e-01 : f32
    %mul3A_1879 = vector.broadcast %mul3A_1878 : f32 to vector<16xf32>
    %mul3A_1880 = arith.mulf %mul3A_1879, %get3A_1860 : vector<16xf32>
    %mul3A_1881 = arith.mulf %mul3A_1880, %mul3A_1877 : vector<16xf32>
    %mul3A_1882 = arith.mulf %mul3A_1881, %mul3A_1877 : vector<16xf32>
    %sub3A_1883 = arith.constant 1.500000e+00 : f32
    %sub3A_1884 = vector.broadcast %sub3A_1883 : f32 to vector<16xf32>
    %sub3A_1885 = arith.subf %sub3A_1884, %mul3A_1882 : vector<16xf32>
    %mul3A_1886 = arith.mulf %mul3A_1877, %sub3A_1885 : vector<16xf32>
    %mul3A_1887 = arith.constant 5.000000e-01 : f32
    %mul3A_1888 = vector.broadcast %mul3A_1887 : f32 to vector<16xf32>
    %mul3A_1889 = arith.mulf %mul3A_1888, %get3A_1860 : vector<16xf32>
    %mul3A_1890 = arith.mulf %mul3A_1889, %mul3A_1886 : vector<16xf32>
    %mul3A_1891 = arith.mulf %mul3A_1890, %mul3A_1886 : vector<16xf32>
    %sub3A_1892 = arith.constant 1.500000e+00 : f32
    %sub3A_1893 = vector.broadcast %sub3A_1892 : f32 to vector<16xf32>
    %sub3A_1894 = arith.subf %sub3A_1893, %mul3A_1891 : vector<16xf32>
    %mul3A_1895 = arith.mulf %mul3A_1886, %sub3A_1894 : vector<16xf32>
    %swap3A_1896 = arith.constant 496 : index
    %swap3A_1897 = tpu.vector_load %arg17[%swap3A_1896] {strides = array<i32>} : memref<656xf32, #tpu.memory_space<vmem>>, vector<16xf32>,
    tpu.vector_store %arg17[%swap3A_1896], %mul3A_1895 {strides = array<i32>} : memref<656xf32, #tpu.memory_space<vmem>>, vector<16xf32>,
    %get3A_1898 = arith.constant 496 : index
    %get3A_1899 = tpu.vector_load %arg16[%get3A_1898] {strides = array<i32>} : memref<656xf32, #tpu.memory_space<vmem>>, vector<16xf32>,
    %mul3A_1900 = arith.mulf %mul3A_1895, %get3A_1899 : vector<16xf32>
    %swap3A_1901 = arith.constant 496 : index
    %swap3A_1902 = tpu.vector_load %arg19[%swap3A_1901] {strides = array<i32>} : memref<656xf32, #tpu.memory_space<vmem>>, vector<16xf32>,
    tpu.vector_store %arg19[%swap3A_1901], %mul3A_1900 {strides = array<i32>} : memref<656xf32, #tpu.memory_space<vmem>>, vector<16xf32>,
    %get3A_1903 = arith.constant 512 : index
    %get3A_1904 = tpu.vector_load %arg18[%get3A_1903] {strides = array<i32>} : memref<656xf32, #tpu.memory_space<vmem>>, vector<16xf32>,
    %bitcast3A_1905 = vector.bitcast %get3A_1904 : vector<16xf32> to vector<16xi32>
    %shift_right_logical3A_1906 = arith.constant 1 : i32
    %shift_right_logical3A_1907 = vector.broadcast %shift_right_logical3A_1906 : i32 to vector<16xi32>
    %shift_right_logical3A_1908 = arith.shrui %bitcast3A_1905, %shift_right_logical3A_1907 : vector<16xi32>
    %sub3A_1909 = arith.constant 1597463007 : i32
    %sub3A_1910 = vector.broadcast %sub3A_1909 : i32 to vector<16xi32>
    %sub3A_1911 = arith.subi %sub3A_1910, %shift_right_logical3A_1908 : vector<16xi32>
    %bitcast3A_1912 = vector.bitcast %sub3A_1911 : vector<16xi32> to vector<16xf32>
    %mul3A_1913 = arith.constant 5.000000e-01 : f32
    %mul3A_1914 = vector.broadcast %mul3A_1913 : f32 to vector<16xf32>
    %mul3A_1915 = arith.mulf %mul3A_1914, %get3A_1904 : vector<16xf32>
    %mul3A_1916 = arith.mulf %mul3A_1915, %bitcast3A_1912 : vector<16xf32>
    %mul3A_1917 = arith.mulf %mul3A_1916, %bitcast3A_1912 : vector<16xf32>
    %sub3A_1918 = arith.constant 1.500000e+00 : f32
    %sub3A_1919 = vector.broadcast %sub3A_1918 : f32 to vector<16xf32>
    %sub3A_1920 = arith.subf %sub3A_1919, %mul3A_1917 : vector<16xf32>
    %mul3A_1921 = arith.mulf %bitcast3A_1912, %sub3A_1920 : vector<16xf32>
    %mul3A_1922 = arith.constant 5.000000e-01 : f32
    %mul3A_1923 = vector.broadcast %mul3A_1922 : f32 to vector<16xf32>
    %mul3A_1924 = arith.mulf %mul3A_1923, %get3A_1904 : vector<16xf32>
    %mul3A_1925 = arith.mulf %mul3A_1924, %mul3A_1921 : vector<16xf32>
    %mul3A_1926 = arith.mulf %mul3A_1925, %mul3A_1921 : vector<16xf32>
    %sub3A_1927 = arith.constant 1.500000e+00 : f32
    %sub3A_1928 = vector.broadcast %sub3A_1927 : f32 to vector<16xf32>
    %sub3A_1929 = arith.subf %sub3A_1928, %mul3A_1926 : vector<16xf32>
    %mul3A_1930 = arith.mulf %mul3A_1921, %sub3A_1929 : vector<16xf32>
    %mul3A_1931 = arith.constant 5.000000e-01 : f32
    %mul3A_1932 = vector.broadcast %mul3A_1931 : f32 to vector<16xf32>
    %mul3A_1933 = arith.mulf %mul3A_1932, %get3A_1904 : vector<16xf32>
    %mul3A_1934 = arith.mulf %mul3A_1933, %mul3A_1930 : vector<16xf32>
    %mul3A_1935 = arith.mulf %mul3A_1934, %mul3A_1930 : vector<16xf32>
    %sub3A_1936 = arith.constant 1.500000e+00 : f32
    %sub3A_1937 = vector.broadcast %sub3A_1936 : f32 to vector<16xf32>
    %sub3A_1938 = arith.subf %sub3A_1937, %mul3A_1935 : vector<16xf32>
    %mul3A_1939 = arith.mulf %mul3A_1930, %sub3A_1938 : vector<16xf32>
    %swap3A_1940 = arith.constant 512 : index
    %swap3A_1941 = tpu.vector_load %arg17[%swap3A_1940] {strides = array<i32>} : memref<656xf32, #tpu.memory_space<vmem>>, vector<16xf32>,
    tpu.vector_store %arg17[%swap3A_1940], %mul3A_1939 {strides = array<i32>} : memref<656xf32, #tpu.memory_space<vmem>>, vector<16xf32>,
    %get3A_1942 = arith.constant 512 : index
    %get3A_1943 = tpu.vector_load %arg16[%get3A_1942] {strides = array<i32>} : memref<656xf32, #tpu.memory_space<vmem>>, vector<16xf32>,
    %mul3A_1944 = arith.mulf %mul3A_1939, %get3A_1943 : vector<16xf32>
    %swap3A_1945 = arith.constant 512 : index
    %swap3A_1946 = tpu.vector_load %arg19[%swap3A_1945] {strides = array<i32>} : memref<656xf32, #tpu.memory_space<vmem>>, vector<16xf32>,
    tpu.vector_store %arg19[%swap3A_1945], %mul3A_1944 {strides = array<i32>} : memref<656xf32, #tpu.memory_space<vmem>>, vector<16xf32>,
    %get3A_1947 = arith.constant 528 : index
    %get3A_1948 = tpu.vector_load %arg18[%get3A_1947] {strides = array<i32>} : memref<656xf32, #tpu.memory_space<vmem>>, vector<16xf32>,
    %bitcast3A_1949 = vector.bitcast %get3A_1948 : vector<16xf32> to vector<16xi32>
    %shift_right_logical3A_1950 = arith.constant 1 : i32
    %shift_right_logical3A_1951 = vector.broadcast %shift_right_logical3A_1950 : i32 to vector<16xi32>
    %shift_right_logical3A_1952 = arith.shrui %bitcast3A_1949, %shift_right_logical3A_1951 : vector<16xi32>
    %sub3A_1953 = arith.constant 1597463007 : i32
    %sub3A_1954 = vector.broadcast %sub3A_1953 : i32 to vector<16xi32>
    %sub3A_1955 = arith.subi %sub3A_1954, %shift_right_logical3A_1952 : vector<16xi32>
    %bitcast3A_1956 = vector.bitcast %sub3A_1955 : vector<16xi32> to vector<16xf32>
    %mul3A_1957 = arith.constant 5.000000e-01 : f32
    %mul3A_1958 = vector.broadcast %mul3A_1957 : f32 to vector<16xf32>
    %mul3A_1959 = arith.mulf %mul3A_1958, %get3A_1948 : vector<16xf32>
    %mul3A_1960 = arith.mulf %mul3A_1959, %bitcast3A_1956 : vector<16xf32>
    %mul3A_1961 = arith.mulf %mul3A_1960, %bitcast3A_1956 : vector<16xf32>
    %sub3A_1962 = arith.constant 1.500000e+00 : f32
    %sub3A_1963 = vector.broadcast %sub3A_1962 : f32 to vector<16xf32>
    %sub3A_1964 = arith.subf %sub3A_1963, %mul3A_1961 : vector<16xf32>
    %mul3A_1965 = arith.mulf %bitcast3A_1956, %sub3A_1964 : vector<16xf32>
    %mul3A_1966 = arith.constant 5.000000e-01 : f32
    %mul3A_1967 = vector.broadcast %mul3A_1966 : f32 to vector<16xf32>
    %mul3A_1968 = arith.mulf %mul3A_1967, %get3A_1948 : vector<16xf32>
    %mul3A_1969 = arith.mulf %mul3A_1968, %mul3A_1965 : vector<16xf32>
    %mul3A_1970 = arith.mulf %mul3A_1969, %mul3A_1965 : vector<16xf32>
    %sub3A_1971 = arith.constant 1.500000e+00 : f32
    %sub3A_1972 = vector.broadcast %sub3A_1971 : f32 to vector<16xf32>
    %sub3A_1973 = arith.subf %sub3A_1972, %mul3A_1970 : vector<16xf32>
    %mul3A_1974 = arith.mulf %mul3A_1965, %sub3A_1973 : vector<16xf32>
    %mul3A_1975 = arith.constant 5.000000e-01 : f32
    %mul3A_1976 = vector.broadcast %mul3A_1975 : f32 to vector<16xf32>
    %mul3A_1977 = arith.mulf %mul3A_1976, %get3A_1948 : vector<16xf32>
    %mul3A_1978 = arith.mulf %mul3A_1977, %mul3A_1974 : vector<16xf32>
    %mul3A_1979 = arith.mulf %mul3A_1978, %mul3A_1974 : vector<16xf32>
    %sub3A_1980 = arith.constant 1.500000e+00 : f32
    %sub3A_1981 = vector.broadcast %sub3A_1980 : f32 to vector<16xf32>
    %sub3A_1982 = arith.subf %sub3A_1981, %mul3A_1979 : vector<16xf32>
    %mul3A_1983 = arith.mulf %mul3A_1974, %sub3A_1982 : vector<16xf32>
    %swap3A_1984 = arith.constant 528 : index
    %swap3A_1985 = tpu.vector_load %arg17[%swap3A_1984] {strides = array<i32>} : memref<656xf32, #tpu.memory_space<vmem>>, vector<16xf32>,
    tpu.vector_store %arg17[%swap3A_1984], %mul3A_1983 {strides = array<i32>} : memref<656xf32, #tpu.memory_space<vmem>>, vector<16xf32>,
    %get3A_1986 = arith.constant 528 : index
    %get3A_1987 = tpu.vector_load %arg16[%get3A_1986] {strides = array<i32>} : memref<656xf32, #tpu.memory_space<vmem>>, vector<16xf32>,
    %mul3A_1988 = arith.mulf %mul3A_1983, %get3A_1987 : vector<16xf32>
    %swap3A_1989 = arith.constant 528 : index
    %swap3A_1990 = tpu.vector_load %arg19[%swap3A_1989] {strides = array<i32>} : memref<656xf32, #tpu.memory_space<vmem>>, vector<16xf32>,
    tpu.vector_store %arg19[%swap3A_1989], %mul3A_1988 {strides = array<i32>} : memref<656xf32, #tpu.memory_space<vmem>>, vector<16xf32>,
    %get3A_1991 = arith.constant 544 : index
    %get3A_1992 = tpu.vector_load %arg18[%get3A_1991] {strides = array<i32>} : memref<656xf32, #tpu.memory_space<vmem>>, vector<16xf32>,
    %bitcast3A_1993 = vector.bitcast %get3A_1992 : vector<16xf32> to vector<16xi32>
    %shift_right_logical3A_1994 = arith.constant 1 : i32
    %shift_right_logical3A_1995 = vector.broadcast %shift_right_logical3A_1994 : i32 to vector<16xi32>
    %shift_right_logical3A_1996 = arith.shrui %bitcast3A_1993, %shift_right_logical3A_1995 : vector<16xi32>
    %sub3A_1997 = arith.constant 1597463007 : i32
    %sub3A_1998 = vector.broadcast %sub3A_1997 : i32 to vector<16xi32>
    %sub3A_1999 = arith.subi %sub3A_1998, %shift_right_logical3A_1996 : vector<16xi32>
    %bitcast3A_2000 = vector.bitcast %sub3A_1999 : vector<16xi32> to vector<16xf32>
    %mul3A_2001 = arith.constant 5.000000e-01 : f32
    %mul3A_2002 = vector.broadcast %mul3A_2001 : f32 to vector<16xf32>
    %mul3A_2003 = arith.mulf %mul3A_2002, %get3A_1992 : vector<16xf32>
    %mul3A_2004 = arith.mulf %mul3A_2003, %bitcast3A_2000 : vector<16xf32>
    %mul3A_2005 = arith.mulf %mul3A_2004, %bitcast3A_2000 : vector<16xf32>
    %sub3A_2006 = arith.constant 1.500000e+00 : f32
    %sub3A_2007 = vector.broadcast %sub3A_2006 : f32 to vector<16xf32>
    %sub3A_2008 = arith.subf %sub3A_2007, %mul3A_2005 : vector<16xf32>
    %mul3A_2009 = arith.mulf %bitcast3A_2000, %sub3A_2008 : vector<16xf32>
    %mul3A_2010 = arith.constant 5.000000e-01 : f32
    %mul3A_2011 = vector.broadcast %mul3A_2010 : f32 to vector<16xf32>
    %mul3A_2012 = arith.mulf %mul3A_2011, %get3A_1992 : vector<16xf32>
    %mul3A_2013 = arith.mulf %mul3A_2012, %mul3A_2009 : vector<16xf32>
    %mul3A_2014 = arith.mulf %mul3A_2013, %mul3A_2009 : vector<16xf32>
    %sub3A_2015 = arith.constant 1.500000e+00 : f32
    %sub3A_2016 = vector.broadcast %sub3A_2015 : f32 to vector<16xf32>
    %sub3A_2017 = arith.subf %sub3A_2016, %mul3A_2014 : vector<16xf32>
    %mul3A_2018 = arith.mulf %mul3A_2009, %sub3A_2017 : vector<16xf32>
    %mul3A_2019 = arith.constant 5.000000e-01 : f32
    %mul3A_2020 = vector.broadcast %mul3A_2019 : f32 to vector<16xf32>
    %mul3A_2021 = arith.mulf %mul3A_2020, %get3A_1992 : vector<16xf32>
    %mul3A_2022 = arith.mulf %mul3A_2021, %mul3A_2018 : vector<16xf32>
    %mul3A_2023 = arith.mulf %mul3A_2022, %mul3A_2018 : vector<16xf32>
    %sub3A_2024 = arith.constant 1.500000e+00 : f32
    %sub3A_2025 = vector.broadcast %sub3A_2024 : f32 to vector<16xf32>
    %sub3A_2026 = arith.subf %sub3A_2025, %mul3A_2023 : vector<16xf32>
    %mul3A_2027 = arith.mulf %mul3A_2018, %sub3A_2026 : vector<16xf32>
    %swap3A_2028 = arith.constant 544 : index
    %swap3A_2029 = tpu.vector_load %arg17[%swap3A_2028] {strides = array<i32>} : memref<656xf32, #tpu.memory_space<vmem>>, vector<16xf32>,
    tpu.vector_store %arg17[%swap3A_2028], %mul3A_2027 {strides = array<i32>} : memref<656xf32, #tpu.memory_space<vmem>>, vector<16xf32>,
    %get3A_2030 = arith.constant 544 : index
    %get3A_2031 = tpu.vector_load %arg16[%get3A_2030] {strides = array<i32>} : memref<656xf32, #tpu.memory_space<vmem>>, vector<16xf32>,
    %mul3A_2032 = arith.mulf %mul3A_2027, %get3A_2031 : vector<16xf32>
    %swap3A_2033 = arith.constant 544 : index
    %swap3A_2034 = tpu.vector_load %arg19[%swap3A_2033] {strides = array<i32>} : memref<656xf32, #tpu.memory_space<vmem>>, vector<16xf32>,
    tpu.vector_store %arg19[%swap3A_2033], %mul3A_2032 {strides = array<i32>} : memref<656xf32, #tpu.memory_space<vmem>>, vector<16xf32>,
    %get3A_2035 = arith.constant 560 : index
    %get3A_2036 = tpu.vector_load %arg18[%get3A_2035] {strides = array<i32>} : memref<656xf32, #tpu.memory_space<vmem>>, vector<16xf32>,
    %bitcast3A_2037 = vector.bitcast %get3A_2036 : vector<16xf32> to vector<16xi32>
    %shift_right_logical3A_2038 = arith.constant 1 : i32
    %shift_right_logical3A_2039 = vector.broadcast %shift_right_logical3A_2038 : i32 to vector<16xi32>
    %shift_right_logical3A_2040 = arith.shrui %bitcast3A_2037, %shift_right_logical3A_2039 : vector<16xi32>
    %sub3A_2041 = arith.constant 1597463007 : i32
    %sub3A_2042 = vector.broadcast %sub3A_2041 : i32 to vector<16xi32>
    %sub3A_2043 = arith.subi %sub3A_2042, %shift_right_logical3A_2040 : vector<16xi32>
    %bitcast3A_2044 = vector.bitcast %sub3A_2043 : vector<16xi32> to vector<16xf32>
    %mul3A_2045 = arith.constant 5.000000e-01 : f32
    %mul3A_2046 = vector.broadcast %mul3A_2045 : f32 to vector<16xf32>
    %mul3A_2047 = arith.mulf %mul3A_2046, %get3A_2036 : vector<16xf32>
    %mul3A_2048 = arith.mulf %mul3A_2047, %bitcast3A_2044 : vector<16xf32>
    %mul3A_2049 = arith.mulf %mul3A_2048, %bitcast3A_2044 : vector<16xf32>
    %sub3A_2050 = arith.constant 1.500000e+00 : f32
    %sub3A_2051 = vector.broadcast %sub3A_2050 : f32 to vector<16xf32>
    %sub3A_2052 = arith.subf %sub3A_2051, %mul3A_2049 : vector<16xf32>
    %mul3A_2053 = arith.mulf %bitcast3A_2044, %sub3A_2052 : vector<16xf32>
    %mul3A_2054 = arith.constant 5.000000e-01 : f32
    %mul3A_2055 = vector.broadcast %mul3A_2054 : f32 to vector<16xf32>
    %mul3A_2056 = arith.mulf %mul3A_2055, %get3A_2036 : vector<16xf32>
    %mul3A_2057 = arith.mulf %mul3A_2056, %mul3A_2053 : vector<16xf32>
    %mul3A_2058 = arith.mulf %mul3A_2057, %mul3A_2053 : vector<16xf32>
    %sub3A_2059 = arith.constant 1.500000e+00 : f32
    %sub3A_2060 = vector.broadcast %sub3A_2059 : f32 to vector<16xf32>
    %sub3A_2061 = arith.subf %sub3A_2060, %mul3A_2058 : vector<16xf32>
    %mul3A_2062 = arith.mulf %mul3A_2053, %sub3A_2061 : vector<16xf32>
    %mul3A_2063 = arith.constant 5.000000e-01 : f32
    %mul3A_2064 = vector.broadcast %mul3A_2063 : f32 to vector<16xf32>
    %mul3A_2065 = arith.mulf %mul3A_2064, %get3A_2036 : vector<16xf32>
    %mul3A_2066 = arith.mulf %mul3A_2065, %mul3A_2062 : vector<16xf32>
    %mul3A_2067 = arith.mulf %mul3A_2066, %mul3A_2062 : vector<16xf32>
    %sub3A_2068 = arith.constant 1.500000e+00 : f32
    %sub3A_2069 = vector.broadcast %sub3A_2068 : f32 to vector<16xf32>
    %sub3A_2070 = arith.subf %sub3A_2069, %mul3A_2067 : vector<16xf32>
    %mul3A_2071 = arith.mulf %mul3A_2062, %sub3A_2070 : vector<16xf32>
    %swap3A_2072 = arith.constant 560 : index
    %swap3A_2073 = tpu.vector_load %arg17[%swap3A_2072] {strides = array<i32>} : memref<656xf32, #tpu.memory_space<vmem>>, vector<16xf32>,
    tpu.vector_store %arg17[%swap3A_2072], %mul3A_2071 {strides = array<i32>} : memref<656xf32, #tpu.memory_space<vmem>>, vector<16xf32>,
    %get3A_2074 = arith.constant 560 : index
    %get3A_2075 = tpu.vector_load %arg16[%get3A_2074] {strides = array<i32>} : memref<656xf32, #tpu.memory_space<vmem>>, vector<16xf32>,
    %mul3A_2076 = arith.mulf %mul3A_2071, %get3A_2075 : vector<16xf32>
    %swap3A_2077 = arith.constant 560 : index
    %swap3A_2078 = tpu.vector_load %arg19[%swap3A_2077] {strides = array<i32>} : memref<656xf32, #tpu.memory_space<vmem>>, vector<16xf32>,
    tpu.vector_store %arg19[%swap3A_2077], %mul3A_2076 {strides = array<i32>} : memref<656xf32, #tpu.memory_space<vmem>>, vector<16xf32>,
    %get3A_2079 = arith.constant 576 : index
    %get3A_2080 = tpu.vector_load %arg18[%get3A_2079] {strides = array<i32>} : memref<656xf32, #tpu.memory_space<vmem>>, vector<16xf32>,
    %bitcast3A_2081 = vector.bitcast %get3A_2080 : vector<16xf32> to vector<16xi32>
    %shift_right_logical3A_2082 = arith.constant 1 : i32
    %shift_right_logical3A_2083 = vector.broadcast %shift_right_logical3A_2082 : i32 to vector<16xi32>
    %shift_right_logical3A_2084 = arith.shrui %bitcast3A_2081, %shift_right_logical3A_2083 : vector<16xi32>
    %sub3A_2085 = arith.constant 1597463007 : i32
    %sub3A_2086 = vector.broadcast %sub3A_2085 : i32 to vector<16xi32>
    %sub3A_2087 = arith.subi %sub3A_2086, %shift_right_logical3A_2084 : vector<16xi32>
    %bitcast3A_2088 = vector.bitcast %sub3A_2087 : vector<16xi32> to vector<16xf32>
    %mul3A_2089 = arith.constant 5.000000e-01 : f32
    %mul3A_2090 = vector.broadcast %mul3A_2089 : f32 to vector<16xf32>
    %mul3A_2091 = arith.mulf %mul3A_2090, %get3A_2080 : vector<16xf32>
    %mul3A_2092 = arith.mulf %mul3A_2091, %bitcast3A_2088 : vector<16xf32>
    %mul3A_2093 = arith.mulf %mul3A_2092, %bitcast3A_2088 : vector<16xf32>
    %sub3A_2094 = arith.constant 1.500000e+00 : f32
    %sub3A_2095 = vector.broadcast %sub3A_2094 : f32 to vector<16xf32>
    %sub3A_2096 = arith.subf %sub3A_2095, %mul3A_2093 : vector<16xf32>
    %mul3A_2097 = arith.mulf %bitcast3A_2088, %sub3A_2096 : vector<16xf32>
    %mul3A_2098 = arith.constant 5.000000e-01 : f32
    %mul3A_2099 = vector.broadcast %mul3A_2098 : f32 to vector<16xf32>
    %mul3A_2100 = arith.mulf %mul3A_2099, %get3A_2080 : vector<16xf32>
    %mul3A_2101 = arith.mulf %mul3A_2100, %mul3A_2097 : vector<16xf32>
    %mul3A_2102 = arith.mulf %mul3A_2101, %mul3A_2097 : vector<16xf32>
    %sub3A_2103 = arith.constant 1.500000e+00 : f32
    %sub3A_2104 = vector.broadcast %sub3A_2103 : f32 to vector<16xf32>
    %sub3A_2105 = arith.subf %sub3A_2104, %mul3A_2102 : vector<16xf32>
    %mul3A_2106 = arith.mulf %mul3A_2097, %sub3A_2105 : vector<16xf32>
    %mul3A_2107 = arith.constant 5.000000e-01 : f32
    %mul3A_2108 = vector.broadcast %mul3A_2107 : f32 to vector<16xf32>
    %mul3A_2109 = arith.mulf %mul3A_2108, %get3A_2080 : vector<16xf32>
    %mul3A_2110 = arith.mulf %mul3A_2109, %mul3A_2106 : vector<16xf32>
    %mul3A_2111 = arith.mulf %mul3A_2110, %mul3A_2106 : vector<16xf32>
    %sub3A_2112 = arith.constant 1.500000e+00 : f32
    %sub3A_2113 = vector.broadcast %sub3A_2112 : f32 to vector<16xf32>
    %sub3A_2114 = arith.subf %sub3A_2113, %mul3A_2111 : vector<16xf32>
    %mul3A_2115 = arith.mulf %mul3A_2106, %sub3A_2114 : vector<16xf32>
    %swap3A_2116 = arith.constant 576 : index
    %swap3A_2117 = tpu.vector_load %arg17[%swap3A_2116] {strides = array<i32>} : memref<656xf32, #tpu.memory_space<vmem>>, vector<16xf32>,
    tpu.vector_store %arg17[%swap3A_2116], %mul3A_2115 {strides = array<i32>} : memref<656xf32, #tpu.memory_space<vmem>>, vector<16xf32>,
    %get3A_2118 = arith.constant 576 : index
    %get3A_2119 = tpu.vector_load %arg16[%get3A_2118] {strides = array<i32>} : memref<656xf32, #tpu.memory_space<vmem>>, vector<16xf32>,
    %mul3A_2120 = arith.mulf %mul3A_2115, %get3A_2119 : vector<16xf32>
    %swap3A_2121 = arith.constant 576 : index
    %swap3A_2122 = tpu.vector_load %arg19[%swap3A_2121] {strides = array<i32>} : memref<656xf32, #tpu.memory_space<vmem>>, vector<16xf32>,
    tpu.vector_store %arg19[%swap3A_2121], %mul3A_2120 {strides = array<i32>} : memref<656xf32, #tpu.memory_space<vmem>>, vector<16xf32>,
    %get3A_2123 = arith.constant 592 : index
    %get3A_2124 = tpu.vector_load %arg18[%get3A_2123] {strides = array<i32>} : memref<656xf32, #tpu.memory_space<vmem>>, vector<16xf32>,
    %bitcast3A_2125 = vector.bitcast %get3A_2124 : vector<16xf32> to vector<16xi32>
    %shift_right_logical3A_2126 = arith.constant 1 : i32
    %shift_right_logical3A_2127 = vector.broadcast %shift_right_logical3A_2126 : i32 to vector<16xi32>
    %shift_right_logical3A_2128 = arith.shrui %bitcast3A_2125, %shift_right_logical3A_2127 : vector<16xi32>
    %sub3A_2129 = arith.constant 1597463007 : i32
    %sub3A_2130 = vector.broadcast %sub3A_2129 : i32 to vector<16xi32>
    %sub3A_2131 = arith.subi %sub3A_2130, %shift_right_logical3A_2128 : vector<16xi32>
    %bitcast3A_2132 = vector.bitcast %sub3A_2131 : vector<16xi32> to vector<16xf32>
    %mul3A_2133 = arith.constant 5.000000e-01 : f32
    %mul3A_2134 = vector.broadcast %mul3A_2133 : f32 to vector<16xf32>
    %mul3A_2135 = arith.mulf %mul3A_2134, %get3A_2124 : vector<16xf32>
    %mul3A_2136 = arith.mulf %mul3A_2135, %bitcast3A_2132 : vector<16xf32>
    %mul3A_2137 = arith.mulf %mul3A_2136, %bitcast3A_2132 : vector<16xf32>
    %sub3A_2138 = arith.constant 1.500000e+00 : f32
    %sub3A_2139 = vector.broadcast %sub3A_2138 : f32 to vector<16xf32>
    %sub3A_2140 = arith.subf %sub3A_2139, %mul3A_2137 : vector<16xf32>
    %mul3A_2141 = arith.mulf %bitcast3A_2132, %sub3A_2140 : vector<16xf32>
    %mul3A_2142 = arith.constant 5.000000e-01 : f32
    %mul3A_2143 = vector.broadcast %mul3A_2142 : f32 to vector<16xf32>
    %mul3A_2144 = arith.mulf %mul3A_2143, %get3A_2124 : vector<16xf32>
    %mul3A_2145 = arith.mulf %mul3A_2144, %mul3A_2141 : vector<16xf32>
    %mul3A_2146 = arith.mulf %mul3A_2145, %mul3A_2141 : vector<16xf32>
    %sub3A_2147 = arith.constant 1.500000e+00 : f32
    %sub3A_2148 = vector.broadcast %sub3A_2147 : f32 to vector<16xf32>
    %sub3A_2149 = arith.subf %sub3A_2148, %mul3A_2146 : vector<16xf32>
    %mul3A_2150 = arith.mulf %mul3A_2141, %sub3A_2149 : vector<16xf32>
    %mul3A_2151 = arith.constant 5.000000e-01 : f32
    %mul3A_2152 = vector.broadcast %mul3A_2151 : f32 to vector<16xf32>
    %mul3A_2153 = arith.mulf %mul3A_2152, %get3A_2124 : vector<16xf32>
    %mul3A_2154 = arith.mulf %mul3A_2153, %mul3A_2150 : vector<16xf32>
    %mul3A_2155 = arith.mulf %mul3A_2154, %mul3A_2150 : vector<16xf32>
    %sub3A_2156 = arith.constant 1.500000e+00 : f32
    %sub3A_2157 = vector.broadcast %sub3A_2156 : f32 to vector<16xf32>
    %sub3A_2158 = arith.subf %sub3A_2157, %mul3A_2155 : vector<16xf32>
    %mul3A_2159 = arith.mulf %mul3A_2150, %sub3A_2158 : vector<16xf32>
    %swap3A_2160 = arith.constant 592 : index
    %swap3A_2161 = tpu.vector_load %arg17[%swap3A_2160] {strides = array<i32>} : memref<656xf32, #tpu.memory_space<vmem>>, vector<16xf32>,
    tpu.vector_store %arg17[%swap3A_2160], %mul3A_2159 {strides = array<i32>} : memref<656xf32, #tpu.memory_space<vmem>>, vector<16xf32>,
    %get3A_2162 = arith.constant 592 : index
    %get3A_2163 = tpu.vector_load %arg16[%get3A_2162] {strides = array<i32>} : memref<656xf32, #tpu.memory_space<vmem>>, vector<16xf32>,
    %mul3A_2164 = arith.mulf %mul3A_2159, %get3A_2163 : vector<16xf32>
    %swap3A_2165 = arith.constant 592 : index
    %swap3A_2166 = tpu.vector_load %arg19[%swap3A_2165] {strides = array<i32>} : memref<656xf32, #tpu.memory_space<vmem>>, vector<16xf32>,
    tpu.vector_store %arg19[%swap3A_2165], %mul3A_2164 {strides = array<i32>} : memref<656xf32, #tpu.memory_space<vmem>>, vector<16xf32>,
    %get3A_2167 = arith.constant 608 : index
    %get3A_2168 = tpu.vector_load %arg18[%get3A_2167] {strides = array<i32>} : memref<656xf32, #tpu.memory_space<vmem>>, vector<16xf32>,
    %bitcast3A_2169 = vector.bitcast %get3A_2168 : vector<16xf32> to vector<16xi32>
    %shift_right_logical3A_2170 = arith.constant 1 : i32
    %shift_right_logical3A_2171 = vector.broadcast %shift_right_logical3A_2170 : i32 to vector<16xi32>
    %shift_right_logical3A_2172 = arith.shrui %bitcast3A_2169, %shift_right_logical3A_2171 : vector<16xi32>
    %sub3A_2173 = arith.constant 1597463007 : i32
    %sub3A_2174 = vector.broadcast %sub3A_2173 : i32 to vector<16xi32>
    %sub3A_2175 = arith.subi %sub3A_2174, %shift_right_logical3A_2172 : vector<16xi32>
    %bitcast3A_2176 = vector.bitcast %sub3A_2175 : vector<16xi32> to vector<16xf32>
    %mul3A_2177 = arith.constant 5.000000e-01 : f32
    %mul3A_2178 = vector.broadcast %mul3A_2177 : f32 to vector<16xf32>
    %mul3A_2179 = arith.mulf %mul3A_2178, %get3A_2168 : vector<16xf32>
    %mul3A_2180 = arith.mulf %mul3A_2179, %bitcast3A_2176 : vector<16xf32>
    %mul3A_2181 = arith.mulf %mul3A_2180, %bitcast3A_2176 : vector<16xf32>
    %sub3A_2182 = arith.constant 1.500000e+00 : f32
    %sub3A_2183 = vector.broadcast %sub3A_2182 : f32 to vector<16xf32>
    %sub3A_2184 = arith.subf %sub3A_2183, %mul3A_2181 : vector<16xf32>
    %mul3A_2185 = arith.mulf %bitcast3A_2176, %sub3A_2184 : vector<16xf32>
    %mul3A_2186 = arith.constant 5.000000e-01 : f32
    %mul3A_2187 = vector.broadcast %mul3A_2186 : f32 to vector<16xf32>
    %mul3A_2188 = arith.mulf %mul3A_2187, %get3A_2168 : vector<16xf32>
    %mul3A_2189 = arith.mulf %mul3A_2188, %mul3A_2185 : vector<16xf32>
    %mul3A_2190 = arith.mulf %mul3A_2189, %mul3A_2185 : vector<16xf32>
    %sub3A_2191 = arith.constant 1.500000e+00 : f32
    %sub3A_2192 = vector.broadcast %sub3A_2191 : f32 to vector<16xf32>
    %sub3A_2193 = arith.subf %sub3A_2192, %mul3A_2190 : vector<16xf32>
    %mul3A_2194 = arith.mulf %mul3A_2185, %sub3A_2193 : vector<16xf32>
    %mul3A_2195 = arith.constant 5.000000e-01 : f32
    %mul3A_2196 = vector.broadcast %mul3A_2195 : f32 to vector<16xf32>
    %mul3A_2197 = arith.mulf %mul3A_2196, %get3A_2168 : vector<16xf32>
    %mul3A_2198 = arith.mulf %mul3A_2197, %mul3A_2194 : vector<16xf32>
    %mul3A_2199 = arith.mulf %mul3A_2198, %mul3A_2194 : vector<16xf32>
    %sub3A_2200 = arith.constant 1.500000e+00 : f32
    %sub3A_2201 = vector.broadcast %sub3A_2200 : f32 to vector<16xf32>
    %sub3A_2202 = arith.subf %sub3A_2201, %mul3A_2199 : vector<16xf32>
    %mul3A_2203 = arith.mulf %mul3A_2194, %sub3A_2202 : vector<16xf32>
    %swap3A_2204 = arith.constant 608 : index
    %swap3A_2205 = tpu.vector_load %arg17[%swap3A_2204] {strides = array<i32>} : memref<656xf32, #tpu.memory_space<vmem>>, vector<16xf32>,
    tpu.vector_store %arg17[%swap3A_2204], %mul3A_2203 {strides = array<i32>} : memref<656xf32, #tpu.memory_space<vmem>>, vector<16xf32>,
    %get3A_2206 = arith.constant 608 : index
    %get3A_2207 = tpu.vector_load %arg16[%get3A_2206] {strides = array<i32>} : memref<656xf32, #tpu.memory_space<vmem>>, vector<16xf32>,
    %mul3A_2208 = arith.mulf %mul3A_2203, %get3A_2207 : vector<16xf32>
    %swap3A_2209 = arith.constant 608 : index
    %swap3A_2210 = tpu.vector_load %arg19[%swap3A_2209] {strides = array<i32>} : memref<656xf32, #tpu.memory_space<vmem>>, vector<16xf32>,
    tpu.vector_store %arg19[%swap3A_2209], %mul3A_2208 {strides = array<i32>} : memref<656xf32, #tpu.memory_space<vmem>>, vector<16xf32>,
    %get3A_2211 = arith.constant 624 : index
    %get3A_2212 = tpu.vector_load %arg18[%get3A_2211] {strides = array<i32>} : memref<656xf32, #tpu.memory_space<vmem>>, vector<16xf32>,
    %bitcast3A_2213 = vector.bitcast %get3A_2212 : vector<16xf32> to vector<16xi32>
    %shift_right_logical3A_2214 = arith.constant 1 : i32
    %shift_right_logical3A_2215 = vector.broadcast %shift_right_logical3A_2214 : i32 to vector<16xi32>
    %shift_right_logical3A_2216 = arith.shrui %bitcast3A_2213, %shift_right_logical3A_2215 : vector<16xi32>
    %sub3A_2217 = arith.constant 1597463007 : i32
    %sub3A_2218 = vector.broadcast %sub3A_2217 : i32 to vector<16xi32>
    %sub3A_2219 = arith.subi %sub3A_2218, %shift_right_logical3A_2216 : vector<16xi32>
    %bitcast3A_2220 = vector.bitcast %sub3A_2219 : vector<16xi32> to vector<16xf32>
    %mul3A_2221 = arith.constant 5.000000e-01 : f32
    %mul3A_2222 = vector.broadcast %mul3A_2221 : f32 to vector<16xf32>
    %mul3A_2223 = arith.mulf %mul3A_2222, %get3A_2212 : vector<16xf32>
    %mul3A_2224 = arith.mulf %mul3A_2223, %bitcast3A_2220 : vector<16xf32>
    %mul3A_2225 = arith.mulf %mul3A_2224, %bitcast3A_2220 : vector<16xf32>
    %sub3A_2226 = arith.constant 1.500000e+00 : f32
    %sub3A_2227 = vector.broadcast %sub3A_2226 : f32 to vector<16xf32>
    %sub3A_2228 = arith.subf %sub3A_2227, %mul3A_2225 : vector<16xf32>
    %mul3A_2229 = arith.mulf %bitcast3A_2220, %sub3A_2228 : vector<16xf32>
    %mul3A_2230 = arith.constant 5.000000e-01 : f32
    %mul3A_2231 = vector.broadcast %mul3A_2230 : f32 to vector<16xf32>
    %mul3A_2232 = arith.mulf %mul3A_2231, %get3A_2212 : vector<16xf32>
    %mul3A_2233 = arith.mulf %mul3A_2232, %mul3A_2229 : vector<16xf32>
    %mul3A_2234 = arith.mulf %mul3A_2233, %mul3A_2229 : vector<16xf32>
    %sub3A_2235 = arith.constant 1.500000e+00 : f32
    %sub3A_2236 = vector.broadcast %sub3A_2235 : f32 to vector<16xf32>
    %sub3A_2237 = arith.subf %sub3A_2236, %mul3A_2234 : vector<16xf32>
    %mul3A_2238 = arith.mulf %mul3A_2229, %sub3A_2237 : vector<16xf32>
    %mul3A_2239 = arith.constant 5.000000e-01 : f32
    %mul3A_2240 = vector.broadcast %mul3A_2239 : f32 to vector<16xf32>
    %mul3A_2241 = arith.mulf %mul3A_2240, %get3A_2212 : vector<16xf32>
    %mul3A_2242 = arith.mulf %mul3A_2241, %mul3A_2238 : vector<16xf32>
    %mul3A_2243 = arith.mulf %mul3A_2242, %mul3A_2238 : vector<16xf32>
    %sub3A_2244 = arith.constant 1.500000e+00 : f32
    %sub3A_2245 = vector.broadcast %sub3A_2244 : f32 to vector<16xf32>
    %sub3A_2246 = arith.subf %sub3A_2245, %mul3A_2243 : vector<16xf32>
    %mul3A_2247 = arith.mulf %mul3A_2238, %sub3A_2246 : vector<16xf32>
    %swap3A_2248 = arith.constant 624 : index
    %swap3A_2249 = tpu.vector_load %arg17[%swap3A_2248] {strides = array<i32>} : memref<656xf32, #tpu.memory_space<vmem>>, vector<16xf32>,
    tpu.vector_store %arg17[%swap3A_2248], %mul3A_2247 {strides = array<i32>} : memref<656xf32, #tpu.memory_space<vmem>>, vector<16xf32>,
    %get3A_2250 = arith.constant 624 : index
    %get3A_2251 = tpu.vector_load %arg16[%get3A_2250] {strides = array<i32>} : memref<656xf32, #tpu.memory_space<vmem>>, vector<16xf32>,
    %mul3A_2252 = arith.mulf %mul3A_2247, %get3A_2251 : vector<16xf32>
    %swap3A_2253 = arith.constant 624 : index
    %swap3A_2254 = tpu.vector_load %arg19[%swap3A_2253] {strides = array<i32>} : memref<656xf32, #tpu.memory_space<vmem>>, vector<16xf32>,
    tpu.vector_store %arg19[%swap3A_2253], %mul3A_2252 {strides = array<i32>} : memref<656xf32, #tpu.memory_space<vmem>>, vector<16xf32>,
    %get3A_2255 = arith.constant 640 : index
    %get3A_2256 = tpu.vector_load %arg18[%get3A_2255] {strides = array<i32>} : memref<656xf32, #tpu.memory_space<vmem>>, vector<16xf32>,
    %bitcast3A_2257 = vector.bitcast %get3A_2256 : vector<16xf32> to vector<16xi32>
    %shift_right_logical3A_2258 = arith.constant 1 : i32
    %shift_right_logical3A_2259 = vector.broadcast %shift_right_logical3A_2258 : i32 to vector<16xi32>
    %shift_right_logical3A_2260 = arith.shrui %bitcast3A_2257, %shift_right_logical3A_2259 : vector<16xi32>
    %sub3A_2261 = arith.constant 1597463007 : i32
    %sub3A_2262 = vector.broadcast %sub3A_2261 : i32 to vector<16xi32>
    %sub3A_2263 = arith.subi %sub3A_2262, %shift_right_logical3A_2260 : vector<16xi32>
    %bitcast3A_2264 = vector.bitcast %sub3A_2263 : vector<16xi32> to vector<16xf32>
    %mul3A_2265 = arith.constant 5.000000e-01 : f32
    %mul3A_2266 = vector.broadcast %mul3A_2265 : f32 to vector<16xf32>
    %mul3A_2267 = arith.mulf %mul3A_2266, %get3A_2256 : vector<16xf32>
    %mul3A_2268 = arith.mulf %mul3A_2267, %bitcast3A_2264 : vector<16xf32>
    %mul3A_2269 = arith.mulf %mul3A_2268, %bitcast3A_2264 : vector<16xf32>
    %sub3A_2270 = arith.constant 1.500000e+00 : f32
    %sub3A_2271 = vector.broadcast %sub3A_2270 : f32 to vector<16xf32>
    %sub3A_2272 = arith.subf %sub3A_2271, %mul3A_2269 : vector<16xf32>
    %mul3A_2273 = arith.mulf %bitcast3A_2264, %sub3A_2272 : vector<16xf32>
    %mul3A_2274 = arith.constant 5.000000e-01 : f32
    %mul3A_2275 = vector.broadcast %mul3A_2274 : f32 to vector<16xf32>
    %mul3A_2276 = arith.mulf %mul3A_2275, %get3A_2256 : vector<16xf32>
    %mul3A_2277 = arith.mulf %mul3A_2276, %mul3A_2273 : vector<16xf32>
    %mul3A_2278 = arith.mulf %mul3A_2277, %mul3A_2273 : vector<16xf32>
    %sub3A_2279 = arith.constant 1.500000e+00 : f32
    %sub3A_2280 = vector.broadcast %sub3A_2279 : f32 to vector<16xf32>
    %sub3A_2281 = arith.subf %sub3A_2280, %mul3A_2278 : vector<16xf32>
    %mul3A_2282 = arith.mulf %mul3A_2273, %sub3A_2281 : vector<16xf32>
    %mul3A_2283 = arith.constant 5.000000e-01 : f32
    %mul3A_2284 = vector.broadcast %mul3A_2283 : f32 to vector<16xf32>
    %mul3A_2285 = arith.mulf %mul3A_2284, %get3A_2256 : vector<16xf32>
    %mul3A_2286 = arith.mulf %mul3A_2285, %mul3A_2282 : vector<16xf32>
    %mul3A_2287 = arith.mulf %mul3A_2286, %mul3A_2282 : vector<16xf32>
    %sub3A_2288 = arith.constant 1.500000e+00 : f32
    %sub3A_2289 = vector.broadcast %sub3A_2288 : f32 to vector<16xf32>
    %sub3A_2290 = arith.subf %sub3A_2289, %mul3A_2287 : vector<16xf32>
    %mul3A_2291 = arith.mulf %mul3A_2282, %sub3A_2290 : vector<16xf32>
    %swap3A_2292 = arith.constant 640 : index
    %swap3A_2293 = tpu.vector_load %arg17[%swap3A_2292] {strides = array<i32>} : memref<656xf32, #tpu.memory_space<vmem>>, vector<16xf32>,
    tpu.vector_store %arg17[%swap3A_2292], %mul3A_2291 {strides = array<i32>} : memref<656xf32, #tpu.memory_space<vmem>>, vector<16xf32>,
    %get3A_2294 = arith.constant 640 : index
    %get3A_2295 = tpu.vector_load %arg16[%get3A_2294] {strides = array<i32>} : memref<656xf32, #tpu.memory_space<vmem>>, vector<16xf32>,
    %mul3A_2296 = arith.mulf %mul3A_2291, %get3A_2295 : vector<16xf32>
    %swap3A_2297 = arith.constant 640 : index
    %swap3A_2298 = tpu.vector_load %arg19[%swap3A_2297] {strides = array<i32>} : memref<656xf32, #tpu.memory_space<vmem>>, vector<16xf32>,
    tpu.vector_store %arg19[%swap3A_2297], %mul3A_2296 {strides = array<i32>} : memref<656xf32, #tpu.memory_space<vmem>>, vector<16xf32>,
    "tpu.region"() ({
      %run_scoped3A = tpu.sem_alloc : memref<!tpu.dma_semaphore, #tpu.memory_space<semaphore_mem>>
      %dma_start3A_2950 = tpu.memref_slice %arg26[%mul3A_0] : memref<10496xf32, #tpu.memory_space<vmem_shared>> -> memref<656xf32, #tpu.memory_space<vmem_shared>>
      %dma_start3A_2951 = tpu.memref_slice %arg26[%mul3A_0] : memref<10496xf32, #tpu.memory_space<vmem_shared>> -> memref<656xf32, #tpu.memory_space<vmem_shared>>
      tpu.enqueue_dma source(%arg19 : memref<656xf32, #tpu.memory_space<vmem>>) target(%dma_start3A_2951 : memref<656xf32, #tpu.memory_space<vmem_shared>>) target_semaphore(%run_scoped3A : memref<!tpu.dma_semaphore, #tpu.memory_space<semaphore_mem>>)
      %dma_wait3A_2952 = tpu.memref_slice %arg26[%mul3A_0] : memref<10496xf32, #tpu.memory_space<vmem_shared>> -> memref<656xf32, #tpu.memory_space<vmem_shared>>
      %dma_wait3A_2953 = tpu.memref_slice %arg26[%mul3A_0] : memref<10496xf32, #tpu.memory_space<vmem_shared>> -> memref<656xf32, #tpu.memory_space<vmem_shared>>
      tpu.wait_dma2 semaphore(%run_scoped3A : memref<!tpu.dma_semaphore, #tpu.memory_space<semaphore_mem>>) src(%arg19 : memref<656xf32, #tpu.memory_space<vmem>>) dst(%dma_wait3A_2953 : memref<656xf32, #tpu.memory_space<vmem_shared>>)
      tpu.yield
    }) : () -> ()
    "tpu.region"() ({
      %run_scoped3A = tpu.sem_alloc : memref<!tpu.dma_semaphore, #tpu.memory_space<semaphore_mem>>
      %dma_start3A_2950 = tpu.memref_slice %arg27[%mul3A_0] : memref<10496xf32, #tpu.memory_space<vmem_shared>> -> memref<656xf32, #tpu.memory_space<vmem_shared>>
      %dma_start3A_2951 = tpu.memref_slice %arg27[%mul3A_0] : memref<10496xf32, #tpu.memory_space<vmem_shared>> -> memref<656xf32, #tpu.memory_space<vmem_shared>>
      tpu.enqueue_dma source(%arg19 : memref<656xf32, #tpu.memory_space<vmem>>) target(%dma_start3A_2951 : memref<656xf32, #tpu.memory_space<vmem_shared>>) target_semaphore(%run_scoped3A : memref<!tpu.dma_semaphore, #tpu.memory_space<semaphore_mem>>)
      %dma_wait3A_2952 = tpu.memref_slice %arg27[%mul3A_0] : memref<10496xf32, #tpu.memory_space<vmem_shared>> -> memref<656xf32, #tpu.memory_space<vmem_shared>>
      %dma_wait3A_2953 = tpu.memref_slice %arg27[%mul3A_0] : memref<10496xf32, #tpu.memory_space<vmem_shared>> -> memref<656xf32, #tpu.memory_space<vmem_shared>>
      tpu.wait_dma2 semaphore(%run_scoped3A : memref<!tpu.dma_semaphore, #tpu.memory_space<semaphore_mem>>) src(%arg19 : memref<656xf32, #tpu.memory_space<vmem>>) dst(%dma_wait3A_2953 : memref<656xf32, #tpu.memory_space<vmem_shared>>)
      tpu.yield
    }) : () -> ()
    %barrier3A_2299 = arith.constant 0 : index
    tpu.barrier barrier_id(%barrier3A_2299)
    "tpu.region"() ({
      %run_scoped3A = tpu.sem_alloc : memref<!tpu.dma_semaphore, #tpu.memory_space<semaphore_mem>>
      tpu.enqueue_dma source(%arg26 : memref<10496xf32, #tpu.memory_space<vmem_shared>>) target(%arg13 : memref<10496xf32, #tpu.memory_space<vmem>>) target_semaphore(%run_scoped3A : memref<!tpu.dma_semaphore, #tpu.memory_space<semaphore_mem>>)
      tpu.wait_dma2 semaphore(%run_scoped3A : memref<!tpu.dma_semaphore, #tpu.memory_space<semaphore_mem>>) src(%arg26 : memref<10496xf32, #tpu.memory_space<vmem_shared>>) dst(%arg13 : memref<10496xf32, #tpu.memory_space<vmem>>)
      tpu.yield
    }) : () -> ()
    %scan3A_2300 = arith.constant 0 : i32
    %scan3A_2301 = arith.constant 0 : i32
    %scan3A_2302 = arith.constant 164 : i32
    %scan3A_2303 = arith.addi %scan3A_2301, %scan3A_2302 : i32
    %scan3A_2304 = arith.constant 1 : i32
    scf.for %scan3A_2950 = %scan3A_2301 to %scan3A_2303 step %scan3A_2304  : i32 {
      %broadcast_in_dim3A_2951 = arith.constant 0.000000e+00 : f32
      %broadcast_in_dim3A_2952 = vector.broadcast %broadcast_in_dim3A_2951 : f32 to vector<16xf32>
      %mul3A_2953 = arith.constant 64 : i32
      %mul3A_2954 = arith.muli %scan3A_2950, %mul3A_2953 : i32
      %add3A = arith.constant 0 : i32
      %add3A_2955 = arith.addi %mul3A_2954, %add3A : i32
      %swap3A_2956 = arith.index_cast %add3A_2955 : i32 to index
      %swap3A_2957 = tpu.vector_load %arg14[%swap3A_2956] {strides = array<i32>} : memref<10496xf32, #tpu.memory_space<vmem>>, vector<16xf32>,
      tpu.vector_store %arg14[%swap3A_2956], %broadcast_in_dim3A_2952 {strides = array<i32>} : memref<10496xf32, #tpu.memory_space<vmem>>, vector<16xf32>,
      %broadcast_in_dim3A_2958 = arith.constant 0.000000e+00 : f32
      %broadcast_in_dim3A_2959 = vector.broadcast %broadcast_in_dim3A_2958 : f32 to vector<16xf32>
      %mul3A_2960 = arith.constant 64 : i32
      %mul3A_2961 = arith.muli %scan3A_2950, %mul3A_2960 : i32
      %add3A_2962 = arith.constant 16 : i32
      %add3A_2963 = arith.addi %mul3A_2961, %add3A_2962 : i32
      %swap3A_2964 = arith.index_cast %add3A_2963 : i32 to index
      %swap3A_2965 = tpu.vector_load %arg14[%swap3A_2964] {strides = array<i32>} : memref<10496xf32, #tpu.memory_space<vmem>>, vector<16xf32>,
      tpu.vector_store %arg14[%swap3A_2964], %broadcast_in_dim3A_2959 {strides = array<i32>} : memref<10496xf32, #tpu.memory_space<vmem>>, vector<16xf32>,
      %broadcast_in_dim3A_2966 = arith.constant 0.000000e+00 : f32
      %broadcast_in_dim3A_2967 = vector.broadcast %broadcast_in_dim3A_2966 : f32 to vector<16xf32>
      %mul3A_2968 = arith.constant 64 : i32
      %mul3A_2969 = arith.muli %scan3A_2950, %mul3A_2968 : i32
      %add3A_2970 = arith.constant 32 : i32
      %add3A_2971 = arith.addi %mul3A_2969, %add3A_2970 : i32
      %swap3A_2972 = arith.index_cast %add3A_2971 : i32 to index
      %swap3A_2973 = tpu.vector_load %arg14[%swap3A_2972] {strides = array<i32>} : memref<10496xf32, #tpu.memory_space<vmem>>, vector<16xf32>,
      tpu.vector_store %arg14[%swap3A_2972], %broadcast_in_dim3A_2967 {strides = array<i32>} : memref<10496xf32, #tpu.memory_space<vmem>>, vector<16xf32>,
      %broadcast_in_dim3A_2974 = arith.constant 0.000000e+00 : f32
      %broadcast_in_dim3A_2975 = vector.broadcast %broadcast_in_dim3A_2974 : f32 to vector<16xf32>
      %mul3A_2976 = arith.constant 64 : i32
      %mul3A_2977 = arith.muli %scan3A_2950, %mul3A_2976 : i32
      %add3A_2978 = arith.constant 48 : i32
      %add3A_2979 = arith.addi %mul3A_2977, %add3A_2978 : i32
      %swap3A_2980 = arith.index_cast %add3A_2979 : i32 to index
      %swap3A_2981 = tpu.vector_load %arg14[%swap3A_2980] {strides = array<i32>} : memref<10496xf32, #tpu.memory_space<vmem>>, vector<16xf32>,
      tpu.vector_store %arg14[%swap3A_2980], %broadcast_in_dim3A_2975 {strides = array<i32>} : memref<10496xf32, #tpu.memory_space<vmem>>, vector<16xf32>,
    }
    %scan3A_2305 = arith.constant 164 : i32
    %scan3A_2306 = arith.constant 0 : i32
    %scan3A_2307 = arith.constant 0 : i32
    %scan3A_2308 = arith.constant 320 : i32
    %scan3A_2309 = arith.addi %scan3A_2307, %scan3A_2308 : i32
    %scan3A_2310 = arith.constant 1 : i32
    scf.for %scan3A_2950 = %scan3A_2307 to %scan3A_2309 step %scan3A_2310  : i32 {
      %mul3A_2951 = arith.constant 64 : i32
      %mul3A_2952 = arith.muli %scan3A_2950, %mul3A_2951 : i32
      %add3A = arith.constant 0 : i32
      %add3A_2953 = arith.addi %mul3A_2952, %add3A : i32
      %get3A_2954 = arith.index_cast %add3A_2953 : i32 to index
      %get3A_2955 = tpu.vector_load %arg8[%get3A_2954] {strides = array<i32>} : memref<20480xi32, #tpu.memory_space<vmem>>, vector<16xi32>,
      %gather3A = tpu.vector_load_idx %arg13[%get3A_2955] : memref<10496xf32, #tpu.memory_space<vmem>>[vector<16xi32>], vector<16xf32>,
      %get3A_2956 = arith.index_cast %add3A_2953 : i32 to index
      %get3A_2957 = tpu.vector_load %arg9[%get3A_2956] {strides = array<i32>} : memref<20480xi32, #tpu.memory_space<vmem>>, vector<16xi32>,
      tpu.vector_store_idx %arg14[%get3A_2957], %gather3A {add = true} : memref<10496xf32, #tpu.memory_space<vmem>>[vector<16xi32>], vector<16xf32>,
      %mul3A_2958 = arith.constant 64 : i32
      %mul3A_2959 = arith.muli %scan3A_2950, %mul3A_2958 : i32
      %add3A_2960 = arith.constant 16 : i32
      %add3A_2961 = arith.addi %mul3A_2959, %add3A_2960 : i32
      %get3A_2962 = arith.index_cast %add3A_2961 : i32 to index
      %get3A_2963 = tpu.vector_load %arg8[%get3A_2962] {strides = array<i32>} : memref<20480xi32, #tpu.memory_space<vmem>>, vector<16xi32>,
      %gather3A_2964 = tpu.vector_load_idx %arg13[%get3A_2963] : memref<10496xf32, #tpu.memory_space<vmem>>[vector<16xi32>], vector<16xf32>,
      %get3A_2965 = arith.index_cast %add3A_2961 : i32 to index
      %get3A_2966 = tpu.vector_load %arg9[%get3A_2965] {strides = array<i32>} : memref<20480xi32, #tpu.memory_space<vmem>>, vector<16xi32>,
      tpu.vector_store_idx %arg14[%get3A_2966], %gather3A_2964 {add = true} : memref<10496xf32, #tpu.memory_space<vmem>>[vector<16xi32>], vector<16xf32>,
      %mul3A_2967 = arith.constant 64 : i32
      %mul3A_2968 = arith.muli %scan3A_2950, %mul3A_2967 : i32
      %add3A_2969 = arith.constant 32 : i32
      %add3A_2970 = arith.addi %mul3A_2968, %add3A_2969 : i32
      %get3A_2971 = arith.index_cast %add3A_2970 : i32 to index
      %get3A_2972 = tpu.vector_load %arg8[%get3A_2971] {strides = array<i32>} : memref<20480xi32, #tpu.memory_space<vmem>>, vector<16xi32>,
      %gather3A_2973 = tpu.vector_load_idx %arg13[%get3A_2972] : memref<10496xf32, #tpu.memory_space<vmem>>[vector<16xi32>], vector<16xf32>,
      %get3A_2974 = arith.index_cast %add3A_2970 : i32 to index
      %get3A_2975 = tpu.vector_load %arg9[%get3A_2974] {strides = array<i32>} : memref<20480xi32, #tpu.memory_space<vmem>>, vector<16xi32>,
      tpu.vector_store_idx %arg14[%get3A_2975], %gather3A_2973 {add = true} : memref<10496xf32, #tpu.memory_space<vmem>>[vector<16xi32>], vector<16xf32>,
      %mul3A_2976 = arith.constant 64 : i32
      %mul3A_2977 = arith.muli %scan3A_2950, %mul3A_2976 : i32
      %add3A_2978 = arith.constant 48 : i32
      %add3A_2979 = arith.addi %mul3A_2977, %add3A_2978 : i32
      %get3A_2980 = arith.index_cast %add3A_2979 : i32 to index
      %get3A_2981 = tpu.vector_load %arg8[%get3A_2980] {strides = array<i32>} : memref<20480xi32, #tpu.memory_space<vmem>>, vector<16xi32>,
      %gather3A_2982 = tpu.vector_load_idx %arg13[%get3A_2981] : memref<10496xf32, #tpu.memory_space<vmem>>[vector<16xi32>], vector<16xf32>,
      %get3A_2983 = arith.index_cast %add3A_2979 : i32 to index
      %get3A_2984 = tpu.vector_load %arg9[%get3A_2983] {strides = array<i32>} : memref<20480xi32, #tpu.memory_space<vmem>>, vector<16xi32>,
      tpu.vector_store_idx %arg14[%get3A_2984], %gather3A_2982 {add = true} : memref<10496xf32, #tpu.memory_space<vmem>>[vector<16xi32>], vector<16xf32>,
    }
    %scan3A_2311 = arith.constant 320 : i32
    "tpu.region"() ({
      %run_scoped3A = tpu.sem_alloc : memref<!tpu.dma_semaphore, #tpu.memory_space<semaphore_mem>>
      %dma_start3A_2950 = arith.constant 0 : i32
      %dma_start3A_2951 = tpu.memref_slice %arg27[%dma_start3A_2950] : memref<10496xf32, #tpu.memory_space<vmem_shared>> -> memref<10496xf32, #tpu.memory_space<vmem_shared>>
      tpu.enqueue_indirect_dma source(%arg14 : memref<10496xf32, #tpu.memory_space<vmem>>) target(%dma_start3A_2951 : memref<10496xf32, #tpu.memory_space<vmem_shared>>) offsets(%arg15 : memref<10496xi32, #tpu.memory_space<vmem>>) semaphore(%run_scoped3A : memref<!tpu.dma_semaphore, #tpu.memory_space<semaphore_mem>>) {add = true}
      %dma_wait3A_2952 = arith.constant 0 : i32
      %dma_wait3A_2953 = tpu.memref_slice %arg27[%dma_wait3A_2952] : memref<10496xf32, #tpu.memory_space<vmem_shared>> -> memref<10496xf32, #tpu.memory_space<vmem_shared>>
      tpu.wait_indirect_dma semaphore(%run_scoped3A : memref<!tpu.dma_semaphore, #tpu.memory_space<semaphore_mem>>) src(%arg14 : memref<10496xf32, #tpu.memory_space<vmem>>) dst(%dma_wait3A_2953 : memref<10496xf32, #tpu.memory_space<vmem_shared>>)
      tpu.yield
    }) : () -> ()
    %barrier3A_2312 = arith.constant 0 : index
    tpu.barrier barrier_id(%barrier3A_2312)
    "tpu.region"() ({
      %run_scoped3A = tpu.sem_alloc : memref<!tpu.dma_semaphore, #tpu.memory_space<semaphore_mem>>
      %dma_start3A_2950 = tpu.memref_slice %arg27[%mul3A_0] : memref<10496xf32, #tpu.memory_space<vmem_shared>> -> memref<656xf32, #tpu.memory_space<vmem_shared>>
      %dma_start3A_2951 = tpu.memref_slice %arg27[%mul3A_0] : memref<10496xf32, #tpu.memory_space<vmem_shared>> -> memref<656xf32, #tpu.memory_space<vmem_shared>>
      tpu.enqueue_dma source(%dma_start3A_2951 : memref<656xf32, #tpu.memory_space<vmem_shared>>) target(%arg18 : memref<656xf32, #tpu.memory_space<vmem>>) target_semaphore(%run_scoped3A : memref<!tpu.dma_semaphore, #tpu.memory_space<semaphore_mem>>)
      %dma_wait3A_2952 = tpu.memref_slice %arg27[%mul3A_0] : memref<10496xf32, #tpu.memory_space<vmem_shared>> -> memref<656xf32, #tpu.memory_space<vmem_shared>>
      %dma_wait3A_2953 = tpu.memref_slice %arg27[%mul3A_0] : memref<10496xf32, #tpu.memory_space<vmem_shared>> -> memref<656xf32, #tpu.memory_space<vmem_shared>>
      tpu.wait_dma2 semaphore(%run_scoped3A : memref<!tpu.dma_semaphore, #tpu.memory_space<semaphore_mem>>) src(%dma_wait3A_2953 : memref<656xf32, #tpu.memory_space<vmem_shared>>) dst(%arg18 : memref<656xf32, #tpu.memory_space<vmem>>)
      tpu.yield
    }) : () -> ()
    %get3A_2313 = arith.constant 0 : index
    %get3A_2314 = tpu.vector_load %arg17[%get3A_2313] {strides = array<i32>} : memref<656xf32, #tpu.memory_space<vmem>>, vector<16xf32>,
    %mul3A_2315 = arith.mulf %get3A_2314, %get3A_2314 : vector<16xf32>
    %get3A_2316 = arith.constant 0 : index
    %get3A_2317 = tpu.vector_load %arg18[%get3A_2316] {strides = array<i32>} : memref<656xf32, #tpu.memory_space<vmem>>, vector<16xf32>,
    %mul3A_2318 = arith.mulf %mul3A_2315, %get3A_2317 : vector<16xf32>
    %swap3A_2319 = arith.constant 0 : index
    %swap3A_2320 = tpu.vector_load %arg19[%swap3A_2319] {strides = array<i32>} : memref<656xf32, #tpu.memory_space<vmem>>, vector<16xf32>,
    tpu.vector_store %arg19[%swap3A_2319], %mul3A_2318 {strides = array<i32>} : memref<656xf32, #tpu.memory_space<vmem>>, vector<16xf32>,
    %get3A_2321 = arith.constant 16 : index
    %get3A_2322 = tpu.vector_load %arg17[%get3A_2321] {strides = array<i32>} : memref<656xf32, #tpu.memory_space<vmem>>, vector<16xf32>,
    %mul3A_2323 = arith.mulf %get3A_2322, %get3A_2322 : vector<16xf32>
    %get3A_2324 = arith.constant 16 : index
    %get3A_2325 = tpu.vector_load %arg18[%get3A_2324] {strides = array<i32>} : memref<656xf32, #tpu.memory_space<vmem>>, vector<16xf32>,
    %mul3A_2326 = arith.mulf %mul3A_2323, %get3A_2325 : vector<16xf32>
    %swap3A_2327 = arith.constant 16 : index
    %swap3A_2328 = tpu.vector_load %arg19[%swap3A_2327] {strides = array<i32>} : memref<656xf32, #tpu.memory_space<vmem>>, vector<16xf32>,
    tpu.vector_store %arg19[%swap3A_2327], %mul3A_2326 {strides = array<i32>} : memref<656xf32, #tpu.memory_space<vmem>>, vector<16xf32>,
    %get3A_2329 = arith.constant 32 : index
    %get3A_2330 = tpu.vector_load %arg17[%get3A_2329] {strides = array<i32>} : memref<656xf32, #tpu.memory_space<vmem>>, vector<16xf32>,
    %mul3A_2331 = arith.mulf %get3A_2330, %get3A_2330 : vector<16xf32>
    %get3A_2332 = arith.constant 32 : index
    %get3A_2333 = tpu.vector_load %arg18[%get3A_2332] {strides = array<i32>} : memref<656xf32, #tpu.memory_space<vmem>>, vector<16xf32>,
    %mul3A_2334 = arith.mulf %mul3A_2331, %get3A_2333 : vector<16xf32>
    %swap3A_2335 = arith.constant 32 : index
    %swap3A_2336 = tpu.vector_load %arg19[%swap3A_2335] {strides = array<i32>} : memref<656xf32, #tpu.memory_space<vmem>>, vector<16xf32>,
    tpu.vector_store %arg19[%swap3A_2335], %mul3A_2334 {strides = array<i32>} : memref<656xf32, #tpu.memory_space<vmem>>, vector<16xf32>,
    %get3A_2337 = arith.constant 48 : index
    %get3A_2338 = tpu.vector_load %arg17[%get3A_2337] {strides = array<i32>} : memref<656xf32, #tpu.memory_space<vmem>>, vector<16xf32>,
    %mul3A_2339 = arith.mulf %get3A_2338, %get3A_2338 : vector<16xf32>
    %get3A_2340 = arith.constant 48 : index
    %get3A_2341 = tpu.vector_load %arg18[%get3A_2340] {strides = array<i32>} : memref<656xf32, #tpu.memory_space<vmem>>, vector<16xf32>,
    %mul3A_2342 = arith.mulf %mul3A_2339, %get3A_2341 : vector<16xf32>
    %swap3A_2343 = arith.constant 48 : index
    %swap3A_2344 = tpu.vector_load %arg19[%swap3A_2343] {strides = array<i32>} : memref<656xf32, #tpu.memory_space<vmem>>, vector<16xf32>,
    tpu.vector_store %arg19[%swap3A_2343], %mul3A_2342 {strides = array<i32>} : memref<656xf32, #tpu.memory_space<vmem>>, vector<16xf32>,
    %get3A_2345 = arith.constant 64 : index
    %get3A_2346 = tpu.vector_load %arg17[%get3A_2345] {strides = array<i32>} : memref<656xf32, #tpu.memory_space<vmem>>, vector<16xf32>,
    %mul3A_2347 = arith.mulf %get3A_2346, %get3A_2346 : vector<16xf32>
    %get3A_2348 = arith.constant 64 : index
    %get3A_2349 = tpu.vector_load %arg18[%get3A_2348] {strides = array<i32>} : memref<656xf32, #tpu.memory_space<vmem>>, vector<16xf32>,
    %mul3A_2350 = arith.mulf %mul3A_2347, %get3A_2349 : vector<16xf32>
    %swap3A_2351 = arith.constant 64 : index
    %swap3A_2352 = tpu.vector_load %arg19[%swap3A_2351] {strides = array<i32>} : memref<656xf32, #tpu.memory_space<vmem>>, vector<16xf32>,
    tpu.vector_store %arg19[%swap3A_2351], %mul3A_2350 {strides = array<i32>} : memref<656xf32, #tpu.memory_space<vmem>>, vector<16xf32>,
    %get3A_2353 = arith.constant 80 : index
    %get3A_2354 = tpu.vector_load %arg17[%get3A_2353] {strides = array<i32>} : memref<656xf32, #tpu.memory_space<vmem>>, vector<16xf32>,
    %mul3A_2355 = arith.mulf %get3A_2354, %get3A_2354 : vector<16xf32>
    %get3A_2356 = arith.constant 80 : index
    %get3A_2357 = tpu.vector_load %arg18[%get3A_2356] {strides = array<i32>} : memref<656xf32, #tpu.memory_space<vmem>>, vector<16xf32>,
    %mul3A_2358 = arith.mulf %mul3A_2355, %get3A_2357 : vector<16xf32>
    %swap3A_2359 = arith.constant 80 : index
    %swap3A_2360 = tpu.vector_load %arg19[%swap3A_2359] {strides = array<i32>} : memref<656xf32, #tpu.memory_space<vmem>>, vector<16xf32>,
    tpu.vector_store %arg19[%swap3A_2359], %mul3A_2358 {strides = array<i32>} : memref<656xf32, #tpu.memory_space<vmem>>, vector<16xf32>,
    %get3A_2361 = arith.constant 96 : index
    %get3A_2362 = tpu.vector_load %arg17[%get3A_2361] {strides = array<i32>} : memref<656xf32, #tpu.memory_space<vmem>>, vector<16xf32>,
    %mul3A_2363 = arith.mulf %get3A_2362, %get3A_2362 : vector<16xf32>
    %get3A_2364 = arith.constant 96 : index
    %get3A_2365 = tpu.vector_load %arg18[%get3A_2364] {strides = array<i32>} : memref<656xf32, #tpu.memory_space<vmem>>, vector<16xf32>,
    %mul3A_2366 = arith.mulf %mul3A_2363, %get3A_2365 : vector<16xf32>
    %swap3A_2367 = arith.constant 96 : index
    %swap3A_2368 = tpu.vector_load %arg19[%swap3A_2367] {strides = array<i32>} : memref<656xf32, #tpu.memory_space<vmem>>, vector<16xf32>,
    tpu.vector_store %arg19[%swap3A_2367], %mul3A_2366 {strides = array<i32>} : memref<656xf32, #tpu.memory_space<vmem>>, vector<16xf32>,
    %get3A_2369 = arith.constant 112 : index
    %get3A_2370 = tpu.vector_load %arg17[%get3A_2369] {strides = array<i32>} : memref<656xf32, #tpu.memory_space<vmem>>, vector<16xf32>,
    %mul3A_2371 = arith.mulf %get3A_2370, %get3A_2370 : vector<16xf32>
    %get3A_2372 = arith.constant 112 : index
    %get3A_2373 = tpu.vector_load %arg18[%get3A_2372] {strides = array<i32>} : memref<656xf32, #tpu.memory_space<vmem>>, vector<16xf32>,
    %mul3A_2374 = arith.mulf %mul3A_2371, %get3A_2373 : vector<16xf32>
    %swap3A_2375 = arith.constant 112 : index
    %swap3A_2376 = tpu.vector_load %arg19[%swap3A_2375] {strides = array<i32>} : memref<656xf32, #tpu.memory_space<vmem>>, vector<16xf32>,
    tpu.vector_store %arg19[%swap3A_2375], %mul3A_2374 {strides = array<i32>} : memref<656xf32, #tpu.memory_space<vmem>>, vector<16xf32>,
    %get3A_2377 = arith.constant 128 : index
    %get3A_2378 = tpu.vector_load %arg17[%get3A_2377] {strides = array<i32>} : memref<656xf32, #tpu.memory_space<vmem>>, vector<16xf32>,
    %mul3A_2379 = arith.mulf %get3A_2378, %get3A_2378 : vector<16xf32>
    %get3A_2380 = arith.constant 128 : index
    %get3A_2381 = tpu.vector_load %arg18[%get3A_2380] {strides = array<i32>} : memref<656xf32, #tpu.memory_space<vmem>>, vector<16xf32>,
    %mul3A_2382 = arith.mulf %mul3A_2379, %get3A_2381 : vector<16xf32>
    %swap3A_2383 = arith.constant 128 : index
    %swap3A_2384 = tpu.vector_load %arg19[%swap3A_2383] {strides = array<i32>} : memref<656xf32, #tpu.memory_space<vmem>>, vector<16xf32>,
    tpu.vector_store %arg19[%swap3A_2383], %mul3A_2382 {strides = array<i32>} : memref<656xf32, #tpu.memory_space<vmem>>, vector<16xf32>,
    %get3A_2385 = arith.constant 144 : index
    %get3A_2386 = tpu.vector_load %arg17[%get3A_2385] {strides = array<i32>} : memref<656xf32, #tpu.memory_space<vmem>>, vector<16xf32>,
    %mul3A_2387 = arith.mulf %get3A_2386, %get3A_2386 : vector<16xf32>
    %get3A_2388 = arith.constant 144 : index
    %get3A_2389 = tpu.vector_load %arg18[%get3A_2388] {strides = array<i32>} : memref<656xf32, #tpu.memory_space<vmem>>, vector<16xf32>,
    %mul3A_2390 = arith.mulf %mul3A_2387, %get3A_2389 : vector<16xf32>
    %swap3A_2391 = arith.constant 144 : index
    %swap3A_2392 = tpu.vector_load %arg19[%swap3A_2391] {strides = array<i32>} : memref<656xf32, #tpu.memory_space<vmem>>, vector<16xf32>,
    tpu.vector_store %arg19[%swap3A_2391], %mul3A_2390 {strides = array<i32>} : memref<656xf32, #tpu.memory_space<vmem>>, vector<16xf32>,
    %get3A_2393 = arith.constant 160 : index
    %get3A_2394 = tpu.vector_load %arg17[%get3A_2393] {strides = array<i32>} : memref<656xf32, #tpu.memory_space<vmem>>, vector<16xf32>,
    %mul3A_2395 = arith.mulf %get3A_2394, %get3A_2394 : vector<16xf32>
    %get3A_2396 = arith.constant 160 : index
    %get3A_2397 = tpu.vector_load %arg18[%get3A_2396] {strides = array<i32>} : memref<656xf32, #tpu.memory_space<vmem>>, vector<16xf32>,
    %mul3A_2398 = arith.mulf %mul3A_2395, %get3A_2397 : vector<16xf32>
    %swap3A_2399 = arith.constant 160 : index
    %swap3A_2400 = tpu.vector_load %arg19[%swap3A_2399] {strides = array<i32>} : memref<656xf32, #tpu.memory_space<vmem>>, vector<16xf32>,
    tpu.vector_store %arg19[%swap3A_2399], %mul3A_2398 {strides = array<i32>} : memref<656xf32, #tpu.memory_space<vmem>>, vector<16xf32>,
    %get3A_2401 = arith.constant 176 : index
    %get3A_2402 = tpu.vector_load %arg17[%get3A_2401] {strides = array<i32>} : memref<656xf32, #tpu.memory_space<vmem>>, vector<16xf32>,
    %mul3A_2403 = arith.mulf %get3A_2402, %get3A_2402 : vector<16xf32>
    %get3A_2404 = arith.constant 176 : index
    %get3A_2405 = tpu.vector_load %arg18[%get3A_2404] {strides = array<i32>} : memref<656xf32, #tpu.memory_space<vmem>>, vector<16xf32>,
    %mul3A_2406 = arith.mulf %mul3A_2403, %get3A_2405 : vector<16xf32>
    %swap3A_2407 = arith.constant 176 : index
    %swap3A_2408 = tpu.vector_load %arg19[%swap3A_2407] {strides = array<i32>} : memref<656xf32, #tpu.memory_space<vmem>>, vector<16xf32>,
    tpu.vector_store %arg19[%swap3A_2407], %mul3A_2406 {strides = array<i32>} : memref<656xf32, #tpu.memory_space<vmem>>, vector<16xf32>,
    %get3A_2409 = arith.constant 192 : index
    %get3A_2410 = tpu.vector_load %arg17[%get3A_2409] {strides = array<i32>} : memref<656xf32, #tpu.memory_space<vmem>>, vector<16xf32>,
    %mul3A_2411 = arith.mulf %get3A_2410, %get3A_2410 : vector<16xf32>
    %get3A_2412 = arith.constant 192 : index
    %get3A_2413 = tpu.vector_load %arg18[%get3A_2412] {strides = array<i32>} : memref<656xf32, #tpu.memory_space<vmem>>, vector<16xf32>,
    %mul3A_2414 = arith.mulf %mul3A_2411, %get3A_2413 : vector<16xf32>
    %swap3A_2415 = arith.constant 192 : index
    %swap3A_2416 = tpu.vector_load %arg19[%swap3A_2415] {strides = array<i32>} : memref<656xf32, #tpu.memory_space<vmem>>, vector<16xf32>,
    tpu.vector_store %arg19[%swap3A_2415], %mul3A_2414 {strides = array<i32>} : memref<656xf32, #tpu.memory_space<vmem>>, vector<16xf32>,
    %get3A_2417 = arith.constant 208 : index
    %get3A_2418 = tpu.vector_load %arg17[%get3A_2417] {strides = array<i32>} : memref<656xf32, #tpu.memory_space<vmem>>, vector<16xf32>,
    %mul3A_2419 = arith.mulf %get3A_2418, %get3A_2418 : vector<16xf32>
    %get3A_2420 = arith.constant 208 : index
    %get3A_2421 = tpu.vector_load %arg18[%get3A_2420] {strides = array<i32>} : memref<656xf32, #tpu.memory_space<vmem>>, vector<16xf32>,
    %mul3A_2422 = arith.mulf %mul3A_2419, %get3A_2421 : vector<16xf32>
    %swap3A_2423 = arith.constant 208 : index
    %swap3A_2424 = tpu.vector_load %arg19[%swap3A_2423] {strides = array<i32>} : memref<656xf32, #tpu.memory_space<vmem>>, vector<16xf32>,
    tpu.vector_store %arg19[%swap3A_2423], %mul3A_2422 {strides = array<i32>} : memref<656xf32, #tpu.memory_space<vmem>>, vector<16xf32>,
    %get3A_2425 = arith.constant 224 : index
    %get3A_2426 = tpu.vector_load %arg17[%get3A_2425] {strides = array<i32>} : memref<656xf32, #tpu.memory_space<vmem>>, vector<16xf32>,
    %mul3A_2427 = arith.mulf %get3A_2426, %get3A_2426 : vector<16xf32>
    %get3A_2428 = arith.constant 224 : index
    %get3A_2429 = tpu.vector_load %arg18[%get3A_2428] {strides = array<i32>} : memref<656xf32, #tpu.memory_space<vmem>>, vector<16xf32>,
    %mul3A_2430 = arith.mulf %mul3A_2427, %get3A_2429 : vector<16xf32>
    %swap3A_2431 = arith.constant 224 : index
    %swap3A_2432 = tpu.vector_load %arg19[%swap3A_2431] {strides = array<i32>} : memref<656xf32, #tpu.memory_space<vmem>>, vector<16xf32>,
    tpu.vector_store %arg19[%swap3A_2431], %mul3A_2430 {strides = array<i32>} : memref<656xf32, #tpu.memory_space<vmem>>, vector<16xf32>,
    %get3A_2433 = arith.constant 240 : index
    %get3A_2434 = tpu.vector_load %arg17[%get3A_2433] {strides = array<i32>} : memref<656xf32, #tpu.memory_space<vmem>>, vector<16xf32>,
    %mul3A_2435 = arith.mulf %get3A_2434, %get3A_2434 : vector<16xf32>
    %get3A_2436 = arith.constant 240 : index
    %get3A_2437 = tpu.vector_load %arg18[%get3A_2436] {strides = array<i32>} : memref<656xf32, #tpu.memory_space<vmem>>, vector<16xf32>,
    %mul3A_2438 = arith.mulf %mul3A_2435, %get3A_2437 : vector<16xf32>
    %swap3A_2439 = arith.constant 240 : index
    %swap3A_2440 = tpu.vector_load %arg19[%swap3A_2439] {strides = array<i32>} : memref<656xf32, #tpu.memory_space<vmem>>, vector<16xf32>,
    tpu.vector_store %arg19[%swap3A_2439], %mul3A_2438 {strides = array<i32>} : memref<656xf32, #tpu.memory_space<vmem>>, vector<16xf32>,
    %get3A_2441 = arith.constant 256 : index
    %get3A_2442 = tpu.vector_load %arg17[%get3A_2441] {strides = array<i32>} : memref<656xf32, #tpu.memory_space<vmem>>, vector<16xf32>,
    %mul3A_2443 = arith.mulf %get3A_2442, %get3A_2442 : vector<16xf32>
    %get3A_2444 = arith.constant 256 : index
    %get3A_2445 = tpu.vector_load %arg18[%get3A_2444] {strides = array<i32>} : memref<656xf32, #tpu.memory_space<vmem>>, vector<16xf32>,
    %mul3A_2446 = arith.mulf %mul3A_2443, %get3A_2445 : vector<16xf32>
    %swap3A_2447 = arith.constant 256 : index
    %swap3A_2448 = tpu.vector_load %arg19[%swap3A_2447] {strides = array<i32>} : memref<656xf32, #tpu.memory_space<vmem>>, vector<16xf32>,
    tpu.vector_store %arg19[%swap3A_2447], %mul3A_2446 {strides = array<i32>} : memref<656xf32, #tpu.memory_space<vmem>>, vector<16xf32>,
    %get3A_2449 = arith.constant 272 : index
    %get3A_2450 = tpu.vector_load %arg17[%get3A_2449] {strides = array<i32>} : memref<656xf32, #tpu.memory_space<vmem>>, vector<16xf32>,
    %mul3A_2451 = arith.mulf %get3A_2450, %get3A_2450 : vector<16xf32>
    %get3A_2452 = arith.constant 272 : index
    %get3A_2453 = tpu.vector_load %arg18[%get3A_2452] {strides = array<i32>} : memref<656xf32, #tpu.memory_space<vmem>>, vector<16xf32>,
    %mul3A_2454 = arith.mulf %mul3A_2451, %get3A_2453 : vector<16xf32>
    %swap3A_2455 = arith.constant 272 : index
    %swap3A_2456 = tpu.vector_load %arg19[%swap3A_2455] {strides = array<i32>} : memref<656xf32, #tpu.memory_space<vmem>>, vector<16xf32>,
    tpu.vector_store %arg19[%swap3A_2455], %mul3A_2454 {strides = array<i32>} : memref<656xf32, #tpu.memory_space<vmem>>, vector<16xf32>,
    %get3A_2457 = arith.constant 288 : index
    %get3A_2458 = tpu.vector_load %arg17[%get3A_2457] {strides = array<i32>} : memref<656xf32, #tpu.memory_space<vmem>>, vector<16xf32>,
    %mul3A_2459 = arith.mulf %get3A_2458, %get3A_2458 : vector<16xf32>
    %get3A_2460 = arith.constant 288 : index
    %get3A_2461 = tpu.vector_load %arg18[%get3A_2460] {strides = array<i32>} : memref<656xf32, #tpu.memory_space<vmem>>, vector<16xf32>,
    %mul3A_2462 = arith.mulf %mul3A_2459, %get3A_2461 : vector<16xf32>
    %swap3A_2463 = arith.constant 288 : index
    %swap3A_2464 = tpu.vector_load %arg19[%swap3A_2463] {strides = array<i32>} : memref<656xf32, #tpu.memory_space<vmem>>, vector<16xf32>,
    tpu.vector_store %arg19[%swap3A_2463], %mul3A_2462 {strides = array<i32>} : memref<656xf32, #tpu.memory_space<vmem>>, vector<16xf32>,
    %get3A_2465 = arith.constant 304 : index
    %get3A_2466 = tpu.vector_load %arg17[%get3A_2465] {strides = array<i32>} : memref<656xf32, #tpu.memory_space<vmem>>, vector<16xf32>,
    %mul3A_2467 = arith.mulf %get3A_2466, %get3A_2466 : vector<16xf32>
    %get3A_2468 = arith.constant 304 : index
    %get3A_2469 = tpu.vector_load %arg18[%get3A_2468] {strides = array<i32>} : memref<656xf32, #tpu.memory_space<vmem>>, vector<16xf32>,
    %mul3A_2470 = arith.mulf %mul3A_2467, %get3A_2469 : vector<16xf32>
    %swap3A_2471 = arith.constant 304 : index
    %swap3A_2472 = tpu.vector_load %arg19[%swap3A_2471] {strides = array<i32>} : memref<656xf32, #tpu.memory_space<vmem>>, vector<16xf32>,
    tpu.vector_store %arg19[%swap3A_2471], %mul3A_2470 {strides = array<i32>} : memref<656xf32, #tpu.memory_space<vmem>>, vector<16xf32>,
    %get3A_2473 = arith.constant 320 : index
    %get3A_2474 = tpu.vector_load %arg17[%get3A_2473] {strides = array<i32>} : memref<656xf32, #tpu.memory_space<vmem>>, vector<16xf32>,
    %mul3A_2475 = arith.mulf %get3A_2474, %get3A_2474 : vector<16xf32>
    %get3A_2476 = arith.constant 320 : index
    %get3A_2477 = tpu.vector_load %arg18[%get3A_2476] {strides = array<i32>} : memref<656xf32, #tpu.memory_space<vmem>>, vector<16xf32>,
    %mul3A_2478 = arith.mulf %mul3A_2475, %get3A_2477 : vector<16xf32>
    %swap3A_2479 = arith.constant 320 : index
    %swap3A_2480 = tpu.vector_load %arg19[%swap3A_2479] {strides = array<i32>} : memref<656xf32, #tpu.memory_space<vmem>>, vector<16xf32>,
    tpu.vector_store %arg19[%swap3A_2479], %mul3A_2478 {strides = array<i32>} : memref<656xf32, #tpu.memory_space<vmem>>, vector<16xf32>,
    %get3A_2481 = arith.constant 336 : index
    %get3A_2482 = tpu.vector_load %arg17[%get3A_2481] {strides = array<i32>} : memref<656xf32, #tpu.memory_space<vmem>>, vector<16xf32>,
    %mul3A_2483 = arith.mulf %get3A_2482, %get3A_2482 : vector<16xf32>
    %get3A_2484 = arith.constant 336 : index
    %get3A_2485 = tpu.vector_load %arg18[%get3A_2484] {strides = array<i32>} : memref<656xf32, #tpu.memory_space<vmem>>, vector<16xf32>,
    %mul3A_2486 = arith.mulf %mul3A_2483, %get3A_2485 : vector<16xf32>
    %swap3A_2487 = arith.constant 336 : index
    %swap3A_2488 = tpu.vector_load %arg19[%swap3A_2487] {strides = array<i32>} : memref<656xf32, #tpu.memory_space<vmem>>, vector<16xf32>,
    tpu.vector_store %arg19[%swap3A_2487], %mul3A_2486 {strides = array<i32>} : memref<656xf32, #tpu.memory_space<vmem>>, vector<16xf32>,
    %get3A_2489 = arith.constant 352 : index
    %get3A_2490 = tpu.vector_load %arg17[%get3A_2489] {strides = array<i32>} : memref<656xf32, #tpu.memory_space<vmem>>, vector<16xf32>,
    %mul3A_2491 = arith.mulf %get3A_2490, %get3A_2490 : vector<16xf32>
    %get3A_2492 = arith.constant 352 : index
    %get3A_2493 = tpu.vector_load %arg18[%get3A_2492] {strides = array<i32>} : memref<656xf32, #tpu.memory_space<vmem>>, vector<16xf32>,
    %mul3A_2494 = arith.mulf %mul3A_2491, %get3A_2493 : vector<16xf32>
    %swap3A_2495 = arith.constant 352 : index
    %swap3A_2496 = tpu.vector_load %arg19[%swap3A_2495] {strides = array<i32>} : memref<656xf32, #tpu.memory_space<vmem>>, vector<16xf32>,
    tpu.vector_store %arg19[%swap3A_2495], %mul3A_2494 {strides = array<i32>} : memref<656xf32, #tpu.memory_space<vmem>>, vector<16xf32>,
    %get3A_2497 = arith.constant 368 : index
    %get3A_2498 = tpu.vector_load %arg17[%get3A_2497] {strides = array<i32>} : memref<656xf32, #tpu.memory_space<vmem>>, vector<16xf32>,
    %mul3A_2499 = arith.mulf %get3A_2498, %get3A_2498 : vector<16xf32>
    %get3A_2500 = arith.constant 368 : index
    %get3A_2501 = tpu.vector_load %arg18[%get3A_2500] {strides = array<i32>} : memref<656xf32, #tpu.memory_space<vmem>>, vector<16xf32>,
    %mul3A_2502 = arith.mulf %mul3A_2499, %get3A_2501 : vector<16xf32>
    %swap3A_2503 = arith.constant 368 : index
    %swap3A_2504 = tpu.vector_load %arg19[%swap3A_2503] {strides = array<i32>} : memref<656xf32, #tpu.memory_space<vmem>>, vector<16xf32>,
    tpu.vector_store %arg19[%swap3A_2503], %mul3A_2502 {strides = array<i32>} : memref<656xf32, #tpu.memory_space<vmem>>, vector<16xf32>,
    %get3A_2505 = arith.constant 384 : index
    %get3A_2506 = tpu.vector_load %arg17[%get3A_2505] {strides = array<i32>} : memref<656xf32, #tpu.memory_space<vmem>>, vector<16xf32>,
    %mul3A_2507 = arith.mulf %get3A_2506, %get3A_2506 : vector<16xf32>
    %get3A_2508 = arith.constant 384 : index
    %get3A_2509 = tpu.vector_load %arg18[%get3A_2508] {strides = array<i32>} : memref<656xf32, #tpu.memory_space<vmem>>, vector<16xf32>,
    %mul3A_2510 = arith.mulf %mul3A_2507, %get3A_2509 : vector<16xf32>
    %swap3A_2511 = arith.constant 384 : index
    %swap3A_2512 = tpu.vector_load %arg19[%swap3A_2511] {strides = array<i32>} : memref<656xf32, #tpu.memory_space<vmem>>, vector<16xf32>,
    tpu.vector_store %arg19[%swap3A_2511], %mul3A_2510 {strides = array<i32>} : memref<656xf32, #tpu.memory_space<vmem>>, vector<16xf32>,
    %get3A_2513 = arith.constant 400 : index
    %get3A_2514 = tpu.vector_load %arg17[%get3A_2513] {strides = array<i32>} : memref<656xf32, #tpu.memory_space<vmem>>, vector<16xf32>,
    %mul3A_2515 = arith.mulf %get3A_2514, %get3A_2514 : vector<16xf32>
    %get3A_2516 = arith.constant 400 : index
    %get3A_2517 = tpu.vector_load %arg18[%get3A_2516] {strides = array<i32>} : memref<656xf32, #tpu.memory_space<vmem>>, vector<16xf32>,
    %mul3A_2518 = arith.mulf %mul3A_2515, %get3A_2517 : vector<16xf32>
    %swap3A_2519 = arith.constant 400 : index
    %swap3A_2520 = tpu.vector_load %arg19[%swap3A_2519] {strides = array<i32>} : memref<656xf32, #tpu.memory_space<vmem>>, vector<16xf32>,
    tpu.vector_store %arg19[%swap3A_2519], %mul3A_2518 {strides = array<i32>} : memref<656xf32, #tpu.memory_space<vmem>>, vector<16xf32>,
    %get3A_2521 = arith.constant 416 : index
    %get3A_2522 = tpu.vector_load %arg17[%get3A_2521] {strides = array<i32>} : memref<656xf32, #tpu.memory_space<vmem>>, vector<16xf32>,
    %mul3A_2523 = arith.mulf %get3A_2522, %get3A_2522 : vector<16xf32>
    %get3A_2524 = arith.constant 416 : index
    %get3A_2525 = tpu.vector_load %arg18[%get3A_2524] {strides = array<i32>} : memref<656xf32, #tpu.memory_space<vmem>>, vector<16xf32>,
    %mul3A_2526 = arith.mulf %mul3A_2523, %get3A_2525 : vector<16xf32>
    %swap3A_2527 = arith.constant 416 : index
    %swap3A_2528 = tpu.vector_load %arg19[%swap3A_2527] {strides = array<i32>} : memref<656xf32, #tpu.memory_space<vmem>>, vector<16xf32>,
    tpu.vector_store %arg19[%swap3A_2527], %mul3A_2526 {strides = array<i32>} : memref<656xf32, #tpu.memory_space<vmem>>, vector<16xf32>,
    %get3A_2529 = arith.constant 432 : index
    %get3A_2530 = tpu.vector_load %arg17[%get3A_2529] {strides = array<i32>} : memref<656xf32, #tpu.memory_space<vmem>>, vector<16xf32>,
    %mul3A_2531 = arith.mulf %get3A_2530, %get3A_2530 : vector<16xf32>
    %get3A_2532 = arith.constant 432 : index
    %get3A_2533 = tpu.vector_load %arg18[%get3A_2532] {strides = array<i32>} : memref<656xf32, #tpu.memory_space<vmem>>, vector<16xf32>,
    %mul3A_2534 = arith.mulf %mul3A_2531, %get3A_2533 : vector<16xf32>
    %swap3A_2535 = arith.constant 432 : index
    %swap3A_2536 = tpu.vector_load %arg19[%swap3A_2535] {strides = array<i32>} : memref<656xf32, #tpu.memory_space<vmem>>, vector<16xf32>,
    tpu.vector_store %arg19[%swap3A_2535], %mul3A_2534 {strides = array<i32>} : memref<656xf32, #tpu.memory_space<vmem>>, vector<16xf32>,
    %get3A_2537 = arith.constant 448 : index
    %get3A_2538 = tpu.vector_load %arg17[%get3A_2537] {strides = array<i32>} : memref<656xf32, #tpu.memory_space<vmem>>, vector<16xf32>,
    %mul3A_2539 = arith.mulf %get3A_2538, %get3A_2538 : vector<16xf32>
    %get3A_2540 = arith.constant 448 : index
    %get3A_2541 = tpu.vector_load %arg18[%get3A_2540] {strides = array<i32>} : memref<656xf32, #tpu.memory_space<vmem>>, vector<16xf32>,
    %mul3A_2542 = arith.mulf %mul3A_2539, %get3A_2541 : vector<16xf32>
    %swap3A_2543 = arith.constant 448 : index
    %swap3A_2544 = tpu.vector_load %arg19[%swap3A_2543] {strides = array<i32>} : memref<656xf32, #tpu.memory_space<vmem>>, vector<16xf32>,
    tpu.vector_store %arg19[%swap3A_2543], %mul3A_2542 {strides = array<i32>} : memref<656xf32, #tpu.memory_space<vmem>>, vector<16xf32>,
    %get3A_2545 = arith.constant 464 : index
    %get3A_2546 = tpu.vector_load %arg17[%get3A_2545] {strides = array<i32>} : memref<656xf32, #tpu.memory_space<vmem>>, vector<16xf32>,
    %mul3A_2547 = arith.mulf %get3A_2546, %get3A_2546 : vector<16xf32>
    %get3A_2548 = arith.constant 464 : index
    %get3A_2549 = tpu.vector_load %arg18[%get3A_2548] {strides = array<i32>} : memref<656xf32, #tpu.memory_space<vmem>>, vector<16xf32>,
    %mul3A_2550 = arith.mulf %mul3A_2547, %get3A_2549 : vector<16xf32>
    %swap3A_2551 = arith.constant 464 : index
    %swap3A_2552 = tpu.vector_load %arg19[%swap3A_2551] {strides = array<i32>} : memref<656xf32, #tpu.memory_space<vmem>>, vector<16xf32>,
    tpu.vector_store %arg19[%swap3A_2551], %mul3A_2550 {strides = array<i32>} : memref<656xf32, #tpu.memory_space<vmem>>, vector<16xf32>,
    %get3A_2553 = arith.constant 480 : index
    %get3A_2554 = tpu.vector_load %arg17[%get3A_2553] {strides = array<i32>} : memref<656xf32, #tpu.memory_space<vmem>>, vector<16xf32>,
    %mul3A_2555 = arith.mulf %get3A_2554, %get3A_2554 : vector<16xf32>
    %get3A_2556 = arith.constant 480 : index
    %get3A_2557 = tpu.vector_load %arg18[%get3A_2556] {strides = array<i32>} : memref<656xf32, #tpu.memory_space<vmem>>, vector<16xf32>,
    %mul3A_2558 = arith.mulf %mul3A_2555, %get3A_2557 : vector<16xf32>
    %swap3A_2559 = arith.constant 480 : index
    %swap3A_2560 = tpu.vector_load %arg19[%swap3A_2559] {strides = array<i32>} : memref<656xf32, #tpu.memory_space<vmem>>, vector<16xf32>,
    tpu.vector_store %arg19[%swap3A_2559], %mul3A_2558 {strides = array<i32>} : memref<656xf32, #tpu.memory_space<vmem>>, vector<16xf32>,
    %get3A_2561 = arith.constant 496 : index
    %get3A_2562 = tpu.vector_load %arg17[%get3A_2561] {strides = array<i32>} : memref<656xf32, #tpu.memory_space<vmem>>, vector<16xf32>,
    %mul3A_2563 = arith.mulf %get3A_2562, %get3A_2562 : vector<16xf32>
    %get3A_2564 = arith.constant 496 : index
    %get3A_2565 = tpu.vector_load %arg18[%get3A_2564] {strides = array<i32>} : memref<656xf32, #tpu.memory_space<vmem>>, vector<16xf32>,
    %mul3A_2566 = arith.mulf %mul3A_2563, %get3A_2565 : vector<16xf32>
    %swap3A_2567 = arith.constant 496 : index
    %swap3A_2568 = tpu.vector_load %arg19[%swap3A_2567] {strides = array<i32>} : memref<656xf32, #tpu.memory_space<vmem>>, vector<16xf32>,
    tpu.vector_store %arg19[%swap3A_2567], %mul3A_2566 {strides = array<i32>} : memref<656xf32, #tpu.memory_space<vmem>>, vector<16xf32>,
    %get3A_2569 = arith.constant 512 : index
    %get3A_2570 = tpu.vector_load %arg17[%get3A_2569] {strides = array<i32>} : memref<656xf32, #tpu.memory_space<vmem>>, vector<16xf32>,
    %mul3A_2571 = arith.mulf %get3A_2570, %get3A_2570 : vector<16xf32>
    %get3A_2572 = arith.constant 512 : index
    %get3A_2573 = tpu.vector_load %arg18[%get3A_2572] {strides = array<i32>} : memref<656xf32, #tpu.memory_space<vmem>>, vector<16xf32>,
    %mul3A_2574 = arith.mulf %mul3A_2571, %get3A_2573 : vector<16xf32>
    %swap3A_2575 = arith.constant 512 : index
    %swap3A_2576 = tpu.vector_load %arg19[%swap3A_2575] {strides = array<i32>} : memref<656xf32, #tpu.memory_space<vmem>>, vector<16xf32>,
    tpu.vector_store %arg19[%swap3A_2575], %mul3A_2574 {strides = array<i32>} : memref<656xf32, #tpu.memory_space<vmem>>, vector<16xf32>,
    %get3A_2577 = arith.constant 528 : index
    %get3A_2578 = tpu.vector_load %arg17[%get3A_2577] {strides = array<i32>} : memref<656xf32, #tpu.memory_space<vmem>>, vector<16xf32>,
    %mul3A_2579 = arith.mulf %get3A_2578, %get3A_2578 : vector<16xf32>
    %get3A_2580 = arith.constant 528 : index
    %get3A_2581 = tpu.vector_load %arg18[%get3A_2580] {strides = array<i32>} : memref<656xf32, #tpu.memory_space<vmem>>, vector<16xf32>,
    %mul3A_2582 = arith.mulf %mul3A_2579, %get3A_2581 : vector<16xf32>
    %swap3A_2583 = arith.constant 528 : index
    %swap3A_2584 = tpu.vector_load %arg19[%swap3A_2583] {strides = array<i32>} : memref<656xf32, #tpu.memory_space<vmem>>, vector<16xf32>,
    tpu.vector_store %arg19[%swap3A_2583], %mul3A_2582 {strides = array<i32>} : memref<656xf32, #tpu.memory_space<vmem>>, vector<16xf32>,
    %get3A_2585 = arith.constant 544 : index
    %get3A_2586 = tpu.vector_load %arg17[%get3A_2585] {strides = array<i32>} : memref<656xf32, #tpu.memory_space<vmem>>, vector<16xf32>,
    %mul3A_2587 = arith.mulf %get3A_2586, %get3A_2586 : vector<16xf32>
    %get3A_2588 = arith.constant 544 : index
    %get3A_2589 = tpu.vector_load %arg18[%get3A_2588] {strides = array<i32>} : memref<656xf32, #tpu.memory_space<vmem>>, vector<16xf32>,
    %mul3A_2590 = arith.mulf %mul3A_2587, %get3A_2589 : vector<16xf32>
    %swap3A_2591 = arith.constant 544 : index
    %swap3A_2592 = tpu.vector_load %arg19[%swap3A_2591] {strides = array<i32>} : memref<656xf32, #tpu.memory_space<vmem>>, vector<16xf32>,
    tpu.vector_store %arg19[%swap3A_2591], %mul3A_2590 {strides = array<i32>} : memref<656xf32, #tpu.memory_space<vmem>>, vector<16xf32>,
    %get3A_2593 = arith.constant 560 : index
    %get3A_2594 = tpu.vector_load %arg17[%get3A_2593] {strides = array<i32>} : memref<656xf32, #tpu.memory_space<vmem>>, vector<16xf32>,
    %mul3A_2595 = arith.mulf %get3A_2594, %get3A_2594 : vector<16xf32>
    %get3A_2596 = arith.constant 560 : index
    %get3A_2597 = tpu.vector_load %arg18[%get3A_2596] {strides = array<i32>} : memref<656xf32, #tpu.memory_space<vmem>>, vector<16xf32>,
    %mul3A_2598 = arith.mulf %mul3A_2595, %get3A_2597 : vector<16xf32>
    %swap3A_2599 = arith.constant 560 : index
    %swap3A_2600 = tpu.vector_load %arg19[%swap3A_2599] {strides = array<i32>} : memref<656xf32, #tpu.memory_space<vmem>>, vector<16xf32>,
    tpu.vector_store %arg19[%swap3A_2599], %mul3A_2598 {strides = array<i32>} : memref<656xf32, #tpu.memory_space<vmem>>, vector<16xf32>,
    %get3A_2601 = arith.constant 576 : index
    %get3A_2602 = tpu.vector_load %arg17[%get3A_2601] {strides = array<i32>} : memref<656xf32, #tpu.memory_space<vmem>>, vector<16xf32>,
    %mul3A_2603 = arith.mulf %get3A_2602, %get3A_2602 : vector<16xf32>
    %get3A_2604 = arith.constant 576 : index
    %get3A_2605 = tpu.vector_load %arg18[%get3A_2604] {strides = array<i32>} : memref<656xf32, #tpu.memory_space<vmem>>, vector<16xf32>,
    %mul3A_2606 = arith.mulf %mul3A_2603, %get3A_2605 : vector<16xf32>
    %swap3A_2607 = arith.constant 576 : index
    %swap3A_2608 = tpu.vector_load %arg19[%swap3A_2607] {strides = array<i32>} : memref<656xf32, #tpu.memory_space<vmem>>, vector<16xf32>,
    tpu.vector_store %arg19[%swap3A_2607], %mul3A_2606 {strides = array<i32>} : memref<656xf32, #tpu.memory_space<vmem>>, vector<16xf32>,
    %get3A_2609 = arith.constant 592 : index
    %get3A_2610 = tpu.vector_load %arg17[%get3A_2609] {strides = array<i32>} : memref<656xf32, #tpu.memory_space<vmem>>, vector<16xf32>,
    %mul3A_2611 = arith.mulf %get3A_2610, %get3A_2610 : vector<16xf32>
    %get3A_2612 = arith.constant 592 : index
    %get3A_2613 = tpu.vector_load %arg18[%get3A_2612] {strides = array<i32>} : memref<656xf32, #tpu.memory_space<vmem>>, vector<16xf32>,
    %mul3A_2614 = arith.mulf %mul3A_2611, %get3A_2613 : vector<16xf32>
    %swap3A_2615 = arith.constant 592 : index
    %swap3A_2616 = tpu.vector_load %arg19[%swap3A_2615] {strides = array<i32>} : memref<656xf32, #tpu.memory_space<vmem>>, vector<16xf32>,
    tpu.vector_store %arg19[%swap3A_2615], %mul3A_2614 {strides = array<i32>} : memref<656xf32, #tpu.memory_space<vmem>>, vector<16xf32>,
    %get3A_2617 = arith.constant 608 : index
    %get3A_2618 = tpu.vector_load %arg17[%get3A_2617] {strides = array<i32>} : memref<656xf32, #tpu.memory_space<vmem>>, vector<16xf32>,
    %mul3A_2619 = arith.mulf %get3A_2618, %get3A_2618 : vector<16xf32>
    %get3A_2620 = arith.constant 608 : index
    %get3A_2621 = tpu.vector_load %arg18[%get3A_2620] {strides = array<i32>} : memref<656xf32, #tpu.memory_space<vmem>>, vector<16xf32>,
    %mul3A_2622 = arith.mulf %mul3A_2619, %get3A_2621 : vector<16xf32>
    %swap3A_2623 = arith.constant 608 : index
    %swap3A_2624 = tpu.vector_load %arg19[%swap3A_2623] {strides = array<i32>} : memref<656xf32, #tpu.memory_space<vmem>>, vector<16xf32>,
    tpu.vector_store %arg19[%swap3A_2623], %mul3A_2622 {strides = array<i32>} : memref<656xf32, #tpu.memory_space<vmem>>, vector<16xf32>,
    %get3A_2625 = arith.constant 624 : index
    %get3A_2626 = tpu.vector_load %arg17[%get3A_2625] {strides = array<i32>} : memref<656xf32, #tpu.memory_space<vmem>>, vector<16xf32>,
    %mul3A_2627 = arith.mulf %get3A_2626, %get3A_2626 : vector<16xf32>
    %get3A_2628 = arith.constant 624 : index
    %get3A_2629 = tpu.vector_load %arg18[%get3A_2628] {strides = array<i32>} : memref<656xf32, #tpu.memory_space<vmem>>, vector<16xf32>,
    %mul3A_2630 = arith.mulf %mul3A_2627, %get3A_2629 : vector<16xf32>
    %swap3A_2631 = arith.constant 624 : index
    %swap3A_2632 = tpu.vector_load %arg19[%swap3A_2631] {strides = array<i32>} : memref<656xf32, #tpu.memory_space<vmem>>, vector<16xf32>,
    tpu.vector_store %arg19[%swap3A_2631], %mul3A_2630 {strides = array<i32>} : memref<656xf32, #tpu.memory_space<vmem>>, vector<16xf32>,
    %get3A_2633 = arith.constant 640 : index
    %get3A_2634 = tpu.vector_load %arg17[%get3A_2633] {strides = array<i32>} : memref<656xf32, #tpu.memory_space<vmem>>, vector<16xf32>,
    %mul3A_2635 = arith.mulf %get3A_2634, %get3A_2634 : vector<16xf32>
    %get3A_2636 = arith.constant 640 : index
    %get3A_2637 = tpu.vector_load %arg18[%get3A_2636] {strides = array<i32>} : memref<656xf32, #tpu.memory_space<vmem>>, vector<16xf32>,
    %mul3A_2638 = arith.mulf %mul3A_2635, %get3A_2637 : vector<16xf32>
    %swap3A_2639 = arith.constant 640 : index
    %swap3A_2640 = tpu.vector_load %arg19[%swap3A_2639] {strides = array<i32>} : memref<656xf32, #tpu.memory_space<vmem>>, vector<16xf32>,
    tpu.vector_store %arg19[%swap3A_2639], %mul3A_2638 {strides = array<i32>} : memref<656xf32, #tpu.memory_space<vmem>>, vector<16xf32>,
    "tpu.region"() ({
      %run_scoped3A = tpu.sem_alloc : memref<!tpu.dma_semaphore, #tpu.memory_space<semaphore_mem>>
      %dma_start3A_2950 = tpu.memref_slice %arg26[%mul3A_0] : memref<10496xf32, #tpu.memory_space<vmem_shared>> -> memref<656xf32, #tpu.memory_space<vmem_shared>>
      %dma_start3A_2951 = tpu.memref_slice %arg26[%mul3A_0] : memref<10496xf32, #tpu.memory_space<vmem_shared>> -> memref<656xf32, #tpu.memory_space<vmem_shared>>
      tpu.enqueue_dma source(%arg19 : memref<656xf32, #tpu.memory_space<vmem>>) target(%dma_start3A_2951 : memref<656xf32, #tpu.memory_space<vmem_shared>>) target_semaphore(%run_scoped3A : memref<!tpu.dma_semaphore, #tpu.memory_space<semaphore_mem>>)
      %dma_wait3A_2952 = tpu.memref_slice %arg26[%mul3A_0] : memref<10496xf32, #tpu.memory_space<vmem_shared>> -> memref<656xf32, #tpu.memory_space<vmem_shared>>
      %dma_wait3A_2953 = tpu.memref_slice %arg26[%mul3A_0] : memref<10496xf32, #tpu.memory_space<vmem_shared>> -> memref<656xf32, #tpu.memory_space<vmem_shared>>
      tpu.wait_dma2 semaphore(%run_scoped3A : memref<!tpu.dma_semaphore, #tpu.memory_space<semaphore_mem>>) src(%arg19 : memref<656xf32, #tpu.memory_space<vmem>>) dst(%dma_wait3A_2953 : memref<656xf32, #tpu.memory_space<vmem_shared>>)
      tpu.yield
    }) : () -> ()
    "tpu.region"() ({
      %run_scoped3A = tpu.sem_alloc : memref<!tpu.dma_semaphore, #tpu.memory_space<semaphore_mem>>
      %dma_start3A_2950 = tpu.memref_slice %arg28[%mul3A_0] : memref<10496xf32, #tpu.memory_space<vmem_shared>> -> memref<656xf32, #tpu.memory_space<vmem_shared>>
      %dma_start3A_2951 = tpu.memref_slice %arg28[%mul3A_0] : memref<10496xf32, #tpu.memory_space<vmem_shared>> -> memref<656xf32, #tpu.memory_space<vmem_shared>>
      tpu.enqueue_dma source(%arg19 : memref<656xf32, #tpu.memory_space<vmem>>) target(%dma_start3A_2951 : memref<656xf32, #tpu.memory_space<vmem_shared>>) target_semaphore(%run_scoped3A : memref<!tpu.dma_semaphore, #tpu.memory_space<semaphore_mem>>)
      %dma_wait3A_2952 = tpu.memref_slice %arg28[%mul3A_0] : memref<10496xf32, #tpu.memory_space<vmem_shared>> -> memref<656xf32, #tpu.memory_space<vmem_shared>>
      %dma_wait3A_2953 = tpu.memref_slice %arg28[%mul3A_0] : memref<10496xf32, #tpu.memory_space<vmem_shared>> -> memref<656xf32, #tpu.memory_space<vmem_shared>>
      tpu.wait_dma2 semaphore(%run_scoped3A : memref<!tpu.dma_semaphore, #tpu.memory_space<semaphore_mem>>) src(%arg19 : memref<656xf32, #tpu.memory_space<vmem>>) dst(%dma_wait3A_2953 : memref<656xf32, #tpu.memory_space<vmem_shared>>)
      tpu.yield
    }) : () -> ()
    %barrier3A_2641 = arith.constant 0 : index
    tpu.barrier barrier_id(%barrier3A_2641)
    "tpu.region"() ({
      %run_scoped3A = tpu.sem_alloc : memref<!tpu.dma_semaphore, #tpu.memory_space<semaphore_mem>>
      tpu.enqueue_dma source(%arg26 : memref<10496xf32, #tpu.memory_space<vmem_shared>>) target(%arg13 : memref<10496xf32, #tpu.memory_space<vmem>>) target_semaphore(%run_scoped3A : memref<!tpu.dma_semaphore, #tpu.memory_space<semaphore_mem>>)
      tpu.wait_dma2 semaphore(%run_scoped3A : memref<!tpu.dma_semaphore, #tpu.memory_space<semaphore_mem>>) src(%arg26 : memref<10496xf32, #tpu.memory_space<vmem_shared>>) dst(%arg13 : memref<10496xf32, #tpu.memory_space<vmem>>)
      tpu.yield
    }) : () -> ()
    %scan3A_2642 = arith.constant 0 : i32
    %scan3A_2643 = arith.constant 0 : i32
    %scan3A_2644 = arith.constant 164 : i32
    %scan3A_2645 = arith.addi %scan3A_2643, %scan3A_2644 : i32
    %scan3A_2646 = arith.constant 1 : i32
    scf.for %scan3A_2950 = %scan3A_2643 to %scan3A_2645 step %scan3A_2646  : i32 {
      %broadcast_in_dim3A_2951 = arith.constant 0.000000e+00 : f32
      %broadcast_in_dim3A_2952 = vector.broadcast %broadcast_in_dim3A_2951 : f32 to vector<16xf32>
      %mul3A_2953 = arith.constant 64 : i32
      %mul3A_2954 = arith.muli %scan3A_2950, %mul3A_2953 : i32
      %add3A = arith.constant 0 : i32
      %add3A_2955 = arith.addi %mul3A_2954, %add3A : i32
      %swap3A_2956 = arith.index_cast %add3A_2955 : i32 to index
      %swap3A_2957 = tpu.vector_load %arg14[%swap3A_2956] {strides = array<i32>} : memref<10496xf32, #tpu.memory_space<vmem>>, vector<16xf32>,
      tpu.vector_store %arg14[%swap3A_2956], %broadcast_in_dim3A_2952 {strides = array<i32>} : memref<10496xf32, #tpu.memory_space<vmem>>, vector<16xf32>,
      %broadcast_in_dim3A_2958 = arith.constant 0.000000e+00 : f32
      %broadcast_in_dim3A_2959 = vector.broadcast %broadcast_in_dim3A_2958 : f32 to vector<16xf32>
      %mul3A_2960 = arith.constant 64 : i32
      %mul3A_2961 = arith.muli %scan3A_2950, %mul3A_2960 : i32
      %add3A_2962 = arith.constant 16 : i32
      %add3A_2963 = arith.addi %mul3A_2961, %add3A_2962 : i32
      %swap3A_2964 = arith.index_cast %add3A_2963 : i32 to index
      %swap3A_2965 = tpu.vector_load %arg14[%swap3A_2964] {strides = array<i32>} : memref<10496xf32, #tpu.memory_space<vmem>>, vector<16xf32>,
      tpu.vector_store %arg14[%swap3A_2964], %broadcast_in_dim3A_2959 {strides = array<i32>} : memref<10496xf32, #tpu.memory_space<vmem>>, vector<16xf32>,
      %broadcast_in_dim3A_2966 = arith.constant 0.000000e+00 : f32
      %broadcast_in_dim3A_2967 = vector.broadcast %broadcast_in_dim3A_2966 : f32 to vector<16xf32>
      %mul3A_2968 = arith.constant 64 : i32
      %mul3A_2969 = arith.muli %scan3A_2950, %mul3A_2968 : i32
      %add3A_2970 = arith.constant 32 : i32
      %add3A_2971 = arith.addi %mul3A_2969, %add3A_2970 : i32
      %swap3A_2972 = arith.index_cast %add3A_2971 : i32 to index
      %swap3A_2973 = tpu.vector_load %arg14[%swap3A_2972] {strides = array<i32>} : memref<10496xf32, #tpu.memory_space<vmem>>, vector<16xf32>,
      tpu.vector_store %arg14[%swap3A_2972], %broadcast_in_dim3A_2967 {strides = array<i32>} : memref<10496xf32, #tpu.memory_space<vmem>>, vector<16xf32>,
      %broadcast_in_dim3A_2974 = arith.constant 0.000000e+00 : f32
      %broadcast_in_dim3A_2975 = vector.broadcast %broadcast_in_dim3A_2974 : f32 to vector<16xf32>
      %mul3A_2976 = arith.constant 64 : i32
      %mul3A_2977 = arith.muli %scan3A_2950, %mul3A_2976 : i32
      %add3A_2978 = arith.constant 48 : i32
      %add3A_2979 = arith.addi %mul3A_2977, %add3A_2978 : i32
      %swap3A_2980 = arith.index_cast %add3A_2979 : i32 to index
      %swap3A_2981 = tpu.vector_load %arg14[%swap3A_2980] {strides = array<i32>} : memref<10496xf32, #tpu.memory_space<vmem>>, vector<16xf32>,
      tpu.vector_store %arg14[%swap3A_2980], %broadcast_in_dim3A_2975 {strides = array<i32>} : memref<10496xf32, #tpu.memory_space<vmem>>, vector<16xf32>,
    }
    %scan3A_2647 = arith.constant 164 : i32
    %scan3A_2648 = arith.constant 0 : i32
    %scan3A_2649 = arith.constant 0 : i32
    %scan3A_2650 = arith.constant 320 : i32
    %scan3A_2651 = arith.addi %scan3A_2649, %scan3A_2650 : i32
    %scan3A_2652 = arith.constant 1 : i32
    scf.for %scan3A_2950 = %scan3A_2649 to %scan3A_2651 step %scan3A_2652  : i32 {
      %mul3A_2951 = arith.constant 64 : i32
      %mul3A_2952 = arith.muli %scan3A_2950, %mul3A_2951 : i32
      %add3A = arith.constant 0 : i32
      %add3A_2953 = arith.addi %mul3A_2952, %add3A : i32
      %get3A_2954 = arith.index_cast %add3A_2953 : i32 to index
      %get3A_2955 = tpu.vector_load %arg8[%get3A_2954] {strides = array<i32>} : memref<20480xi32, #tpu.memory_space<vmem>>, vector<16xi32>,
      %gather3A = tpu.vector_load_idx %arg13[%get3A_2955] : memref<10496xf32, #tpu.memory_space<vmem>>[vector<16xi32>], vector<16xf32>,
      %get3A_2956 = arith.index_cast %add3A_2953 : i32 to index
      %get3A_2957 = tpu.vector_load %arg9[%get3A_2956] {strides = array<i32>} : memref<20480xi32, #tpu.memory_space<vmem>>, vector<16xi32>,
      tpu.vector_store_idx %arg14[%get3A_2957], %gather3A {add = true} : memref<10496xf32, #tpu.memory_space<vmem>>[vector<16xi32>], vector<16xf32>,
      %mul3A_2958 = arith.constant 64 : i32
      %mul3A_2959 = arith.muli %scan3A_2950, %mul3A_2958 : i32
      %add3A_2960 = arith.constant 16 : i32
      %add3A_2961 = arith.addi %mul3A_2959, %add3A_2960 : i32
      %get3A_2962 = arith.index_cast %add3A_2961 : i32 to index
      %get3A_2963 = tpu.vector_load %arg8[%get3A_2962] {strides = array<i32>} : memref<20480xi32, #tpu.memory_space<vmem>>, vector<16xi32>,
      %gather3A_2964 = tpu.vector_load_idx %arg13[%get3A_2963] : memref<10496xf32, #tpu.memory_space<vmem>>[vector<16xi32>], vector<16xf32>,
      %get3A_2965 = arith.index_cast %add3A_2961 : i32 to index
      %get3A_2966 = tpu.vector_load %arg9[%get3A_2965] {strides = array<i32>} : memref<20480xi32, #tpu.memory_space<vmem>>, vector<16xi32>,
      tpu.vector_store_idx %arg14[%get3A_2966], %gather3A_2964 {add = true} : memref<10496xf32, #tpu.memory_space<vmem>>[vector<16xi32>], vector<16xf32>,
      %mul3A_2967 = arith.constant 64 : i32
      %mul3A_2968 = arith.muli %scan3A_2950, %mul3A_2967 : i32
      %add3A_2969 = arith.constant 32 : i32
      %add3A_2970 = arith.addi %mul3A_2968, %add3A_2969 : i32
      %get3A_2971 = arith.index_cast %add3A_2970 : i32 to index
      %get3A_2972 = tpu.vector_load %arg8[%get3A_2971] {strides = array<i32>} : memref<20480xi32, #tpu.memory_space<vmem>>, vector<16xi32>,
      %gather3A_2973 = tpu.vector_load_idx %arg13[%get3A_2972] : memref<10496xf32, #tpu.memory_space<vmem>>[vector<16xi32>], vector<16xf32>,
      %get3A_2974 = arith.index_cast %add3A_2970 : i32 to index
      %get3A_2975 = tpu.vector_load %arg9[%get3A_2974] {strides = array<i32>} : memref<20480xi32, #tpu.memory_space<vmem>>, vector<16xi32>,
      tpu.vector_store_idx %arg14[%get3A_2975], %gather3A_2973 {add = true} : memref<10496xf32, #tpu.memory_space<vmem>>[vector<16xi32>], vector<16xf32>,
      %mul3A_2976 = arith.constant 64 : i32
      %mul3A_2977 = arith.muli %scan3A_2950, %mul3A_2976 : i32
      %add3A_2978 = arith.constant 48 : i32
      %add3A_2979 = arith.addi %mul3A_2977, %add3A_2978 : i32
      %get3A_2980 = arith.index_cast %add3A_2979 : i32 to index
      %get3A_2981 = tpu.vector_load %arg8[%get3A_2980] {strides = array<i32>} : memref<20480xi32, #tpu.memory_space<vmem>>, vector<16xi32>,
      %gather3A_2982 = tpu.vector_load_idx %arg13[%get3A_2981] : memref<10496xf32, #tpu.memory_space<vmem>>[vector<16xi32>], vector<16xf32>,
      %get3A_2983 = arith.index_cast %add3A_2979 : i32 to index
      %get3A_2984 = tpu.vector_load %arg9[%get3A_2983] {strides = array<i32>} : memref<20480xi32, #tpu.memory_space<vmem>>, vector<16xi32>,
      tpu.vector_store_idx %arg14[%get3A_2984], %gather3A_2982 {add = true} : memref<10496xf32, #tpu.memory_space<vmem>>[vector<16xi32>], vector<16xf32>,
    }
    %scan3A_2653 = arith.constant 320 : i32
    "tpu.region"() ({
      %run_scoped3A = tpu.sem_alloc : memref<!tpu.dma_semaphore, #tpu.memory_space<semaphore_mem>>
      %dma_start3A_2950 = arith.constant 0 : i32
      %dma_start3A_2951 = tpu.memref_slice %arg28[%dma_start3A_2950] : memref<10496xf32, #tpu.memory_space<vmem_shared>> -> memref<10496xf32, #tpu.memory_space<vmem_shared>>
      tpu.enqueue_indirect_dma source(%arg14 : memref<10496xf32, #tpu.memory_space<vmem>>) target(%dma_start3A_2951 : memref<10496xf32, #tpu.memory_space<vmem_shared>>) offsets(%arg15 : memref<10496xi32, #tpu.memory_space<vmem>>) semaphore(%run_scoped3A : memref<!tpu.dma_semaphore, #tpu.memory_space<semaphore_mem>>) {add = true}
      %dma_wait3A_2952 = arith.constant 0 : i32
      %dma_wait3A_2953 = tpu.memref_slice %arg28[%dma_wait3A_2952] : memref<10496xf32, #tpu.memory_space<vmem_shared>> -> memref<10496xf32, #tpu.memory_space<vmem_shared>>
      tpu.wait_indirect_dma semaphore(%run_scoped3A : memref<!tpu.dma_semaphore, #tpu.memory_space<semaphore_mem>>) src(%arg14 : memref<10496xf32, #tpu.memory_space<vmem>>) dst(%dma_wait3A_2953 : memref<10496xf32, #tpu.memory_space<vmem_shared>>)
      tpu.yield
    }) : () -> ()
    %barrier3A_2654 = arith.constant 0 : index
    tpu.barrier barrier_id(%barrier3A_2654)
    "tpu.region"() ({
      %run_scoped3A = tpu.sem_alloc : memref<!tpu.dma_semaphore, #tpu.memory_space<semaphore_mem>>
      %dma_start3A_2950 = tpu.memref_slice %arg28[%mul3A_0] : memref<10496xf32, #tpu.memory_space<vmem_shared>> -> memref<656xf32, #tpu.memory_space<vmem_shared>>
      %dma_start3A_2951 = tpu.memref_slice %arg28[%mul3A_0] : memref<10496xf32, #tpu.memory_space<vmem_shared>> -> memref<656xf32, #tpu.memory_space<vmem_shared>>
      tpu.enqueue_dma source(%dma_start3A_2951 : memref<656xf32, #tpu.memory_space<vmem_shared>>) target(%arg18 : memref<656xf32, #tpu.memory_space<vmem>>) target_semaphore(%run_scoped3A : memref<!tpu.dma_semaphore, #tpu.memory_space<semaphore_mem>>)
      %dma_wait3A_2952 = tpu.memref_slice %arg28[%mul3A_0] : memref<10496xf32, #tpu.memory_space<vmem_shared>> -> memref<656xf32, #tpu.memory_space<vmem_shared>>
      %dma_wait3A_2953 = tpu.memref_slice %arg28[%mul3A_0] : memref<10496xf32, #tpu.memory_space<vmem_shared>> -> memref<656xf32, #tpu.memory_space<vmem_shared>>
      tpu.wait_dma2 semaphore(%run_scoped3A : memref<!tpu.dma_semaphore, #tpu.memory_space<semaphore_mem>>) src(%dma_wait3A_2953 : memref<656xf32, #tpu.memory_space<vmem_shared>>) dst(%arg18 : memref<656xf32, #tpu.memory_space<vmem>>)
      tpu.yield
    }) : () -> ()
    %get3A_2655 = arith.constant 0 : index
    %get3A_2656 = tpu.vector_load %arg17[%get3A_2655] {strides = array<i32>} : memref<656xf32, #tpu.memory_space<vmem>>, vector<16xf32>,
    %get3A_2657 = arith.constant 0 : index
    %get3A_2658 = tpu.vector_load %arg18[%get3A_2657] {strides = array<i32>} : memref<656xf32, #tpu.memory_space<vmem>>, vector<16xf32>,
    %mul3A_2659 = arith.mulf %get3A_2656, %get3A_2658 : vector<16xf32>
    %swap3A_2660 = arith.constant 0 : index
    %swap3A_2661 = tpu.vector_load %arg12[%swap3A_2660] {strides = array<i32>} : memref<768xf32, #tpu.memory_space<vmem>>, vector<16xf32>,
    tpu.vector_store %arg12[%swap3A_2660], %mul3A_2659 {strides = array<i32>} : memref<768xf32, #tpu.memory_space<vmem>>, vector<16xf32>,
    %get3A_2662 = arith.constant 16 : index
    %get3A_2663 = tpu.vector_load %arg17[%get3A_2662] {strides = array<i32>} : memref<656xf32, #tpu.memory_space<vmem>>, vector<16xf32>,
    %get3A_2664 = arith.constant 16 : index
    %get3A_2665 = tpu.vector_load %arg18[%get3A_2664] {strides = array<i32>} : memref<656xf32, #tpu.memory_space<vmem>>, vector<16xf32>,
    %mul3A_2666 = arith.mulf %get3A_2663, %get3A_2665 : vector<16xf32>
    %swap3A_2667 = arith.constant 16 : index
    %swap3A_2668 = tpu.vector_load %arg12[%swap3A_2667] {strides = array<i32>} : memref<768xf32, #tpu.memory_space<vmem>>, vector<16xf32>,
    tpu.vector_store %arg12[%swap3A_2667], %mul3A_2666 {strides = array<i32>} : memref<768xf32, #tpu.memory_space<vmem>>, vector<16xf32>,
    %get3A_2669 = arith.constant 32 : index
    %get3A_2670 = tpu.vector_load %arg17[%get3A_2669] {strides = array<i32>} : memref<656xf32, #tpu.memory_space<vmem>>, vector<16xf32>,
    %get3A_2671 = arith.constant 32 : index
    %get3A_2672 = tpu.vector_load %arg18[%get3A_2671] {strides = array<i32>} : memref<656xf32, #tpu.memory_space<vmem>>, vector<16xf32>,
    %mul3A_2673 = arith.mulf %get3A_2670, %get3A_2672 : vector<16xf32>
    %swap3A_2674 = arith.constant 32 : index
    %swap3A_2675 = tpu.vector_load %arg12[%swap3A_2674] {strides = array<i32>} : memref<768xf32, #tpu.memory_space<vmem>>, vector<16xf32>,
    tpu.vector_store %arg12[%swap3A_2674], %mul3A_2673 {strides = array<i32>} : memref<768xf32, #tpu.memory_space<vmem>>, vector<16xf32>,
    %get3A_2676 = arith.constant 48 : index
    %get3A_2677 = tpu.vector_load %arg17[%get3A_2676] {strides = array<i32>} : memref<656xf32, #tpu.memory_space<vmem>>, vector<16xf32>,
    %get3A_2678 = arith.constant 48 : index
    %get3A_2679 = tpu.vector_load %arg18[%get3A_2678] {strides = array<i32>} : memref<656xf32, #tpu.memory_space<vmem>>, vector<16xf32>,
    %mul3A_2680 = arith.mulf %get3A_2677, %get3A_2679 : vector<16xf32>
    %swap3A_2681 = arith.constant 48 : index
    %swap3A_2682 = tpu.vector_load %arg12[%swap3A_2681] {strides = array<i32>} : memref<768xf32, #tpu.memory_space<vmem>>, vector<16xf32>,
    tpu.vector_store %arg12[%swap3A_2681], %mul3A_2680 {strides = array<i32>} : memref<768xf32, #tpu.memory_space<vmem>>, vector<16xf32>,
    %get3A_2683 = arith.constant 64 : index
    %get3A_2684 = tpu.vector_load %arg17[%get3A_2683] {strides = array<i32>} : memref<656xf32, #tpu.memory_space<vmem>>, vector<16xf32>,
    %get3A_2685 = arith.constant 64 : index
    %get3A_2686 = tpu.vector_load %arg18[%get3A_2685] {strides = array<i32>} : memref<656xf32, #tpu.memory_space<vmem>>, vector<16xf32>,
    %mul3A_2687 = arith.mulf %get3A_2684, %get3A_2686 : vector<16xf32>
    %swap3A_2688 = arith.constant 64 : index
    %swap3A_2689 = tpu.vector_load %arg12[%swap3A_2688] {strides = array<i32>} : memref<768xf32, #tpu.memory_space<vmem>>, vector<16xf32>,
    tpu.vector_store %arg12[%swap3A_2688], %mul3A_2687 {strides = array<i32>} : memref<768xf32, #tpu.memory_space<vmem>>, vector<16xf32>,
    %get3A_2690 = arith.constant 80 : index
    %get3A_2691 = tpu.vector_load %arg17[%get3A_2690] {strides = array<i32>} : memref<656xf32, #tpu.memory_space<vmem>>, vector<16xf32>,
    %get3A_2692 = arith.constant 80 : index
    %get3A_2693 = tpu.vector_load %arg18[%get3A_2692] {strides = array<i32>} : memref<656xf32, #tpu.memory_space<vmem>>, vector<16xf32>,
    %mul3A_2694 = arith.mulf %get3A_2691, %get3A_2693 : vector<16xf32>
    %swap3A_2695 = arith.constant 80 : index
    %swap3A_2696 = tpu.vector_load %arg12[%swap3A_2695] {strides = array<i32>} : memref<768xf32, #tpu.memory_space<vmem>>, vector<16xf32>,
    tpu.vector_store %arg12[%swap3A_2695], %mul3A_2694 {strides = array<i32>} : memref<768xf32, #tpu.memory_space<vmem>>, vector<16xf32>,
    %get3A_2697 = arith.constant 96 : index
    %get3A_2698 = tpu.vector_load %arg17[%get3A_2697] {strides = array<i32>} : memref<656xf32, #tpu.memory_space<vmem>>, vector<16xf32>,
    %get3A_2699 = arith.constant 96 : index
    %get3A_2700 = tpu.vector_load %arg18[%get3A_2699] {strides = array<i32>} : memref<656xf32, #tpu.memory_space<vmem>>, vector<16xf32>,
    %mul3A_2701 = arith.mulf %get3A_2698, %get3A_2700 : vector<16xf32>
    %swap3A_2702 = arith.constant 96 : index
    %swap3A_2703 = tpu.vector_load %arg12[%swap3A_2702] {strides = array<i32>} : memref<768xf32, #tpu.memory_space<vmem>>, vector<16xf32>,
    tpu.vector_store %arg12[%swap3A_2702], %mul3A_2701 {strides = array<i32>} : memref<768xf32, #tpu.memory_space<vmem>>, vector<16xf32>,
    %get3A_2704 = arith.constant 112 : index
    %get3A_2705 = tpu.vector_load %arg17[%get3A_2704] {strides = array<i32>} : memref<656xf32, #tpu.memory_space<vmem>>, vector<16xf32>,
    %get3A_2706 = arith.constant 112 : index
    %get3A_2707 = tpu.vector_load %arg18[%get3A_2706] {strides = array<i32>} : memref<656xf32, #tpu.memory_space<vmem>>, vector<16xf32>,
    %mul3A_2708 = arith.mulf %get3A_2705, %get3A_2707 : vector<16xf32>
    %swap3A_2709 = arith.constant 112 : index
    %swap3A_2710 = tpu.vector_load %arg12[%swap3A_2709] {strides = array<i32>} : memref<768xf32, #tpu.memory_space<vmem>>, vector<16xf32>,
    tpu.vector_store %arg12[%swap3A_2709], %mul3A_2708 {strides = array<i32>} : memref<768xf32, #tpu.memory_space<vmem>>, vector<16xf32>,
    %get3A_2711 = arith.constant 128 : index
    %get3A_2712 = tpu.vector_load %arg17[%get3A_2711] {strides = array<i32>} : memref<656xf32, #tpu.memory_space<vmem>>, vector<16xf32>,
    %get3A_2713 = arith.constant 128 : index
    %get3A_2714 = tpu.vector_load %arg18[%get3A_2713] {strides = array<i32>} : memref<656xf32, #tpu.memory_space<vmem>>, vector<16xf32>,
    %mul3A_2715 = arith.mulf %get3A_2712, %get3A_2714 : vector<16xf32>
    %swap3A_2716 = arith.constant 128 : index
    %swap3A_2717 = tpu.vector_load %arg12[%swap3A_2716] {strides = array<i32>} : memref<768xf32, #tpu.memory_space<vmem>>, vector<16xf32>,
    tpu.vector_store %arg12[%swap3A_2716], %mul3A_2715 {strides = array<i32>} : memref<768xf32, #tpu.memory_space<vmem>>, vector<16xf32>,
    %get3A_2718 = arith.constant 144 : index
    %get3A_2719 = tpu.vector_load %arg17[%get3A_2718] {strides = array<i32>} : memref<656xf32, #tpu.memory_space<vmem>>, vector<16xf32>,
    %get3A_2720 = arith.constant 144 : index
    %get3A_2721 = tpu.vector_load %arg18[%get3A_2720] {strides = array<i32>} : memref<656xf32, #tpu.memory_space<vmem>>, vector<16xf32>,
    %mul3A_2722 = arith.mulf %get3A_2719, %get3A_2721 : vector<16xf32>
    %swap3A_2723 = arith.constant 144 : index
    %swap3A_2724 = tpu.vector_load %arg12[%swap3A_2723] {strides = array<i32>} : memref<768xf32, #tpu.memory_space<vmem>>, vector<16xf32>,
    tpu.vector_store %arg12[%swap3A_2723], %mul3A_2722 {strides = array<i32>} : memref<768xf32, #tpu.memory_space<vmem>>, vector<16xf32>,
    %get3A_2725 = arith.constant 160 : index
    %get3A_2726 = tpu.vector_load %arg17[%get3A_2725] {strides = array<i32>} : memref<656xf32, #tpu.memory_space<vmem>>, vector<16xf32>,
    %get3A_2727 = arith.constant 160 : index
    %get3A_2728 = tpu.vector_load %arg18[%get3A_2727] {strides = array<i32>} : memref<656xf32, #tpu.memory_space<vmem>>, vector<16xf32>,
    %mul3A_2729 = arith.mulf %get3A_2726, %get3A_2728 : vector<16xf32>
    %swap3A_2730 = arith.constant 160 : index
    %swap3A_2731 = tpu.vector_load %arg12[%swap3A_2730] {strides = array<i32>} : memref<768xf32, #tpu.memory_space<vmem>>, vector<16xf32>,
    tpu.vector_store %arg12[%swap3A_2730], %mul3A_2729 {strides = array<i32>} : memref<768xf32, #tpu.memory_space<vmem>>, vector<16xf32>,
    %get3A_2732 = arith.constant 176 : index
    %get3A_2733 = tpu.vector_load %arg17[%get3A_2732] {strides = array<i32>} : memref<656xf32, #tpu.memory_space<vmem>>, vector<16xf32>,
    %get3A_2734 = arith.constant 176 : index
    %get3A_2735 = tpu.vector_load %arg18[%get3A_2734] {strides = array<i32>} : memref<656xf32, #tpu.memory_space<vmem>>, vector<16xf32>,
    %mul3A_2736 = arith.mulf %get3A_2733, %get3A_2735 : vector<16xf32>
    %swap3A_2737 = arith.constant 176 : index
    %swap3A_2738 = tpu.vector_load %arg12[%swap3A_2737] {strides = array<i32>} : memref<768xf32, #tpu.memory_space<vmem>>, vector<16xf32>,
    tpu.vector_store %arg12[%swap3A_2737], %mul3A_2736 {strides = array<i32>} : memref<768xf32, #tpu.memory_space<vmem>>, vector<16xf32>,
    %get3A_2739 = arith.constant 192 : index
    %get3A_2740 = tpu.vector_load %arg17[%get3A_2739] {strides = array<i32>} : memref<656xf32, #tpu.memory_space<vmem>>, vector<16xf32>,
    %get3A_2741 = arith.constant 192 : index
    %get3A_2742 = tpu.vector_load %arg18[%get3A_2741] {strides = array<i32>} : memref<656xf32, #tpu.memory_space<vmem>>, vector<16xf32>,
    %mul3A_2743 = arith.mulf %get3A_2740, %get3A_2742 : vector<16xf32>
    %swap3A_2744 = arith.constant 192 : index
    %swap3A_2745 = tpu.vector_load %arg12[%swap3A_2744] {strides = array<i32>} : memref<768xf32, #tpu.memory_space<vmem>>, vector<16xf32>,
    tpu.vector_store %arg12[%swap3A_2744], %mul3A_2743 {strides = array<i32>} : memref<768xf32, #tpu.memory_space<vmem>>, vector<16xf32>,
    %get3A_2746 = arith.constant 208 : index
    %get3A_2747 = tpu.vector_load %arg17[%get3A_2746] {strides = array<i32>} : memref<656xf32, #tpu.memory_space<vmem>>, vector<16xf32>,
    %get3A_2748 = arith.constant 208 : index
    %get3A_2749 = tpu.vector_load %arg18[%get3A_2748] {strides = array<i32>} : memref<656xf32, #tpu.memory_space<vmem>>, vector<16xf32>,
    %mul3A_2750 = arith.mulf %get3A_2747, %get3A_2749 : vector<16xf32>
    %swap3A_2751 = arith.constant 208 : index
    %swap3A_2752 = tpu.vector_load %arg12[%swap3A_2751] {strides = array<i32>} : memref<768xf32, #tpu.memory_space<vmem>>, vector<16xf32>,
    tpu.vector_store %arg12[%swap3A_2751], %mul3A_2750 {strides = array<i32>} : memref<768xf32, #tpu.memory_space<vmem>>, vector<16xf32>,
    %get3A_2753 = arith.constant 224 : index
    %get3A_2754 = tpu.vector_load %arg17[%get3A_2753] {strides = array<i32>} : memref<656xf32, #tpu.memory_space<vmem>>, vector<16xf32>,
    %get3A_2755 = arith.constant 224 : index
    %get3A_2756 = tpu.vector_load %arg18[%get3A_2755] {strides = array<i32>} : memref<656xf32, #tpu.memory_space<vmem>>, vector<16xf32>,
    %mul3A_2757 = arith.mulf %get3A_2754, %get3A_2756 : vector<16xf32>
    %swap3A_2758 = arith.constant 224 : index
    %swap3A_2759 = tpu.vector_load %arg12[%swap3A_2758] {strides = array<i32>} : memref<768xf32, #tpu.memory_space<vmem>>, vector<16xf32>,
    tpu.vector_store %arg12[%swap3A_2758], %mul3A_2757 {strides = array<i32>} : memref<768xf32, #tpu.memory_space<vmem>>, vector<16xf32>,
    %get3A_2760 = arith.constant 240 : index
    %get3A_2761 = tpu.vector_load %arg17[%get3A_2760] {strides = array<i32>} : memref<656xf32, #tpu.memory_space<vmem>>, vector<16xf32>,
    %get3A_2762 = arith.constant 240 : index
    %get3A_2763 = tpu.vector_load %arg18[%get3A_2762] {strides = array<i32>} : memref<656xf32, #tpu.memory_space<vmem>>, vector<16xf32>,
    %mul3A_2764 = arith.mulf %get3A_2761, %get3A_2763 : vector<16xf32>
    %swap3A_2765 = arith.constant 240 : index
    %swap3A_2766 = tpu.vector_load %arg12[%swap3A_2765] {strides = array<i32>} : memref<768xf32, #tpu.memory_space<vmem>>, vector<16xf32>,
    tpu.vector_store %arg12[%swap3A_2765], %mul3A_2764 {strides = array<i32>} : memref<768xf32, #tpu.memory_space<vmem>>, vector<16xf32>,
    %get3A_2767 = arith.constant 256 : index
    %get3A_2768 = tpu.vector_load %arg17[%get3A_2767] {strides = array<i32>} : memref<656xf32, #tpu.memory_space<vmem>>, vector<16xf32>,
    %get3A_2769 = arith.constant 256 : index
    %get3A_2770 = tpu.vector_load %arg18[%get3A_2769] {strides = array<i32>} : memref<656xf32, #tpu.memory_space<vmem>>, vector<16xf32>,
    %mul3A_2771 = arith.mulf %get3A_2768, %get3A_2770 : vector<16xf32>
    %swap3A_2772 = arith.constant 256 : index
    %swap3A_2773 = tpu.vector_load %arg12[%swap3A_2772] {strides = array<i32>} : memref<768xf32, #tpu.memory_space<vmem>>, vector<16xf32>,
    tpu.vector_store %arg12[%swap3A_2772], %mul3A_2771 {strides = array<i32>} : memref<768xf32, #tpu.memory_space<vmem>>, vector<16xf32>,
    %get3A_2774 = arith.constant 272 : index
    %get3A_2775 = tpu.vector_load %arg17[%get3A_2774] {strides = array<i32>} : memref<656xf32, #tpu.memory_space<vmem>>, vector<16xf32>,
    %get3A_2776 = arith.constant 272 : index
    %get3A_2777 = tpu.vector_load %arg18[%get3A_2776] {strides = array<i32>} : memref<656xf32, #tpu.memory_space<vmem>>, vector<16xf32>,
    %mul3A_2778 = arith.mulf %get3A_2775, %get3A_2777 : vector<16xf32>
    %swap3A_2779 = arith.constant 272 : index
    %swap3A_2780 = tpu.vector_load %arg12[%swap3A_2779] {strides = array<i32>} : memref<768xf32, #tpu.memory_space<vmem>>, vector<16xf32>,
    tpu.vector_store %arg12[%swap3A_2779], %mul3A_2778 {strides = array<i32>} : memref<768xf32, #tpu.memory_space<vmem>>, vector<16xf32>,
    %get3A_2781 = arith.constant 288 : index
    %get3A_2782 = tpu.vector_load %arg17[%get3A_2781] {strides = array<i32>} : memref<656xf32, #tpu.memory_space<vmem>>, vector<16xf32>,
    %get3A_2783 = arith.constant 288 : index
    %get3A_2784 = tpu.vector_load %arg18[%get3A_2783] {strides = array<i32>} : memref<656xf32, #tpu.memory_space<vmem>>, vector<16xf32>,
    %mul3A_2785 = arith.mulf %get3A_2782, %get3A_2784 : vector<16xf32>
    %swap3A_2786 = arith.constant 288 : index
    %swap3A_2787 = tpu.vector_load %arg12[%swap3A_2786] {strides = array<i32>} : memref<768xf32, #tpu.memory_space<vmem>>, vector<16xf32>,
    tpu.vector_store %arg12[%swap3A_2786], %mul3A_2785 {strides = array<i32>} : memref<768xf32, #tpu.memory_space<vmem>>, vector<16xf32>,
    %get3A_2788 = arith.constant 304 : index
    %get3A_2789 = tpu.vector_load %arg17[%get3A_2788] {strides = array<i32>} : memref<656xf32, #tpu.memory_space<vmem>>, vector<16xf32>,
    %get3A_2790 = arith.constant 304 : index
    %get3A_2791 = tpu.vector_load %arg18[%get3A_2790] {strides = array<i32>} : memref<656xf32, #tpu.memory_space<vmem>>, vector<16xf32>,
    %mul3A_2792 = arith.mulf %get3A_2789, %get3A_2791 : vector<16xf32>
    %swap3A_2793 = arith.constant 304 : index
    %swap3A_2794 = tpu.vector_load %arg12[%swap3A_2793] {strides = array<i32>} : memref<768xf32, #tpu.memory_space<vmem>>, vector<16xf32>,
    tpu.vector_store %arg12[%swap3A_2793], %mul3A_2792 {strides = array<i32>} : memref<768xf32, #tpu.memory_space<vmem>>, vector<16xf32>,
    %get3A_2795 = arith.constant 320 : index
    %get3A_2796 = tpu.vector_load %arg17[%get3A_2795] {strides = array<i32>} : memref<656xf32, #tpu.memory_space<vmem>>, vector<16xf32>,
    %get3A_2797 = arith.constant 320 : index
    %get3A_2798 = tpu.vector_load %arg18[%get3A_2797] {strides = array<i32>} : memref<656xf32, #tpu.memory_space<vmem>>, vector<16xf32>,
    %mul3A_2799 = arith.mulf %get3A_2796, %get3A_2798 : vector<16xf32>
    %swap3A_2800 = arith.constant 320 : index
    %swap3A_2801 = tpu.vector_load %arg12[%swap3A_2800] {strides = array<i32>} : memref<768xf32, #tpu.memory_space<vmem>>, vector<16xf32>,
    tpu.vector_store %arg12[%swap3A_2800], %mul3A_2799 {strides = array<i32>} : memref<768xf32, #tpu.memory_space<vmem>>, vector<16xf32>,
    %get3A_2802 = arith.constant 336 : index
    %get3A_2803 = tpu.vector_load %arg17[%get3A_2802] {strides = array<i32>} : memref<656xf32, #tpu.memory_space<vmem>>, vector<16xf32>,
    %get3A_2804 = arith.constant 336 : index
    %get3A_2805 = tpu.vector_load %arg18[%get3A_2804] {strides = array<i32>} : memref<656xf32, #tpu.memory_space<vmem>>, vector<16xf32>,
    %mul3A_2806 = arith.mulf %get3A_2803, %get3A_2805 : vector<16xf32>
    %swap3A_2807 = arith.constant 336 : index
    %swap3A_2808 = tpu.vector_load %arg12[%swap3A_2807] {strides = array<i32>} : memref<768xf32, #tpu.memory_space<vmem>>, vector<16xf32>,
    tpu.vector_store %arg12[%swap3A_2807], %mul3A_2806 {strides = array<i32>} : memref<768xf32, #tpu.memory_space<vmem>>, vector<16xf32>,
    %get3A_2809 = arith.constant 352 : index
    %get3A_2810 = tpu.vector_load %arg17[%get3A_2809] {strides = array<i32>} : memref<656xf32, #tpu.memory_space<vmem>>, vector<16xf32>,
    %get3A_2811 = arith.constant 352 : index
    %get3A_2812 = tpu.vector_load %arg18[%get3A_2811] {strides = array<i32>} : memref<656xf32, #tpu.memory_space<vmem>>, vector<16xf32>,
    %mul3A_2813 = arith.mulf %get3A_2810, %get3A_2812 : vector<16xf32>
    %swap3A_2814 = arith.constant 352 : index
    %swap3A_2815 = tpu.vector_load %arg12[%swap3A_2814] {strides = array<i32>} : memref<768xf32, #tpu.memory_space<vmem>>, vector<16xf32>,
    tpu.vector_store %arg12[%swap3A_2814], %mul3A_2813 {strides = array<i32>} : memref<768xf32, #tpu.memory_space<vmem>>, vector<16xf32>,
    %get3A_2816 = arith.constant 368 : index
    %get3A_2817 = tpu.vector_load %arg17[%get3A_2816] {strides = array<i32>} : memref<656xf32, #tpu.memory_space<vmem>>, vector<16xf32>,
    %get3A_2818 = arith.constant 368 : index
    %get3A_2819 = tpu.vector_load %arg18[%get3A_2818] {strides = array<i32>} : memref<656xf32, #tpu.memory_space<vmem>>, vector<16xf32>,
    %mul3A_2820 = arith.mulf %get3A_2817, %get3A_2819 : vector<16xf32>
    %swap3A_2821 = arith.constant 368 : index
    %swap3A_2822 = tpu.vector_load %arg12[%swap3A_2821] {strides = array<i32>} : memref<768xf32, #tpu.memory_space<vmem>>, vector<16xf32>,
    tpu.vector_store %arg12[%swap3A_2821], %mul3A_2820 {strides = array<i32>} : memref<768xf32, #tpu.memory_space<vmem>>, vector<16xf32>,
    %get3A_2823 = arith.constant 384 : index
    %get3A_2824 = tpu.vector_load %arg17[%get3A_2823] {strides = array<i32>} : memref<656xf32, #tpu.memory_space<vmem>>, vector<16xf32>,
    %get3A_2825 = arith.constant 384 : index
    %get3A_2826 = tpu.vector_load %arg18[%get3A_2825] {strides = array<i32>} : memref<656xf32, #tpu.memory_space<vmem>>, vector<16xf32>,
    %mul3A_2827 = arith.mulf %get3A_2824, %get3A_2826 : vector<16xf32>
    %swap3A_2828 = arith.constant 384 : index
    %swap3A_2829 = tpu.vector_load %arg12[%swap3A_2828] {strides = array<i32>} : memref<768xf32, #tpu.memory_space<vmem>>, vector<16xf32>,
    tpu.vector_store %arg12[%swap3A_2828], %mul3A_2827 {strides = array<i32>} : memref<768xf32, #tpu.memory_space<vmem>>, vector<16xf32>,
    %get3A_2830 = arith.constant 400 : index
    %get3A_2831 = tpu.vector_load %arg17[%get3A_2830] {strides = array<i32>} : memref<656xf32, #tpu.memory_space<vmem>>, vector<16xf32>,
    %get3A_2832 = arith.constant 400 : index
    %get3A_2833 = tpu.vector_load %arg18[%get3A_2832] {strides = array<i32>} : memref<656xf32, #tpu.memory_space<vmem>>, vector<16xf32>,
    %mul3A_2834 = arith.mulf %get3A_2831, %get3A_2833 : vector<16xf32>
    %swap3A_2835 = arith.constant 400 : index
    %swap3A_2836 = tpu.vector_load %arg12[%swap3A_2835] {strides = array<i32>} : memref<768xf32, #tpu.memory_space<vmem>>, vector<16xf32>,
    tpu.vector_store %arg12[%swap3A_2835], %mul3A_2834 {strides = array<i32>} : memref<768xf32, #tpu.memory_space<vmem>>, vector<16xf32>,
    %get3A_2837 = arith.constant 416 : index
    %get3A_2838 = tpu.vector_load %arg17[%get3A_2837] {strides = array<i32>} : memref<656xf32, #tpu.memory_space<vmem>>, vector<16xf32>,
    %get3A_2839 = arith.constant 416 : index
    %get3A_2840 = tpu.vector_load %arg18[%get3A_2839] {strides = array<i32>} : memref<656xf32, #tpu.memory_space<vmem>>, vector<16xf32>,
    %mul3A_2841 = arith.mulf %get3A_2838, %get3A_2840 : vector<16xf32>
    %swap3A_2842 = arith.constant 416 : index
    %swap3A_2843 = tpu.vector_load %arg12[%swap3A_2842] {strides = array<i32>} : memref<768xf32, #tpu.memory_space<vmem>>, vector<16xf32>,
    tpu.vector_store %arg12[%swap3A_2842], %mul3A_2841 {strides = array<i32>} : memref<768xf32, #tpu.memory_space<vmem>>, vector<16xf32>,
    %get3A_2844 = arith.constant 432 : index
    %get3A_2845 = tpu.vector_load %arg17[%get3A_2844] {strides = array<i32>} : memref<656xf32, #tpu.memory_space<vmem>>, vector<16xf32>,
    %get3A_2846 = arith.constant 432 : index
    %get3A_2847 = tpu.vector_load %arg18[%get3A_2846] {strides = array<i32>} : memref<656xf32, #tpu.memory_space<vmem>>, vector<16xf32>,
    %mul3A_2848 = arith.mulf %get3A_2845, %get3A_2847 : vector<16xf32>
    %swap3A_2849 = arith.constant 432 : index
    %swap3A_2850 = tpu.vector_load %arg12[%swap3A_2849] {strides = array<i32>} : memref<768xf32, #tpu.memory_space<vmem>>, vector<16xf32>,
    tpu.vector_store %arg12[%swap3A_2849], %mul3A_2848 {strides = array<i32>} : memref<768xf32, #tpu.memory_space<vmem>>, vector<16xf32>,
    %get3A_2851 = arith.constant 448 : index
    %get3A_2852 = tpu.vector_load %arg17[%get3A_2851] {strides = array<i32>} : memref<656xf32, #tpu.memory_space<vmem>>, vector<16xf32>,
    %get3A_2853 = arith.constant 448 : index
    %get3A_2854 = tpu.vector_load %arg18[%get3A_2853] {strides = array<i32>} : memref<656xf32, #tpu.memory_space<vmem>>, vector<16xf32>,
    %mul3A_2855 = arith.mulf %get3A_2852, %get3A_2854 : vector<16xf32>
    %swap3A_2856 = arith.constant 448 : index
    %swap3A_2857 = tpu.vector_load %arg12[%swap3A_2856] {strides = array<i32>} : memref<768xf32, #tpu.memory_space<vmem>>, vector<16xf32>,
    tpu.vector_store %arg12[%swap3A_2856], %mul3A_2855 {strides = array<i32>} : memref<768xf32, #tpu.memory_space<vmem>>, vector<16xf32>,
    %get3A_2858 = arith.constant 464 : index
    %get3A_2859 = tpu.vector_load %arg17[%get3A_2858] {strides = array<i32>} : memref<656xf32, #tpu.memory_space<vmem>>, vector<16xf32>,
    %get3A_2860 = arith.constant 464 : index
    %get3A_2861 = tpu.vector_load %arg18[%get3A_2860] {strides = array<i32>} : memref<656xf32, #tpu.memory_space<vmem>>, vector<16xf32>,
    %mul3A_2862 = arith.mulf %get3A_2859, %get3A_2861 : vector<16xf32>
    %swap3A_2863 = arith.constant 464 : index
    %swap3A_2864 = tpu.vector_load %arg12[%swap3A_2863] {strides = array<i32>} : memref<768xf32, #tpu.memory_space<vmem>>, vector<16xf32>,
    tpu.vector_store %arg12[%swap3A_2863], %mul3A_2862 {strides = array<i32>} : memref<768xf32, #tpu.memory_space<vmem>>, vector<16xf32>,
    %get3A_2865 = arith.constant 480 : index
    %get3A_2866 = tpu.vector_load %arg17[%get3A_2865] {strides = array<i32>} : memref<656xf32, #tpu.memory_space<vmem>>, vector<16xf32>,
    %get3A_2867 = arith.constant 480 : index
    %get3A_2868 = tpu.vector_load %arg18[%get3A_2867] {strides = array<i32>} : memref<656xf32, #tpu.memory_space<vmem>>, vector<16xf32>,
    %mul3A_2869 = arith.mulf %get3A_2866, %get3A_2868 : vector<16xf32>
    %swap3A_2870 = arith.constant 480 : index
    %swap3A_2871 = tpu.vector_load %arg12[%swap3A_2870] {strides = array<i32>} : memref<768xf32, #tpu.memory_space<vmem>>, vector<16xf32>,
    tpu.vector_store %arg12[%swap3A_2870], %mul3A_2869 {strides = array<i32>} : memref<768xf32, #tpu.memory_space<vmem>>, vector<16xf32>,
    %get3A_2872 = arith.constant 496 : index
    %get3A_2873 = tpu.vector_load %arg17[%get3A_2872] {strides = array<i32>} : memref<656xf32, #tpu.memory_space<vmem>>, vector<16xf32>,
    %get3A_2874 = arith.constant 496 : index
    %get3A_2875 = tpu.vector_load %arg18[%get3A_2874] {strides = array<i32>} : memref<656xf32, #tpu.memory_space<vmem>>, vector<16xf32>,
    %mul3A_2876 = arith.mulf %get3A_2873, %get3A_2875 : vector<16xf32>
    %swap3A_2877 = arith.constant 496 : index
    %swap3A_2878 = tpu.vector_load %arg12[%swap3A_2877] {strides = array<i32>} : memref<768xf32, #tpu.memory_space<vmem>>, vector<16xf32>,
    tpu.vector_store %arg12[%swap3A_2877], %mul3A_2876 {strides = array<i32>} : memref<768xf32, #tpu.memory_space<vmem>>, vector<16xf32>,
    %get3A_2879 = arith.constant 512 : index
    %get3A_2880 = tpu.vector_load %arg17[%get3A_2879] {strides = array<i32>} : memref<656xf32, #tpu.memory_space<vmem>>, vector<16xf32>,
    %get3A_2881 = arith.constant 512 : index
    %get3A_2882 = tpu.vector_load %arg18[%get3A_2881] {strides = array<i32>} : memref<656xf32, #tpu.memory_space<vmem>>, vector<16xf32>,
    %mul3A_2883 = arith.mulf %get3A_2880, %get3A_2882 : vector<16xf32>
    %swap3A_2884 = arith.constant 512 : index
    %swap3A_2885 = tpu.vector_load %arg12[%swap3A_2884] {strides = array<i32>} : memref<768xf32, #tpu.memory_space<vmem>>, vector<16xf32>,
    tpu.vector_store %arg12[%swap3A_2884], %mul3A_2883 {strides = array<i32>} : memref<768xf32, #tpu.memory_space<vmem>>, vector<16xf32>,
    %get3A_2886 = arith.constant 528 : index
    %get3A_2887 = tpu.vector_load %arg17[%get3A_2886] {strides = array<i32>} : memref<656xf32, #tpu.memory_space<vmem>>, vector<16xf32>,
    %get3A_2888 = arith.constant 528 : index
    %get3A_2889 = tpu.vector_load %arg18[%get3A_2888] {strides = array<i32>} : memref<656xf32, #tpu.memory_space<vmem>>, vector<16xf32>,
    %mul3A_2890 = arith.mulf %get3A_2887, %get3A_2889 : vector<16xf32>
    %swap3A_2891 = arith.constant 528 : index
    %swap3A_2892 = tpu.vector_load %arg12[%swap3A_2891] {strides = array<i32>} : memref<768xf32, #tpu.memory_space<vmem>>, vector<16xf32>,
    tpu.vector_store %arg12[%swap3A_2891], %mul3A_2890 {strides = array<i32>} : memref<768xf32, #tpu.memory_space<vmem>>, vector<16xf32>,
    %get3A_2893 = arith.constant 544 : index
    %get3A_2894 = tpu.vector_load %arg17[%get3A_2893] {strides = array<i32>} : memref<656xf32, #tpu.memory_space<vmem>>, vector<16xf32>,
    %get3A_2895 = arith.constant 544 : index
    %get3A_2896 = tpu.vector_load %arg18[%get3A_2895] {strides = array<i32>} : memref<656xf32, #tpu.memory_space<vmem>>, vector<16xf32>,
    %mul3A_2897 = arith.mulf %get3A_2894, %get3A_2896 : vector<16xf32>
    %swap3A_2898 = arith.constant 544 : index
    %swap3A_2899 = tpu.vector_load %arg12[%swap3A_2898] {strides = array<i32>} : memref<768xf32, #tpu.memory_space<vmem>>, vector<16xf32>,
    tpu.vector_store %arg12[%swap3A_2898], %mul3A_2897 {strides = array<i32>} : memref<768xf32, #tpu.memory_space<vmem>>, vector<16xf32>,
    %get3A_2900 = arith.constant 560 : index
    %get3A_2901 = tpu.vector_load %arg17[%get3A_2900] {strides = array<i32>} : memref<656xf32, #tpu.memory_space<vmem>>, vector<16xf32>,
    %get3A_2902 = arith.constant 560 : index
    %get3A_2903 = tpu.vector_load %arg18[%get3A_2902] {strides = array<i32>} : memref<656xf32, #tpu.memory_space<vmem>>, vector<16xf32>,
    %mul3A_2904 = arith.mulf %get3A_2901, %get3A_2903 : vector<16xf32>
    %swap3A_2905 = arith.constant 560 : index
    %swap3A_2906 = tpu.vector_load %arg12[%swap3A_2905] {strides = array<i32>} : memref<768xf32, #tpu.memory_space<vmem>>, vector<16xf32>,
    tpu.vector_store %arg12[%swap3A_2905], %mul3A_2904 {strides = array<i32>} : memref<768xf32, #tpu.memory_space<vmem>>, vector<16xf32>,
    %get3A_2907 = arith.constant 576 : index
    %get3A_2908 = tpu.vector_load %arg17[%get3A_2907] {strides = array<i32>} : memref<656xf32, #tpu.memory_space<vmem>>, vector<16xf32>,
    %get3A_2909 = arith.constant 576 : index
    %get3A_2910 = tpu.vector_load %arg18[%get3A_2909] {strides = array<i32>} : memref<656xf32, #tpu.memory_space<vmem>>, vector<16xf32>,
    %mul3A_2911 = arith.mulf %get3A_2908, %get3A_2910 : vector<16xf32>
    %swap3A_2912 = arith.constant 576 : index
    %swap3A_2913 = tpu.vector_load %arg12[%swap3A_2912] {strides = array<i32>} : memref<768xf32, #tpu.memory_space<vmem>>, vector<16xf32>,
    tpu.vector_store %arg12[%swap3A_2912], %mul3A_2911 {strides = array<i32>} : memref<768xf32, #tpu.memory_space<vmem>>, vector<16xf32>,
    %get3A_2914 = arith.constant 592 : index
    %get3A_2915 = tpu.vector_load %arg17[%get3A_2914] {strides = array<i32>} : memref<656xf32, #tpu.memory_space<vmem>>, vector<16xf32>,
    %get3A_2916 = arith.constant 592 : index
    %get3A_2917 = tpu.vector_load %arg18[%get3A_2916] {strides = array<i32>} : memref<656xf32, #tpu.memory_space<vmem>>, vector<16xf32>,
    %mul3A_2918 = arith.mulf %get3A_2915, %get3A_2917 : vector<16xf32>
    %swap3A_2919 = arith.constant 592 : index
    %swap3A_2920 = tpu.vector_load %arg12[%swap3A_2919] {strides = array<i32>} : memref<768xf32, #tpu.memory_space<vmem>>, vector<16xf32>,
    tpu.vector_store %arg12[%swap3A_2919], %mul3A_2918 {strides = array<i32>} : memref<768xf32, #tpu.memory_space<vmem>>, vector<16xf32>,
    %get3A_2921 = arith.constant 608 : index
    %get3A_2922 = tpu.vector_load %arg17[%get3A_2921] {strides = array<i32>} : memref<656xf32, #tpu.memory_space<vmem>>, vector<16xf32>,
    %get3A_2923 = arith.constant 608 : index
    %get3A_2924 = tpu.vector_load %arg18[%get3A_2923] {strides = array<i32>} : memref<656xf32, #tpu.memory_space<vmem>>, vector<16xf32>,
    %mul3A_2925 = arith.mulf %get3A_2922, %get3A_2924 : vector<16xf32>
    %swap3A_2926 = arith.constant 608 : index
    %swap3A_2927 = tpu.vector_load %arg12[%swap3A_2926] {strides = array<i32>} : memref<768xf32, #tpu.memory_space<vmem>>, vector<16xf32>,
    tpu.vector_store %arg12[%swap3A_2926], %mul3A_2925 {strides = array<i32>} : memref<768xf32, #tpu.memory_space<vmem>>, vector<16xf32>,
    %get3A_2928 = arith.constant 624 : index
    %get3A_2929 = tpu.vector_load %arg17[%get3A_2928] {strides = array<i32>} : memref<656xf32, #tpu.memory_space<vmem>>, vector<16xf32>,
    %get3A_2930 = arith.constant 624 : index
    %get3A_2931 = tpu.vector_load %arg18[%get3A_2930] {strides = array<i32>} : memref<656xf32, #tpu.memory_space<vmem>>, vector<16xf32>,
    %mul3A_2932 = arith.mulf %get3A_2929, %get3A_2931 : vector<16xf32>
    %swap3A_2933 = arith.constant 624 : index
    %swap3A_2934 = tpu.vector_load %arg12[%swap3A_2933] {strides = array<i32>} : memref<768xf32, #tpu.memory_space<vmem>>, vector<16xf32>,
    tpu.vector_store %arg12[%swap3A_2933], %mul3A_2932 {strides = array<i32>} : memref<768xf32, #tpu.memory_space<vmem>>, vector<16xf32>,
    %get3A_2935 = arith.constant 640 : index
    %get3A_2936 = tpu.vector_load %arg17[%get3A_2935] {strides = array<i32>} : memref<656xf32, #tpu.memory_space<vmem>>, vector<16xf32>,
    %get3A_2937 = arith.constant 640 : index
    %get3A_2938 = tpu.vector_load %arg18[%get3A_2937] {strides = array<i32>} : memref<656xf32, #tpu.memory_space<vmem>>, vector<16xf32>,
    %mul3A_2939 = arith.mulf %get3A_2936, %get3A_2938 : vector<16xf32>
    %swap3A_2940 = arith.constant 640 : index
    %swap3A_2941 = tpu.vector_load %arg12[%swap3A_2940] {strides = array<i32>} : memref<768xf32, #tpu.memory_space<vmem>>, vector<16xf32>,
    tpu.vector_store %arg12[%swap3A_2940], %mul3A_2939 {strides = array<i32>} : memref<768xf32, #tpu.memory_space<vmem>>, vector<16xf32>,
    "tpu.region"() ({
      %run_scoped3A = tpu.sem_alloc : memref<!tpu.dma_semaphore, #tpu.memory_space<semaphore_mem>>
      %dma_start3A_2950 = arith.constant 0 : i32
      %dma_start3A_2951 = tpu.memref_slice %arg29[%dma_start3A_2950] : memref<128xf32, #tpu.memory_space<vmem_shared>> -> memref<128xf32, #tpu.memory_space<vmem_shared>>
      tpu.enqueue_indirect_dma source(%arg12 : memref<768xf32, #tpu.memory_space<vmem>>) target(%dma_start3A_2951 : memref<128xf32, #tpu.memory_space<vmem_shared>>) offsets(%arg11 : memref<768xi32, #tpu.memory_space<vmem>>) semaphore(%run_scoped3A : memref<!tpu.dma_semaphore, #tpu.memory_space<semaphore_mem>>) {add = true}
      %dma_wait3A_2952 = arith.constant 0 : i32
      %dma_wait3A_2953 = tpu.memref_slice %arg29[%dma_wait3A_2952] : memref<128xf32, #tpu.memory_space<vmem_shared>> -> memref<128xf32, #tpu.memory_space<vmem_shared>>
      tpu.wait_indirect_dma semaphore(%run_scoped3A : memref<!tpu.dma_semaphore, #tpu.memory_space<semaphore_mem>>) src(%arg12 : memref<768xf32, #tpu.memory_space<vmem>>) dst(%dma_wait3A_2953 : memref<128xf32, #tpu.memory_space<vmem_shared>>)
      tpu.yield
    }) : () -> ()
    %barrier3A_2942 = arith.constant 0 : index
    tpu.barrier barrier_id(%barrier3A_2942)
    %eq3A_2943 = arith.constant 0 : i32
    %eq3A_2944 = arith.cmpi eq, %arg1, %eq3A_2943 : i32
    %eq3A_2945 = arith.constant 0 : i32
    %eq3A_2946 = arith.cmpi eq, %arg0, %eq3A_2945 : i32
    %and3A = arith.andi %eq3A_2944, %eq3A_2946 : i1
    %convert_element_type3A_2947 = arith.extui %and3A : i1 to i32
    %cond3A_2948 = arith.constant 0 : i32
    %cond3A_2949 = arith.cmpi ne, %convert_element_type3A_2947, %cond3A_2948 : i32
    scf.if %cond3A_2949 {
      "tpu.region"() ({
        %run_scoped3A = tpu.sem_alloc : memref<!tpu.dma_semaphore, #tpu.memory_space<semaphore_mem>>
        tpu.enqueue_dma source(%arg29 : memref<128xf32, #tpu.memory_space<vmem_shared>>) target(%arg21 : memref<128xf32, #tpu.memory_space<vmem>>) target_semaphore(%run_scoped3A : memref<!tpu.dma_semaphore, #tpu.memory_space<semaphore_mem>>)
        tpu.wait_dma2 semaphore(%run_scoped3A : memref<!tpu.dma_semaphore, #tpu.memory_space<semaphore_mem>>) src(%arg29 : memref<128xf32, #tpu.memory_space<vmem_shared>>) dst(%arg21 : memref<128xf32, #tpu.memory_space<vmem>>)
        tpu.yield
      }) : () -> ()
      "tpu.region"() ({
        %run_scoped3A = tpu.sem_alloc : memref<!tpu.dma_semaphore, #tpu.memory_space<semaphore_mem>>
        tpu.enqueue_dma source(%arg30 : memref<128xf32, #tpu.memory_space<vmem_shared>>) target(%arg22 : memref<128xf32, #tpu.memory_space<vmem>>) target_semaphore(%run_scoped3A : memref<!tpu.dma_semaphore, #tpu.memory_space<semaphore_mem>>)
        tpu.wait_dma2 semaphore(%run_scoped3A : memref<!tpu.dma_semaphore, #tpu.memory_space<semaphore_mem>>) src(%arg30 : memref<128xf32, #tpu.memory_space<vmem_shared>>) dst(%arg22 : memref<128xf32, #tpu.memory_space<vmem>>)
        tpu.yield
      }) : () -> ()
      %get3A_2950 = arith.constant 0 : index
      %get3A_2951 = tpu.vector_load %arg21[%get3A_2950] {strides = array<i32>} : memref<128xf32, #tpu.memory_space<vmem>>, vector<16xf32>,
      %get3A_2952 = arith.constant 0 : index
      %get3A_2953 = tpu.vector_load %arg22[%get3A_2952] {strides = array<i32>} : memref<128xf32, #tpu.memory_space<vmem>>, vector<16xf32>,
      %max3A = arith.constant 1.000000e+00 : f32
      %max3A_2954 = vector.broadcast %max3A : f32 to vector<16xf32>
      %max3A_2955 = arith.maximumf %get3A_2953, %max3A_2954 : vector<16xf32>
      %div3A = arith.divf %get3A_2951, %max3A_2955 : vector<16xf32>
      %swap3A_2956 = arith.constant 0 : index
      %swap3A_2957 = tpu.vector_load %arg23[%swap3A_2956] {strides = array<i32>} : memref<64xf32, #tpu.memory_space<vmem>>, vector<16xf32>,
      tpu.vector_store %arg23[%swap3A_2956], %div3A {strides = array<i32>} : memref<64xf32, #tpu.memory_space<vmem>>, vector<16xf32>,
      %swap3A_2958 = arith.constant 0 : index
      %swap3A_2959 = tpu.vector_load %arg24[%swap3A_2958] {strides = array<i32>} : memref<64xf32, #tpu.memory_space<vmem>>, vector<16xf32>,
      tpu.vector_store %arg24[%swap3A_2958], %get3A_2953 {strides = array<i32>} : memref<64xf32, #tpu.memory_space<vmem>>, vector<16xf32>,
      %get3A_2960 = arith.constant 16 : index
      %get3A_2961 = tpu.vector_load %arg21[%get3A_2960] {strides = array<i32>} : memref<128xf32, #tpu.memory_space<vmem>>, vector<16xf32>,
      %get3A_2962 = arith.constant 16 : index
      %get3A_2963 = tpu.vector_load %arg22[%get3A_2962] {strides = array<i32>} : memref<128xf32, #tpu.memory_space<vmem>>, vector<16xf32>,
      %max3A_2964 = arith.constant 1.000000e+00 : f32
      %max3A_2965 = vector.broadcast %max3A_2964 : f32 to vector<16xf32>
      %max3A_2966 = arith.maximumf %get3A_2963, %max3A_2965 : vector<16xf32>
      %div3A_2967 = arith.divf %get3A_2961, %max3A_2966 : vector<16xf32>
      %swap3A_2968 = arith.constant 16 : index
      %swap3A_2969 = tpu.vector_load %arg23[%swap3A_2968] {strides = array<i32>} : memref<64xf32, #tpu.memory_space<vmem>>, vector<16xf32>,
      tpu.vector_store %arg23[%swap3A_2968], %div3A_2967 {strides = array<i32>} : memref<64xf32, #tpu.memory_space<vmem>>, vector<16xf32>,
      %swap3A_2970 = arith.constant 16 : index
      %swap3A_2971 = tpu.vector_load %arg24[%swap3A_2970] {strides = array<i32>} : memref<64xf32, #tpu.memory_space<vmem>>, vector<16xf32>,
      tpu.vector_store %arg24[%swap3A_2970], %get3A_2963 {strides = array<i32>} : memref<64xf32, #tpu.memory_space<vmem>>, vector<16xf32>,
      %get3A_2972 = arith.constant 32 : index
      %get3A_2973 = tpu.vector_load %arg21[%get3A_2972] {strides = array<i32>} : memref<128xf32, #tpu.memory_space<vmem>>, vector<16xf32>,
      %get3A_2974 = arith.constant 32 : index
      %get3A_2975 = tpu.vector_load %arg22[%get3A_2974] {strides = array<i32>} : memref<128xf32, #tpu.memory_space<vmem>>, vector<16xf32>,
      %max3A_2976 = arith.constant 1.000000e+00 : f32
      %max3A_2977 = vector.broadcast %max3A_2976 : f32 to vector<16xf32>
      %max3A_2978 = arith.maximumf %get3A_2975, %max3A_2977 : vector<16xf32>
      %div3A_2979 = arith.divf %get3A_2973, %max3A_2978 : vector<16xf32>
      %swap3A_2980 = arith.constant 32 : index
      %swap3A_2981 = tpu.vector_load %arg23[%swap3A_2980] {strides = array<i32>} : memref<64xf32, #tpu.memory_space<vmem>>, vector<16xf32>,
      tpu.vector_store %arg23[%swap3A_2980], %div3A_2979 {strides = array<i32>} : memref<64xf32, #tpu.memory_space<vmem>>, vector<16xf32>,
      %swap3A_2982 = arith.constant 32 : index
      %swap3A_2983 = tpu.vector_load %arg24[%swap3A_2982] {strides = array<i32>} : memref<64xf32, #tpu.memory_space<vmem>>, vector<16xf32>,
      tpu.vector_store %arg24[%swap3A_2982], %get3A_2975 {strides = array<i32>} : memref<64xf32, #tpu.memory_space<vmem>>, vector<16xf32>,
      %get3A_2984 = arith.constant 48 : index
      %get3A_2985 = tpu.vector_load %arg21[%get3A_2984] {strides = array<i32>} : memref<128xf32, #tpu.memory_space<vmem>>, vector<16xf32>,
      %get3A_2986 = arith.constant 48 : index
      %get3A_2987 = tpu.vector_load %arg22[%get3A_2986] {strides = array<i32>} : memref<128xf32, #tpu.memory_space<vmem>>, vector<16xf32>,
      %max3A_2988 = arith.constant 1.000000e+00 : f32
      %max3A_2989 = vector.broadcast %max3A_2988 : f32 to vector<16xf32>
      %max3A_2990 = arith.maximumf %get3A_2987, %max3A_2989 : vector<16xf32>
      %div3A_2991 = arith.divf %get3A_2985, %max3A_2990 : vector<16xf32>
      %swap3A_2992 = arith.constant 48 : index
      %swap3A_2993 = tpu.vector_load %arg23[%swap3A_2992] {strides = array<i32>} : memref<64xf32, #tpu.memory_space<vmem>>, vector<16xf32>,
      tpu.vector_store %arg23[%swap3A_2992], %div3A_2991 {strides = array<i32>} : memref<64xf32, #tpu.memory_space<vmem>>, vector<16xf32>,
      %swap3A_2994 = arith.constant 48 : index
      %swap3A_2995 = tpu.vector_load %arg24[%swap3A_2994] {strides = array<i32>} : memref<64xf32, #tpu.memory_space<vmem>>, vector<16xf32>,
      tpu.vector_store %arg24[%swap3A_2994], %get3A_2987 {strides = array<i32>} : memref<64xf32, #tpu.memory_space<vmem>>, vector<16xf32>,
      "tpu.region"() ({
        %run_scoped3A = tpu.sem_alloc : memref<!tpu.dma_semaphore, #tpu.memory_space<semaphore_mem>>
        tpu.enqueue_dma source(%arg23 : memref<64xf32, #tpu.memory_space<vmem>>) target(%arg6 : memref<64xf32, #tpu.memory_space<hbm>>) target_semaphore(%run_scoped3A : memref<!tpu.dma_semaphore, #tpu.memory_space<semaphore_mem>>)
        tpu.wait_dma2 semaphore(%run_scoped3A : memref<!tpu.dma_semaphore, #tpu.memory_space<semaphore_mem>>) src(%arg23 : memref<64xf32, #tpu.memory_space<vmem>>) dst(%arg6 : memref<64xf32, #tpu.memory_space<hbm>>)
        tpu.yield
      }) : () -> ()
      "tpu.region"() ({
        %run_scoped3A = tpu.sem_alloc : memref<!tpu.dma_semaphore, #tpu.memory_space<semaphore_mem>>
        tpu.enqueue_dma source(%arg24 : memref<64xf32, #tpu.memory_space<vmem>>) target(%arg7 : memref<64xf32, #tpu.memory_space<hbm>>) target_semaphore(%run_scoped3A : memref<!tpu.dma_semaphore, #tpu.memory_space<semaphore_mem>>)
        tpu.wait_dma2 semaphore(%run_scoped3A : memref<!tpu.dma_semaphore, #tpu.memory_space<semaphore_mem>>) src(%arg24 : memref<64xf32, #tpu.memory_space<vmem>>) dst(%arg7 : memref<64xf32, #tpu.memory_space<hbm>>)
        tpu.yield
      }) : () -> ()
    } else {
    }
    return
  }
}

module attributes {stable_mosaic.version = 14 : i64} {
  func.func @_matvec_body(%arg0: memref<10000x128xf32, #tpu.memory_space<vmem>>, %arg1: memref<128x1xf32, #tpu.memory_space<vmem>>, %arg2: memref<10000x1xf32, #tpu.memory_space<vmem>>) attributes {dimension_semantics = [], scalar_prefetch = 0 : i64, scratch_operands = 0 : i64, tpu.core_type = #tpu.core_type<tc>} {
    %get3A = arith.constant 0 : index
    %get3A_0 = arith.constant 0 : index
    %get3A_1 = vector.load %arg0[%get3A, %get3A_0] : memref<10000x128xf32, #tpu.memory_space<vmem>>, vector<10000x128xf32>
    %get3A_2 = arith.constant 0 : index
    %get3A_3 = arith.constant 0 : index
    %get3A_4 = vector.load %arg1[%get3A_2, %get3A_3] : memref<128x1xf32, #tpu.memory_space<vmem>>, vector<128x1xf32>
    %dot_general3A = arith.constant dense<0.000000e+00> : vector<10000x1xf32>
    %dot_general3A_5 = tpu.matmul %get3A_1, %get3A_4, %dot_general3A {dimension_numbers = #tpu.dot_dimension_numbers<[1], [0], [0], [1], [0, 0, 1, 1], [], []>, transpose_lhs_hint = false} : vector<10000x128xf32>, vector<128x1xf32>, vector<10000x1xf32> -> vector<10000x1xf32>
    %swap3A = arith.constant 0 : index
    %swap3A_6 = arith.constant 0 : index
    %swap3A_7 = vector.load %arg2[%swap3A, %swap3A_6] : memref<10000x1xf32, #tpu.memory_space<vmem>>, vector<10000x1xf32>
    tpu.vector_store %arg2[%swap3A, %swap3A_6], %dot_general3A_5 {strides = array<i32>} : memref<10000x1xf32, #tpu.memory_space<vmem>>, vector<10000x1xf32>,
    return
  }
}

</mosaic_0001>

<sc_bundles>
// kernel: kernel.4.cloned.1.call-start
scs
__scs_entry_jumppad:
0x0: {  	(pc) =	sbr.rel $0x88, $3  }
0x1: {  	(tag) =	ssettag $0x0;
	lr =	simm.s32 $0x1  }
0x2: {  	[smem:$0x3F9C] =	sst lr;
	_ =	strace $0xD0000000  }
0x3: {  	_ = 	snop  }
0x4: {  	_ = 	snop  }
0x5: {  	_ = 	snop  }
0x6: {  	_ = 	snop  }
0x7: {  	_ = 	snop  }
__scs_overlays_trampoline_lowered:
0x8: {  	[smem:$0x3FAB] =	sst s0  }
0x9: {  	[smem:$0x3FAC] =	sst s1  }
0xa: {  	[smem:$0x3FAD] =	sst s2  }
0xb: {  	[smem:$0x3FAE] =	sst s3  }
0xc: {  	[smem:$0x3FAF] =	sst s4  }
0xd: {  	[smem:$0x3FB0] =	sst s5  }
0xe: {  	[smem:$0x3FB1] =	sst s6  }
0xf: {  	[smem:$0x3FB2] =	sst s7  }
0x10: {  	[smem:$0x3FB3] =	sst s8  }
0x11: {  	[smem:$0x3FB4] =	sst s9;
	s0 =	simm.s32 @!p0 $0x0  }
0x12: {  	s1 =	sld [smem:$0x3F9A];
	s0 =	simm.s32 @p0 $0x1  }
0x13: {  	[smem:$0x3FB5] =	sst s0;
	s0 =	simm.s32 @!p1 $0x0  }
0x14: {  	s2 =	sld [smem:$0x3F99];
	s0 =	simm.s32 @p1 $0x1  }
0x15: {  	[smem:$0x3FB6] =	sst s0;
	s0 =	simm.s32 @!p2 $0x0  }
0x16: {  	s3 =	sld [smem:$0x3FDB];
	s0 =	simm.s32 @p2 $0x1  }
0x17: {  	s4 =	simm.s32 $0x1BF5;
	[smem:$0x3FB8] =	sst s0  }
0x18: {  	s0 =	sld [smem:$0x3F9B];
	_ =	swait.ge [sflag:s4], $0x0  }
0x19: {  	s7 =	sld [smem:$0x3F9C]  }
0x1a: {  	s8 =	sadd.s32 $0xFFFFE003, lr  }
0x1b: {  	s9 =	sadd.s32 $0xFFFFFEF7, lr;
	s5 =	simm.s32 $0xFFFFFFFF;
	p2 =	slt.u32 s8, $0xFFFFF086  }
0x1c: {  	p1 =	slt.u32 s9, $0xF7A;
	s5 =	simm.s32 @!p2 $0x0  }
0x1d: {  	s5 =	simm.s32 @p1 $0x1;
	p0 =	seq.s32 s7, s2  }
0x1e: {  	s7 =	smul.u32 @!p0 $0xF7A, s2;
	p2 =	seq.s32 @!p0 s5, $0x0  }
0x1f: {  	s9 =	smul.u32 $0xF7A, s1;
	s8 =	simm.s32 @!p0 $0x1BF5;
	p2 =	por !p2, p0  }
0x20: {  	[sflag:s8] =	ssyncset.s32 @!p0 $0xFFFFF086;
	s6 =	sadd.s32 @!p0 s3, s7;
	s7 =	simm.s32 @!p0 $0x108  }
0x21: {  	s3 =	sadd.s32 s3, s9;
	s6 =	sadd.s32 @!p0 $0x88, s6;
	s7 =	simm.s32 @p2 $0x1082  }
0x22: {  	[simem:s7], [sflag:s8] =	dma.local @!p0 [hbm:s6], $0xF7A  }
0x23: {  	s9 =	sor.u32 $0xD0000000, s2;
	s6 =	simm.s32 $0x108;
	_ =	swait.ge @!p0 [sflag:s8], $0x0  }
0x24: {  	s3 =	sadd.s32 $0x88, s3;
	s6 =	simm.s32 @!p1 $0x1082;
	[sflag:s4] =	ssyncset.s32 $0xFFFFF086  }
0x25: {  	[simem:s6], [sflag:s4] =	dma.local [hbm:s3], $0xF7A  }
0x26: {  	[smem:$0x3F9C] =	sst s1;
	(tag) =	ssettag s2;
	_ =	strace s9  }
0x27: {  	s1 =	sld [smem:$0x3FAC]  }
0x28: {  	s2 =	sld [smem:$0x3FAD]  }
0x29: {  	s4 =	sld [smem:$0x3FAF]  }
0x2a: {  	p0 =	seq.s32 s5, $0x0;
	s5 =	sld [smem:$0x3FB0]  }
0x2b: {  	s6 =	sld [smem:$0x3FB1]  }
0x2c: {  	s7 =	sld [smem:$0x3FB2]  }
0x2d: {  	s3 =	simm.s32 $0x108;
	s8 =	sld [smem:$0x3FB3]  }
0x2e: {  	s3 =	simm.s32 @!p0 $0x1082;
	s9 =	sld [smem:$0x3FB4]  }
0x2f: {  	lr =	sadd.s32 s0, s3;
	s0 =	sld [smem:$0x3FAB]  }
0x30: {  	s3 =	sld [smem:$0x3FAE]  }
0x31: {  	[smem:$0x3FB7] =	sst s10  }
0x32: {  	s10 =	sld [smem:$0x3FB5];
	_ =	sdelay $0x3  }
0x33: {  	p0 =	seq.s32 s10, $0x1;
	s10 =	sld [smem:$0x3FB7];
	_ =	sdelay $0x3  }
0x34: {  	[smem:$0x3FB7] =	sst s10  }
0x35: {  	s10 =	sld [smem:$0x3FB6];
	_ =	sdelay $0x3  }
0x36: {  	p1 =	seq.s32 s10, $0x1;
	s10 =	sld [smem:$0x3FB7];
	_ =	sdelay $0x3  }
0x37: {  	[smem:$0x3FB7] =	sst s10  }
0x38: {  	s10 =	sld [smem:$0x3FB8]  }
0x39: {  	_ = 	snop;
	(pc) =	sbr.ind lr, $3  }
0x3a: {  	_ = 	snop  }
0x3b: {  	_ = 	snop  }
0x3c: {  	p2 =	seq.s32 s10, $0x1;
	s10 =	sld [smem:$0x3FB7]  }
0x3d: {  	_ =	shalt  }
0x3e: {  	_ =	shalt  }
0x3f: {  	_ =	shalt  }
0x40: {  	_ =	shalt  }
0x41: {  	_ =	shalt  }
0x42: {  	_ =	shalt  }
0x43: {  	_ =	shalt  }
0x44: {  	_ =	shalt  }
0x45: {  	_ =	shalt  }
0x46: {  	_ =	shalt  }
0x47: {  	_ =	shalt  }
0x48: {  	_ =	shalt  }
0x49: {  	_ =	shalt  }
0x4a: {  	_ =	shalt  }
0x4b: {  	_ =	shalt  }
0x4c: {  	_ =	shalt  }
0x4d: {  	_ =	shalt  }
0x4e: {  	_ =	shalt  }
0x4f: {  	_ =	shalt  }
0x50: {  	_ =	shalt  }
0x51: {  	_ =	shalt  }
0x52: {  	_ =	shalt  }
0x53: {  	_ =	shalt  }
0x54: {  	_ =	shalt  }
0x55: {  	_ =	shalt  }
0x56: {  	_ =	shalt  }
0x57: {  	_ =	shalt  }
0x58: {  	_ =	shalt  }
0x59: {  	_ =	shalt  }
0x5a: {  	_ =	shalt  }
0x5b: {  	_ =	shalt  }
0x5c: {  	_ =	shalt  }
0x5d: {  	_ =	shalt  }
0x5e: {  	_ =	shalt  }
0x5f: {  	_ =	shalt  }
0x60: {  	_ =	shalt  }
0x61: {  	_ =	shalt  }
0x62: {  	_ =	shalt  }
0x63: {  	_ =	shalt  }
0x64: {  	_ =	shalt  }
0x65: {  	_ =	shalt  }
0x66: {  	_ =	shalt  }
0x67: {  	_ =	shalt  }
0x68: {  	_ =	shalt  }
0x69: {  	_ =	shalt  }
0x6a: {  	_ =	shalt  }
0x6b: {  	_ =	shalt  }
0x6c: {  	_ =	shalt  }
0x6d: {  	_ =	shalt  }
0x6e: {  	_ =	shalt  }
0x6f: {  	_ =	shalt  }
0x70: {  	_ =	shalt  }
0x71: {  	_ =	shalt  }
0x72: {  	_ =	shalt  }
0x73: {  	_ =	shalt  }
0x74: {  	_ =	shalt  }
0x75: {  	_ =	shalt  }
0x76: {  	_ =	shalt  }
0x77: {  	_ =	shalt  }
0x78: {  	_ =	shalt  }
0x79: {  	_ =	shalt  }
0x7a: {  	_ =	shalt  }
0x7b: {  	_ =	shalt  }
0x7c: {  	_ =	shalt  }
0x7d: {  	_ =	shalt  }
0x7e: {  	_ =	shalt  }
0x7f: {  	_ =	shalt  }
0x80: {  	_ =	shalt  }
0x81: {  	_ =	shalt  }
0x82: {  	_ =	shalt  }
0x83: {  	_ =	shalt  }
0x84: {  	_ =	shalt  }
0x85: {  	_ =	shalt  }
0x86: {  	_ =	shalt  }
0x87: {  	_ =	shalt  }
.Lfunc_end0:
.L_simem_size_0:
called_computation_lowered:
.L_overlay_start_0:
0x88: {  	s0 =	sld [smem:$0x3FD9]  }
0x89: {  	s1 =	sld [smem:$0x3FFE];
	_ =	sdelay $0x3  }
0x8a: {  	s0 =	sadd.s32 s1, s0  }
0x8b: {  	[smem:$0x3FC3] =	sst s0  }
0x8c: {  	_ = 	snop  }
0x8d: {  	(tm) =	ssettm $0x1  }
0x8e: {  	s15 =	sld [smem:$0x3FFB];
	_ =	sdelay $0x3  }
0x8f: {  	_ =	strace s15  }
0x90: {  	s0 =	sld [smem:$0x3FFC];
	_ =	sdelay $0x3  }
0x91: {  	_ =	strace s0  }
0x92: {  	s0 =	sld [smem:$0x3FFD];
	_ =	sdelay $0x3  }
0x93: {  	_ =	strace s0  }
0x94: {  	_ =	strace $0x8FFFFFFF  }
0x95: {  	s16 =	sld [smem:$0x3FDB];
	_ =	sdelay $0x1  }
0x96: {  	s17 =	simm.s32 $_scs_section_size  }
0x97: {  	s2 =	simm.s32 $_size__tile_overlayer_lowered;
	s3 =	simm.s32 $_tile_overlayer_lowered  }
0x98: {  	s20 =	simm.s32 $0x1BFF;
	s19 =	sshll.u32 s3, $0x1;
	s0 =	sadd.s32 s17, s16  }
0x99: {  	s4 =	simm.s32 $0x0;
	s18 =	sshll.u32 s2, $0x1;
	s2 =	sadd.s32 s19, s0  }
0x9a: {  	[timem:s4], [sflag:s20] =	dma.local [hbm:s2], s18  }
0x9b: {  	_ =	swait.ge [sflag:s20], s18  }
0x9c: {  	s1 =	ssub.s32 $0x0, s18;
	[sflag:s20] =	ssyncset.done $0x0  }
0x9d: {  	[sflag:s20] =	ssyncadd.s32 s1;
	_ =	sdelay $0x1  }
0x9e: {  	s21 =	simm.s32 $0x1B8B  }
0x9f: {  	_ =	swait.ge [sflag:s21], $0x1  }
0xa0: {  	[sflag:s21] =	ssyncset.done $0x0  }
0xa1: {  	s23 =	simm.s32 $0x1B8E;
	s22 =	sld [smem:$0x3FFE];
	[sflag:s21] =	ssyncadd.s32 $0xFFFFFFFF  }
0xa2: {  	s24 =	simm.s32 $execute0_lowered;
	[smem:$0x3FD2] =	sst s23  }
0xa3: {  	s2 =	sshll.u32 s24, $0x1;
	_ =	strace $0x80000046;
	[dreg:$0x1] =	wrdreg $0xFFFFFFFF  }
0xa4: {  	s25 =	simm.s32 $_size_execute0_lowered;
	s0 =	sadd.s32 s0, s2;
	[dreg:$0x0] =	wrdreg $0x0  }
0xa5: {  	s2 =	sshll.u32 s25, $0x1;
	[dreg:$0x2] =	wrdreg s0  }
0xa6: {  	[dreg:$0x3] =	wrdreg s2  }
0xa7: {  	[dreg:$0x4] =	wrdreg $0xC0  }
0xa8: {  	_ =	task [dreg:s4], $0x5FFFF  }
0xa9: {  	[dreg:$0x1] =	wrdreg $0xFFFFFFFF  }
0xaa: {  	[dreg:$0x0] =	wrdreg $0x60  }
0xab: {  	[dreg:$0x2] =	wrdreg s22  }
0xac: {  	[dreg:$0x3] =	wrdreg $0x132800  }
0xad: {  	[dreg:$0x4] =	wrdreg $0x13CC00  }
0xae: {  	[dreg:$0x5] =	wrdreg $0x13CC80  }
0xaf: {  	[dreg:$0x6] =	wrdreg $0x135100  }
0xb0: {  	[dreg:$0x7] =	wrdreg $0x137A00  }
0xb1: {  	[dreg:$0x8] =	wrdreg $0x13A300  }
0xb2: {  	[dreg:$0x9] =	wrdreg $0x9  }
0xb3: {  	_ =	task.clear_ibuf [dreg:s4], $0xAFFFF;
	_ =	strace $0x90000046  }
0xb4: {  	s26 =	simm.s32 $0x9;
	_ =	strace $0x80000048  }
0xb5: {  	_ =	swait.ge [sflag:s26], $0x1  }
0xb6: {  	[sflag:s26] =	ssyncadd.s32 $0xFFFFFFFF  }
0xb7: {  	_ =	strace $0x90000048  }
0xb8: {  	_ =	sfence  }
0xb9: {  	s28 =	sld [smem:$0x0];
	_ =	sdelay $0x1  }
0xba: {  	s29 =	srdreg.scid  }
0xbb: {  	s30 =	sshll.u32 s29, $0xD;
	s31 =	sshrl.u32 s29, $0x2  }
0xbc: {  	s1 =	sand.u32 $0x1, s29;
	s2 =	sand.u32 $0x4000, s30;
	s0 =	sadd.s32 s31, s28  }
0xbd: {  	s1 =	sor.u32 s2, s1;
	s0 =	sshll.u32 s0, $0x11  }
0xbe: {  	s0 =	sor.u32 s0, s1  }
0xbf: {  	s0 =	sadd.s32 $0x8F2B, s0  }
0xc0: {  	[sflag:s0] =	ssyncadd.remote.s32 $0x1  }
0xc1: {  	_ =	sfence.sel $0xFFFF  }
0xc2: {  	[dreg:$0x0] =	wrdreg $0xFFFFFFFF;
	(pc) =	sbr.abs _section_cstart, $3  }
0xc3: {  	[dreg:$0x1] =	wrdreg $0xFFFFFFFF  }
0xc4: {  	_ =	task.clear_ibuf [dreg:s4], $0x2FFFF;
	_ =	strace $0x9FFFFFFF  }
0xc5: {  	(tm) =	ssettm $0x7FFFFFFF  }
tec
execute0_lowered:
.L_overlay_start_1:
0x0: {  	(tag) =	ssettag $0x1  }
0x1: {  	s3 =	rddreg [dreg:$0x0]  }
0x2: {  	s11 =	rddreg [dreg:$0x1]  }
0x3: {  	s2 =	rddreg [dreg:$0x2]  }
0x4: {  	s1 =	rddreg [dreg:$0x3]  }
0x5: {  	s6 =	rddreg [dreg:$0x4]  }
0x6: {  	s9 =	rddreg [dreg:$0x5]  }
0x7: {  	s5 =	rddreg [dreg:$0x6]  }
0x8: {  	s4 =	stileid.u32;
	s0 =	rddreg [dreg:$0x7]  }
0x9: {  	s12 =	simm.s32 $0x0;
	s7 =	sshrl.u32 s4, $0x3;
	s10 =	smul.u32 $0x9C4, s4  }
0xa: {  	s23 =	simm.s32 $0x5000;
	s8 =	sshll.u32 s4, $0x7;
	s7 =	smul.u32 $0x1800, s7  }
0xb: {  	s24 =	simm.s32 $0x80;
	[smem:$0x7FF] =	sst s12;
	s8 =	sand.u32 $0x380, s8  }
0xc: {  	s22 =	smul.u32 $0x290, s4;
	s10 =	sadd.s32 s3, s10;
	s8 =	sor.u32 s8, s7  }
0xd: {  	_ =	strace $0x80000047;
	s14 =	sadd.s32 $0x9E00, s10;
	s8 =	sshrl.u32 s8, $0x3  }
0xe: {  	[tilespmem:s12], [sflag:$0x1] =	stream.linear.gather [hbm4b:s14+s12], $0x4E20, $0x38;
	[tilespmem:$0x13CD0] =	vst v63  }
0xf: {  	s25 =	simm.s32 $0x400;
	s13 =	sshrl.u32 s22, $0x3;
	s8 =	sadd.s32 s8, s3  }
0x10: {  	[tilespmem:s23], [sflag:$0x1] =	stream.linear.gather [hbm4b:s10+s12], $0x4E20, $0x38;
	[tilespmem:$0x13CD0] =	vst v63  }
0x11: {  	s15 =	simm.s32 $0xA300;
	s13 =	sadd.s32 s13, s3;
	s8 =	sadd.s32 $0x13C00, s8  }
0x12: {  	[tilespmem:s15], [sflag:$0x1] =	stream.strided.gather [hbm4b:s8+s24], $0x300, s25, s24, $0x38;
	[tilespmem:$0x13CD0] =	vst v63  }
0x13: {  	s28 =	simm.s32 $0x12400;
	s26 =	sadd.s32 $0x14200, s13  }
0x14: {  	v0 =	vimm.f32 $0.0e+00;
	[tilespmem:s28], [sflag:$0x1] =	stream.linear.gather [hbm4b:s26+s12], $0x290, $0x38;
	[tilespmem:$0x13CD0] =	vst v63  }
0x15: {  	[tilespmem:$0x13000] =	vst v0  }
0x16: {  	[tilespmem:$0x13010] =	vst v0  }
0x17: {  	[tilespmem:$0x13020] =	vst v0  }
0x18: {  	[tilespmem:$0x13030] =	vst v0  }
0x19: {  	[tilespmem:$0x13040] =	vst v0  }
0x1a: {  	[tilespmem:$0x13050] =	vst v0  }
0x1b: {  	[tilespmem:$0x13060] =	vst v0  }
0x1c: {  	v1 =	vimm.f32 $1.000000000e+00;
	[tilespmem:$0x13070] =	vst v0  }
0x1d: {  	[tilespmem:$0x12A00] =	vst v1  }
0x1e: {  	[tilespmem:$0x12A10] =	vst v1  }
0x1f: {  	[tilespmem:$0x12A20] =	vst v1  }
0x20: {  	[tilespmem:$0x12A30] =	vst v1  }
0x21: {  	[tilespmem:$0x12A40] =	vst v1  }
0x22: {  	[tilespmem:$0x12A50] =	vst v1  }
0x23: {  	[tilespmem:$0x12A60] =	vst v1  }
0x24: {  	[tilespmem:$0x12A70] =	vst v1  }
0x25: {  	[tilespmem:$0x12A80] =	vst v1  }
0x26: {  	[tilespmem:$0x12A90] =	vst v1  }
0x27: {  	[tilespmem:$0x12AA0] =	vst v1  }
0x28: {  	[tilespmem:$0x12AB0] =	vst v1  }
0x29: {  	[tilespmem:$0x12AC0] =	vst v1  }
0x2a: {  	[tilespmem:$0x12AD0] =	vst v1  }
0x2b: {  	[tilespmem:$0x12AE0] =	vst v1  }
0x2c: {  	[tilespmem:$0x12AF0] =	vst v1  }
0x2d: {  	[tilespmem:$0x12B00] =	vst v1  }
0x2e: {  	[tilespmem:$0x12B10] =	vst v1  }
0x2f: {  	[tilespmem:$0x12B20] =	vst v1  }
0x30: {  	[tilespmem:$0x12B30] =	vst v1  }
0x31: {  	[tilespmem:$0x12B40] =	vst v1  }
0x32: {  	[tilespmem:$0x12B50] =	vst v1  }
0x33: {  	[tilespmem:$0x12B60] =	vst v1  }
0x34: {  	[tilespmem:$0x12B70] =	vst v1  }
0x35: {  	[tilespmem:$0x12B80] =	vst v1  }
0x36: {  	[tilespmem:$0x12B90] =	vst v1  }
0x37: {  	[tilespmem:$0x12BA0] =	vst v1  }
0x38: {  	[tilespmem:$0x12BB0] =	vst v1  }
0x39: {  	[tilespmem:$0x12BC0] =	vst v1  }
0x3a: {  	[tilespmem:$0x12BD0] =	vst v1  }
0x3b: {  	[tilespmem:$0x12BE0] =	vst v1  }
0x3c: {  	[tilespmem:$0x12BF0] =	vst v1  }
0x3d: {  	[tilespmem:$0x12C00] =	vst v1  }
0x3e: {  	[tilespmem:$0x12C10] =	vst v1  }
0x3f: {  	[tilespmem:$0x12C20] =	vst v1  }
0x40: {  	[tilespmem:$0x12C30] =	vst v1  }
0x41: {  	[tilespmem:$0x12C40] =	vst v1  }
0x42: {  	[tilespmem:$0x12C50] =	vst v1  }
0x43: {  	[tilespmem:$0x12C60] =	vst v1  }
0x44: {  	[tilespmem:$0x12C70] =	vst v1  }
0x45: {  	s29 =	simm.s32 $0x12A00;
	s30 =	simm.s32 $0x2;
	s13 =	sadd.s32 s22, s11;
	[tilespmem:$0x12C80] =	vst v1  }
0x46: {  	[spmem:s13] =	stream.linear.scatter [tilespmem:s29], [sflag:$0x2], $0x290, $0x38;
	[tilespmem:$0x13CD0] =	vst v63  }
0x47: {  	_ =	swait.ge [sflag:s30], $0x290  }
0x48: {  	[sflag:s30] =	ssyncset.done $0x0  }
0x49: {  	s31 =	simm.s32 $0x1;
	[sflag:s30] =	ssyncadd.s32 $0xFFFFFD70  }
0x4a: {  	_ =	swait.ge [sflag:s31], $0x4E20  }
0x4b: {  	[sflag:s31] =	ssyncset.done $0x0  }
0x4c: {  	[sflag:s31] =	ssyncadd.s32 $0xFFFFB1E0  }
0x4d: {  	_ =	swait.ge [sflag:s31], $0x4E20  }
0x4e: {  	[sflag:s31] =	ssyncset.done $0x0  }
0x4f: {  	[sflag:s31] =	ssyncadd.s32 $0xFFFFB1E0  }
0x50: {  	_ =	swait.ge [sflag:s31], $0x300  }
0x51: {  	[sflag:s31] =	ssyncset.done $0x0  }
0x52: {  	[sflag:s31] =	ssyncadd.s32 $0xFFFFFD00  }
0x53: {  	_ =	swait.ge [sflag:s31], $0x290  }
0x54: {  	[sflag:s31] =	ssyncset.done $0x0  }
0x55: {  	v1 =	vimm.s32 $0x2800;
	[sflag:s31] =	ssyncadd.s32 $0xFFFFFD70  }
0x56: {  	[tilespmem:$0x4E20] =	vst v1  }
0x57: {  	[tilespmem:$0x9E20] =	vst v1  }
0x58: {  	[tilespmem:$0x4E30] =	vst v1  }
0x59: {  	[tilespmem:$0x9E30] =	vst v1  }
0x5a: {  	[tilespmem:$0x4E40] =	vst v1  }
0x5b: {  	[tilespmem:$0x9E40] =	vst v1  }
0x5c: {  	[tilespmem:$0x4E50] =	vst v1  }
0x5d: {  	[tilespmem:$0x9E50] =	vst v1  }
0x5e: {  	[tilespmem:$0x4E60] =	vst v1  }
0x5f: {  	[tilespmem:$0x9E60] =	vst v1  }
0x60: {  	[tilespmem:$0x4E70] =	vst v1  }
0x61: {  	[tilespmem:$0x9E70] =	vst v1  }
0x62: {  	[tilespmem:$0x4E80] =	vst v1  }
0x63: {  	[tilespmem:$0x9E80] =	vst v1  }
0x64: {  	[tilespmem:$0x4E90] =	vst v1  }
0x65: {  	[tilespmem:$0x9E90] =	vst v1  }
0x66: {  	[tilespmem:$0x4EA0] =	vst v1  }
0x67: {  	[tilespmem:$0x9EA0] =	vst v1  }
0x68: {  	[tilespmem:$0x4EB0] =	vst v1  }
0x69: {  	[tilespmem:$0x9EB0] =	vst v1  }
0x6a: {  	[tilespmem:$0x4EC0] =	vst v1  }
0x6b: {  	[tilespmem:$0x9EC0] =	vst v1  }
0x6c: {  	[tilespmem:$0x4ED0] =	vst v1  }
0x6d: {  	[tilespmem:$0x9ED0] =	vst v1  }
0x6e: {  	[tilespmem:$0x4EE0] =	vst v1  }
0x6f: {  	[tilespmem:$0x9EE0] =	vst v1  }
0x70: {  	[tilespmem:$0x4EF0] =	vst v1  }
0x71: {  	[tilespmem:$0x9EF0] =	vst v1  }
0x72: {  	[tilespmem:$0x4F00] =	vst v1  }
0x73: {  	[tilespmem:$0x9F00] =	vst v1  }
0x74: {  	[tilespmem:$0x4F10] =	vst v1  }
0x75: {  	[tilespmem:$0x9F10] =	vst v1  }
0x76: {  	[tilespmem:$0x4F20] =	vst v1  }
0x77: {  	[tilespmem:$0x9F20] =	vst v1  }
0x78: {  	[tilespmem:$0x4F30] =	vst v1  }
0x79: {  	[tilespmem:$0x9F30] =	vst v1  }
0x7a: {  	[tilespmem:$0x4F40] =	vst v1  }
0x7b: {  	[tilespmem:$0x9F40] =	vst v1  }
0x7c: {  	[tilespmem:$0x4F50] =	vst v1  }
0x7d: {  	[tilespmem:$0x9F50] =	vst v1  }
0x7e: {  	[tilespmem:$0x4F60] =	vst v1  }
0x7f: {  	[tilespmem:$0x9F60] =	vst v1  }
0x80: {  	[tilespmem:$0x4F70] =	vst v1  }
0x81: {  	[tilespmem:$0x9F70] =	vst v1  }
0x82: {  	[tilespmem:$0x4F80] =	vst v1  }
0x83: {  	[tilespmem:$0x9F80] =	vst v1  }
0x84: {  	[tilespmem:$0x4F90] =	vst v1  }
0x85: {  	[tilespmem:$0x9F90] =	vst v1  }
0x86: {  	[tilespmem:$0x4FA0] =	vst v1  }
0x87: {  	[tilespmem:$0x9FA0] =	vst v1  }
0x88: {  	[tilespmem:$0x4FB0] =	vst v1  }
0x89: {  	[tilespmem:$0x9FB0] =	vst v1  }
0x8a: {  	[tilespmem:$0x4FC0] =	vst v1  }
0x8b: {  	[tilespmem:$0x9FC0] =	vst v1  }
0x8c: {  	[tilespmem:$0x4FD0] =	vst v1  }
0x8d: {  	[tilespmem:$0x9FD0] =	vst v1  }
0x8e: {  	[tilespmem:$0x4FE0] =	vst v1  }
0x8f: {  	[tilespmem:$0x9FE0] =	vst v1  }
0x90: {  	p0 =	sne.s32 s4, $0x0;
	[tilespmem:$0x4FF0] =	vst v1  }
0x91: {  	s4 =	simm.s32 @!p0 $0x13000;
	s10 =	simm.s32 @!p0 $0x2;
	[tilespmem:$0x9FF0] =	vst v1  }
0x92: {  	[spmem:s2] =	stream.linear.scatter @!p0 [tilespmem:s4], [sflag:$0x2], $0x80, $0x38;
	[tilespmem:$0x13CD0] =	vst v63  }
0x93: {  	_ =	swait.ge @!p0 [sflag:s10], $0x80  }
0x94: {  	[sflag:s10] =	ssyncset.done @!p0 $0x0  }
0x95: {  	[sflag:s10] =	ssyncadd.s32 @!p0 $0xFFFFFF80  }
0x96: {  	[spmem:s1] =	stream.linear.scatter @!p0 [tilespmem:s4], [sflag:$0x2], $0x80, $0x38;
	[tilespmem:$0x13CD0] =	vst v63  }
0x97: {  	s16 =	simm.s32 $0x0;
	s7 =	sadd.s32 s22, s5;
	_ =	swait.ge @!p0 [sflag:s10], $0x80  }
0x98: {  	s14 =	simm.s32 $0xFB00;
	s8 =	sadd.s32 s22, s6;
	[sflag:s10] =	ssyncset.done @!p0 $0x0  }
0x99: {  	s15 =	simm.s32 $0xD200;
	s4 =	sadd.s32 $0x14800, s3;
	[sflag:s10] =	ssyncadd.s32 @!p0 $0xFFFFFF80  }
0x9a: {  	v1 =	vlaneseq.u32;
	s3 =	sadd.s32 $0x14A00, s3;
	s10 =	sadd.s32 s22, s9;
	[bflag:$0x0] =	sbarrier.arrive $0xFFFF  }
.LBB2_1:
0x9b: {  	p1 =	sne.s32 s16, $0x28F0  }
.Ltmp0:
0x9c: {  	_ = 	snop;
	(pc) =	sbr.rel @p1 .LBB2_1-.Ltmp0, $4  }
0x9d: {  	_ = 	snop  }
0x9e: {  	v2 =	vor.u32 s16, v1  }
0x9f: {  	[tilespmem:s14+$0x0] =	vst v2  }
0xa0: {  	s16 =	sadd.s32 $0x10, s16;
	s14 =	sadd.s32 $0x10, s14;
	[tilespmem:s15+$0x0] =	vst v0;
	s15 =	sadd.s32 $0x10, s15  }
0xa1: {  	v0 =	vimm.f32 $1.000000000e+00;
	s14 =	simm.s32 $0xD200  }
.LBB2_3:
0xa2: {  	s15 =	sshra.s32 s12, $0x2  }
0xa3: {  	v1 =	vld [tilespmem:s15+$0x5000];
	_ =	sdelay $0x7  }
0xa4: {  	[tilespmem:v1+s14+$0x0] =	vst.idx.add.f32.msk $0xffff, v0  }
0xa5: {  	v1 =	vld [tilespmem:s15+$0x5010];
	_ =	sdelay $0x7  }
0xa6: {  	[tilespmem:v1+s14+$0x0] =	vst.idx.add.f32.msk $0xffff, v0  }
0xa7: {  	v1 =	vld [tilespmem:s15+$0x5020];
	_ =	sdelay $0x7  }
0xa8: {  	[tilespmem:v1+s14+$0x0] =	vst.idx.add.f32.msk $0xffff, v0  }
0xa9: {  	v1 =	vld [tilespmem:s15+$0x5030];
	_ =	sdelay $0x2  }
0xaa: {  	p1 =	sne.s32 s12, $0x13F00  }
.Ltmp1:
0xab: {  	_ = 	snop;
	(pc) =	sbr.rel @p1 .LBB2_3-.Ltmp1, $2  }
0xac: {  	_ =	sdelay $0x2  }
0xad: {  	s12 =	sadd.s32 $0x100, s12;
	[tilespmem:v1+s14+$0x0] =	vst.idx.add.f32.msk $0xffff, v0  }
0xae: {  	s12 =	simm.s32 $0x2900  }
0xaf: {  	s14 =	simm.s32 $0xFB00;
	s15 =	simm.s32 $0xD200;
	s24 =	simm.s32 $0x2  }
0xb0: {  	[spmem:s11] =	stream.indirect.scatter.add.f32 [tilespmem:s15], [sflag:$0x2], $0x1, s14, s12, $0xb8;
	[tilespmem:$0x13CD0] =	vst v63  }
0xb1: {  	_ =	swait.ge [sflag:s24], $0x2900  }
0xb2: {  	[sflag:s24] =	ssyncset.done $0x0  }
0xb3: {  	v0 =	vimm.f32 $1.000000000e+00;
	[sflag:s24] =	ssyncadd.s32 $0xFFFFD700  }
0xb4: {  	[tilespmem:$0xA000] =	vst v0  }
0xb5: {  	[tilespmem:$0xA010] =	vst v0  }
0xb6: {  	[tilespmem:$0xA020] =	vst v0  }
0xb7: {  	[tilespmem:$0xA030] =	vst v0  }
0xb8: {  	[tilespmem:$0xA040] =	vst v0  }
0xb9: {  	[tilespmem:$0xA050] =	vst v0  }
0xba: {  	[tilespmem:$0xA060] =	vst v0  }
0xbb: {  	[tilespmem:$0xA070] =	vst v0  }
0xbc: {  	[tilespmem:$0xA080] =	vst v0  }
0xbd: {  	[tilespmem:$0xA090] =	vst v0  }
0xbe: {  	[tilespmem:$0xA0A0] =	vst v0  }
0xbf: {  	[tilespmem:$0xA0B0] =	vst v0  }
0xc0: {  	[tilespmem:$0xA0C0] =	vst v0  }
0xc1: {  	[tilespmem:$0xA0D0] =	vst v0  }
0xc2: {  	[tilespmem:$0xA0E0] =	vst v0  }
0xc3: {  	[tilespmem:$0xA0F0] =	vst v0  }
0xc4: {  	[tilespmem:$0xA100] =	vst v0  }
0xc5: {  	[tilespmem:$0xA110] =	vst v0  }
0xc6: {  	[tilespmem:$0xA120] =	vst v0  }
0xc7: {  	[tilespmem:$0xA130] =	vst v0  }
0xc8: {  	[tilespmem:$0xA140] =	vst v0  }
0xc9: {  	[tilespmem:$0xA150] =	vst v0  }
0xca: {  	[tilespmem:$0xA160] =	vst v0  }
0xcb: {  	[tilespmem:$0xA170] =	vst v0  }
0xcc: {  	[tilespmem:$0xA180] =	vst v0  }
0xcd: {  	[tilespmem:$0xA190] =	vst v0  }
0xce: {  	[tilespmem:$0xA1A0] =	vst v0  }
0xcf: {  	[tilespmem:$0xA1B0] =	vst v0  }
0xd0: {  	[tilespmem:$0xA1C0] =	vst v0  }
0xd1: {  	[tilespmem:$0xA1D0] =	vst v0  }
0xd2: {  	[tilespmem:$0xA1E0] =	vst v0  }
0xd3: {  	[tilespmem:$0xA1F0] =	vst v0  }
0xd4: {  	[tilespmem:$0xA200] =	vst v0  }
0xd5: {  	[tilespmem:$0xA210] =	vst v0  }
0xd6: {  	[tilespmem:$0xA220] =	vst v0  }
0xd7: {  	[tilespmem:$0xA230] =	vst v0  }
0xd8: {  	[tilespmem:$0xA240] =	vst v0  }
0xd9: {  	[tilespmem:$0xA250] =	vst v0  }
0xda: {  	[tilespmem:$0xA260] =	vst v0  }
0xdb: {  	[tilespmem:$0xA270] =	vst v0  }
0xdc: {  	[tilespmem:$0xA280] =	vst v0  }
0xdd: {  	[tilespmem:$0xA290] =	vst v0  }
0xde: {  	[tilespmem:$0xA2A0] =	vst v0  }
0xdf: {  	[tilespmem:$0xA2B0] =	vst v0  }
0xe0: {  	[tilespmem:$0xA2C0] =	vst v0  }
0xe1: {  	[tilespmem:$0xA2D0] =	vst v0  }
0xe2: {  	[tilespmem:$0xA2E0] =	vst v0  }
0xe3: {  	s25 =	simm.s32 $0x300;
	s26 =	simm.s32 $0xA300;
	s28 =	simm.s32 $0xA000;
	[tilespmem:$0xA2F0] =	vst v0  }
0xe4: {  	[spmem:s1] =	stream.indirect.scatter.add.f32 [tilespmem:s28], [sflag:$0x2], $0x1, s26, s25, $0xb8;
	[tilespmem:$0x13CD0] =	vst v63  }
0xe5: {  	_ =	swait.ge [sflag:s24], $0x300  }
0xe6: {  	[sflag:s24] =	ssyncset.done $0x0  }
0xe7: {  	[sflag:s24] =	ssyncadd.s32 $0xFFFFFD00  }
0xe8: {  	s29 =	simm.s32 $0x12A00;
	[bflag:$0x0] =	sbarrier.arrive $0xFFFF  }
0xe9: {  	[tilespmem:s29], [sflag:$0x2] =	stream.linear.gather [spmem:s13], $0x290, $0x38;
	[tilespmem:$0x13CD0] =	vst v63  }
0xea: {  	_ =	swait.ge [sflag:s24], $0x290  }
0xeb: {  	[sflag:s24] =	ssyncset.done $0x0  }
0xec: {  	[sflag:s24] =	ssyncadd.s32 $0xFFFFFD70  }
0xed: {  	v0 =	vld [tilespmem:$0x12A00];
	_ =	sdelay $0x4  }
0xee: {  	v1 =	vld [tilespmem:$0x12A10];
	v2 =	vshrl.u32 v0, $0x1;
	v0 =	vmul.f32 $5.000000000e-01, v0  }
0xef: {  	v2 =	vsub.s32 $0x5F3759DF, v2  }
0xf0: {  	v5 =	vld [tilespmem:$0x12A20];
	v3 =	vmul.f32 v2, v0  }
0xf1: {  	v9 =	vld [tilespmem:$0x12A30]  }
0xf2: {  	v3 =	vmul.f32 v2, v3  }
0xf3: {  	v4 =	vshrl.u32 v1, $0x1;
	v1 =	vmul.f32 $5.000000000e-01, v1  }
0xf4: {  	v12 =	vld [tilespmem:$0x12A50];
	v4 =	vsub.s32 $0x5F3759DF, v4;
	v3 =	vsub.f32 $1.500000000e+00, v3  }
0xf5: {  	v35 =	vshrl.u32 v5, $0x1;
	v6 =	vmul.f32 v4, v1  }
0xf6: {  	v16 =	vld [tilespmem:$0x12A60];
	v5 =	vmul.f32 $5.000000000e-01, v5;
	v10 =	vshrl.u32 v9, $0x1;
	v2 =	vmul.f32 v2, v3  }
0xf7: {  	v9 =	vmul.f32 $5.000000000e-01, v9;
	v3 =	vmul.f32 v4, v6;
	v6 =	vsub.s32 $0x5F3759DF, v35  }
0xf8: {  	v8 =	vmul.f32 v6, v5;
	v7 =	vmul.f32 v2, v0  }
0xf9: {  	v45 =	vshrl.u32 v12, $0x1;
	v12 =	vmul.f32 $5.000000000e-01, v12;
	v3 =	vsub.f32 $1.500000000e+00, v3  }
0xfa: {  	v39 =	vld [tilespmem:$0x12A40];
	v36 =	vmul.f32 v6, v8;
	v7 =	vmul.f32 v7, v2  }
0xfb: {  	v51 =	vmul.f32 $5.000000000e-01, v16;
	v3 =	vmul.f32 v4, v3  }
0xfc: {  	v41 =	vsub.s32 $0x5F3759DF, v10;
	v4 =	vsub.f32 $1.500000000e+00, v36;
	v7 =	vsub.f32 $1.500000000e+00, v7  }
0xfd: {  	v10 =	vmul.f32 v41, v9;
	v37 =	vmul.f32 v3, v1  }
0xfe: {  	v4 =	vmul.f32 v6, v4;
	v2 =	vmul.f32 v7, v2  }
0xff: {  	v11 =	vshrl.u32 v39, $0x1;
	v10 =	vmul.f32 v41, v10;
	v38 =	vmul.f32 v37, v3  }
0x100: {  	v50 =	vshrl.u32 v16, $0x1;
	v40 =	vmul.f32 v4, v5;
	v0 =	vmul.f32 v2, v0  }
0x101: {  	v42 =	vsub.f32 $1.500000000e+00, v10;
	v6 =	vmul.f32 $5.000000000e-01, v39;
	v7 =	vsub.f32 $1.500000000e+00, v38  }
0x102: {  	v11 =	vsub.s32 $0x5F3759DF, v11;
	v8 =	vmul.f32 v40, v4;
	v0 =	vmul.f32 v0, v2  }
0x103: {  	v26 =	vld [tilespmem:$0x12AA0];
	v10 =	vsub.s32 $0x5F3759DF, v50;
	v3 =	vmul.f32 v7, v3;
	v7 =	vmul.f32 v41, v42  }
0x104: {  	v49 =	vld [tilespmem:$0x12A70];
	v53 =	vmul.f32 v10, v51;
	v13 =	vmul.f32 v11, v6;
	v0 =	vsub.f32 $1.500000000e+00, v0  }
0x105: {  	v8 =	vsub.f32 $1.500000000e+00, v8;
	v1 =	vmul.f32 v3, v1;
	v14 =	vmul.f32 v7, v9  }
0x106: {  	v0 =	vmul.f32 v0, v2;
	v2 =	vmul.f32 v11, v13  }
0x107: {  	v56 =	vld [tilespmem:$0x12A80];
	v15 =	vsub.s32 $0x5F3759DF, v45;
	v8 =	vmul.f32 v8, v4;
	v1 =	vmul.f32 v1, v3  }
0x108: {  	v43 =	vld [tilespmem:$0x12400];
	v37 =	vmul.f32 $5.000000000e-01, v26;
	v14 =	vmul.f32 v14, v7;
	v2 =	vsub.f32 $1.500000000e+00, v2  }
0x109: {  	v44 =	vld [tilespmem:$0x12410];
	v13 =	vmul.f32 $5.000000000e-01, v49;
	v5 =	vmul.f32 v8, v5;
	v1 =	vsub.f32 $1.500000000e+00, v1  }
0x10a: {  	v46 =	vsub.f32 $1.500000000e+00, v14;
	v11 =	vmul.f32 v11, v2;
	v2 =	vmul.f32 v15, v12  }
0x10b: {  	v55 =	vshrl.u32 v49, $0x1;
	v5 =	vmul.f32 v5, v8;
	v1 =	vmul.f32 v1, v3  }
0x10c: {  	v60 =	vshrl.u32 v56, $0x1;
	v7 =	vmul.f32 v46, v7;
	v18 =	vmul.f32 v15, v2  }
0x10d: {  	v4 =	vmul.f32 v0, v43;
	v5 =	vsub.f32 $1.500000000e+00, v5;
	v17 =	vmul.f32 v11, v6  }
0x10e: {  	v3 =	vmul.f32 v1, v44;
	v9 =	vmul.f32 v7, v9;
	v48 =	vsub.f32 $1.500000000e+00, v18  }
0x10f: {  	v21 =	vsub.s32 $0x5F3759DF, v60;
	v2 =	vmul.f32 v5, v8;
	v47 =	vmul.f32 v17, v11  }
0x110: {  	v52 =	vld [tilespmem:$0x12420];
	v17 =	vsub.s32 $0x5F3759DF, v55;
	v18 =	vmul.f32 $5.000000000e-01, v56;
	v8 =	vmul.f32 v15, v48  }
0x111: {  	v36 =	vshrl.u32 v26, $0x1;
	v26 =	vld [tilespmem:$0x12AC0];
	v57 =	vmul.f32 v17, v13;
	v15 =	vmul.f32 v10, v53  }
0x112: {  	v9 =	vmul.f32 v9, v7;
	v5 =	vsub.f32 $1.500000000e+00, v47;
	v54 =	vmul.f32 v8, v12  }
0x113: {  	v24 =	vmul.f32 v21, v18;
	v58 =	vmul.f32 v17, v57;
	v15 =	vsub.f32 $1.500000000e+00, v15  }
0x114: {  	v11 =	vmul.f32 v5, v11;
	v19 =	vmul.f32 v54, v8  }
0x115: {  	v5 =	vmul.f32 v2, v52;
	v15 =	vmul.f32 v10, v15;
	v10 =	vsub.f32 $1.500000000e+00, v58  }
0x116: {  	v52 =	vmul.f32 $5.000000000e-01, v26;
	v6 =	vmul.f32 v11, v6;
	v19 =	vsub.f32 $1.500000000e+00, v19  }
0x117: {  	v61 =	vld [tilespmem:$0x12430];
	v20 =	vmul.f32 v15, v51;
	v17 =	vmul.f32 v17, v10  }
0x118: {  	v62 =	vsub.f32 $1.500000000e+00, v9;
	v6 =	vmul.f32 v6, v11;
	v59 =	vmul.f32 v19, v8  }
0x119: {  	v20 =	vmul.f32 v20, v15;
	v23 =	vmul.f32 v17, v13  }
0x11a: {  	v22 =	vld [tilespmem:$0x12440];
	v8 =	vmul.f32 v62, v7;
	v6 =	vsub.f32 $1.500000000e+00, v6;
	v63 =	vmul.f32 v59, v12  }
0x11b: {  	v12 =	vmul.f32 v21, v24;
	v28 =	vmul.f32 v23, v17;
	v23 =	vsub.s32 $0x5F3759DF, v36  }
0x11c: {  	v20 =	vsub.f32 $1.500000000e+00, v20;
	v24 =	vld [tilespmem:$0x12A90];
	v10 =	vmul.f32 v8, v61;
	v40 =	vmul.f32 v23, v37  }
0x11d: {  	v53 =	vld [tilespmem:$0x12AD0];
	v7 =	vmul.f32 v6, v11;
	v9 =	vmul.f32 v63, v59;
	v25 =	vsub.f32 $1.500000000e+00, v12  }
0x11e: {  	v15 =	vmul.f32 v20, v15;
	v31 =	vsub.f32 $1.500000000e+00, v28;
	v14 =	vmul.f32 v23, v40  }
0x11f: {  	v27 =	vsub.f32 $1.500000000e+00, v9;
	v9 =	vmul.f32 v7, v22;
	v29 =	vmul.f32 v21, v25  }
0x120: {  	v30 =	vmul.f32 v15, v51;
	v17 =	vmul.f32 v31, v17  }
0x121: {  	v42 =	vld [tilespmem:$0x12AB0];
	v51 =	vshrl.u32 v26, $0x1;
	v33 =	vshrl.u32 v24, $0x1;
	v34 =	vmul.f32 $5.000000000e-01, v24  }
0x122: {  	v26 =	vmul.f32 $5.000000000e-01, v53;
	v32 =	vmul.f32 v29, v18;
	v19 =	vsub.s32 $0x5F3759DF, v33  }
0x123: {  	v6 =	vmul.f32 v27, v59;
	v39 =	vmul.f32 v19, v34  }
0x124: {  	v14 =	vsub.f32 $1.500000000e+00, v14;
	v12 =	vmul.f32 v30, v15;
	v38 =	vmul.f32 v32, v29  }
0x125: {  	v13 =	vmul.f32 v17, v13;
	v16 =	vmul.f32 v19, v39  }
0x126: {  	v35 =	vld [tilespmem:$0x12450];
	v27 =	vmul.f32 $5.000000000e-01, v42;
	v23 =	vmul.f32 v23, v14;
	v25 =	vsub.f32 $1.500000000e+00, v38  }
0x127: {  	v41 =	vld [tilespmem:$0x12460];
	v12 =	vsub.f32 $1.500000000e+00, v12;
	v13 =	vmul.f32 v13, v17;
	v16 =	vsub.f32 $1.500000000e+00, v16  }
0x128: {  	v45 =	vmul.f32 v23, v37;
	v20 =	vmul.f32 v25, v29  }
0x129: {  	v12 =	vmul.f32 v12, v15;
	v19 =	vmul.f32 v19, v16  }
0x12a: {  	v43 =	vld [tilespmem:$0x12470];
	v22 =	vmul.f32 v45, v23;
	v18 =	vmul.f32 v20, v18  }
0x12b: {  	v11 =	vmul.f32 v6, v35;
	v13 =	vsub.f32 $1.500000000e+00, v13;
	v44 =	vmul.f32 v19, v34  }
0x12c: {  	v14 =	vmul.f32 v12, v41;
	v49 =	vsub.f32 $1.500000000e+00, v22;
	v18 =	vmul.f32 v18, v20  }
0x12d: {  	v48 =	vshrl.u32 v42, $0x1;
	v13 =	vmul.f32 v13, v17;
	v47 =	vmul.f32 v44, v19  }
0x12e: {  	v28 =	vld [tilespmem:$0x12480];
	v25 =	vsub.s32 $0x5F3759DF, v48;
	v23 =	vmul.f32 v49, v23;
	v46 =	vsub.f32 $1.500000000e+00, v18  }
0x12f: {  	v50 =	vmul.f32 v25, v27;
	v15 =	vmul.f32 v13, v43;
	v18 =	vsub.f32 $1.500000000e+00, v47  }
0x130: {  	v55 =	vld [tilespmem:$0x12AE0];
	v24 =	vmul.f32 v23, v37;
	v16 =	vmul.f32 v46, v20  }
0x131: {  	v20 =	vmul.f32 v25, v50;
	v18 =	vmul.f32 v18, v19;
	v19 =	vsub.s32 $0x5F3759DF, v51  }
0x132: {  	v57 =	vshrl.u32 v53, $0x1;
	v24 =	vmul.f32 v24, v23;
	v29 =	vmul.f32 v19, v52  }
0x133: {  	v17 =	vmul.f32 v16, v28;
	v20 =	vsub.f32 $1.500000000e+00, v20;
	v28 =	vsub.s32 $0x5F3759DF, v57  }
0x134: {  	v21 =	vmul.f32 v18, v34;
	v58 =	vmul.f32 v28, v26  }
0x135: {  	v32 =	vshrl.u32 v55, $0x1;
	v54 =	vmul.f32 v19, v29;
	v20 =	vmul.f32 v25, v20  }
0x136: {  	v36 =	vld [tilespmem:$0x12AF0];
	v32 =	vsub.s32 $0x5F3759DF, v32;
	v29 =	vmul.f32 $5.000000000e-01, v55;
	v21 =	vmul.f32 v21, v18  }
0x137: {  	v31 =	vld [tilespmem:$0x12490];
	v35 =	vmul.f32 v28, v58;
	v56 =	vsub.f32 $1.500000000e+00, v54;
	v30 =	vmul.f32 v20, v27  }
0x138: {  	v53 =	vld [tilespmem:$0x12B20];
	v24 =	vsub.f32 $1.500000000e+00, v24;
	v60 =	vmul.f32 v32, v29;
	v21 =	vsub.f32 $1.500000000e+00, v21  }
0x139: {  	v38 =	vld [tilespmem:$0x12B00];
	v62 =	vsub.f32 $1.500000000e+00, v35;
	v25 =	vmul.f32 v19, v56;
	v30 =	vmul.f32 v30, v20  }
0x13a: {  	v19 =	vmul.f32 v21, v18;
	v18 =	vmul.f32 v24, v23  }
0x13b: {  	v33 =	vld [tilespmem:$0x124A0];
	v24 =	vmul.f32 v28, v62;
	v28 =	vmul.f32 $5.000000000e-01, v36  }
0x13c: {  	v34 =	vmul.f32 v25, v52;
	v59 =	vsub.f32 $1.500000000e+00, v30;
	v30 =	vmul.f32 v32, v60  }
0x13d: {  	v39 =	vshrl.u32 v36, $0x1;
	v60 =	vmul.f32 $5.000000000e-01, v53;
	v21 =	vmul.f32 v19, v31  }
0x13e: {  	v45 =	vld [tilespmem:$0x12B10];
	v41 =	vshrl.u32 v38, $0x1;
	v37 =	vmul.f32 v24, v26;
	v31 =	vmul.f32 $5.000000000e-01, v38  }
0x13f: {  	v36 =	vsub.s32 $0x5F3759DF, v41;
	v61 =	vmul.f32 v34, v25;
	v63 =	vmul.f32 v59, v20  }
0x140: {  	v20 =	vmul.f32 v18, v33;
	v30 =	vsub.f32 $1.500000000e+00, v30;
	v33 =	vsub.s32 $0x5F3759DF, v39  }
0x141: {  	v40 =	vmul.f32 v33, v28;
	v43 =	vmul.f32 v36, v31;
	v23 =	vsub.f32 $1.500000000e+00, v61  }
0x142: {  	v27 =	vmul.f32 v63, v27;
	v30 =	vmul.f32 v32, v30;
	v61 =	vld [tilespmem:$0x12B30]  }
0x143: {  	v51 =	vshrl.u32 v45, $0x1;
	v23 =	vmul.f32 v23, v25;
	v25 =	vmul.f32 v37, v24  }
0x144: {  	v54 =	vsub.s32 $0x5F3759DF, v51;
	v27 =	vmul.f32 v27, v63;
	v32 =	vmul.f32 v30, v29  }
0x145: {  	v35 =	vmul.f32 v33, v40;
	v22 =	vmul.f32 v23, v52;
	v25 =	vsub.f32 $1.500000000e+00, v25  }
0x146: {  	v32 =	vmul.f32 v32, v30;
	v27 =	vsub.f32 $1.500000000e+00, v27;
	v52 =	vmul.f32 $5.000000000e-01, v45  }
0x147: {  	v44 =	vsub.f32 $1.500000000e+00, v35;
	v35 =	vmul.f32 $5.000000000e-01, v61;
	v24 =	vmul.f32 v25, v24  }
0x148: {  	v22 =	vmul.f32 v22, v23;
	v32 =	vsub.f32 $1.500000000e+00, v32;
	v25 =	vmul.f32 v27, v63  }
0x149: {  	v38 =	vmul.f32 v54, v52;
	v42 =	vmul.f32 v24, v26  }
0x14a: {  	v30 =	vmul.f32 v32, v30;
	v26 =	vmul.f32 v36, v43  }
0x14b: {  	v22 =	vsub.f32 $1.500000000e+00, v22;
	v32 =	vmul.f32 v33, v44;
	v58 =	vmul.f32 v54, v38;
	v44 =	vld [tilespmem:$0x12B40]  }
0x14c: {  	v37 =	vmul.f32 v42, v24;
	v29 =	vmul.f32 v30, v29;
	v46 =	vsub.f32 $1.500000000e+00, v26  }
0x14d: {  	v23 =	vmul.f32 v22, v23;
	v49 =	vmul.f32 v32, v28  }
0x14e: {  	v48 =	vmul.f32 v29, v30;
	v50 =	vmul.f32 v36, v46;
	v46 =	vshrl.u32 v61, $0x1  }
0x14f: {  	v47 =	vsub.f32 $1.500000000e+00, v37;
	v29 =	vmul.f32 v49, v32;
	v38 =	vsub.s32 $0x5F3759DF, v46  }
0x150: {  	v39 =	vshrl.u32 v44, $0x1;
	v36 =	vmul.f32 $5.000000000e-01, v44;
	v27 =	vsub.f32 $1.500000000e+00, v48  }
0x151: {  	v55 =	vmul.f32 v50, v31;
	v24 =	vmul.f32 v47, v24;
	v56 =	vsub.f32 $1.500000000e+00, v29  }
0x152: {  	v29 =	vsub.f32 $1.500000000e+00, v58;
	v47 =	vmul.f32 v38, v35;
	v39 =	vsub.s32 $0x5F3759DF, v39  }
0x153: {  	[tilespmem:$0x12700] =	vst v0;
	v0 =	vld [tilespmem:$0x124E0];
	v59 =	vshrl.u32 v53, $0x1;
	v48 =	vmul.f32 v39, v36;
	v22 =	vmul.f32 v27, v30  }
0x154: {  	v61 =	vld [tilespmem:$0x12B70];
	v57 =	vmul.f32 v55, v50;
	v30 =	vsub.s32 $0x5F3759DF, v59;
	v63 =	vmul.f32 v54, v29  }
0x155: {  	v26 =	vmul.f32 v56, v32;
	v62 =	vmul.f32 v30, v60  }
0x156: {  	v42 =	vmul.f32 v39, v48;
	v27 =	vsub.f32 $1.500000000e+00, v57;
	v45 =	vmul.f32 v63, v52  }
0x157: {  	v28 =	vmul.f32 v26, v28;
	v43 =	vmul.f32 v30, v62  }
0x158: {  	v33 =	vmul.f32 v27, v50;
	v37 =	vmul.f32 v45, v63  }
0x159: {  	[tilespmem:$0x12D20] =	vst v5;
	v48 =	vmul.f32 $5.000000000e-01, v61;
	v5 =	vmul.f32 v22, v0;
	v29 =	vsub.f32 $1.500000000e+00, v43  }
0x15a: {  	v28 =	vmul.f32 v28, v26;
	v31 =	vmul.f32 v33, v31;
	v37 =	vsub.f32 $1.500000000e+00, v37  }
0x15b: {  	v41 =	vld [tilespmem:$0x12B50];
	v29 =	vmul.f32 v30, v29;
	v30 =	vmul.f32 v38, v47  }
0x15c: {  	v28 =	vsub.f32 $1.500000000e+00, v28;
	v31 =	vmul.f32 v31, v33;
	v37 =	vmul.f32 v37, v63  }
0x15d: {  	v51 =	vsub.f32 $1.500000000e+00, v42;
	v40 =	vmul.f32 v29, v60;
	v30 =	vsub.f32 $1.500000000e+00, v30  }
0x15e: {  	v27 =	vmul.f32 v28, v26;
	v31 =	vsub.f32 $1.500000000e+00, v31;
	v34 =	vmul.f32 v37, v52  }
0x15f: {  	v52 =	vld [tilespmem:$0x12B60];
	v40 =	vmul.f32 v40, v29;
	v30 =	vmul.f32 v38, v30  }
0x160: {  	v54 =	vshrl.u32 v41, $0x1;
	v26 =	vmul.f32 v31, v33;
	v33 =	vmul.f32 v39, v51  }
0x161: {  	v50 =	vmul.f32 v34, v37;
	v39 =	vmul.f32 $5.000000000e-01, v41;
	v49 =	vsub.f32 $1.500000000e+00, v40  }
0x162: {  	v38 =	vsub.s32 $0x5F3759DF, v54;
	v53 =	vmul.f32 v30, v35;
	v55 =	vmul.f32 v33, v36  }
0x163: {  	v41 =	vmul.f32 v38, v39;
	v29 =	vmul.f32 v49, v29  }
0x164: {  	v28 =	vmul.f32 v53, v30;
	v34 =	vmul.f32 $5.000000000e-01, v52  }
0x165: {  	v56 =	vshrl.u32 v52, $0x1;
	v40 =	vmul.f32 v55, v33;
	v41 =	vmul.f32 v38, v41  }
0x166: {  	v42 =	vsub.s32 $0x5F3759DF, v56;
	v32 =	vmul.f32 v29, v60;
	v28 =	vsub.f32 $1.500000000e+00, v28  }
0x167: {  	v31 =	vsub.f32 $1.500000000e+00, v50;
	v57 =	vmul.f32 v42, v34;
	v59 =	vsub.f32 $1.500000000e+00, v40  }
0x168: {  	v51 =	vld [tilespmem:$0x12B80];
	v60 =	vsub.f32 $1.500000000e+00, v41;
	v43 =	vmul.f32 v28, v30;
	v58 =	vmul.f32 v32, v29  }
0x169: {  	v44 =	vmul.f32 v42, v57;
	v28 =	vmul.f32 v31, v37  }
0x16a: {  	v47 =	vshrl.u32 v61, $0x1;
	v32 =	vmul.f32 v59, v33;
	v62 =	vmul.f32 v38, v60  }
0x16b: {  	v38 =	vsub.s32 $0x5F3759DF, v47;
	v35 =	vmul.f32 v43, v35;
	v45 =	vsub.f32 $1.500000000e+00, v44  }
0x16c: {  	v50 =	vmul.f32 v38, v48;
	v46 =	vmul.f32 v62, v39  }
0x16d: {  	v55 =	vshrl.u32 v51, $0x1;
	v63 =	vmul.f32 v35, v43;
	v35 =	vmul.f32 v42, v45  }
0x16e: {  	v57 =	vsub.s32 $0x5F3759DF, v55;
	v60 =	vld [tilespmem:$0x12BA0];
	v36 =	vmul.f32 v32, v36;
	v42 =	vmul.f32 v38, v50  }
0x16f: {  	v30 =	vsub.f32 $1.500000000e+00, v58;
	v45 =	vld [tilespmem:$0x12B90];
	v37 =	vmul.f32 v46, v62;
	v49 =	vmul.f32 v35, v34  }
0x170: {  	v36 =	vmul.f32 v36, v32;
	v52 =	vsub.f32 $1.500000000e+00, v63;
	v54 =	vsub.f32 $1.500000000e+00, v42  }
0x171: {  	v30 =	vmul.f32 v30, v29;
	v37 =	vsub.f32 $1.500000000e+00, v37;
	v41 =	vmul.f32 v49, v35  }
0x172: {  	v36 =	vsub.f32 $1.500000000e+00, v36;
	v31 =	vmul.f32 v52, v43;
	v56 =	vmul.f32 v38, v54  }
0x173: {  	v46 =	vshrl.u32 v60, $0x1;
	v43 =	vmul.f32 $5.000000000e-01, v60;
	v33 =	vmul.f32 v37, v62  }
0x174: {  	v63 =	vsub.s32 $0x5F3759DF, v46;
	v29 =	vmul.f32 v36, v32;
	v42 =	vmul.f32 $5.000000000e-01, v45  }
0x175: {  	v53 =	vsub.f32 $1.500000000e+00, v41;
	v41 =	vmul.f32 $5.000000000e-01, v51;
	v61 =	vmul.f32 v56, v48  }
0x176: {  	v59 =	vshrl.u32 v45, $0x1;
	v51 =	vmul.f32 v63, v43;
	v37 =	vmul.f32 v33, v39  }
0x177: {  	v39 =	vsub.s32 $0x5F3759DF, v59;
	v32 =	vmul.f32 v53, v35;
	v58 =	vmul.f32 v57, v41  }
0x178: {  	v45 =	vmul.f32 v39, v42;
	v44 =	vmul.f32 v61, v56  }
0x179: {  	v54 =	vmul.f32 v63, v51;
	v38 =	vmul.f32 v57, v58  }
0x17a: {  	v59 =	vld [tilespmem:$0x12BC0];
	v34 =	vmul.f32 v32, v34;
	v45 =	vmul.f32 v39, v45;
	v44 =	vsub.f32 $1.500000000e+00, v44  }
0x17b: {  	v37 =	vmul.f32 v37, v33;
	v40 =	vsub.f32 $1.500000000e+00, v54;
	v38 =	vsub.f32 $1.500000000e+00, v38  }
0x17c: {  	v34 =	vmul.f32 v34, v32;
	v62 =	vsub.f32 $1.500000000e+00, v45;
	v35 =	vmul.f32 v44, v56  }
0x17d: {  	v58 =	vmul.f32 v63, v40;
	v36 =	vmul.f32 v57, v38  }
0x17e: {  	v38 =	vmul.f32 v39, v62;
	v53 =	vmul.f32 v35, v48;
	v48 =	vld [tilespmem:$0x12BB0]  }
0x17f: {  	v37 =	vsub.f32 $1.500000000e+00, v37;
	v40 =	vmul.f32 $5.000000000e-01, v59;
	v52 =	vmul.f32 v36, v41  }
0x180: {  	v51 =	vshrl.u32 v59, $0x1;
	v56 =	vmul.f32 v38, v42;
	v39 =	vmul.f32 v53, v35  }
0x181: {  	v47 =	vsub.f32 $1.500000000e+00, v34;
	v34 =	vmul.f32 v37, v33;
	v55 =	vmul.f32 v52, v36  }
0x182: {  	v61 =	vmul.f32 v58, v43;
	v46 =	vmul.f32 v56, v38;
	v57 =	vsub.f32 $1.500000000e+00, v39  }
0x183: {  	v33 =	vmul.f32 v47, v32;
	v45 =	vmul.f32 $5.000000000e-01, v48;
	v44 =	vsub.f32 $1.500000000e+00, v55  }
0x184: {  	v63 =	vld [tilespmem:$0x12BD0];
	v60 =	vsub.f32 $1.500000000e+00, v46;
	v32 =	vmul.f32 v57, v35;
	v46 =	vsub.s32 $0x5F3759DF, v51  }
0x185: {  	v50 =	vshrl.u32 v48, $0x1;
	v35 =	vmul.f32 v61, v58;
	v57 =	vld [tilespmem:$0x12BE0];
	v53 =	vmul.f32 v46, v40  }
0x186: {  	v36 =	vmul.f32 v44, v36;
	v38 =	vmul.f32 v60, v38;
	v44 =	vsub.s32 $0x5F3759DF, v50  }
0x187: {  	v35 =	vsub.f32 $1.500000000e+00, v35;
	v52 =	vmul.f32 v44, v45;
	v54 =	vmul.f32 v46, v53  }
0x188: {  	v50 =	vld [tilespmem:$0x124B0];
	v62 =	vmul.f32 v36, v41;
	v42 =	vmul.f32 v38, v42  }
0x189: {  	v49 =	vshrl.u32 v63, $0x1;
	v41 =	vmul.f32 $5.000000000e-01, v63;
	v39 =	vmul.f32 v35, v58  }
0x18a: {  	v55 =	vsub.s32 $0x5F3759DF, v49;
	v47 =	vmul.f32 v44, v52;
	v48 =	vmul.f32 $5.000000000e-01, v57  }
0x18b: {  	v37 =	vmul.f32 v62, v36;
	v49 =	vmul.f32 v55, v41  }
0x18c: {  	v35 =	vsub.f32 $1.500000000e+00, v54;
	v42 =	vmul.f32 v42, v38;
	v43 =	vmul.f32 v39, v43  }
0x18d: {  	v47 =	vsub.f32 $1.500000000e+00, v47;
	v50 =	vmul.f32 v25, v50;
	v37 =	vsub.f32 $1.500000000e+00, v37  }
0x18e: {  	v56 =	vmul.f32 v55, v49;
	v58 =	vsub.f32 $1.500000000e+00, v42;
	v42 =	vmul.f32 v46, v35  }
0x18f: {  	v43 =	vmul.f32 v43, v39;
	v44 =	vmul.f32 v44, v47  }
0x190: {  	v36 =	vmul.f32 v37, v36;
	v47 =	vsub.f32 $1.500000000e+00, v56;
	v60 =	vmul.f32 v42, v40;
	v56 =	vld [tilespmem:$0x12BF0]  }
0x191: {  	v35 =	vmul.f32 v58, v38;
	v61 =	vsub.f32 $1.500000000e+00, v43;
	v59 =	vmul.f32 v44, v45  }
0x192: {  	v46 =	vmul.f32 v55, v47;
	v63 =	vmul.f32 v60, v42  }
0x193: {  	v55 =	vshrl.u32 v57, $0x1;
	v37 =	vmul.f32 v61, v39;
	v61 =	vld [tilespmem:$0x124D0];
	v62 =	vmul.f32 v59, v44  }
0x194: {  	v52 =	vsub.s32 $0x5F3759DF, v55;
	v51 =	vmul.f32 v46, v41;
	v57 =	vsub.f32 $1.500000000e+00, v63  }
0x195: {  	v58 =	vmul.f32 v52, v48;
	v43 =	vsub.f32 $1.500000000e+00, v62;
	v49 =	vmul.f32 $5.000000000e-01, v56  }
0x196: {  	v62 =	vshrl.u32 v56, $0x1;
	v59 =	vmul.f32 v51, v46;
	v38 =	vmul.f32 v57, v42  }
0x197: {  	v60 =	vld [tilespmem:$0x124C0];
	v39 =	vmul.f32 v52, v58;
	v51 =	vsub.s32 $0x5F3759DF, v62;
	v43 =	vmul.f32 v43, v44  }
0x198: {  	v58 =	vld [tilespmem:$0x124F0];
	v63 =	vmul.f32 v51, v49;
	v42 =	vmul.f32 v24, v61  }
0x199: {  	v62 =	vld [tilespmem:$0x12520];
	v44 =	vsub.f32 $1.500000000e+00, v59;
	v39 =	vsub.f32 $1.500000000e+00, v39;
	v53 =	vmul.f32 v38, v40  }
0x19a: {  	[tilespmem:$0x12710] =	vst v1;
	v57 =	vld [tilespmem:$0x12C00];
	v45 =	vmul.f32 v43, v45;
	v54 =	vmul.f32 v51, v63  }
0x19b: {  	[tilespmem:$0x12D10] =	vst v3;
	v59 =	vld [tilespmem:$0x12500];
	v44 =	vmul.f32 v44, v46;
	v39 =	vmul.f32 v52, v39  }
0x19c: {  	[tilespmem:$0x12720] =	vst v2;
	v46 =	vmul.f32 v23, v60;
	v3 =	vmul.f32 v53, v38  }
0x19d: {  	[tilespmem:$0x12750] =	vst v6;
	v63 =	vld [tilespmem:$0x12530];
	v1 =	vmul.f32 v45, v43;
	v6 =	vmul.f32 v27, v58  }
0x19e: {  	[tilespmem:$0x12740] =	vst v7;
	v60 =	vld [tilespmem:$0x12510];
	v55 =	vsub.f32 $1.500000000e+00, v54;
	v7 =	vmul.f32 v30, v62;
	v2 =	vmul.f32 v44, v41  }
0x19f: {  	[tilespmem:$0x12D00] =	vst v4;
	v52 =	vld [tilespmem:$0x12540];
	v56 =	vmul.f32 v39, v48;
	v41 =	vmul.f32 $5.000000000e-01, v57  }
0x1a0: {  	[tilespmem:$0x12730] =	vst v8;
	v4 =	vmul.f32 v51, v55;
	v0 =	vsub.f32 $1.500000000e+00, v1;
	v8 =	vmul.f32 v26, v59  }
0x1a1: {  	[tilespmem:$0x12D30] =	vst v10;
	v3 =	vsub.f32 $1.500000000e+00, v3;
	v2 =	vmul.f32 v2, v44;
	v40 =	vmul.f32 v56, v39  }
0x1a2: {  	[tilespmem:$0x12D40] =	vst v9;
	v55 =	vld [tilespmem:$0x12C10];
	v9 =	vmul.f32 v31, v63;
	v1 =	vmul.f32 v0, v43  }
0x1a3: {  	[tilespmem:$0x12D50] =	vst v11;
	v51 =	vshrl.u32 v57, $0x1;
	v57 =	vld [tilespmem:$0x12C20];
	v61 =	vmul.f32 v4, v49;
	v0 =	vmul.f32 v3, v38  }
0x1a4: {  	[tilespmem:$0x12D60] =	vst v14;
	v10 =	vmul.f32 v28, v60;
	v14 =	vmul.f32 v29, v52  }
0x1a5: {  	[tilespmem:$0x12760] =	vst v12;
	v63 =	vld [tilespmem:$0x12C30];
	v2 =	vsub.f32 $1.500000000e+00, v2;
	v3 =	vsub.f32 $1.500000000e+00, v40;
	v40 =	vsub.s32 $0x5F3759DF, v51  }
0x1a6: {  	[tilespmem:$0x12770] =	vst v13;
	v47 =	vmul.f32 v61, v4;
	v54 =	vmul.f32 v40, v41  }
0x1a7: {  	[tilespmem:$0x12D70] =	vst v15;
	v52 =	vld [tilespmem:$0x12570];
	v2 =	vmul.f32 v2, v44;
	v3 =	vmul.f32 v3, v39;
	v59 =	vshrl.u32 v55, $0x1  }
0x1a8: {  	[tilespmem:$0x12780] =	vst v16;
	v16 =	vmul.f32 $5.000000000e-01, v55;
	v62 =	vshrl.u32 v57, $0x1;
	v12 =	vmul.f32 $5.000000000e-01, v57  }
0x1a9: {  	[tilespmem:$0x12D80] =	vst v17;
	v53 =	vsub.f32 $1.500000000e+00, v47;
	v56 =	vmul.f32 v40, v54;
	v15 =	vsub.s32 $0x5F3759DF, v59  }
0x1aa: {  	[tilespmem:$0x12790] =	vst v19;
	v43 =	vsub.s32 $0x5F3759DF, v62;
	v38 =	vmul.f32 $5.000000000e-01, v63;
	v58 =	vmul.f32 v3, v48  }
0x1ab: {  	[tilespmem:$0x127A0] =	vst v18;
	v54 =	vld [tilespmem:$0x12580];
	v61 =	vmul.f32 v15, v16;
	v45 =	vmul.f32 v43, v12  }
0x1ac: {  	[tilespmem:$0x12D90] =	vst v21;
	v48 =	vld [tilespmem:$0x12550];
	v62 =	vmul.f32 v32, v52;
	v4 =	vmul.f32 v53, v4  }
0x1ad: {  	[tilespmem:$0x12870] =	vst v32;
	v32 =	vld [tilespmem:$0x125D0];
	v11 =	vsub.f32 $1.500000000e+00, v56;
	v13 =	vmul.f32 v58, v3;
	v44 =	vmul.f32 v15, v61  }
0x1ae: {  	[tilespmem:$0x12DA0] =	vst v20;
	v19 =	vmul.f32 v43, v45;
	v60 =	vmul.f32 v4, v49  }
0x1af: {  	[tilespmem:$0x12DB0] =	vst v50;
	v50 =	vld [tilespmem:$0x12560];
	v11 =	vmul.f32 v40, v11;
	v49 =	vshrl.u32 v63, $0x1;
	v13 =	vsub.f32 $1.500000000e+00, v13  }
0x1b0: {  	[tilespmem:$0x12DF0] =	vst v6;
	v56 =	vld [tilespmem:$0x12590];
	v51 =	vsub.s32 $0x5F3759DF, v49;
	v6 =	vmul.f32 v36, v54;
	v17 =	vmul.f32 v60, v4  }
0x1b1: {  	[tilespmem:$0x127B0] =	vst v25;
	v45 =	vld [tilespmem:$0x125B0];
	v18 =	vsub.f32 $1.500000000e+00, v44;
	v47 =	vmul.f32 v11, v41;
	v53 =	vmul.f32 v51, v38  }
0x1b2: {  	[tilespmem:$0x127C0] =	vst v23;
	v19 =	vsub.f32 $1.500000000e+00, v19;
	v61 =	vmul.f32 v34, v48;
	v39 =	vmul.f32 v2, v32  }
0x1b3: {  	[tilespmem:$0x127D0] =	vst v24;
	v63 =	vld [tilespmem:$0x125A0];
	v3 =	vmul.f32 v13, v3;
	v15 =	vmul.f32 v15, v18  }
0x1b4: {  	[tilespmem:$0x127E0] =	vst v22;
	v19 =	vmul.f32 v43, v19;
	v18 =	vmul.f32 v33, v50  }
0x1b5: {  	[tilespmem:$0x12DE0] =	vst v5;
	v60 =	vld [tilespmem:$0x12C40];
	v40 =	vmul.f32 v35, v56;
	v13 =	vmul.f32 v47, v11  }
0x1b6: {  	[tilespmem:$0x127F0] =	vst v27;
	v17 =	vsub.f32 $1.500000000e+00, v17;
	v57 =	vmul.f32 v51, v53;
	v49 =	vmul.f32 v1, v45  }
0x1b7: {  	[tilespmem:$0x128B0] =	vst v1;
	v1 =	vld [tilespmem:$0x125F0];
	v55 =	vmul.f32 v15, v16;
	v59 =	vmul.f32 v19, v12  }
0x1b8: {  	[tilespmem:$0x12800] =	vst v26;
	v52 =	vld [tilespmem:$0x12C60];
	v23 =	vmul.f32 v37, v63;
	v4 =	vmul.f32 v17, v4;
	v13 =	vsub.f32 $1.500000000e+00, v13  }
0x1b9: {  	[tilespmem:$0x12810] =	vst v28;
	v63 =	vld [tilespmem:$0x12C80];
	v58 =	vmul.f32 v55, v15;
	v21 =	vmul.f32 v59, v19  }
0x1ba: {  	[tilespmem:$0x12820] =	vst v30;
	v44 =	vshrl.u32 v60, $0x1;
	v11 =	vmul.f32 v13, v11;
	v13 =	vsub.f32 $1.500000000e+00, v57  }
0x1bb: {  	[tilespmem:$0x12DD0] =	vst v42;
	v22 =	vmul.f32 $5.000000000e-01, v60;
	v17 =	vsub.f32 $1.500000000e+00, v58;
	v42 =	vsub.f32 $1.500000000e+00, v21  }
0x1bc: {  	[tilespmem:$0x12860] =	vst v33;
	v21 =	vsub.s32 $0x5F3759DF, v44;
	v1 =	vmul.f32 v4, v1;
	v13 =	vmul.f32 v51, v13  }
0x1bd: {  	[tilespmem:$0x12DC0] =	vst v46;
	v46 =	vmul.f32 v11, v41;
	v47 =	vmul.f32 v21, v22  }
0x1be: {  	[tilespmem:$0x12890] =	vst v35;
	v60 =	vshrl.u32 v52, $0x1;
	v25 =	vmul.f32 $5.000000000e-01, v63;
	v15 =	vmul.f32 v17, v15  }
0x1bf: {  	v54 =	vld [tilespmem:$0x12C70];
	[tilespmem:$0x12E50] =	vst v61;
	v61 =	vsub.s32 $0x5F3759DF, v60;
	v17 =	vmul.f32 v42, v19;
	v43 =	vmul.f32 v13, v38  }
0x1c0: {  	[tilespmem:$0x12E10] =	vst v10;
	v33 =	vshrl.u32 v63, $0x1;
	v19 =	vmul.f32 $5.000000000e-01, v52;
	v10 =	vmul.f32 v21, v47  }
0x1c1: {  	[tilespmem:$0x12E00] =	vst v8;
	v50 =	vld [tilespmem:$0x12C50];
	v35 =	vsub.s32 $0x5F3759DF, v33;
	v16 =	vmul.f32 v15, v16;
	v8 =	vmul.f32 v43, v13  }
0x1c2: {  	[tilespmem:$0x12880] =	vst v36;
	v48 =	vmul.f32 v46, v11;
	v36 =	vmul.f32 v35, v25;
	v10 =	vsub.f32 $1.500000000e+00, v10  }
0x1c3: {  	[tilespmem:$0x12830] =	vst v31;
	v12 =	vmul.f32 v17, v12;
	v16 =	vmul.f32 v16, v15;
	v8 =	vsub.f32 $1.500000000e+00, v8  }
0x1c4: {  	[tilespmem:$0x12E70] =	vst v62;
	v62 =	vshrl.u32 v54, $0x1;
	v26 =	vmul.f32 v61, v19;
	v10 =	vmul.f32 v21, v10  }
0x1c5: {  	[tilespmem:$0x12840] =	vst v29;
	v20 =	vmul.f32 v35, v36;
	v16 =	vsub.f32 $1.500000000e+00, v16;
	v8 =	vmul.f32 v8, v13  }
0x1c6: {  	[tilespmem:$0x12850] =	vst v34;
	v57 =	vshrl.u32 v50, $0x1;
	v56 =	vmul.f32 v10, v22;
	v13 =	vmul.f32 $5.000000000e-01, v50  }
0x1c7: {  	[tilespmem:$0x128A0] =	vst v37;
	v53 =	vmul.f32 v16, v15;
	v16 =	vsub.s32 $0x5F3759DF, v57;
	v51 =	vmul.f32 v8, v38  }
0x1c8: {  	[tilespmem:$0x12E20] =	vst v7;
	v7 =	vsub.f32 $1.500000000e+00, v48;
	v15 =	vmul.f32 $5.000000000e-01, v54;
	v59 =	vmul.f32 v16, v13  }
0x1c9: {  	[tilespmem:$0x12E40] =	vst v14;
	v21 =	vsub.s32 $0x5F3759DF, v62;
	v14 =	vmul.f32 v56, v10;
	v55 =	vmul.f32 v51, v8  }
0x1ca: {  	[tilespmem:$0x128D0] =	vst v2;
	v2 =	vld [tilespmem:$0x12600];
	v29 =	vmul.f32 v21, v15;
	v28 =	vmul.f32 v16, v59  }
0x1cb: {  	[tilespmem:$0x12E30] =	vst v9;
	v58 =	vld [tilespmem:$0x125C0];
	v12 =	vmul.f32 v12, v17;
	v7 =	vmul.f32 v7, v11;
	v5 =	vsub.f32 $1.500000000e+00, v55  }
0x1cc: {  	[tilespmem:$0x128C0] =	vst v0;
	v41 =	vld [tilespmem:$0x12610];
	v27 =	vsub.f32 $1.500000000e+00, v14;
	v31 =	vmul.f32 v21, v29;
	v30 =	vsub.f32 $1.500000000e+00, v28  }
0x1cd: {  	[tilespmem:$0x12E80] =	vst v6;
	v12 =	vsub.f32 $1.500000000e+00, v12;
	v5 =	vmul.f32 v5, v8;
	v8 =	vmul.f32 v61, v26  }
0x1ce: {  	[tilespmem:$0x12ED0] =	vst v39;
	v6 =	vmul.f32 v27, v10;
	v10 =	vmul.f32 v16, v30  }
0x1cf: {  	v34 =	vld [tilespmem:$0x125E0];
	[tilespmem:$0x12EF0] =	vst v1;
	v1 =	vmul.f32 v7, v2;
	v12 =	vmul.f32 v12, v17;
	v8 =	vsub.f32 $1.500000000e+00, v8  }
0x1d0: {  	[tilespmem:$0x12E60] =	vst v18;
	v17 =	vmul.f32 v0, v58;
	v14 =	vsub.f32 $1.500000000e+00, v31;
	v38 =	vmul.f32 v10, v13  }
0x1d1: {  	[tilespmem:$0x12F00] =	vst v1;
	v1 =	vmul.f32 v53, v41;
	v8 =	vmul.f32 v61, v8  }
0x1d2: {  	[tilespmem:$0x12E90] =	vst v40;
	v20 =	vsub.f32 $1.500000000e+00, v20;
	v37 =	vmul.f32 v21, v14;
	v14 =	vmul.f32 v38, v10  }
0x1d3: {  	[tilespmem:$0x128E0] =	vst v3;
	v43 =	vld [tilespmem:$0x12620];
	v40 =	vmul.f32 v6, v22;
	v0 =	vmul.f32 v8, v19  }
0x1d4: {  	[tilespmem:$0x12EB0] =	vst v49;
	v16 =	vmul.f32 v3, v34;
	v3 =	vmul.f32 v35, v20;
	v14 =	vsub.f32 $1.500000000e+00, v14  }
0x1d5: {  	[tilespmem:$0x12EA0] =	vst v23;
	v42 =	vmul.f32 v37, v15;
	v0 =	vmul.f32 v0, v8  }
0x1d6: {  	v45 =	vld [tilespmem:$0x12630];
	[tilespmem:$0x128F0] =	vst v4;
	v18 =	vmul.f32 v40, v6;
	v10 =	vmul.f32 v14, v10  }
0x1d7: {  	v46 =	vld [tilespmem:$0x12640];
	[tilespmem:$0x12900] =	vst v7;
	v44 =	vmul.f32 v3, v25;
	v14 =	vmul.f32 v42, v37;
	v0 =	vsub.f32 $1.500000000e+00, v0  }
0x1d8: {  	[tilespmem:$0x12EC0] =	vst v17;
	v4 =	vmul.f32 v12, v43;
	v2 =	vsub.f32 $1.500000000e+00, v18;
	v13 =	vmul.f32 v10, v13  }
0x1d9: {  	[tilespmem:$0x12910] =	vst v53;
	v14 =	vsub.f32 $1.500000000e+00, v14;
	v0 =	vmul.f32 v0, v8;
	v8 =	vmul.f32 v44, v3  }
0x1da: {  	[tilespmem:$0x12920] =	vst v12;
	v2 =	vmul.f32 v2, v6;
	v47 =	vmul.f32 v13, v10  }
0x1db: {  	[tilespmem:$0x12F10] =	vst v1;
	v52 =	vmul.f32 v5, v45;
	v1 =	vmul.f32 v14, v37;
	v8 =	vsub.f32 $1.500000000e+00, v8  }
0x1dc: {  	v50 =	vld [tilespmem:$0x12650];
	[tilespmem:$0x12F20] =	vst v4;
	v54 =	vmul.f32 v2, v46;
	v48 =	vmul.f32 v0, v19;
	v49 =	vsub.f32 $1.500000000e+00, v47  }
0x1dd: {  	[tilespmem:$0x12EE0] =	vst v16;
	v53 =	vmul.f32 v1, v15;
	v3 =	vmul.f32 v8, v3  }
0x1de: {  	[tilespmem:$0x12930] =	vst v5;
	v51 =	vmul.f32 v48, v0;
	v55 =	vmul.f32 v49, v10  }
0x1df: {  	v57 =	vld [tilespmem:$0x12660];
	[tilespmem:$0x12F30] =	vst v52;
	v58 =	vmul.f32 v53, v1;
	v59 =	vmul.f32 v3, v25  }
0x1e0: {  	[tilespmem:$0x12940] =	vst v2;
	v2 =	vld [tilespmem:$0x12670];
	v56 =	vsub.f32 $1.500000000e+00, v51  }
0x1e1: {  	[tilespmem:$0x12F40] =	vst v54;
	v60 =	vmul.f32 v55, v50;
	v4 =	vsub.f32 $1.500000000e+00, v58;
	v7 =	vmul.f32 v59, v3  }
0x1e2: {  	v61 =	vld [tilespmem:$0x12680];
	[tilespmem:$0x12950] =	vst v55;
	v0 =	vmul.f32 v56, v0  }
0x1e3: {  	[tilespmem:$0x12F50] =	vst v60;
	v1 =	vmul.f32 v4, v1;
	v63 =	vsub.f32 $1.500000000e+00, v7  }
0x1e4: {  	v62 =	vmul.f32 v0, v57;
	[tilespmem:$0x12960] =	vst v0  }
0x1e5: {  	v2 =	vmul.f32 v1, v2;
	[tilespmem:$0x12970] =	vst v1;
	v0 =	vmul.f32 v63, v3  }
0x1e6: {  	[tilespmem:$0x12F60] =	vst v62  }
0x1e7: {  	[tilespmem:$0x12F70] =	vst v2;
	v1 =	vmul.f32 v0, v61  }
0x1e8: {  	[tilespmem:$0x12980] =	vst v0  }
0x1e9: {  	s30 =	simm.s32 $0x12D00;
	[tilespmem:$0x12F80] =	vst v1  }
0x1ea: {  	[spmem:s8] =	stream.linear.scatter [tilespmem:s30], [sflag:$0x2], $0x290, $0x38;
	[tilespmem:$0x13CD0] =	vst v63  }
0x1eb: {  	_ =	swait.ge [sflag:s24], $0x290  }
0x1ec: {  	[sflag:s24] =	ssyncset.done $0x0  }
0x1ed: {  	[sflag:s24] =	ssyncadd.s32 $0xFFFFFD70  }
0x1ee: {  	[spmem:s10] =	stream.linear.scatter [tilespmem:s30], [sflag:$0x2], $0x290, $0x38;
	[tilespmem:$0x13CD0] =	vst v63  }
0x1ef: {  	_ =	swait.ge [sflag:s24], $0x290  }
0x1f0: {  	[sflag:s24] =	ssyncset.done $0x0  }
0x1f1: {  	[sflag:s24] =	ssyncadd.s32 $0xFFFFFD70  }
0x1f2: {  	s31 =	simm.s32 $0xA900;
	[bflag:$0x0] =	sbarrier.arrive $0xFFFF  }
0x1f3: {  	[tilespmem:s31], [sflag:$0x2] =	stream.linear.gather [spmem:s6], $0x2900, $0x38;
	[tilespmem:$0x13CD0] =	vst v63  }
0x1f4: {  	_ =	swait.ge [sflag:s24], $0x2900  }
0x1f5: {  	[sflag:s24] =	ssyncset.done $0x0  }
0x1f6: {  	s12 =	simm.s32 $0x100;
	s11 =	simm.s32 $0x0;
	v0 =	vimm.f32 $0.0e+00;
	[sflag:s24] =	ssyncadd.s32 $0xFFFFD700  }
.LBB2_5:
0x1f7: {  	p1 =	sne.s32 s12, $0xA300;
	[tilespmem:s11+$0xD230] =	vst v0;
	s13 =	smov.u32 s12;
	s12 =	sadd.s32 $0x100, s12  }
.Ltmp2:
0x1f8: {  	[tilespmem:s11+$0xD220] =	vst v0;
	(pc) =	sbr.rel @p1 .LBB2_5-.Ltmp2, $3  }
0x1f9: {  	[tilespmem:s11+$0xD200] =	vst v0  }
0x1fa: {  	[tilespmem:s11+$0xD210] =	vst v0;
	_ =	sdelay $0x1  }
0x1fb: {  	s11 =	sshra.s32 s13, $0x2  }
0x1fc: {  	[tilespmem:s11+$0xD230] =	vst v0  }
0x1fd: {  	[tilespmem:s11+$0xD220] =	vst v0  }
0x1fe: {  	[tilespmem:s11+$0xD200] =	vst v0  }
0x1ff: {  	[tilespmem:s11+$0xD210] =	vst v0;
	s11 =	simm.s32 $0x0;
	s12 =	simm.s32 $0xA900;
	s13 =	simm.s32 $0xD200  }
.LBB2_7:
0x200: {  	s14 =	sshra.s32 s11, $0x2  }
0x201: {  	v0 =	vld [tilespmem:s14+$0x0];
	_ =	sdelay $0x4  }
0x202: {  	v1 =	vld [tilespmem:s14+$0x5000];
	_ =	sdelay $0x2  }
0x203: {  	v0 =	vld.idx.msk [tilespmem:v0+s12+$0x0], $0xffff;
	_ =	sdelay $0x4  }
0x204: {  	[tilespmem:v1+s13+$0x0] =	vst.idx.add.f32.msk $0xffff, v0  }
0x205: {  	v0 =	vld [tilespmem:s14+$0x10];
	_ =	sdelay $0x4  }
0x206: {  	v1 =	vld [tilespmem:s14+$0x5010];
	_ =	sdelay $0x2  }
0x207: {  	v0 =	vld.idx.msk [tilespmem:v0+s12+$0x0], $0xffff;
	_ =	sdelay $0x4  }
0x208: {  	[tilespmem:v1+s13+$0x0] =	vst.idx.add.f32.msk $0xffff, v0  }
0x209: {  	v0 =	vld [tilespmem:s14+$0x20];
	_ =	sdelay $0x4  }
0x20a: {  	v1 =	vld [tilespmem:s14+$0x5020];
	_ =	sdelay $0x2  }
0x20b: {  	v0 =	vld.idx.msk [tilespmem:v0+s12+$0x0], $0xffff;
	_ =	sdelay $0x4  }
0x20c: {  	[tilespmem:v1+s13+$0x0] =	vst.idx.add.f32.msk $0xffff, v0  }
0x20d: {  	v0 =	vld [tilespmem:s14+$0x30];
	_ =	sdelay $0x4  }
0x20e: {  	v1 =	vld [tilespmem:s14+$0x5030];
	_ =	sdelay $0x2  }
0x20f: {  	p1 =	sne.s32 s11, $0x13F00;
	v0 =	vld.idx.msk [tilespmem:v0+s12+$0x0], $0xffff  }
.Ltmp3:
0x210: {  	_ = 	snop;
	(pc) =	sbr.rel @p1 .LBB2_7-.Ltmp3, $2  }
0x211: {  	_ =	sdelay $0x2  }
0x212: {  	s11 =	sadd.s32 $0x100, s11;
	[tilespmem:v1+s13+$0x0] =	vst.idx.add.f32.msk $0xffff, v0  }
0x213: {  	s11 =	simm.s32 $0x2900  }
0x214: {  	s12 =	simm.s32 $0xFB00;
	s13 =	simm.s32 $0xD200;
	s28 =	simm.s32 $0x2  }
0x215: {  	[spmem:s9] =	stream.indirect.scatter.add.f32 [tilespmem:s13], [sflag:$0x2], $0x1, s12, s11, $0xb8;
	[tilespmem:$0x13CD0] =	vst v63  }
0x216: {  	_ =	swait.ge [sflag:s28], $0x2900  }
0x217: {  	[sflag:s28] =	ssyncset.done $0x0  }
0x218: {  	[sflag:s28] =	ssyncadd.s32 $0xFFFFD700  }
0x219: {  	s29 =	simm.s32 $0x12A00;
	[bflag:$0x0] =	sbarrier.arrive $0xFFFF  }
0x21a: {  	[tilespmem:s29], [sflag:$0x2] =	stream.linear.gather [spmem:s10], $0x290, $0x38;
	[tilespmem:$0x13CD0] =	vst v63  }
0x21b: {  	_ =	swait.ge [sflag:s28], $0x290  }
0x21c: {  	[sflag:s28] =	ssyncset.done $0x0  }
0x21d: {  	[sflag:s28] =	ssyncadd.s32 $0xFFFFFD70  }
0x21e: {  	v0 =	vld [tilespmem:$0x12700]  }
0x21f: {  	v1 =	vld [tilespmem:$0x12A00]  }
0x220: {  	v2 =	vld [tilespmem:$0x12710]  }
0x221: {  	v3 =	vld [tilespmem:$0x12A10]  }
0x222: {  	v4 =	vld [tilespmem:$0x12720]  }
0x223: {  	v5 =	vld [tilespmem:$0x12A20]  }
0x224: {  	v6 =	vld [tilespmem:$0x12730]  }
0x225: {  	v7 =	vld [tilespmem:$0x12A30]  }
0x226: {  	v8 =	vld [tilespmem:$0x12740]  }
0x227: {  	v9 =	vld [tilespmem:$0x12A40]  }
0x228: {  	v10 =	vld [tilespmem:$0x12750]  }
0x229: {  	v11 =	vld [tilespmem:$0x12A50]  }
0x22a: {  	v12 =	vld [tilespmem:$0x12760]  }
0x22b: {  	v13 =	vld [tilespmem:$0x12A60]  }
0x22c: {  	v14 =	vld [tilespmem:$0x12770]  }
0x22d: {  	v15 =	vld [tilespmem:$0x12A70]  }
0x22e: {  	v16 =	vld [tilespmem:$0x12780]  }
0x22f: {  	v17 =	vld [tilespmem:$0x12A80]  }
0x230: {  	v18 =	vld [tilespmem:$0x12790]  }
0x231: {  	v19 =	vld [tilespmem:$0x12A90]  }
0x232: {  	v20 =	vld [tilespmem:$0x127A0]  }
0x233: {  	v21 =	vld [tilespmem:$0x12AA0]  }
0x234: {  	v22 =	vld [tilespmem:$0x127B0]  }
0x235: {  	v23 =	vld [tilespmem:$0x12AB0]  }
0x236: {  	v24 =	vld [tilespmem:$0x127C0]  }
0x237: {  	v25 =	vld [tilespmem:$0x12AC0]  }
0x238: {  	v26 =	vld [tilespmem:$0x127D0]  }
0x239: {  	v27 =	vld [tilespmem:$0x12AD0]  }
0x23a: {  	v28 =	vld [tilespmem:$0x127E0]  }
0x23b: {  	v29 =	vld [tilespmem:$0x12AE0]  }
0x23c: {  	v30 =	vld [tilespmem:$0x127F0]  }
0x23d: {  	v31 =	vld [tilespmem:$0x12AF0]  }
0x23e: {  	v32 =	vld [tilespmem:$0x12800]  }
0x23f: {  	v33 =	vld [tilespmem:$0x12B00]  }
0x240: {  	v34 =	vld [tilespmem:$0x12810]  }
0x241: {  	v35 =	vld [tilespmem:$0x12B10]  }
0x242: {  	v36 =	vld [tilespmem:$0x12820]  }
0x243: {  	v37 =	vld [tilespmem:$0x12B20]  }
0x244: {  	v38 =	vld [tilespmem:$0x12830]  }
0x245: {  	v39 =	vld [tilespmem:$0x12B30]  }
0x246: {  	v40 =	vld [tilespmem:$0x12840]  }
0x247: {  	v41 =	vld [tilespmem:$0x12B40]  }
0x248: {  	v42 =	vld [tilespmem:$0x12850]  }
0x249: {  	v43 =	vld [tilespmem:$0x12B50]  }
0x24a: {  	v44 =	vld [tilespmem:$0x12860];
	v0 =	vmul.f32 v0, v0  }
0x24b: {  	v45 =	vld [tilespmem:$0x12B60];
	v2 =	vmul.f32 v2, v2  }
0x24c: {  	v52 =	vld [tilespmem:$0x12870];
	v0 =	vmul.f32 v1, v0;
	v1 =	vmul.f32 v4, v4  }
0x24d: {  	v53 =	vld [tilespmem:$0x12B70];
	v2 =	vmul.f32 v3, v2;
	v3 =	vmul.f32 v6, v6  }
0x24e: {  	v54 =	vld [tilespmem:$0x12880];
	[tilespmem:$0x12D00] =	vst v0;
	v0 =	vmul.f32 v5, v1;
	v1 =	vmul.f32 v8, v8  }
0x24f: {  	v55 =	vld [tilespmem:$0x12B80];
	[tilespmem:$0x12D10] =	vst v2;
	v2 =	vmul.f32 v7, v3;
	v3 =	vmul.f32 v10, v10  }
0x250: {  	v56 =	vld [tilespmem:$0x12890];
	[tilespmem:$0x12D20] =	vst v0;
	v0 =	vmul.f32 v9, v1;
	v1 =	vmul.f32 v12, v12  }
0x251: {  	v57 =	vld [tilespmem:$0x12B90];
	[tilespmem:$0x12D30] =	vst v2;
	v2 =	vmul.f32 v11, v3;
	v3 =	vmul.f32 v14, v14  }
0x252: {  	v58 =	vld [tilespmem:$0x128A0];
	[tilespmem:$0x12D40] =	vst v0;
	v0 =	vmul.f32 v13, v1;
	v1 =	vmul.f32 v16, v16  }
0x253: {  	v59 =	vld [tilespmem:$0x12BA0];
	[tilespmem:$0x12D50] =	vst v2;
	v2 =	vmul.f32 v15, v3;
	v3 =	vmul.f32 v18, v18  }
0x254: {  	v60 =	vld [tilespmem:$0x128B0];
	[tilespmem:$0x12D60] =	vst v0;
	v0 =	vmul.f32 v17, v1;
	v1 =	vmul.f32 v20, v20  }
0x255: {  	v61 =	vld [tilespmem:$0x12BB0];
	[tilespmem:$0x12D70] =	vst v2;
	v2 =	vmul.f32 v19, v3;
	v3 =	vmul.f32 v22, v22  }
0x256: {  	v62 =	vld [tilespmem:$0x128C0];
	[tilespmem:$0x12D80] =	vst v0;
	v0 =	vmul.f32 v21, v1;
	v1 =	vmul.f32 v24, v24  }
0x257: {  	v63 =	vld [tilespmem:$0x12BC0];
	[tilespmem:$0x12D90] =	vst v2;
	v2 =	vmul.f32 v23, v3;
	v3 =	vmul.f32 v26, v26  }
0x258: {  	v46 =	vld [tilespmem:$0x12900];
	[tilespmem:$0x12DA0] =	vst v0;
	v0 =	vmul.f32 v25, v1;
	v1 =	vmul.f32 v28, v28  }
0x259: {  	v47 =	vld [tilespmem:$0x12C00];
	[tilespmem:$0x12DB0] =	vst v2;
	v2 =	vmul.f32 v27, v3;
	v3 =	vmul.f32 v30, v30  }
0x25a: {  	v48 =	vld [tilespmem:$0x12910];
	[tilespmem:$0x12DC0] =	vst v0;
	v0 =	vmul.f32 v29, v1;
	v1 =	vmul.f32 v32, v32  }
0x25b: {  	v49 =	vld [tilespmem:$0x12C10];
	[tilespmem:$0x12DD0] =	vst v2;
	v2 =	vmul.f32 v31, v3;
	v3 =	vmul.f32 v34, v34  }
0x25c: {  	v50 =	vld [tilespmem:$0x12920];
	[tilespmem:$0x12DE0] =	vst v0;
	v0 =	vmul.f32 v33, v1;
	v1 =	vmul.f32 v36, v36  }
0x25d: {  	v51 =	vld [tilespmem:$0x12C20];
	[tilespmem:$0x12DF0] =	vst v2;
	v2 =	vmul.f32 v35, v3;
	v3 =	vmul.f32 v38, v38  }
0x25e: {  	v28 =	vld [tilespmem:$0x128D0];
	[tilespmem:$0x12E00] =	vst v0;
	v0 =	vmul.f32 v37, v1;
	v1 =	vmul.f32 v40, v40  }
0x25f: {  	v30 =	vld [tilespmem:$0x12BD0];
	[tilespmem:$0x12E10] =	vst v2;
	v2 =	vmul.f32 v39, v3;
	v3 =	vmul.f32 v42, v42  }
0x260: {  	v32 =	vld [tilespmem:$0x128E0];
	[tilespmem:$0x12E20] =	vst v0;
	v0 =	vmul.f32 v41, v1;
	v1 =	vmul.f32 v44, v44  }
0x261: {  	v34 =	vld [tilespmem:$0x12BE0];
	[tilespmem:$0x12E30] =	vst v2;
	v2 =	vmul.f32 v43, v3;
	v3 =	vmul.f32 v52, v52  }
0x262: {  	v36 =	vld [tilespmem:$0x128F0];
	[tilespmem:$0x12E40] =	vst v0;
	v0 =	vmul.f32 v45, v1;
	v1 =	vmul.f32 v54, v54  }
0x263: {  	v38 =	vld [tilespmem:$0x12BF0];
	[tilespmem:$0x12E50] =	vst v2;
	v2 =	vmul.f32 v53, v3;
	v3 =	vmul.f32 v56, v56  }
0x264: {  	v52 =	vld [tilespmem:$0x12930];
	[tilespmem:$0x12E60] =	vst v0;
	v0 =	vmul.f32 v55, v1;
	v1 =	vmul.f32 v58, v58  }
0x265: {  	v53 =	vld [tilespmem:$0x12C30];
	[tilespmem:$0x12E70] =	vst v2;
	v2 =	vmul.f32 v57, v3;
	v3 =	vmul.f32 v60, v60  }
0x266: {  	v54 =	vld [tilespmem:$0x12940];
	[tilespmem:$0x12E80] =	vst v0;
	v0 =	vmul.f32 v59, v1;
	v1 =	vmul.f32 v62, v62  }
0x267: {  	v56 =	vld [tilespmem:$0x12950];
	[tilespmem:$0x12E90] =	vst v2;
	v2 =	vmul.f32 v61, v3;
	v3 =	vmul.f32 v28, v28  }
0x268: {  	v55 =	vld [tilespmem:$0x12C40];
	[tilespmem:$0x12EA0] =	vst v0;
	v0 =	vmul.f32 v63, v1;
	v1 =	vmul.f32 v32, v32  }
0x269: {  	v57 =	vld [tilespmem:$0x12C50];
	[tilespmem:$0x12EB0] =	vst v2;
	v2 =	vmul.f32 v30, v3;
	v3 =	vmul.f32 v36, v36  }
0x26a: {  	v58 =	vld [tilespmem:$0x12960];
	[tilespmem:$0x12EC0] =	vst v0;
	v0 =	vmul.f32 v34, v1;
	v1 =	vmul.f32 v46, v46  }
0x26b: {  	v60 =	vld [tilespmem:$0x12970];
	[tilespmem:$0x12ED0] =	vst v2;
	v2 =	vmul.f32 v38, v3;
	v3 =	vmul.f32 v48, v48  }
0x26c: {  	v59 =	vld [tilespmem:$0x12C60];
	[tilespmem:$0x12EE0] =	vst v0;
	v0 =	vmul.f32 v47, v1;
	v1 =	vmul.f32 v50, v50  }
0x26d: {  	v61 =	vld [tilespmem:$0x12980];
	[tilespmem:$0x12EF0] =	vst v2;
	v2 =	vmul.f32 v49, v3;
	v3 =	vmul.f32 v52, v52  }
0x26e: {  	v62 =	vld [tilespmem:$0x12C70];
	[tilespmem:$0x12F00] =	vst v0;
	v0 =	vmul.f32 v51, v1;
	v1 =	vmul.f32 v54, v54  }
0x26f: {  	v63 =	vld [tilespmem:$0x12C80];
	[tilespmem:$0x12F10] =	vst v2;
	v2 =	vmul.f32 v53, v3;
	v3 =	vmul.f32 v56, v56  }
0x270: {  	[tilespmem:$0x12F20] =	vst v0;
	v0 =	vmul.f32 v55, v1;
	v1 =	vmul.f32 v58, v58  }
0x271: {  	[tilespmem:$0x12F30] =	vst v2;
	v2 =	vmul.f32 v57, v3;
	v3 =	vmul.f32 v60, v60  }
0x272: {  	[tilespmem:$0x12F40] =	vst v0;
	v0 =	vmul.f32 v59, v1;
	v1 =	vmul.f32 v61, v61  }
0x273: {  	[tilespmem:$0x12F50] =	vst v2;
	v2 =	vmul.f32 v62, v3  }
0x274: {  	[tilespmem:$0x12F60] =	vst v0;
	v0 =	vmul.f32 v63, v1  }
0x275: {  	[tilespmem:$0x12F70] =	vst v2  }
0x276: {  	s30 =	simm.s32 $0x12D00;
	[tilespmem:$0x12F80] =	vst v0  }
0x277: {  	[spmem:s8] =	stream.linear.scatter [tilespmem:s30], [sflag:$0x2], $0x290, $0x38;
	[tilespmem:$0x13CD0] =	vst v63  }
0x278: {  	_ =	swait.ge [sflag:s28], $0x290  }
0x279: {  	[sflag:s28] =	ssyncset.done $0x0  }
0x27a: {  	[sflag:s28] =	ssyncadd.s32 $0xFFFFFD70  }
0x27b: {  	[spmem:s7] =	stream.linear.scatter [tilespmem:s30], [sflag:$0x2], $0x290, $0x38;
	[tilespmem:$0x13CD0] =	vst v63  }
0x27c: {  	_ =	swait.ge [sflag:s28], $0x290  }
0x27d: {  	[sflag:s28] =	ssyncset.done $0x0  }
0x27e: {  	[sflag:s28] =	ssyncadd.s32 $0xFFFFFD70  }
0x27f: {  	s31 =	simm.s32 $0xA900;
	[bflag:$0x0] =	sbarrier.arrive $0xFFFF  }
0x280: {  	[tilespmem:s31], [sflag:$0x2] =	stream.linear.gather [spmem:s6], $0x2900, $0x38;
	[tilespmem:$0x13CD0] =	vst v63  }
0x281: {  	_ =	swait.ge [sflag:s28], $0x2900  }
0x282: {  	[sflag:s28] =	ssyncset.done $0x0  }
0x283: {  	v0 =	vimm.f32 $0.0e+00;
	s8 =	simm.s32 $0x100;
	s6 =	simm.s32 $0x0;
	[sflag:s28] =	ssyncadd.s32 $0xFFFFD700  }
.LBB2_9:
0x284: {  	p1 =	sne.s32 s8, $0xA300;
	[tilespmem:s6+$0xD230] =	vst v0;
	s9 =	smov.u32 s8;
	s8 =	sadd.s32 $0x100, s8  }
.Ltmp4:
0x285: {  	[tilespmem:s6+$0xD220] =	vst v0;
	(pc) =	sbr.rel @p1 .LBB2_9-.Ltmp4, $3  }
0x286: {  	[tilespmem:s6+$0xD200] =	vst v0  }
0x287: {  	[tilespmem:s6+$0xD210] =	vst v0;
	_ =	sdelay $0x1  }
0x288: {  	s6 =	sshra.s32 s9, $0x2  }
0x289: {  	[tilespmem:s6+$0xD230] =	vst v0  }
0x28a: {  	[tilespmem:s6+$0xD220] =	vst v0  }
0x28b: {  	[tilespmem:s6+$0xD200] =	vst v0  }
0x28c: {  	[tilespmem:s6+$0xD210] =	vst v0;
	s6 =	simm.s32 $0x0;
	s8 =	simm.s32 $0xA900;
	s9 =	simm.s32 $0xD200  }
.LBB2_11:
0x28d: {  	s10 =	sshra.s32 s6, $0x2  }
0x28e: {  	v0 =	vld [tilespmem:s10+$0x0];
	_ =	sdelay $0x4  }
0x28f: {  	v1 =	vld [tilespmem:s10+$0x5000];
	_ =	sdelay $0x2  }
0x290: {  	v0 =	vld.idx.msk [tilespmem:v0+s8+$0x0], $0xffff;
	_ =	sdelay $0x4  }
0x291: {  	[tilespmem:v1+s9+$0x0] =	vst.idx.add.f32.msk $0xffff, v0  }
0x292: {  	v0 =	vld [tilespmem:s10+$0x10];
	_ =	sdelay $0x4  }
0x293: {  	v1 =	vld [tilespmem:s10+$0x5010];
	_ =	sdelay $0x2  }
0x294: {  	v0 =	vld.idx.msk [tilespmem:v0+s8+$0x0], $0xffff;
	_ =	sdelay $0x4  }
0x295: {  	[tilespmem:v1+s9+$0x0] =	vst.idx.add.f32.msk $0xffff, v0  }
0x296: {  	v0 =	vld [tilespmem:s10+$0x20];
	_ =	sdelay $0x4  }
0x297: {  	v1 =	vld [tilespmem:s10+$0x5020];
	_ =	sdelay $0x2  }
0x298: {  	v0 =	vld.idx.msk [tilespmem:v0+s8+$0x0], $0xffff;
	_ =	sdelay $0x4  }
0x299: {  	[tilespmem:v1+s9+$0x0] =	vst.idx.add.f32.msk $0xffff, v0  }
0x29a: {  	v0 =	vld [tilespmem:s10+$0x30];
	_ =	sdelay $0x4  }
0x29b: {  	v1 =	vld [tilespmem:s10+$0x5030];
	_ =	sdelay $0x2  }
0x29c: {  	p1 =	sne.s32 s6, $0x13F00;
	v0 =	vld.idx.msk [tilespmem:v0+s8+$0x0], $0xffff  }
.Ltmp5:
0x29d: {  	_ = 	snop;
	(pc) =	sbr.rel @p1 .LBB2_11-.Ltmp5, $2  }
0x29e: {  	_ =	sdelay $0x2  }
0x29f: {  	s6 =	sadd.s32 $0x100, s6;
	[tilespmem:v1+s9+$0x0] =	vst.idx.add.f32.msk $0xffff, v0  }
0x2a0: {  	s6 =	simm.s32 $0x2900  }
0x2a1: {  	s8 =	simm.s32 $0xFB00;
	s9 =	simm.s32 $0xD200;
	s26 =	simm.s32 $0x2  }
0x2a2: {  	[spmem:s5] =	stream.indirect.scatter.add.f32 [tilespmem:s9], [sflag:$0x2], $0x1, s8, s6, $0xb8;
	[tilespmem:$0x13CD0] =	vst v63  }
0x2a3: {  	_ =	swait.ge [sflag:s26], $0x2900  }
0x2a4: {  	[sflag:s26] =	ssyncset.done $0x0  }
0x2a5: {  	[sflag:s26] =	ssyncadd.s32 $0xFFFFD700  }
0x2a6: {  	s28 =	simm.s32 $0x12A00;
	[bflag:$0x0] =	sbarrier.arrive $0xFFFF  }
0x2a7: {  	[tilespmem:s28], [sflag:$0x2] =	stream.linear.gather [spmem:s7], $0x290, $0x38;
	[tilespmem:$0x13CD0] =	vst v63  }
0x2a8: {  	_ =	swait.ge [sflag:s26], $0x290  }
0x2a9: {  	[sflag:s26] =	ssyncset.done $0x0  }
0x2aa: {  	[sflag:s26] =	ssyncadd.s32 $0xFFFFFD70  }
0x2ab: {  	v0 =	vld [tilespmem:$0x12700]  }
0x2ac: {  	v1 =	vld [tilespmem:$0x12A00]  }
0x2ad: {  	v2 =	vld [tilespmem:$0x12710]  }
0x2ae: {  	v3 =	vld [tilespmem:$0x12A10]  }
0x2af: {  	v4 =	vld [tilespmem:$0x12720]  }
0x2b0: {  	v5 =	vld [tilespmem:$0x12A20]  }
0x2b1: {  	v6 =	vld [tilespmem:$0x12730]  }
0x2b2: {  	v7 =	vld [tilespmem:$0x12A30]  }
0x2b3: {  	v8 =	vld [tilespmem:$0x12740]  }
0x2b4: {  	v9 =	vld [tilespmem:$0x12A40]  }
0x2b5: {  	v10 =	vld [tilespmem:$0x12750]  }
0x2b6: {  	v11 =	vld [tilespmem:$0x12A50]  }
0x2b7: {  	v12 =	vld [tilespmem:$0x12760]  }
0x2b8: {  	v13 =	vld [tilespmem:$0x12A60]  }
0x2b9: {  	v14 =	vld [tilespmem:$0x12770]  }
0x2ba: {  	v15 =	vld [tilespmem:$0x12A70]  }
0x2bb: {  	v16 =	vld [tilespmem:$0x12780]  }
0x2bc: {  	v17 =	vld [tilespmem:$0x12A80]  }
0x2bd: {  	v18 =	vld [tilespmem:$0x12790]  }
0x2be: {  	v19 =	vld [tilespmem:$0x12A90]  }
0x2bf: {  	v20 =	vld [tilespmem:$0x127A0]  }
0x2c0: {  	v21 =	vld [tilespmem:$0x12AA0]  }
0x2c1: {  	v22 =	vld [tilespmem:$0x127B0]  }
0x2c2: {  	v23 =	vld [tilespmem:$0x12AB0]  }
0x2c3: {  	v24 =	vld [tilespmem:$0x127C0]  }
0x2c4: {  	v25 =	vld [tilespmem:$0x12AC0]  }
0x2c5: {  	v26 =	vld [tilespmem:$0x127D0]  }
0x2c6: {  	v27 =	vld [tilespmem:$0x12AD0]  }
0x2c7: {  	v28 =	vld [tilespmem:$0x127E0]  }
0x2c8: {  	v29 =	vld [tilespmem:$0x12AE0]  }
0x2c9: {  	v30 =	vld [tilespmem:$0x127F0]  }
0x2ca: {  	v31 =	vld [tilespmem:$0x12AF0]  }
0x2cb: {  	v32 =	vld [tilespmem:$0x12800]  }
0x2cc: {  	v33 =	vld [tilespmem:$0x12B00]  }
0x2cd: {  	v34 =	vld [tilespmem:$0x12810]  }
0x2ce: {  	v35 =	vld [tilespmem:$0x12B10]  }
0x2cf: {  	v36 =	vld [tilespmem:$0x12820]  }
0x2d0: {  	v37 =	vld [tilespmem:$0x12B20]  }
0x2d1: {  	v38 =	vld [tilespmem:$0x12830]  }
0x2d2: {  	v39 =	vld [tilespmem:$0x12B30]  }
0x2d3: {  	v40 =	vld [tilespmem:$0x12840]  }
0x2d4: {  	v41 =	vld [tilespmem:$0x12B40]  }
0x2d5: {  	v42 =	vld [tilespmem:$0x12850]  }
0x2d6: {  	v43 =	vld [tilespmem:$0x12B50]  }
0x2d7: {  	v44 =	vld [tilespmem:$0x12860]  }
0x2d8: {  	v45 =	vld [tilespmem:$0x12B60]  }
0x2d9: {  	v47 =	vld [tilespmem:$0x12BC0];
	v0 =	vmul.f32 v1, v0  }
0x2da: {  	v49 =	vld [tilespmem:$0x128D0];
	v2 =	vmul.f32 v3, v2  }
0x2db: {  	v51 =	vld [tilespmem:$0x12BD0];
	v60 =	vmul.f32 v5, v4;
	[tilespmem:$0xA600] =	vst v0  }
0x2dc: {  	v53 =	vld [tilespmem:$0x128E0];
	v61 =	vmul.f32 v7, v6;
	[tilespmem:$0xA610] =	vst v2  }
0x2dd: {  	v55 =	vld [tilespmem:$0x12BE0];
	v62 =	vmul.f32 v9, v8;
	[tilespmem:$0xA620] =	vst v60  }
0x2de: {  	v57 =	vld [tilespmem:$0x128F0];
	v63 =	vmul.f32 v11, v10;
	[tilespmem:$0xA630] =	vst v61  }
0x2df: {  	v59 =	vld [tilespmem:$0x12BF0];
	v13 =	vmul.f32 v13, v12;
	[tilespmem:$0xA640] =	vst v62  }
0x2e0: {  	v1 =	vld [tilespmem:$0x12870];
	v15 =	vmul.f32 v15, v14;
	[tilespmem:$0xA650] =	vst v63  }
0x2e1: {  	v3 =	vld [tilespmem:$0x12B70];
	v17 =	vmul.f32 v17, v16;
	[tilespmem:$0xA660] =	vst v13  }
0x2e2: {  	v4 =	vld [tilespmem:$0x12880];
	v19 =	vmul.f32 v19, v18;
	[tilespmem:$0xA670] =	vst v15  }
0x2e3: {  	v5 =	vld [tilespmem:$0x12B80];
	v21 =	vmul.f32 v21, v20;
	[tilespmem:$0xA680] =	vst v17  }
0x2e4: {  	v6 =	vld [tilespmem:$0x12890];
	v46 =	vmul.f32 v23, v22;
	[tilespmem:$0xA690] =	vst v19  }
0x2e5: {  	v7 =	vld [tilespmem:$0x12B90];
	v48 =	vmul.f32 v25, v24;
	[tilespmem:$0xA6A0] =	vst v21  }
0x2e6: {  	v8 =	vld [tilespmem:$0x128A0];
	v50 =	vmul.f32 v27, v26;
	[tilespmem:$0xA6B0] =	vst v46  }
0x2e7: {  	v9 =	vld [tilespmem:$0x12BA0];
	v52 =	vmul.f32 v29, v28;
	[tilespmem:$0xA6C0] =	vst v48  }
0x2e8: {  	v10 =	vld [tilespmem:$0x128B0];
	v54 =	vmul.f32 v31, v30;
	[tilespmem:$0xA6D0] =	vst v50  }
0x2e9: {  	v11 =	vld [tilespmem:$0x12BB0];
	v56 =	vmul.f32 v33, v32;
	[tilespmem:$0xA6E0] =	vst v52  }
0x2ea: {  	v12 =	vld [tilespmem:$0x128C0];
	v58 =	vmul.f32 v35, v34;
	[tilespmem:$0xA6F0] =	vst v54  }
0x2eb: {  	v28 =	vmul.f32 v41, v40;
	v29 =	vld [tilespmem:$0x12910];
	[tilespmem:$0xA700] =	vst v56  }
0x2ec: {  	v30 =	vmul.f32 v43, v42;
	v31 =	vld [tilespmem:$0x12C10];
	[tilespmem:$0xA710] =	vst v58  }
0x2ed: {  	v32 =	vmul.f32 v45, v44;
	v33 =	vld [tilespmem:$0x12920];
	[tilespmem:$0xA740] =	vst v28  }
0x2ee: {  	v34 =	vld [tilespmem:$0x12C20];
	v45 =	vmul.f32 v51, v49;
	[tilespmem:$0xA750] =	vst v30  }
0x2ef: {  	v40 =	vld [tilespmem:$0x12940];
	v49 =	vmul.f32 v59, v57;
	[tilespmem:$0xA760] =	vst v32  }
0x2f0: {  	v42 =	vld [tilespmem:$0x12C40];
	v60 =	vmul.f32 v37, v36;
	[tilespmem:$0xA7D0] =	vst v45  }
0x2f1: {  	v44 =	vld [tilespmem:$0x12950];
	v62 =	vmul.f32 v39, v38;
	[tilespmem:$0xA7F0] =	vst v49  }
0x2f2: {  	v61 =	vld [tilespmem:$0x12900];
	[tilespmem:$0xA720] =	vst v60;
	v1 =	vmul.f32 v3, v1  }
0x2f3: {  	v63 =	vld [tilespmem:$0x12C00];
	[tilespmem:$0xA730] =	vst v62;
	v35 =	vmul.f32 v5, v4  }
0x2f4: {  	v36 =	vld [tilespmem:$0x12930];
	v37 =	vmul.f32 v7, v6;
	[tilespmem:$0xA770] =	vst v1  }
0x2f5: {  	v38 =	vld [tilespmem:$0x12C30];
	v39 =	vmul.f32 v9, v8;
	[tilespmem:$0xA780] =	vst v35  }
0x2f6: {  	v46 =	vld [tilespmem:$0x12C50];
	v41 =	vmul.f32 v11, v10;
	[tilespmem:$0xA790] =	vst v37  }
0x2f7: {  	v48 =	vld [tilespmem:$0x12960];
	v43 =	vmul.f32 v47, v12;
	[tilespmem:$0xA7A0] =	vst v39  }
0x2f8: {  	v50 =	vld [tilespmem:$0x12C60];
	v47 =	vmul.f32 v55, v53;
	[tilespmem:$0xA7B0] =	vst v41  }
0x2f9: {  	v52 =	vld [tilespmem:$0x12970];
	v53 =	vmul.f32 v31, v29;
	[tilespmem:$0xA7C0] =	vst v43  }
0x2fa: {  	v54 =	vld [tilespmem:$0x12C70];
	v55 =	vmul.f32 v34, v33;
	[tilespmem:$0xA7E0] =	vst v47  }
0x2fb: {  	v56 =	vld [tilespmem:$0x12980];
	v59 =	vmul.f32 v42, v40;
	[tilespmem:$0xA810] =	vst v53  }
0x2fc: {  	v58 =	vld [tilespmem:$0x12C80];
	v51 =	vmul.f32 v63, v61;
	[tilespmem:$0xA820] =	vst v55  }
0x2fd: {  	v57 =	vmul.f32 v38, v36;
	[tilespmem:$0xA840] =	vst v59  }
0x2fe: {  	v60 =	vmul.f32 v46, v44;
	[tilespmem:$0xA800] =	vst v51  }
0x2ff: {  	v61 =	vmul.f32 v50, v48;
	[tilespmem:$0xA830] =	vst v57  }
0x300: {  	v62 =	vmul.f32 v54, v52;
	[tilespmem:$0xA850] =	vst v60  }
0x301: {  	v63 =	vmul.f32 v58, v56;
	[tilespmem:$0xA860] =	vst v61  }
0x302: {  	[tilespmem:$0xA870] =	vst v62  }
0x303: {  	s29 =	simm.s32 $0x300;
	s30 =	simm.s32 $0xA300;
	s31 =	simm.s32 $0xA600;
	[tilespmem:$0xA880] =	vst v63  }
0x304: {  	[spmem:s2] =	stream.indirect.scatter.add.f32 [tilespmem:s31], [sflag:$0x2], $0x1, s30, s29, $0xb8;
	[tilespmem:$0x13CD0] =	vst v63  }
0x305: {  	_ =	swait.ge [sflag:s26], $0x300  }
0x306: {  	[sflag:s26] =	ssyncset.done $0x0  }
0x307: {  	[sflag:s26] =	ssyncadd.s32 $0xFFFFFD00  }
0x308: {  	[bflag:$0x0] =	sbarrier.arrive $0xFFFF  }
0x309: {  	_ =	sfence.sel @p0 $0x180000  }
0x30a: {  	[bflag:$0x0] =	sbarrier.arrive @p0 $0xFFFF  }
0x30b: {  	_ =	strace @p0 $0x90000047  }
0x30c: {  	s5 =	simm.s32 @!p0 $0x13080;
	[bflag:$0x2] =	sbarrier.arrive @p0 $0xFFFF  }
0x30d: {  	[tilespmem:s5], [sflag:$0x2] =	stream.linear.gather @!p0 [spmem:s2], $0x80, $0x38;
	[tilespmem:$0x13CD0] =	vst v63  }
0x30e: {  	s2 =	simm.s32 @!p0 $0x2  }
0x30f: {  	_ =	swait.ge @!p0 [sflag:s2], $0x80  }
0x310: {  	[sflag:s2] =	ssyncset.done @!p0 $0x0  }
0x311: {  	s5 =	simm.s32 @!p0 $0x13100;
	[sflag:s2] =	ssyncadd.s32 @!p0 $0xFFFFFF80  }
0x312: {  	[tilespmem:s5], [sflag:$0x2] =	stream.linear.gather @!p0 [spmem:s1], $0x80, $0x38;
	[tilespmem:$0x13CD0] =	vst v63  }
0x313: {  	_ =	swait.ge @!p0 [sflag:s2], $0x80  }
0x314: {  	[sflag:s2] =	ssyncset.done @!p0 $0x0  }
0x315: {  	[sflag:s2] =	ssyncadd.s32 @!p0 $0xFFFFFF80  }
0x316: {  	v0 =	vld @!p0 [tilespmem:$0x13100];
	_ =	sdelay $0x2  }
0x317: {  	v1 =	vld @!p0 [tilespmem:$0x13110]  }
0x318: {  	v2 =	vld @!p0 [tilespmem:$0x13120]  }
0x319: {  	v3 =	vmax.f32 @!p0 v0, $1.000000000e+00  }
0x31a: {  	(erf) = vrcp.f32 @!p0 v3;
	v3 =	vld @!p0 [tilespmem:$0x13130];
	_ =	sdelay $0x1  }
0x31b: {  	v4 =	vmax.f32 @!p0 v1, $1.000000000e+00  }
0x31c: {  	(erf) = vrcp.f32 @!p0 v4;
	v4 =	vmax.f32 @!p0 v2, $1.000000000e+00  }
0x31d: {  	(erf) = vrcp.f32 @!p0 v4  }
0x31e: {  	v5 =	vmax.f32 @!p0 v3, $1.000000000e+00  }
0x31f: {  	v4 =	vld @!p0 [tilespmem:$0x13080];
	(erf) = vrcp.f32 @!p0 v5;
	_ =	sdelay $0x1  }
0x320: {  	v5 =	vld @!p0 [tilespmem:$0x13090]  }
0x321: {  	v7 =	vld @!p0 [tilespmem:$0x130A0]  }
0x322: {  	v6 =	vpop @!p0 (erf)  }
0x323: {  	v8 =	vld @!p0 [tilespmem:$0x130B0];
	[tilespmem:$0x13200] =	vst @!p0 v0;
	v4 =	vmul.f32 @!p0 v6, v4  }
0x324: {  	[tilespmem:$0x13210] =	vst @!p0 v1;
	v6 =	vpop @!p0 (erf)  }
0x325: {  	[tilespmem:$0x13180] =	vst @!p0 v4;
	v4 =	vmul.f32 @!p0 v6, v5;
	v5 =	vpop @!p0 (erf)  }
0x326: {  	[tilespmem:$0x13220] =	vst @!p0 v2;
	v0 =	vmul.f32 @!p0 v5, v7  }
0x327: {  	[tilespmem:$0x13230] =	vst @!p0 v3;
	v1 =	vpop @!p0 (erf)  }
0x328: {  	[tilespmem:$0x131A0] =	vst @!p0 v0;
	v0 =	vmul.f32 @!p0 v1, v8  }
0x329: {  	[tilespmem:$0x13190] =	vst @!p0 v4  }
0x32a: {  	s1 =	simm.s32 @!p0 $0x0;
	s5 =	simm.s32 @!p0 $0x13180;
	[tilespmem:$0x131B0] =	vst @!p0 v0  }
0x32b: {  	[hbm4b:s4+s1] =	stream.linear.scatter @!p0 [tilespmem:s5], [sflag:$0x2], $0x80, $0x38;
	[tilespmem:$0x13CD0] =	vst v63  }
0x32c: {  	_ =	swait.ge @!p0 [sflag:s2], $0x80  }
0x32d: {  	[sflag:s2] =	ssyncset.done @!p0 $0x0  }
0x32e: {  	s4 =	simm.s32 @!p0 $0x13200;
	[sflag:s2] =	ssyncadd.s32 @!p0 $0xFFFFFF80  }
0x32f: {  	[hbm4b:s3+s1] =	stream.linear.scatter @!p0 [tilespmem:s4], [sflag:$0x2], $0x80, $0x38;
	[tilespmem:$0x13CD0] =	vst v63  }
0x330: {  	_ =	swait.ge @!p0 [sflag:s2], $0x80  }
0x331: {  	[sflag:s2] =	ssyncset.done @!p0 $0x0  }
0x332: {  	[sflag:s2] =	ssyncadd.s32 @!p0 $0xFFFFFF80  }
0x333: {  	_ =	sfence.sel @!p0 $0x180000  }
0x334: {  	[bflag:$0x0] =	sbarrier.arrive @!p0 $0xFFFF  }
0x335: {  	_ =	strace @!p0 $0x90000047  }
0x336: {  	s0 =	sadd.s32 @!p0 $0x100000, s0;
	[bflag:$0x2] =	sbarrier.arrive @!p0 $0xFFFF  }
0x337: {  	[sflag:s0] =	ssyncadd.tile.s32 @!p0 $0x1;
	_ =	shalt  }
.Lfunc_end2:
_tile_overlayer_lowered:
.L_overlay_start_2:
0x338: {  	(tag) =	ssettag $0x2  }
0x339: {  	s0 =	rddreg [dreg:$0x0];
	s2 =	stileid.u32  }
0x33a: {  	s1 =	rddreg [dreg:$0x1];
	p0 =	sne.s32 s2, $0x0  }
0x33b: {  	s3 =	rddreg [dreg:$0x2];
	[bflag:$0x3] =	sbarrier.arrive $0xFFFF;
	s2 =	simm.s32 @!p0 $0x1C02  }
0x33c: {  	[timem:s3], [sflag:s2] =	dma.local @!p0 [hbm:s0], s1  }
0x33d: {  	s0 =	simm.s32 @!p0 $0x2  }
0x33e: {  	_ =	swait.ge @!p0 [sflag:s0], s1  }
0x33f: {  	s1 =	ssub.s32 @!p0 $0x0, s1;
	[sflag:s0] =	ssyncset.done @!p0 $0x0  }
0x340: {  	[sflag:s0] =	ssyncadd.s32 @!p0 s1  }
0x341: {  	[bflag:$0x3] =	sbarrier.arrive $0xFFFF  }
0x342: {  	_ =	shalt  }

</sc_bundles>
